<compile_context>
chip_gen: v7x
topology: tpu7x:2x2x1
jax: 0.10.2.dev20260603
libtpu: 0.0.44.dev20260713+nightly
codegen_flags: <defaults>
</compile_context>

<pallas_src>
import functools

import numpy as np
import jax
import jax.numpy as jnp
from jax import lax
from jax.experimental import pallas as pl
from jax.experimental.pallas import tpu as pltpu
from jax.experimental.pallas import tpu_sc as plsc

N, C, HI, WI = 8, 21, 112, 112
H = W = 224
S_POS = float(H * W)
NB = 4096
RANGE = 8.0
SCALE = NB / RANGE
DT = RANGE / NB

NTILES = 32
PAIRS = N * C
PLANE = HI * WI
RSTRIDE = WI + 2
MAXP = 6


def _fused_sc(x_flat, t_flat):
    mesh = plsc.VectorSubcoreMesh(core_axis_name="c", subcore_axis_name="s")

    @functools.partial(
        pl.kernel,
        mesh=mesh,
        compiler_params=pltpu.CompilerParams(needs_layout_passes=False),
        out_type=jax.ShapeDtypeStruct((NTILES * 4 * NB,), jnp.float32),
        scratch_types=[
            pltpu.VMEM((2 * PLANE,), jnp.float32),
            pltpu.VMEM((2 * PLANE,), jnp.int32),
            pltpu.VMEM((2 * HI * RSTRIDE,), jnp.float32),
            pltpu.VMEM((4 * NB,), jnp.float32),
            pltpu.SemaphoreType.DMA,
            pltpu.SemaphoreType.DMA,
            pltpu.SemaphoreType.DMA,
            pltpu.SemaphoreType.DMA,
        ],
    )
    def fused_kernel(x_hbm, t_hbm, out_hbm, xbuf, tbuf,
                     abuf, hist, semx0, semx1, semt0, semt1):
        wid = lax.axis_index("s") * 2 + lax.axis_index("c")
        start = (wid * 21) // 4
        end = ((wid + 1) * 21) // 4
        npairs = end - start
        n0 = start // C
        zeros16 = jnp.zeros((16,), jnp.float32)
        ones16 = jnp.ones((16,), jnp.float32)
        iota16 = lax.iota(jnp.int32, 16)

        def zero_body(i, _):
            hist[pl.ds(i * 16, 16)] = zeros16
            return 0

        lax.fori_loop(0, 4 * NB // 16, zero_body, 0)

        def x_src(p):
            return x_hbm.at[pl.ds(p * PLANE, PLANE)]

        def t_src(n, ph):
            return t_hbm.at[pl.ds((n * 4 + ph) * PLANE, PLANE)]

        xhalves = [xbuf.at[pl.ds(0, PLANE)], xbuf.at[pl.ds(PLANE, PLANE)]]
        thalves = [tbuf.at[pl.ds(0, PLANE)], tbuf.at[pl.ds(PLANE, PLANE)]]
        semxs, semts = [semx0, semx1], [semt0, semt1]

        pltpu.async_copy(x_src(start), xhalves[0], semxs[0])

        def build_ab(xoff):
            @plsc.parallel_loop(0, HI, unroll=2)
            def ab_row(k):
                off = xoff + k * WI
                offm = xoff + jnp.maximum(k - 1, 0) * WI
                offp = xoff + jnp.minimum(k + 1, HI - 1) * WI
                arow = k * RSTRIDE
                brow = HI * RSTRIDE + k * RSTRIDE
                for j in range(7):
                    xc = xbuf[pl.ds(off + j * 16, 16)]
                    xm = xbuf[pl.ds(offm + j * 16, 16)]
                    xp = xbuf[pl.ds(offp + j * 16, 16)]
                    av = (0.25 * SCALE) * xm + (0.75 * SCALE) * xc
                    bv = (0.75 * SCALE) * xc + (0.25 * SCALE) * xp
                    abuf[pl.ds(arow + 1 + j * 16, 16)] = av
                    abuf[pl.ds(brow + 1 + j * 16, 16)] = bv
                    if j == 0:
                        plsc.store_scatter(abuf, [arow + iota16], av,
                                           mask=iota16 == 0)
                        plsc.store_scatter(abuf, [brow + iota16], bv,
                                           mask=iota16 == 0)
                    if j == 6:
                        plsc.store_scatter(abuf, [arow + 98 + iota16], av,
                                           mask=iota16 == 15)
                        plsc.store_scatter(abuf, [brow + 98 + iota16], bv,
                                           mask=iota16 == 15)

        def phase_pass(ph, toff, cls, set_off):
            rbase = (ph // 2) * (HI * RSTRIDE)
            shift = (ph % 2) * 2
            sb_pos = (set_off + 2 * NB + SCALE).astype(jnp.float32)
            sb_neg = (set_off + SCALE).astype(jnp.float32)
            gmax = jnp.float32(NB - SCALE - 0.5)

            @plsc.parallel_loop(0, HI, unroll=2)
            def _(k):
                row = rbase + k * RSTRIDE
                trow = toff + k * WI
                for j in range(7):
                    a = abuf[pl.ds(row + 1 + j * 16, 16)]
                    nbv = abuf[pl.ds(row + shift + j * 16, 16)]
                    u = 0.75 * a + 0.25 * nbv
                    tv = tbuf[pl.ds(trow + j * 16, 16)]
                    isp = tv == cls
                    g = jnp.where(isp, -u, u)
                    gc = jnp.minimum(g, gmax)
                    mask = gc > jnp.float32(-SCALE)
                    f = gc + jnp.where(isp, sb_pos, sb_neg)
                    idx = f.astype(jnp.int32)
                    plsc.addupdate_scatter(hist, [idx], ones16, mask=mask)

        def pair_body(i, _):
            p = start + i
            n = p // C
            cls = p - n * C
            set_off = jnp.where(n != n0, NB, 0)
            par = i % 2

            for b in range(2):
                @pl.when(((i + 1) < npairs) & (par == b))
                def _pf(b=b):
                    pltpu.async_copy(x_src(p + 1), xhalves[1 - b],
                                     semxs[1 - b])

            for b in range(2):
                @pl.when(par == b)
                def _wx(b=b):
                    pltpu.make_async_copy(x_src(p), xhalves[b],
                                          semxs[b]).wait()

            pltpu.async_copy(t_src(n, 0), thalves[0], semts[0])
            build_ab(par * PLANE)

            def phase_body(ph, _):
                tpar = ph % 2
                for b in range(2):
                    @pl.when(((ph + 1) < 4) & (tpar == b))
                    def _pt(b=b):
                        pltpu.async_copy(t_src(n, ph + 1), thalves[1 - b],
                                         semts[1 - b])
                for b in range(2):
                    @pl.when(tpar == b)
                    def _wt(b=b):
                        pltpu.make_async_copy(t_src(n, ph), thalves[b],
                                              semts[b]).wait()
                phase_pass(ph, tpar * PLANE, cls, set_off)
                return 0

            lax.fori_loop(0, 4, phase_body, 0)
            return 0

        lax.fori_loop(0, npairs, pair_body, 0)

        pltpu.sync_copy(hist, out_hbm.at[pl.ds(wid * 4 * NB, 4 * NB)])

    return fused_kernel(x_flat, t_flat)


def _bank_map():
    m = np.zeros((16, NTILES * 4), np.float32)
    for t in range(NTILES):
        n0 = ((t * 21) // 4) // C
        n1 = min(n0 + 1, N - 1)
        m[n0, t * 4 + 0] = 1.0
        m[n1, t * 4 + 1] = 1.0
        m[n0, t * 4 + 2] = 1.0
        m[n1, t * 4 + 3] = 1.0
        m[8 + n0, t * 4 + 2] = 1.0
        m[8 + n1, t * 4 + 3] = 1.0
    return m


def _reduce_kernel(h_ref, m_ref, out_ref):
    h = h_ref[...]
    m = m_ref[...]
    res = jnp.dot(m, h, preferred_element_type=jnp.float32)
    cnt = res[0:8]
    pc = res[8:16]
    r, rp = cnt, pc
    sh = 1
    while sh < NB:
        pad = jnp.zeros((N, sh), jnp.float32)
        r = r + jnp.concatenate([r[:, sh:], pad], axis=1)
        rp = rp + jnp.concatenate([rp[:, sh:], pad], axis=1)
        sh *= 2
    mp = r - cnt
    pp = rp - pc
    ji = 1.0 - (S_POS - rp) / (S_POS + r - rp)
    je = 1.0 - (S_POS - pp) / (S_POS + mp - pp)
    out_ref[0, 0] = DT * jnp.sum(0.5 * (ji + je)) / N


def _reduce(h, interpret=False):
    return pl.pallas_call(
        _reduce_kernel,
        in_specs=[pl.BlockSpec((NTILES * 4, NB), lambda: (0, 0)),
                  pl.BlockSpec((16, NTILES * 4), lambda: (0, 0))],
        out_specs=pl.BlockSpec(memory_space=pltpu.SMEM),
        out_shape=jax.ShapeDtypeStruct((1, 1), jnp.float32),
        interpret=interpret,
    )(h, jnp.asarray(_bank_map()))


def kernel(inputs, targets):
    t = targets.astype(jnp.int32)
    t4 = t.reshape(N, HI, 2, WI, 2).transpose(0, 2, 4, 1, 3).reshape(-1)
    hists = _fused_sc(inputs.reshape(-1), t4)
    loss = _reduce(hists.reshape(NTILES * 4, NB))
    return loss.reshape(())

# --- scband reference (transcript-rebuilt; emitter-appended) ---
"""Pipeline reference for scband-lovasz-loss2d-83588653514842 (READ-ONLY COPY).

The authoritative reference and input builder live on the scoring server;
editing this copy changes nothing except your own understanding.
"""

import jax, jax.numpy as jnp
import numpy as np


def setup_inputs(seed: int = 0) -> dict:
    key = jax.random.key(seed)
    k1, k2 = jax.random.split(key)
    inputs = jax.random.normal(k1, (8, 21, 112, 112), dtype=jnp.float32)
    targets = jax.random.randint(k2, (8, 224, 224), 0, 21, dtype=jnp.int64)
    return {"inputs": inputs, "targets": targets}


def reference(inputs, targets):
    N, C = inputs.shape[0], inputs.shape[1]
    H, W = targets.shape[1], targets.shape[2]
    # F.upsample(..., mode='bilinear') with default align_corners=False
    # matches jax.image.resize half-pixel-center bilinear.
    x = jax.image.resize(inputs, (N, C, H, W), method="bilinear")
    # one-hot masks via scatter semantics: masks[n, targets[n,h,w], h, w] = 1
    masks = jax.nn.one_hot(targets, C, axis=1, dtype=x.dtype)  # [N, C, H, W]
    masks_flat = masks.reshape(N, -1)
    x_flat = x.reshape(N, -1)
    max_margin_errors = 1.0 - (masks_flat * 2.0 - 1.0) * x_flat
    # descending sort per sample
    order = jnp.argsort(-max_margin_errors, axis=1)
    errors_sorted = jnp.take_along_axis(max_margin_errors, order, axis=1)
    labels_sorted = jnp.take_along_axis(masks_flat, order, axis=1)
    sums = jnp.sum(labels_sorted, axis=1, keepdims=True)
    inter = sums - jnp.cumsum(labels_sorted, axis=1)
    union = sums + jnp.cumsum(1.0 - labels_sorted, axis=1)
    iou = 1.0 - inter / union
    iou = jnp.concatenate([iou[:, :1], iou[:, 1:] - iou[:, :-1]], axis=1)
    per_sample = jnp.sum(jax.nn.relu(errors_sorted) * iou, axis=1)
    loss = jnp.sum(per_sample)
    return loss / N

if __name__ == "__main__":
    import jax
    _d = setup_inputs()
    print(jax.jit(kernel)(*tuple(_d.values())))

</pallas_src>

<mosaic_0001>
#map = affine_map<(d0, d1) -> (0)>
module attributes {stable_mosaic.version = 14 : i64} {
  func.func @fused_kernel(%arg0: i32, %arg1: i32, %arg2: memref<2107392xf32, #tpu.memory_space<hbm>>, %arg3: memref<401408xi32, #tpu.memory_space<hbm>>, %arg4: memref<524288xf32, #tpu.memory_space<hbm>>, %arg5: memref<25088xf32, #tpu.memory_space<vmem>>, %arg6: memref<25088xi32, #tpu.memory_space<vmem>>, %arg7: memref<25536xf32, #tpu.memory_space<vmem>>, %arg8: memref<16384xf32, #tpu.memory_space<vmem>>, %arg9: memref<!tpu.dma_semaphore, #tpu.memory_space<semaphore_mem>>, %arg10: memref<!tpu.dma_semaphore, #tpu.memory_space<semaphore_mem>>, %arg11: memref<!tpu.dma_semaphore, #tpu.memory_space<semaphore_mem>>, %arg12: memref<!tpu.dma_semaphore, #tpu.memory_space<semaphore_mem>>) attributes {dimension_semantics = [#tpu.dimension_semantics<core_parallel>, #tpu.dimension_semantics<subcore_parallel>], iteration_bounds = array<i64: 2, 16>, scalar_prefetch = 0 : i64, scratch_operands = 8 : i64, tpu.core_type = #tpu.core_type<sc_vector_subcore>, window_params = [{transform_indices = #map}, {transform_indices = #map}, {transform_indices = #map}]} {
    %mul3A = arith.constant 2 : i32
    %mul3A_0 = arith.muli %arg1, %mul3A : i32
    %add3A = arith.addi %mul3A_0, %arg0 : i32
    %mul3A_1 = arith.constant 21 : i32
    %mul3A_2 = arith.muli %add3A, %mul3A_1 : i32
    %jit3A = arith.constant 4 : i32
    %div3A = arith.divsi %mul3A_2, %jit3A : i32
    %sign3A = arith.constant 0 : i32
    %sign3A_3 = arith.cmpi sgt, %mul3A_2, %sign3A : i32
    %sign3A_4 = arith.extui %sign3A_3 : i1 to i32
    %sign3A_5 = arith.constant 0 : i32
    %sign3A_6 = arith.cmpi slt, %mul3A_2, %sign3A_5 : i32
    %sign3A_7 = arith.extui %sign3A_6 : i1 to i32
    %sign3A_8 = arith.subi %sign3A_4, %sign3A_7 : i32
    %sign3A_9 = arith.constant 0 : i32
    %sign3A_10 = arith.cmpi sgt, %jit3A, %sign3A_9 : i32
    %sign3A_11 = arith.extui %sign3A_10 : i1 to i32
    %sign3A_12 = arith.constant 0 : i32
    %sign3A_13 = arith.cmpi slt, %jit3A, %sign3A_12 : i32
    %sign3A_14 = arith.extui %sign3A_13 : i1 to i32
    %sign3A_15 = arith.subi %sign3A_11, %sign3A_14 : i32
    %ne3A = arith.cmpi ne, %sign3A_8, %sign3A_15 : i32
    %rem3A = arith.remsi %mul3A_2, %jit3A : i32
    %ne3A_16 = arith.constant 0 : i32
    %ne3A_17 = arith.cmpi ne, %rem3A, %ne3A_16 : i32
    %and3A = arith.andi %ne3A, %ne3A_17 : i1
    %sub3A = arith.constant 1 : i32
    %sub3A_18 = arith.subi %div3A, %sub3A : i32
    %select_n3A = arith.select %and3A, %sub3A_18, %div3A : i32
    %add3A_19 = arith.constant 1 : i32
    %add3A_20 = arith.addi %add3A, %add3A_19 : i32
    %mul3A_21 = arith.constant 21 : i32
    %mul3A_22 = arith.muli %add3A_20, %mul3A_21 : i32
    %jit3A_23 = arith.constant 4 : i32
    %div3A_24 = arith.divsi %mul3A_22, %jit3A_23 : i32
    %sign3A_25 = arith.constant 0 : i32
    %sign3A_26 = arith.cmpi sgt, %mul3A_22, %sign3A_25 : i32
    %sign3A_27 = arith.extui %sign3A_26 : i1 to i32
    %sign3A_28 = arith.constant 0 : i32
    %sign3A_29 = arith.cmpi slt, %mul3A_22, %sign3A_28 : i32
    %sign3A_30 = arith.extui %sign3A_29 : i1 to i32
    %sign3A_31 = arith.subi %sign3A_27, %sign3A_30 : i32
    %sign3A_32 = arith.constant 0 : i32
    %sign3A_33 = arith.cmpi sgt, %jit3A_23, %sign3A_32 : i32
    %sign3A_34 = arith.extui %sign3A_33 : i1 to i32
    %sign3A_35 = arith.constant 0 : i32
    %sign3A_36 = arith.cmpi slt, %jit3A_23, %sign3A_35 : i32
    %sign3A_37 = arith.extui %sign3A_36 : i1 to i32
    %sign3A_38 = arith.subi %sign3A_34, %sign3A_37 : i32
    %ne3A_39 = arith.cmpi ne, %sign3A_31, %sign3A_38 : i32
    %rem3A_40 = arith.remsi %mul3A_22, %jit3A_23 : i32
    %ne3A_41 = arith.constant 0 : i32
    %ne3A_42 = arith.cmpi ne, %rem3A_40, %ne3A_41 : i32
    %and3A_43 = arith.andi %ne3A_39, %ne3A_42 : i1
    %sub3A_44 = arith.constant 1 : i32
    %sub3A_45 = arith.subi %div3A_24, %sub3A_44 : i32
    %select_n3A_46 = arith.select %and3A_43, %sub3A_45, %div3A_24 : i32
    %sub3A_47 = arith.subi %select_n3A_46, %select_n3A : i32
    %jit3A_48 = arith.constant 21 : i32
    %div3A_49 = arith.divsi %select_n3A, %jit3A_48 : i32
    %sign3A_50 = arith.constant 0 : i32
    %sign3A_51 = arith.cmpi sgt, %select_n3A, %sign3A_50 : i32
    %sign3A_52 = arith.extui %sign3A_51 : i1 to i32
    %sign3A_53 = arith.constant 0 : i32
    %sign3A_54 = arith.cmpi slt, %select_n3A, %sign3A_53 : i32
    %sign3A_55 = arith.extui %sign3A_54 : i1 to i32
    %sign3A_56 = arith.subi %sign3A_52, %sign3A_55 : i32
    %sign3A_57 = arith.constant 0 : i32
    %sign3A_58 = arith.cmpi sgt, %jit3A_48, %sign3A_57 : i32
    %sign3A_59 = arith.extui %sign3A_58 : i1 to i32
    %sign3A_60 = arith.constant 0 : i32
    %sign3A_61 = arith.cmpi slt, %jit3A_48, %sign3A_60 : i32
    %sign3A_62 = arith.extui %sign3A_61 : i1 to i32
    %sign3A_63 = arith.subi %sign3A_59, %sign3A_62 : i32
    %ne3A_64 = arith.cmpi ne, %sign3A_56, %sign3A_63 : i32
    %rem3A_65 = arith.remsi %select_n3A, %jit3A_48 : i32
    %ne3A_66 = arith.constant 0 : i32
    %ne3A_67 = arith.cmpi ne, %rem3A_65, %ne3A_66 : i32
    %and3A_68 = arith.andi %ne3A_64, %ne3A_67 : i1
    %sub3A_69 = arith.constant 1 : i32
    %sub3A_70 = arith.subi %div3A_49, %sub3A_69 : i32
    %select_n3A_71 = arith.select %and3A_68, %sub3A_70, %div3A_49 : i32
    %broadcast_in_dim3A = arith.constant 0.000000e+00 : f32
    %broadcast_in_dim3A_72 = vector.broadcast %broadcast_in_dim3A : f32 to vector<16xf32>
    %broadcast_in_dim3A_73 = arith.constant 1.000000e+00 : f32
    %broadcast_in_dim3A_74 = vector.broadcast %broadcast_in_dim3A_73 : f32 to vector<16xf32>
    %iota3A = tpu.iota {dimensions = array<i32: 0>} : vector<16xi32>
    %scan3A = arith.constant 0 : i32
    %scan3A_75 = arith.constant 0 : i32
    %scan3A_76 = arith.constant 1024 : i32
    %scan3A_77 = arith.addi %scan3A_75, %scan3A_76 : i32
    %scan3A_78 = arith.constant 1 : i32
    %scan3A_79 = scf.for %scan3A_103 = %scan3A_75 to %scan3A_77 step %scan3A_78 iter_args(%scan3A_104 = %scan3A) -> (i32)  : i32 {
      %mul3A_105 = arith.constant 16 : i32
      %mul3A_106 = arith.muli %scan3A_103, %mul3A_105 : i32
      %swap3A = arith.index_cast %mul3A_106 : i32 to index
      %swap3A_107 = tpu.vector_load %arg8[%swap3A] {strides = array<i32>} : memref<16384xf32, #tpu.memory_space<vmem>>, vector<16xf32>,
      tpu.vector_store %arg8[%swap3A], %broadcast_in_dim3A_72 {strides = array<i32>} : memref<16384xf32, #tpu.memory_space<vmem>>, vector<16xf32>,
      %scan3A_108 = arith.constant 0 : i32
      scf.yield %scan3A_108 : i32
    }
    %scan3A_80 = arith.constant 1024 : i32
    %mul3A_81 = arith.constant 12544 : i32
    %mul3A_82 = arith.muli %select_n3A, %mul3A_81 : i32
    %dma_start3A = arith.constant 0 : i32
    %dma_start3A_83 = tpu.memref_slice %arg5[%dma_start3A] : memref<25088xf32, #tpu.memory_space<vmem>> -> memref<12544xf32, #tpu.memory_space<vmem>>
    %dma_start3A_84 = tpu.memref_slice %arg2[%mul3A_82] : memref<2107392xf32, #tpu.memory_space<hbm>> -> memref<12544xf32, #tpu.memory_space<hbm>>
    %dma_start3A_85 = arith.constant 0 : i32
    %dma_start3A_86 = tpu.memref_slice %arg5[%dma_start3A_85] : memref<25088xf32, #tpu.memory_space<vmem>> -> memref<12544xf32, #tpu.memory_space<vmem>>
    %dma_start3A_87 = tpu.memref_slice %arg2[%mul3A_82] : memref<2107392xf32, #tpu.memory_space<hbm>> -> memref<12544xf32, #tpu.memory_space<hbm>>
    tpu.enqueue_dma source(%dma_start3A_87 : memref<12544xf32, #tpu.memory_space<hbm>>) target(%dma_start3A_86 : memref<12544xf32, #tpu.memory_space<vmem>>) target_semaphore(%arg9 : memref<!tpu.dma_semaphore, #tpu.memory_space<semaphore_mem>>)
    %while3A = arith.constant 0 : i32
    %while3A_88 = arith.constant 0 : i32
    %while3A_89 = arith.subi %sub3A_47, %while3A : i32
    %while3A_90 = arith.addi %while3A, %while3A_89 : i32
    %while3A_91 = arith.constant 1 : i32
    %while3A_92 = arith.divsi %while3A_89, %while3A_91 : i32
    %while3A_93 = arith.muli %while3A_92, %while3A_91 : i32
    %while3A_94 = arith.addi %while3A, %while3A_93 : i32
    %while3A_95 = arith.constant 1 : i32
    %while3A_96 = scf.for %while3A_103 = %while3A to %while3A_94 step %while3A_95 iter_args(%while3A_104 = %while3A_88) -> (i32)  : i32 {
      %add3A_105 = arith.addi %select_n3A, %while3A_103 : i32
      %jit3A_106 = arith.constant 21 : i32
      %div3A_107 = arith.divsi %add3A_105, %jit3A_106 : i32
      %sign3A_108 = arith.constant 0 : i32
      %sign3A_109 = arith.cmpi sgt, %add3A_105, %sign3A_108 : i32
      %sign3A_110 = arith.extui %sign3A_109 : i1 to i32
      %sign3A_111 = arith.constant 0 : i32
      %sign3A_112 = arith.cmpi slt, %add3A_105, %sign3A_111 : i32
      %sign3A_113 = arith.extui %sign3A_112 : i1 to i32
      %sign3A_114 = arith.subi %sign3A_110, %sign3A_113 : i32
      %sign3A_115 = arith.constant 0 : i32
      %sign3A_116 = arith.cmpi sgt, %jit3A_106, %sign3A_115 : i32
      %sign3A_117 = arith.extui %sign3A_116 : i1 to i32
      %sign3A_118 = arith.constant 0 : i32
      %sign3A_119 = arith.cmpi slt, %jit3A_106, %sign3A_118 : i32
      %sign3A_120 = arith.extui %sign3A_119 : i1 to i32
      %sign3A_121 = arith.subi %sign3A_117, %sign3A_120 : i32
      %ne3A_122 = arith.cmpi ne, %sign3A_114, %sign3A_121 : i32
      %rem3A_123 = arith.remsi %add3A_105, %jit3A_106 : i32
      %ne3A_124 = arith.constant 0 : i32
      %ne3A_125 = arith.cmpi ne, %rem3A_123, %ne3A_124 : i32
      %and3A_126 = arith.andi %ne3A_122, %ne3A_125 : i1
      %sub3A_127 = arith.constant 1 : i32
      %sub3A_128 = arith.subi %div3A_107, %sub3A_127 : i32
      %select_n3A_129 = arith.select %and3A_126, %sub3A_128, %div3A_107 : i32
      %mul3A_130 = arith.constant 21 : i32
      %mul3A_131 = arith.muli %select_n3A_129, %mul3A_130 : i32
      %sub3A_132 = arith.subi %add3A_105, %mul3A_131 : i32
      %ne3A_133 = arith.cmpi ne, %select_n3A_129, %select_n3A_71 : i32
      %jit3A_134 = arith.constant 4096 : i32
      %jit3A_135 = arith.constant 0 : i32
      %select_n3A_136 = arith.select %ne3A_133, %jit3A_134, %jit3A_135 : i32
      %jit3A_137 = arith.constant 2 : i32
      %eq3A = arith.constant 0 : i32
      %eq3A_138 = arith.cmpi eq, %jit3A_137, %eq3A : i32
      %jit3A_139 = arith.constant 1 : i32
      %select_n3A_140 = arith.select %eq3A_138, %jit3A_139, %jit3A_137 : i32
      %rem3A_141 = arith.remsi %while3A_103, %select_n3A_140 : i32
      %ne3A_142 = arith.constant 0 : i32
      %ne3A_143 = arith.cmpi ne, %rem3A_141, %ne3A_142 : i32
      %lt3A = arith.constant 0 : i32
      %lt3A_144 = arith.cmpi slt, %rem3A_141, %lt3A : i32
      %lt3A_145 = arith.constant 0 : i32
      %lt3A_146 = arith.cmpi slt, %select_n3A_140, %lt3A_145 : i32
      %ne3A_147 = arith.xori %lt3A_144, %lt3A_146 : i1
      %and3A_148 = arith.andi %ne3A_147, %ne3A_143 : i1
      %add3A_149 = arith.addi %rem3A_141, %select_n3A_140 : i32
      %select_n3A_150 = arith.select %and3A_148, %add3A_149, %rem3A_141 : i32
      %add3A_151 = arith.constant 1 : i32
      %add3A_152 = arith.addi %while3A_103, %add3A_151 : i32
      %lt3A_153 = arith.cmpi slt, %add3A_152, %sub3A_47 : i32
      %eq3A_154 = arith.constant 0 : i32
      %eq3A_155 = arith.cmpi eq, %select_n3A_150, %eq3A_154 : i32
      %and3A_156 = arith.andi %lt3A_153, %eq3A_155 : i1
      %convert_element_type3A = arith.extui %and3A_156 : i1 to i32
      %cond3A = arith.constant 0 : i32
      %cond3A_157 = arith.cmpi ne, %convert_element_type3A, %cond3A : i32
      scf.if %cond3A_157 {
        %add3A_201 = arith.constant 1 : i32
        %add3A_202 = arith.addi %add3A_105, %add3A_201 : i32
        %mul3A_203 = arith.constant 12544 : i32
        %mul3A_204 = arith.muli %add3A_202, %mul3A_203 : i32
        %dma_start3A_205 = arith.constant 12544 : i32
        %dma_start3A_206 = tpu.memref_slice %arg5[%dma_start3A_205] : memref<25088xf32, #tpu.memory_space<vmem>> -> memref<12544xf32, #tpu.memory_space<vmem>>
        %dma_start3A_207 = tpu.memref_slice %arg2[%mul3A_204] : memref<2107392xf32, #tpu.memory_space<hbm>> -> memref<12544xf32, #tpu.memory_space<hbm>>
        %dma_start3A_208 = arith.constant 12544 : i32
        %dma_start3A_209 = tpu.memref_slice %arg5[%dma_start3A_208] : memref<25088xf32, #tpu.memory_space<vmem>> -> memref<12544xf32, #tpu.memory_space<vmem>>
        %dma_start3A_210 = tpu.memref_slice %arg2[%mul3A_204] : memref<2107392xf32, #tpu.memory_space<hbm>> -> memref<12544xf32, #tpu.memory_space<hbm>>
        tpu.enqueue_dma source(%dma_start3A_210 : memref<12544xf32, #tpu.memory_space<hbm>>) target(%dma_start3A_209 : memref<12544xf32, #tpu.memory_space<vmem>>) target_semaphore(%arg10 : memref<!tpu.dma_semaphore, #tpu.memory_space<semaphore_mem>>)
      } else {
      }
      %add3A_158 = arith.constant 1 : i32
      %add3A_159 = arith.addi %while3A_103, %add3A_158 : i32
      %lt3A_160 = arith.cmpi slt, %add3A_159, %sub3A_47 : i32
      %eq3A_161 = arith.constant 1 : i32
      %eq3A_162 = arith.cmpi eq, %select_n3A_150, %eq3A_161 : i32
      %and3A_163 = arith.andi %lt3A_160, %eq3A_162 : i1
      %convert_element_type3A_164 = arith.extui %and3A_163 : i1 to i32
      %cond3A_165 = arith.constant 0 : i32
      %cond3A_166 = arith.cmpi ne, %convert_element_type3A_164, %cond3A_165 : i32
      scf.if %cond3A_166 {
        %add3A_201 = arith.constant 1 : i32
        %add3A_202 = arith.addi %add3A_105, %add3A_201 : i32
        %mul3A_203 = arith.constant 12544 : i32
        %mul3A_204 = arith.muli %add3A_202, %mul3A_203 : i32
        %dma_start3A_205 = arith.constant 0 : i32
        %dma_start3A_206 = tpu.memref_slice %arg5[%dma_start3A_205] : memref<25088xf32, #tpu.memory_space<vmem>> -> memref<12544xf32, #tpu.memory_space<vmem>>
        %dma_start3A_207 = tpu.memref_slice %arg2[%mul3A_204] : memref<2107392xf32, #tpu.memory_space<hbm>> -> memref<12544xf32, #tpu.memory_space<hbm>>
        %dma_start3A_208 = arith.constant 0 : i32
        %dma_start3A_209 = tpu.memref_slice %arg5[%dma_start3A_208] : memref<25088xf32, #tpu.memory_space<vmem>> -> memref<12544xf32, #tpu.memory_space<vmem>>
        %dma_start3A_210 = tpu.memref_slice %arg2[%mul3A_204] : memref<2107392xf32, #tpu.memory_space<hbm>> -> memref<12544xf32, #tpu.memory_space<hbm>>
        tpu.enqueue_dma source(%dma_start3A_210 : memref<12544xf32, #tpu.memory_space<hbm>>) target(%dma_start3A_209 : memref<12544xf32, #tpu.memory_space<vmem>>) target_semaphore(%arg9 : memref<!tpu.dma_semaphore, #tpu.memory_space<semaphore_mem>>)
      } else {
      }
      %eq3A_167 = arith.constant 0 : i32
      %eq3A_168 = arith.cmpi eq, %select_n3A_150, %eq3A_167 : i32
      %convert_element_type3A_169 = arith.extui %eq3A_168 : i1 to i32
      %cond3A_170 = arith.constant 0 : i32
      %cond3A_171 = arith.cmpi ne, %convert_element_type3A_169, %cond3A_170 : i32
      scf.if %cond3A_171 {
        %mul3A_201 = arith.constant 12544 : i32
        %mul3A_202 = arith.muli %add3A_105, %mul3A_201 : i32
        %dma_wait3A = arith.constant 0 : i32
        %dma_wait3A_203 = tpu.memref_slice %arg5[%dma_wait3A] : memref<25088xf32, #tpu.memory_space<vmem>> -> memref<12544xf32, #tpu.memory_space<vmem>>
        %dma_wait3A_204 = tpu.memref_slice %arg2[%mul3A_202] : memref<2107392xf32, #tpu.memory_space<hbm>> -> memref<12544xf32, #tpu.memory_space<hbm>>
        %dma_wait3A_205 = arith.constant 0 : i32
        %dma_wait3A_206 = tpu.memref_slice %arg5[%dma_wait3A_205] : memref<25088xf32, #tpu.memory_space<vmem>> -> memref<12544xf32, #tpu.memory_space<vmem>>
        %dma_wait3A_207 = tpu.memref_slice %arg2[%mul3A_202] : memref<2107392xf32, #tpu.memory_space<hbm>> -> memref<12544xf32, #tpu.memory_space<hbm>>
        tpu.wait_dma2 semaphore(%arg9 : memref<!tpu.dma_semaphore, #tpu.memory_space<semaphore_mem>>) src(%dma_wait3A_207 : memref<12544xf32, #tpu.memory_space<hbm>>) dst(%dma_wait3A_206 : memref<12544xf32, #tpu.memory_space<vmem>>)
      } else {
      }
      %eq3A_172 = arith.constant 1 : i32
      %eq3A_173 = arith.cmpi eq, %select_n3A_150, %eq3A_172 : i32
      %convert_element_type3A_174 = arith.extui %eq3A_173 : i1 to i32
      %cond3A_175 = arith.constant 0 : i32
      %cond3A_176 = arith.cmpi ne, %convert_element_type3A_174, %cond3A_175 : i32
      scf.if %cond3A_176 {
        %mul3A_201 = arith.constant 12544 : i32
        %mul3A_202 = arith.muli %add3A_105, %mul3A_201 : i32
        %dma_wait3A = arith.constant 12544 : i32
        %dma_wait3A_203 = tpu.memref_slice %arg5[%dma_wait3A] : memref<25088xf32, #tpu.memory_space<vmem>> -> memref<12544xf32, #tpu.memory_space<vmem>>
        %dma_wait3A_204 = tpu.memref_slice %arg2[%mul3A_202] : memref<2107392xf32, #tpu.memory_space<hbm>> -> memref<12544xf32, #tpu.memory_space<hbm>>
        %dma_wait3A_205 = arith.constant 12544 : i32
        %dma_wait3A_206 = tpu.memref_slice %arg5[%dma_wait3A_205] : memref<25088xf32, #tpu.memory_space<vmem>> -> memref<12544xf32, #tpu.memory_space<vmem>>
        %dma_wait3A_207 = tpu.memref_slice %arg2[%mul3A_202] : memref<2107392xf32, #tpu.memory_space<hbm>> -> memref<12544xf32, #tpu.memory_space<hbm>>
        tpu.wait_dma2 semaphore(%arg10 : memref<!tpu.dma_semaphore, #tpu.memory_space<semaphore_mem>>) src(%dma_wait3A_207 : memref<12544xf32, #tpu.memory_space<hbm>>) dst(%dma_wait3A_206 : memref<12544xf32, #tpu.memory_space<vmem>>)
      } else {
      }
      %mul3A_177 = arith.constant 4 : i32
      %mul3A_178 = arith.muli %select_n3A_129, %mul3A_177 : i32
      %add3A_179 = arith.constant 0 : i32
      %add3A_180 = arith.addi %mul3A_178, %add3A_179 : i32
      %mul3A_181 = arith.constant 12544 : i32
      %mul3A_182 = arith.muli %add3A_180, %mul3A_181 : i32
      %dma_start3A_183 = arith.constant 0 : i32
      %dma_start3A_184 = tpu.memref_slice %arg6[%dma_start3A_183] : memref<25088xi32, #tpu.memory_space<vmem>> -> memref<12544xi32, #tpu.memory_space<vmem>>
      %dma_start3A_185 = tpu.memref_slice %arg3[%mul3A_182] : memref<401408xi32, #tpu.memory_space<hbm>> -> memref<12544xi32, #tpu.memory_space<hbm>>
      %dma_start3A_186 = arith.constant 0 : i32
      %dma_start3A_187 = tpu.memref_slice %arg6[%dma_start3A_186] : memref<25088xi32, #tpu.memory_space<vmem>> -> memref<12544xi32, #tpu.memory_space<vmem>>
      %dma_start3A_188 = tpu.memref_slice %arg3[%mul3A_182] : memref<401408xi32, #tpu.memory_space<hbm>> -> memref<12544xi32, #tpu.memory_space<hbm>>
      tpu.enqueue_dma source(%dma_start3A_188 : memref<12544xi32, #tpu.memory_space<hbm>>) target(%dma_start3A_187 : memref<12544xi32, #tpu.memory_space<vmem>>) target_semaphore(%arg11 : memref<!tpu.dma_semaphore, #tpu.memory_space<semaphore_mem>>)
      %mul3A_189 = arith.constant 12544 : i32
      %mul3A_190 = arith.muli %select_n3A_150, %mul3A_189 : i32
      %parallel_loop3A = arith.constant 0 : i32
      %parallel_loop3A_191 = arith.constant 112 : i32
      %parallel_loop3A_192 = arith.constant 1 : i32
      scf.for %parallel_loop3A_201 = %parallel_loop3A to %parallel_loop3A_191 step %parallel_loop3A_192  : i32 {
        %parallel_loop3A_202 = arith.constant 112 : i32
        %parallel_loop3A_203 = arith.muli %parallel_loop3A_201, %parallel_loop3A_202 : i32
        %parallel_loop3A_204 = arith.addi %mul3A_190, %parallel_loop3A_203 : i32
        %parallel_loop3A_205 = arith.constant 1 : i32
        %parallel_loop3A_206 = arith.subi %parallel_loop3A_201, %parallel_loop3A_205 : i32
        %parallel_loop3A_207 = arith.constant 0 : i32
        %parallel_loop3A_208 = arith.maxsi %parallel_loop3A_206, %parallel_loop3A_207 : i32
        %parallel_loop3A_209 = arith.constant 112 : i32
        %parallel_loop3A_210 = arith.muli %parallel_loop3A_208, %parallel_loop3A_209 : i32
        %parallel_loop3A_211 = arith.addi %mul3A_190, %parallel_loop3A_210 : i32
        %parallel_loop3A_212 = arith.constant 1 : i32
        %parallel_loop3A_213 = arith.addi %parallel_loop3A_201, %parallel_loop3A_212 : i32
        %parallel_loop3A_214 = arith.constant 111 : i32
        %parallel_loop3A_215 = arith.minsi %parallel_loop3A_213, %parallel_loop3A_214 : i32
        %parallel_loop3A_216 = arith.constant 112 : i32
        %parallel_loop3A_217 = arith.muli %parallel_loop3A_215, %parallel_loop3A_216 : i32
        %parallel_loop3A_218 = arith.addi %mul3A_190, %parallel_loop3A_217 : i32
        %parallel_loop3A_219 = arith.constant 114 : i32
        %parallel_loop3A_220 = arith.muli %parallel_loop3A_201, %parallel_loop3A_219 : i32
        %parallel_loop3A_221 = arith.constant 114 : i32
        %parallel_loop3A_222 = arith.muli %parallel_loop3A_201, %parallel_loop3A_221 : i32
        %parallel_loop3A_223 = arith.constant 12768 : i32
        %parallel_loop3A_224 = arith.addi %parallel_loop3A_223, %parallel_loop3A_222 : i32
        %parallel_loop3A_225 = arith.constant 0 : i32
        %parallel_loop3A_226 = arith.addi %parallel_loop3A_204, %parallel_loop3A_225 : i32
        %parallel_loop3A_227 = arith.index_cast %parallel_loop3A_226 : i32 to index
        %parallel_loop3A_228 = tpu.vector_load %arg5[%parallel_loop3A_227] {strides = array<i32>} : memref<25088xf32, #tpu.memory_space<vmem>>, vector<16xf32>,
        %parallel_loop3A_229 = arith.constant 0 : i32
        %parallel_loop3A_230 = arith.addi %parallel_loop3A_211, %parallel_loop3A_229 : i32
        %parallel_loop3A_231 = arith.index_cast %parallel_loop3A_230 : i32 to index
        %parallel_loop3A_232 = tpu.vector_load %arg5[%parallel_loop3A_231] {strides = array<i32>} : memref<25088xf32, #tpu.memory_space<vmem>>, vector<16xf32>,
        %parallel_loop3A_233 = arith.constant 0 : i32
        %parallel_loop3A_234 = arith.addi %parallel_loop3A_218, %parallel_loop3A_233 : i32
        %parallel_loop3A_235 = arith.index_cast %parallel_loop3A_234 : i32 to index
        %parallel_loop3A_236 = tpu.vector_load %arg5[%parallel_loop3A_235] {strides = array<i32>} : memref<25088xf32, #tpu.memory_space<vmem>>, vector<16xf32>,
        %parallel_loop3A_237 = arith.constant 1.280000e+02 : f32
        %parallel_loop3A_238 = vector.broadcast %parallel_loop3A_237 : f32 to vector<16xf32>
        %parallel_loop3A_239 = arith.mulf %parallel_loop3A_238, %parallel_loop3A_232 : vector<16xf32>
        %parallel_loop3A_240 = arith.constant 3.840000e+02 : f32
        %parallel_loop3A_241 = vector.broadcast %parallel_loop3A_240 : f32 to vector<16xf32>
        %parallel_loop3A_242 = arith.mulf %parallel_loop3A_241, %parallel_loop3A_228 : vector<16xf32>
        %parallel_loop3A_243 = arith.addf %parallel_loop3A_239, %parallel_loop3A_242 : vector<16xf32>
        %parallel_loop3A_244 = arith.constant 3.840000e+02 : f32
        %parallel_loop3A_245 = vector.broadcast %parallel_loop3A_244 : f32 to vector<16xf32>
        %parallel_loop3A_246 = arith.mulf %parallel_loop3A_245, %parallel_loop3A_228 : vector<16xf32>
        %parallel_loop3A_247 = arith.constant 1.280000e+02 : f32
        %parallel_loop3A_248 = vector.broadcast %parallel_loop3A_247 : f32 to vector<16xf32>
        %parallel_loop3A_249 = arith.mulf %parallel_loop3A_248, %parallel_loop3A_236 : vector<16xf32>
        %parallel_loop3A_250 = arith.addf %parallel_loop3A_246, %parallel_loop3A_249 : vector<16xf32>
        %parallel_loop3A_251 = arith.constant 1 : i32
        %parallel_loop3A_252 = arith.addi %parallel_loop3A_220, %parallel_loop3A_251 : i32
        %parallel_loop3A_253 = arith.constant 0 : i32
        %parallel_loop3A_254 = arith.addi %parallel_loop3A_252, %parallel_loop3A_253 : i32
        %parallel_loop3A_255 = arith.index_cast %parallel_loop3A_254 : i32 to index
        %parallel_loop3A_256 = tpu.vector_load %arg7[%parallel_loop3A_255] {strides = array<i32>} : memref<25536xf32, #tpu.memory_space<vmem>>, vector<16xf32>,
        tpu.vector_store %arg7[%parallel_loop3A_255], %parallel_loop3A_243 {strides = array<i32>} : memref<25536xf32, #tpu.memory_space<vmem>>, vector<16xf32>,
        %parallel_loop3A_257 = arith.constant 1 : i32
        %parallel_loop3A_258 = arith.addi %parallel_loop3A_224, %parallel_loop3A_257 : i32
        %parallel_loop3A_259 = arith.constant 0 : i32
        %parallel_loop3A_260 = arith.addi %parallel_loop3A_258, %parallel_loop3A_259 : i32
        %parallel_loop3A_261 = arith.index_cast %parallel_loop3A_260 : i32 to index
        %parallel_loop3A_262 = tpu.vector_load %arg7[%parallel_loop3A_261] {strides = array<i32>} : memref<25536xf32, #tpu.memory_space<vmem>>, vector<16xf32>,
        tpu.vector_store %arg7[%parallel_loop3A_261], %parallel_loop3A_250 {strides = array<i32>} : memref<25536xf32, #tpu.memory_space<vmem>>, vector<16xf32>,
        %parallel_loop3A_263 = vector.broadcast %parallel_loop3A_220 : i32 to vector<16xi32>
        %parallel_loop3A_264 = arith.addi %parallel_loop3A_263, %iota3A : vector<16xi32>
        %parallel_loop3A_265 = arith.constant 0 : i32
        %parallel_loop3A_266 = vector.broadcast %parallel_loop3A_265 : i32 to vector<16xi32>
        %parallel_loop3A_267 = arith.cmpi eq, %iota3A, %parallel_loop3A_266 : vector<16xi32>
        tpu.vector_store_idx %arg7[%parallel_loop3A_264], %parallel_loop3A_243 masked %parallel_loop3A_267 : memref<25536xf32, #tpu.memory_space<vmem>>[vector<16xi32>], vector<16xf32>, vector<16xi1>
        %parallel_loop3A_268 = vector.broadcast %parallel_loop3A_224 : i32 to vector<16xi32>
        %parallel_loop3A_269 = arith.addi %parallel_loop3A_268, %iota3A : vector<16xi32>
        %parallel_loop3A_270 = arith.constant 0 : i32
        %parallel_loop3A_271 = vector.broadcast %parallel_loop3A_270 : i32 to vector<16xi32>
        %parallel_loop3A_272 = arith.cmpi eq, %iota3A, %parallel_loop3A_271 : vector<16xi32>
        tpu.vector_store_idx %arg7[%parallel_loop3A_269], %parallel_loop3A_250 masked %parallel_loop3A_272 : memref<25536xf32, #tpu.memory_space<vmem>>[vector<16xi32>], vector<16xf32>, vector<16xi1>
        %parallel_loop3A_273 = arith.constant 16 : i32
        %parallel_loop3A_274 = arith.addi %parallel_loop3A_204, %parallel_loop3A_273 : i32
        %parallel_loop3A_275 = arith.index_cast %parallel_loop3A_274 : i32 to index
        %parallel_loop3A_276 = tpu.vector_load %arg5[%parallel_loop3A_275] {strides = array<i32>} : memref<25088xf32, #tpu.memory_space<vmem>>, vector<16xf32>,
        %parallel_loop3A_277 = arith.constant 16 : i32
        %parallel_loop3A_278 = arith.addi %parallel_loop3A_211, %parallel_loop3A_277 : i32
        %parallel_loop3A_279 = arith.index_cast %parallel_loop3A_278 : i32 to index
        %parallel_loop3A_280 = tpu.vector_load %arg5[%parallel_loop3A_279] {strides = array<i32>} : memref<25088xf32, #tpu.memory_space<vmem>>, vector<16xf32>,
        %parallel_loop3A_281 = arith.constant 16 : i32
        %parallel_loop3A_282 = arith.addi %parallel_loop3A_218, %parallel_loop3A_281 : i32
        %parallel_loop3A_283 = arith.index_cast %parallel_loop3A_282 : i32 to index
        %parallel_loop3A_284 = tpu.vector_load %arg5[%parallel_loop3A_283] {strides = array<i32>} : memref<25088xf32, #tpu.memory_space<vmem>>, vector<16xf32>,
        %parallel_loop3A_285 = arith.constant 1.280000e+02 : f32
        %parallel_loop3A_286 = vector.broadcast %parallel_loop3A_285 : f32 to vector<16xf32>
        %parallel_loop3A_287 = arith.mulf %parallel_loop3A_286, %parallel_loop3A_280 : vector<16xf32>
        %parallel_loop3A_288 = arith.constant 3.840000e+02 : f32
        %parallel_loop3A_289 = vector.broadcast %parallel_loop3A_288 : f32 to vector<16xf32>
        %parallel_loop3A_290 = arith.mulf %parallel_loop3A_289, %parallel_loop3A_276 : vector<16xf32>
        %parallel_loop3A_291 = arith.addf %parallel_loop3A_287, %parallel_loop3A_290 : vector<16xf32>
        %parallel_loop3A_292 = arith.constant 3.840000e+02 : f32
        %parallel_loop3A_293 = vector.broadcast %parallel_loop3A_292 : f32 to vector<16xf32>
        %parallel_loop3A_294 = arith.mulf %parallel_loop3A_293, %parallel_loop3A_276 : vector<16xf32>
        %parallel_loop3A_295 = arith.constant 1.280000e+02 : f32
        %parallel_loop3A_296 = vector.broadcast %parallel_loop3A_295 : f32 to vector<16xf32>
        %parallel_loop3A_297 = arith.mulf %parallel_loop3A_296, %parallel_loop3A_284 : vector<16xf32>
        %parallel_loop3A_298 = arith.addf %parallel_loop3A_294, %parallel_loop3A_297 : vector<16xf32>
        %parallel_loop3A_299 = arith.constant 1 : i32
        %parallel_loop3A_300 = arith.addi %parallel_loop3A_220, %parallel_loop3A_299 : i32
        %parallel_loop3A_301 = arith.constant 16 : i32
        %parallel_loop3A_302 = arith.addi %parallel_loop3A_300, %parallel_loop3A_301 : i32
        %parallel_loop3A_303 = arith.index_cast %parallel_loop3A_302 : i32 to index
        %parallel_loop3A_304 = tpu.vector_load %arg7[%parallel_loop3A_303] {strides = array<i32>} : memref<25536xf32, #tpu.memory_space<vmem>>, vector<16xf32>,
        tpu.vector_store %arg7[%parallel_loop3A_303], %parallel_loop3A_291 {strides = array<i32>} : memref<25536xf32, #tpu.memory_space<vmem>>, vector<16xf32>,
        %parallel_loop3A_305 = arith.constant 1 : i32
        %parallel_loop3A_306 = arith.addi %parallel_loop3A_224, %parallel_loop3A_305 : i32
        %parallel_loop3A_307 = arith.constant 16 : i32
        %parallel_loop3A_308 = arith.addi %parallel_loop3A_306, %parallel_loop3A_307 : i32
        %parallel_loop3A_309 = arith.index_cast %parallel_loop3A_308 : i32 to index
        %parallel_loop3A_310 = tpu.vector_load %arg7[%parallel_loop3A_309] {strides = array<i32>} : memref<25536xf32, #tpu.memory_space<vmem>>, vector<16xf32>,
        tpu.vector_store %arg7[%parallel_loop3A_309], %parallel_loop3A_298 {strides = array<i32>} : memref<25536xf32, #tpu.memory_space<vmem>>, vector<16xf32>,
        %parallel_loop3A_311 = arith.constant 32 : i32
        %parallel_loop3A_312 = arith.addi %parallel_loop3A_204, %parallel_loop3A_311 : i32
        %parallel_loop3A_313 = arith.index_cast %parallel_loop3A_312 : i32 to index
        %parallel_loop3A_314 = tpu.vector_load %arg5[%parallel_loop3A_313] {strides = array<i32>} : memref<25088xf32, #tpu.memory_space<vmem>>, vector<16xf32>,
        %parallel_loop3A_315 = arith.constant 32 : i32
        %parallel_loop3A_316 = arith.addi %parallel_loop3A_211, %parallel_loop3A_315 : i32
        %parallel_loop3A_317 = arith.index_cast %parallel_loop3A_316 : i32 to index
        %parallel_loop3A_318 = tpu.vector_load %arg5[%parallel_loop3A_317] {strides = array<i32>} : memref<25088xf32, #tpu.memory_space<vmem>>, vector<16xf32>,
        %parallel_loop3A_319 = arith.constant 32 : i32
        %parallel_loop3A_320 = arith.addi %parallel_loop3A_218, %parallel_loop3A_319 : i32
        %parallel_loop3A_321 = arith.index_cast %parallel_loop3A_320 : i32 to index
        %parallel_loop3A_322 = tpu.vector_load %arg5[%parallel_loop3A_321] {strides = array<i32>} : memref<25088xf32, #tpu.memory_space<vmem>>, vector<16xf32>,
        %parallel_loop3A_323 = arith.constant 1.280000e+02 : f32
        %parallel_loop3A_324 = vector.broadcast %parallel_loop3A_323 : f32 to vector<16xf32>
        %parallel_loop3A_325 = arith.mulf %parallel_loop3A_324, %parallel_loop3A_318 : vector<16xf32>
        %parallel_loop3A_326 = arith.constant 3.840000e+02 : f32
        %parallel_loop3A_327 = vector.broadcast %parallel_loop3A_326 : f32 to vector<16xf32>
        %parallel_loop3A_328 = arith.mulf %parallel_loop3A_327, %parallel_loop3A_314 : vector<16xf32>
        %parallel_loop3A_329 = arith.addf %parallel_loop3A_325, %parallel_loop3A_328 : vector<16xf32>
        %parallel_loop3A_330 = arith.constant 3.840000e+02 : f32
        %parallel_loop3A_331 = vector.broadcast %parallel_loop3A_330 : f32 to vector<16xf32>
        %parallel_loop3A_332 = arith.mulf %parallel_loop3A_331, %parallel_loop3A_314 : vector<16xf32>
        %parallel_loop3A_333 = arith.constant 1.280000e+02 : f32
        %parallel_loop3A_334 = vector.broadcast %parallel_loop3A_333 : f32 to vector<16xf32>
        %parallel_loop3A_335 = arith.mulf %parallel_loop3A_334, %parallel_loop3A_322 : vector<16xf32>
        %parallel_loop3A_336 = arith.addf %parallel_loop3A_332, %parallel_loop3A_335 : vector<16xf32>
        %parallel_loop3A_337 = arith.constant 1 : i32
        %parallel_loop3A_338 = arith.addi %parallel_loop3A_220, %parallel_loop3A_337 : i32
        %parallel_loop3A_339 = arith.constant 32 : i32
        %parallel_loop3A_340 = arith.addi %parallel_loop3A_338, %parallel_loop3A_339 : i32
        %parallel_loop3A_341 = arith.index_cast %parallel_loop3A_340 : i32 to index
        %parallel_loop3A_342 = tpu.vector_load %arg7[%parallel_loop3A_341] {strides = array<i32>} : memref<25536xf32, #tpu.memory_space<vmem>>, vector<16xf32>,
        tpu.vector_store %arg7[%parallel_loop3A_341], %parallel_loop3A_329 {strides = array<i32>} : memref<25536xf32, #tpu.memory_space<vmem>>, vector<16xf32>,
        %parallel_loop3A_343 = arith.constant 1 : i32
        %parallel_loop3A_344 = arith.addi %parallel_loop3A_224, %parallel_loop3A_343 : i32
        %parallel_loop3A_345 = arith.constant 32 : i32
        %parallel_loop3A_346 = arith.addi %parallel_loop3A_344, %parallel_loop3A_345 : i32
        %parallel_loop3A_347 = arith.index_cast %parallel_loop3A_346 : i32 to index
        %parallel_loop3A_348 = tpu.vector_load %arg7[%parallel_loop3A_347] {strides = array<i32>} : memref<25536xf32, #tpu.memory_space<vmem>>, vector<16xf32>,
        tpu.vector_store %arg7[%parallel_loop3A_347], %parallel_loop3A_336 {strides = array<i32>} : memref<25536xf32, #tpu.memory_space<vmem>>, vector<16xf32>,
        %parallel_loop3A_349 = arith.constant 48 : i32
        %parallel_loop3A_350 = arith.addi %parallel_loop3A_204, %parallel_loop3A_349 : i32
        %parallel_loop3A_351 = arith.index_cast %parallel_loop3A_350 : i32 to index
        %parallel_loop3A_352 = tpu.vector_load %arg5[%parallel_loop3A_351] {strides = array<i32>} : memref<25088xf32, #tpu.memory_space<vmem>>, vector<16xf32>,
        %parallel_loop3A_353 = arith.constant 48 : i32
        %parallel_loop3A_354 = arith.addi %parallel_loop3A_211, %parallel_loop3A_353 : i32
        %parallel_loop3A_355 = arith.index_cast %parallel_loop3A_354 : i32 to index
        %parallel_loop3A_356 = tpu.vector_load %arg5[%parallel_loop3A_355] {strides = array<i32>} : memref<25088xf32, #tpu.memory_space<vmem>>, vector<16xf32>,
        %parallel_loop3A_357 = arith.constant 48 : i32
        %parallel_loop3A_358 = arith.addi %parallel_loop3A_218, %parallel_loop3A_357 : i32
        %parallel_loop3A_359 = arith.index_cast %parallel_loop3A_358 : i32 to index
        %parallel_loop3A_360 = tpu.vector_load %arg5[%parallel_loop3A_359] {strides = array<i32>} : memref<25088xf32, #tpu.memory_space<vmem>>, vector<16xf32>,
        %parallel_loop3A_361 = arith.constant 1.280000e+02 : f32
        %parallel_loop3A_362 = vector.broadcast %parallel_loop3A_361 : f32 to vector<16xf32>
        %parallel_loop3A_363 = arith.mulf %parallel_loop3A_362, %parallel_loop3A_356 : vector<16xf32>
        %parallel_loop3A_364 = arith.constant 3.840000e+02 : f32
        %parallel_loop3A_365 = vector.broadcast %parallel_loop3A_364 : f32 to vector<16xf32>
        %parallel_loop3A_366 = arith.mulf %parallel_loop3A_365, %parallel_loop3A_352 : vector<16xf32>
        %parallel_loop3A_367 = arith.addf %parallel_loop3A_363, %parallel_loop3A_366 : vector<16xf32>
        %parallel_loop3A_368 = arith.constant 3.840000e+02 : f32
        %parallel_loop3A_369 = vector.broadcast %parallel_loop3A_368 : f32 to vector<16xf32>
        %parallel_loop3A_370 = arith.mulf %parallel_loop3A_369, %parallel_loop3A_352 : vector<16xf32>
        %parallel_loop3A_371 = arith.constant 1.280000e+02 : f32
        %parallel_loop3A_372 = vector.broadcast %parallel_loop3A_371 : f32 to vector<16xf32>
        %parallel_loop3A_373 = arith.mulf %parallel_loop3A_372, %parallel_loop3A_360 : vector<16xf32>
        %parallel_loop3A_374 = arith.addf %parallel_loop3A_370, %parallel_loop3A_373 : vector<16xf32>
        %parallel_loop3A_375 = arith.constant 1 : i32
        %parallel_loop3A_376 = arith.addi %parallel_loop3A_220, %parallel_loop3A_375 : i32
        %parallel_loop3A_377 = arith.constant 48 : i32
        %parallel_loop3A_378 = arith.addi %parallel_loop3A_376, %parallel_loop3A_377 : i32
        %parallel_loop3A_379 = arith.index_cast %parallel_loop3A_378 : i32 to index
        %parallel_loop3A_380 = tpu.vector_load %arg7[%parallel_loop3A_379] {strides = array<i32>} : memref<25536xf32, #tpu.memory_space<vmem>>, vector<16xf32>,
        tpu.vector_store %arg7[%parallel_loop3A_379], %parallel_loop3A_367 {strides = array<i32>} : memref<25536xf32, #tpu.memory_space<vmem>>, vector<16xf32>,
        %parallel_loop3A_381 = arith.constant 1 : i32
        %parallel_loop3A_382 = arith.addi %parallel_loop3A_224, %parallel_loop3A_381 : i32
        %parallel_loop3A_383 = arith.constant 48 : i32
        %parallel_loop3A_384 = arith.addi %parallel_loop3A_382, %parallel_loop3A_383 : i32
        %parallel_loop3A_385 = arith.index_cast %parallel_loop3A_384 : i32 to index
        %parallel_loop3A_386 = tpu.vector_load %arg7[%parallel_loop3A_385] {strides = array<i32>} : memref<25536xf32, #tpu.memory_space<vmem>>, vector<16xf32>,
        tpu.vector_store %arg7[%parallel_loop3A_385], %parallel_loop3A_374 {strides = array<i32>} : memref<25536xf32, #tpu.memory_space<vmem>>, vector<16xf32>,
        %parallel_loop3A_387 = arith.constant 64 : i32
        %parallel_loop3A_388 = arith.addi %parallel_loop3A_204, %parallel_loop3A_387 : i32
        %parallel_loop3A_389 = arith.index_cast %parallel_loop3A_388 : i32 to index
        %parallel_loop3A_390 = tpu.vector_load %arg5[%parallel_loop3A_389] {strides = array<i32>} : memref<25088xf32, #tpu.memory_space<vmem>>, vector<16xf32>,
        %parallel_loop3A_391 = arith.constant 64 : i32
        %parallel_loop3A_392 = arith.addi %parallel_loop3A_211, %parallel_loop3A_391 : i32
        %parallel_loop3A_393 = arith.index_cast %parallel_loop3A_392 : i32 to index
        %parallel_loop3A_394 = tpu.vector_load %arg5[%parallel_loop3A_393] {strides = array<i32>} : memref<25088xf32, #tpu.memory_space<vmem>>, vector<16xf32>,
        %parallel_loop3A_395 = arith.constant 64 : i32
        %parallel_loop3A_396 = arith.addi %parallel_loop3A_218, %parallel_loop3A_395 : i32
        %parallel_loop3A_397 = arith.index_cast %parallel_loop3A_396 : i32 to index
        %parallel_loop3A_398 = tpu.vector_load %arg5[%parallel_loop3A_397] {strides = array<i32>} : memref<25088xf32, #tpu.memory_space<vmem>>, vector<16xf32>,
        %parallel_loop3A_399 = arith.constant 1.280000e+02 : f32
        %parallel_loop3A_400 = vector.broadcast %parallel_loop3A_399 : f32 to vector<16xf32>
        %parallel_loop3A_401 = arith.mulf %parallel_loop3A_400, %parallel_loop3A_394 : vector<16xf32>
        %parallel_loop3A_402 = arith.constant 3.840000e+02 : f32
        %parallel_loop3A_403 = vector.broadcast %parallel_loop3A_402 : f32 to vector<16xf32>
        %parallel_loop3A_404 = arith.mulf %parallel_loop3A_403, %parallel_loop3A_390 : vector<16xf32>
        %parallel_loop3A_405 = arith.addf %parallel_loop3A_401, %parallel_loop3A_404 : vector<16xf32>
        %parallel_loop3A_406 = arith.constant 3.840000e+02 : f32
        %parallel_loop3A_407 = vector.broadcast %parallel_loop3A_406 : f32 to vector<16xf32>
        %parallel_loop3A_408 = arith.mulf %parallel_loop3A_407, %parallel_loop3A_390 : vector<16xf32>
        %parallel_loop3A_409 = arith.constant 1.280000e+02 : f32
        %parallel_loop3A_410 = vector.broadcast %parallel_loop3A_409 : f32 to vector<16xf32>
        %parallel_loop3A_411 = arith.mulf %parallel_loop3A_410, %parallel_loop3A_398 : vector<16xf32>
        %parallel_loop3A_412 = arith.addf %parallel_loop3A_408, %parallel_loop3A_411 : vector<16xf32>
        %parallel_loop3A_413 = arith.constant 1 : i32
        %parallel_loop3A_414 = arith.addi %parallel_loop3A_220, %parallel_loop3A_413 : i32
        %parallel_loop3A_415 = arith.constant 64 : i32
        %parallel_loop3A_416 = arith.addi %parallel_loop3A_414, %parallel_loop3A_415 : i32
        %parallel_loop3A_417 = arith.index_cast %parallel_loop3A_416 : i32 to index
        %parallel_loop3A_418 = tpu.vector_load %arg7[%parallel_loop3A_417] {strides = array<i32>} : memref<25536xf32, #tpu.memory_space<vmem>>, vector<16xf32>,
        tpu.vector_store %arg7[%parallel_loop3A_417], %parallel_loop3A_405 {strides = array<i32>} : memref<25536xf32, #tpu.memory_space<vmem>>, vector<16xf32>,
        %parallel_loop3A_419 = arith.constant 1 : i32
        %parallel_loop3A_420 = arith.addi %parallel_loop3A_224, %parallel_loop3A_419 : i32
        %parallel_loop3A_421 = arith.constant 64 : i32
        %parallel_loop3A_422 = arith.addi %parallel_loop3A_420, %parallel_loop3A_421 : i32
        %parallel_loop3A_423 = arith.index_cast %parallel_loop3A_422 : i32 to index
        %parallel_loop3A_424 = tpu.vector_load %arg7[%parallel_loop3A_423] {strides = array<i32>} : memref<25536xf32, #tpu.memory_space<vmem>>, vector<16xf32>,
        tpu.vector_store %arg7[%parallel_loop3A_423], %parallel_loop3A_412 {strides = array<i32>} : memref<25536xf32, #tpu.memory_space<vmem>>, vector<16xf32>,
        %parallel_loop3A_425 = arith.constant 80 : i32
        %parallel_loop3A_426 = arith.addi %parallel_loop3A_204, %parallel_loop3A_425 : i32
        %parallel_loop3A_427 = arith.index_cast %parallel_loop3A_426 : i32 to index
        %parallel_loop3A_428 = tpu.vector_load %arg5[%parallel_loop3A_427] {strides = array<i32>} : memref<25088xf32, #tpu.memory_space<vmem>>, vector<16xf32>,
        %parallel_loop3A_429 = arith.constant 80 : i32
        %parallel_loop3A_430 = arith.addi %parallel_loop3A_211, %parallel_loop3A_429 : i32
        %parallel_loop3A_431 = arith.index_cast %parallel_loop3A_430 : i32 to index
        %parallel_loop3A_432 = tpu.vector_load %arg5[%parallel_loop3A_431] {strides = array<i32>} : memref<25088xf32, #tpu.memory_space<vmem>>, vector<16xf32>,
        %parallel_loop3A_433 = arith.constant 80 : i32
        %parallel_loop3A_434 = arith.addi %parallel_loop3A_218, %parallel_loop3A_433 : i32
        %parallel_loop3A_435 = arith.index_cast %parallel_loop3A_434 : i32 to index
        %parallel_loop3A_436 = tpu.vector_load %arg5[%parallel_loop3A_435] {strides = array<i32>} : memref<25088xf32, #tpu.memory_space<vmem>>, vector<16xf32>,
        %parallel_loop3A_437 = arith.constant 1.280000e+02 : f32
        %parallel_loop3A_438 = vector.broadcast %parallel_loop3A_437 : f32 to vector<16xf32>
        %parallel_loop3A_439 = arith.mulf %parallel_loop3A_438, %parallel_loop3A_432 : vector<16xf32>
        %parallel_loop3A_440 = arith.constant 3.840000e+02 : f32
        %parallel_loop3A_441 = vector.broadcast %parallel_loop3A_440 : f32 to vector<16xf32>
        %parallel_loop3A_442 = arith.mulf %parallel_loop3A_441, %parallel_loop3A_428 : vector<16xf32>
        %parallel_loop3A_443 = arith.addf %parallel_loop3A_439, %parallel_loop3A_442 : vector<16xf32>
        %parallel_loop3A_444 = arith.constant 3.840000e+02 : f32
        %parallel_loop3A_445 = vector.broadcast %parallel_loop3A_444 : f32 to vector<16xf32>
        %parallel_loop3A_446 = arith.mulf %parallel_loop3A_445, %parallel_loop3A_428 : vector<16xf32>
        %parallel_loop3A_447 = arith.constant 1.280000e+02 : f32
        %parallel_loop3A_448 = vector.broadcast %parallel_loop3A_447 : f32 to vector<16xf32>
        %parallel_loop3A_449 = arith.mulf %parallel_loop3A_448, %parallel_loop3A_436 : vector<16xf32>
        %parallel_loop3A_450 = arith.addf %parallel_loop3A_446, %parallel_loop3A_449 : vector<16xf32>
        %parallel_loop3A_451 = arith.constant 1 : i32
        %parallel_loop3A_452 = arith.addi %parallel_loop3A_220, %parallel_loop3A_451 : i32
        %parallel_loop3A_453 = arith.constant 80 : i32
        %parallel_loop3A_454 = arith.addi %parallel_loop3A_452, %parallel_loop3A_453 : i32
        %parallel_loop3A_455 = arith.index_cast %parallel_loop3A_454 : i32 to index
        %parallel_loop3A_456 = tpu.vector_load %arg7[%parallel_loop3A_455] {strides = array<i32>} : memref<25536xf32, #tpu.memory_space<vmem>>, vector<16xf32>,
        tpu.vector_store %arg7[%parallel_loop3A_455], %parallel_loop3A_443 {strides = array<i32>} : memref<25536xf32, #tpu.memory_space<vmem>>, vector<16xf32>,
        %parallel_loop3A_457 = arith.constant 1 : i32
        %parallel_loop3A_458 = arith.addi %parallel_loop3A_224, %parallel_loop3A_457 : i32
        %parallel_loop3A_459 = arith.constant 80 : i32
        %parallel_loop3A_460 = arith.addi %parallel_loop3A_458, %parallel_loop3A_459 : i32
        %parallel_loop3A_461 = arith.index_cast %parallel_loop3A_460 : i32 to index
        %parallel_loop3A_462 = tpu.vector_load %arg7[%parallel_loop3A_461] {strides = array<i32>} : memref<25536xf32, #tpu.memory_space<vmem>>, vector<16xf32>,
        tpu.vector_store %arg7[%parallel_loop3A_461], %parallel_loop3A_450 {strides = array<i32>} : memref<25536xf32, #tpu.memory_space<vmem>>, vector<16xf32>,
        %parallel_loop3A_463 = arith.constant 96 : i32
        %parallel_loop3A_464 = arith.addi %parallel_loop3A_204, %parallel_loop3A_463 : i32
        %parallel_loop3A_465 = arith.index_cast %parallel_loop3A_464 : i32 to index
        %parallel_loop3A_466 = tpu.vector_load %arg5[%parallel_loop3A_465] {strides = array<i32>} : memref<25088xf32, #tpu.memory_space<vmem>>, vector<16xf32>,
        %parallel_loop3A_467 = arith.constant 96 : i32
        %parallel_loop3A_468 = arith.addi %parallel_loop3A_211, %parallel_loop3A_467 : i32
        %parallel_loop3A_469 = arith.index_cast %parallel_loop3A_468 : i32 to index
        %parallel_loop3A_470 = tpu.vector_load %arg5[%parallel_loop3A_469] {strides = array<i32>} : memref<25088xf32, #tpu.memory_space<vmem>>, vector<16xf32>,
        %parallel_loop3A_471 = arith.constant 96 : i32
        %parallel_loop3A_472 = arith.addi %parallel_loop3A_218, %parallel_loop3A_471 : i32
        %parallel_loop3A_473 = arith.index_cast %parallel_loop3A_472 : i32 to index
        %parallel_loop3A_474 = tpu.vector_load %arg5[%parallel_loop3A_473] {strides = array<i32>} : memref<25088xf32, #tpu.memory_space<vmem>>, vector<16xf32>,
        %parallel_loop3A_475 = arith.constant 1.280000e+02 : f32
        %parallel_loop3A_476 = vector.broadcast %parallel_loop3A_475 : f32 to vector<16xf32>
        %parallel_loop3A_477 = arith.mulf %parallel_loop3A_476, %parallel_loop3A_470 : vector<16xf32>
        %parallel_loop3A_478 = arith.constant 3.840000e+02 : f32
        %parallel_loop3A_479 = vector.broadcast %parallel_loop3A_478 : f32 to vector<16xf32>
        %parallel_loop3A_480 = arith.mulf %parallel_loop3A_479, %parallel_loop3A_466 : vector<16xf32>
        %parallel_loop3A_481 = arith.addf %parallel_loop3A_477, %parallel_loop3A_480 : vector<16xf32>
        %parallel_loop3A_482 = arith.constant 3.840000e+02 : f32
        %parallel_loop3A_483 = vector.broadcast %parallel_loop3A_482 : f32 to vector<16xf32>
        %parallel_loop3A_484 = arith.mulf %parallel_loop3A_483, %parallel_loop3A_466 : vector<16xf32>
        %parallel_loop3A_485 = arith.constant 1.280000e+02 : f32
        %parallel_loop3A_486 = vector.broadcast %parallel_loop3A_485 : f32 to vector<16xf32>
        %parallel_loop3A_487 = arith.mulf %parallel_loop3A_486, %parallel_loop3A_474 : vector<16xf32>
        %parallel_loop3A_488 = arith.addf %parallel_loop3A_484, %parallel_loop3A_487 : vector<16xf32>
        %parallel_loop3A_489 = arith.constant 1 : i32
        %parallel_loop3A_490 = arith.addi %parallel_loop3A_220, %parallel_loop3A_489 : i32
        %parallel_loop3A_491 = arith.constant 96 : i32
        %parallel_loop3A_492 = arith.addi %parallel_loop3A_490, %parallel_loop3A_491 : i32
        %parallel_loop3A_493 = arith.index_cast %parallel_loop3A_492 : i32 to index
        %parallel_loop3A_494 = tpu.vector_load %arg7[%parallel_loop3A_493] {strides = array<i32>} : memref<25536xf32, #tpu.memory_space<vmem>>, vector<16xf32>,
        tpu.vector_store %arg7[%parallel_loop3A_493], %parallel_loop3A_481 {strides = array<i32>} : memref<25536xf32, #tpu.memory_space<vmem>>, vector<16xf32>,
        %parallel_loop3A_495 = arith.constant 1 : i32
        %parallel_loop3A_496 = arith.addi %parallel_loop3A_224, %parallel_loop3A_495 : i32
        %parallel_loop3A_497 = arith.constant 96 : i32
        %parallel_loop3A_498 = arith.addi %parallel_loop3A_496, %parallel_loop3A_497 : i32
        %parallel_loop3A_499 = arith.index_cast %parallel_loop3A_498 : i32 to index
        %parallel_loop3A_500 = tpu.vector_load %arg7[%parallel_loop3A_499] {strides = array<i32>} : memref<25536xf32, #tpu.memory_space<vmem>>, vector<16xf32>,
        tpu.vector_store %arg7[%parallel_loop3A_499], %parallel_loop3A_488 {strides = array<i32>} : memref<25536xf32, #tpu.memory_space<vmem>>, vector<16xf32>,
        %parallel_loop3A_501 = arith.constant 98 : i32
        %parallel_loop3A_502 = arith.addi %parallel_loop3A_220, %parallel_loop3A_501 : i32
        %parallel_loop3A_503 = vector.broadcast %parallel_loop3A_502 : i32 to vector<16xi32>
        %parallel_loop3A_504 = arith.addi %parallel_loop3A_503, %iota3A : vector<16xi32>
        %parallel_loop3A_505 = arith.constant 15 : i32
        %parallel_loop3A_506 = vector.broadcast %parallel_loop3A_505 : i32 to vector<16xi32>
        %parallel_loop3A_507 = arith.cmpi eq, %iota3A, %parallel_loop3A_506 : vector<16xi32>
        tpu.vector_store_idx %arg7[%parallel_loop3A_504], %parallel_loop3A_481 masked %parallel_loop3A_507 : memref<25536xf32, #tpu.memory_space<vmem>>[vector<16xi32>], vector<16xf32>, vector<16xi1>
        %parallel_loop3A_508 = arith.constant 98 : i32
        %parallel_loop3A_509 = arith.addi %parallel_loop3A_224, %parallel_loop3A_508 : i32
        %parallel_loop3A_510 = vector.broadcast %parallel_loop3A_509 : i32 to vector<16xi32>
        %parallel_loop3A_511 = arith.addi %parallel_loop3A_510, %iota3A : vector<16xi32>
        %parallel_loop3A_512 = arith.constant 15 : i32
        %parallel_loop3A_513 = vector.broadcast %parallel_loop3A_512 : i32 to vector<16xi32>
        %parallel_loop3A_514 = arith.cmpi eq, %iota3A, %parallel_loop3A_513 : vector<16xi32>
        tpu.vector_store_idx %arg7[%parallel_loop3A_511], %parallel_loop3A_488 masked %parallel_loop3A_514 : memref<25536xf32, #tpu.memory_space<vmem>>[vector<16xi32>], vector<16xf32>, vector<16xi1>
      } {sc.loop_unroll_factor = 2 : i64, sc.parallel_access}
      %scan3A_193 = arith.constant 0 : i32
      %scan3A_194 = arith.constant 0 : i32
      %scan3A_195 = arith.constant 4 : i32
      %scan3A_196 = arith.addi %scan3A_194, %scan3A_195 : i32
      %scan3A_197 = arith.constant 1 : i32
      %scan3A_198 = scf.for %scan3A_201 = %scan3A_194 to %scan3A_196 step %scan3A_197 iter_args(%scan3A_202 = %scan3A_193) -> (i32)  : i32 {
        %jit3A_203 = arith.constant 2 : i32
        %eq3A_204 = arith.constant 0 : i32
        %eq3A_205 = arith.cmpi eq, %jit3A_203, %eq3A_204 : i32
        %jit3A_206 = arith.constant 1 : i32
        %select_n3A_207 = arith.select %eq3A_205, %jit3A_206, %jit3A_203 : i32
        %rem3A_208 = arith.remsi %scan3A_201, %select_n3A_207 : i32
        %ne3A_209 = arith.constant 0 : i32
        %ne3A_210 = arith.cmpi ne, %rem3A_208, %ne3A_209 : i32
        %lt3A_211 = arith.constant 0 : i32
        %lt3A_212 = arith.cmpi slt, %rem3A_208, %lt3A_211 : i32
        %lt3A_213 = arith.constant 0 : i32
        %lt3A_214 = arith.cmpi slt, %select_n3A_207, %lt3A_213 : i32
        %ne3A_215 = arith.xori %lt3A_212, %lt3A_214 : i1
        %and3A_216 = arith.andi %ne3A_215, %ne3A_210 : i1
        %add3A_217 = arith.addi %rem3A_208, %select_n3A_207 : i32
        %select_n3A_218 = arith.select %and3A_216, %add3A_217, %rem3A_208 : i32
        %add3A_219 = arith.constant 1 : i32
        %add3A_220 = arith.addi %scan3A_201, %add3A_219 : i32
        %lt3A_221 = arith.constant 4 : i32
        %lt3A_222 = arith.cmpi slt, %add3A_220, %lt3A_221 : i32
        %eq3A_223 = arith.constant 0 : i32
        %eq3A_224 = arith.cmpi eq, %select_n3A_218, %eq3A_223 : i32
        %and3A_225 = arith.andi %lt3A_222, %eq3A_224 : i1
        %convert_element_type3A_226 = arith.extui %and3A_225 : i1 to i32
        %cond3A_227 = arith.constant 0 : i32
        %cond3A_228 = arith.cmpi ne, %convert_element_type3A_226, %cond3A_227 : i32
        scf.if %cond3A_228 {
          %add3A_308 = arith.constant 1 : i32
          %add3A_309 = arith.addi %scan3A_201, %add3A_308 : i32
          %mul3A_310 = arith.constant 4 : i32
          %mul3A_311 = arith.muli %select_n3A_129, %mul3A_310 : i32
          %add3A_312 = arith.addi %mul3A_311, %add3A_309 : i32
          %mul3A_313 = arith.constant 12544 : i32
          %mul3A_314 = arith.muli %add3A_312, %mul3A_313 : i32
          %dma_start3A_315 = arith.constant 12544 : i32
          %dma_start3A_316 = tpu.memref_slice %arg6[%dma_start3A_315] : memref<25088xi32, #tpu.memory_space<vmem>> -> memref<12544xi32, #tpu.memory_space<vmem>>
          %dma_start3A_317 = tpu.memref_slice %arg3[%mul3A_314] : memref<401408xi32, #tpu.memory_space<hbm>> -> memref<12544xi32, #tpu.memory_space<hbm>>
          %dma_start3A_318 = arith.constant 12544 : i32
          %dma_start3A_319 = tpu.memref_slice %arg6[%dma_start3A_318] : memref<25088xi32, #tpu.memory_space<vmem>> -> memref<12544xi32, #tpu.memory_space<vmem>>
          %dma_start3A_320 = tpu.memref_slice %arg3[%mul3A_314] : memref<401408xi32, #tpu.memory_space<hbm>> -> memref<12544xi32, #tpu.memory_space<hbm>>
          tpu.enqueue_dma source(%dma_start3A_320 : memref<12544xi32, #tpu.memory_space<hbm>>) target(%dma_start3A_319 : memref<12544xi32, #tpu.memory_space<vmem>>) target_semaphore(%arg12 : memref<!tpu.dma_semaphore, #tpu.memory_space<semaphore_mem>>)
        } else {
        }
        %add3A_229 = arith.constant 1 : i32
        %add3A_230 = arith.addi %scan3A_201, %add3A_229 : i32
        %lt3A_231 = arith.constant 4 : i32
        %lt3A_232 = arith.cmpi slt, %add3A_230, %lt3A_231 : i32
        %eq3A_233 = arith.constant 1 : i32
        %eq3A_234 = arith.cmpi eq, %select_n3A_218, %eq3A_233 : i32
        %and3A_235 = arith.andi %lt3A_232, %eq3A_234 : i1
        %convert_element_type3A_236 = arith.extui %and3A_235 : i1 to i32
        %cond3A_237 = arith.constant 0 : i32
        %cond3A_238 = arith.cmpi ne, %convert_element_type3A_236, %cond3A_237 : i32
        scf.if %cond3A_238 {
          %add3A_308 = arith.constant 1 : i32
          %add3A_309 = arith.addi %scan3A_201, %add3A_308 : i32
          %mul3A_310 = arith.constant 4 : i32
          %mul3A_311 = arith.muli %select_n3A_129, %mul3A_310 : i32
          %add3A_312 = arith.addi %mul3A_311, %add3A_309 : i32
          %mul3A_313 = arith.constant 12544 : i32
          %mul3A_314 = arith.muli %add3A_312, %mul3A_313 : i32
          %dma_start3A_315 = arith.constant 0 : i32
          %dma_start3A_316 = tpu.memref_slice %arg6[%dma_start3A_315] : memref<25088xi32, #tpu.memory_space<vmem>> -> memref<12544xi32, #tpu.memory_space<vmem>>
          %dma_start3A_317 = tpu.memref_slice %arg3[%mul3A_314] : memref<401408xi32, #tpu.memory_space<hbm>> -> memref<12544xi32, #tpu.memory_space<hbm>>
          %dma_start3A_318 = arith.constant 0 : i32
          %dma_start3A_319 = tpu.memref_slice %arg6[%dma_start3A_318] : memref<25088xi32, #tpu.memory_space<vmem>> -> memref<12544xi32, #tpu.memory_space<vmem>>
          %dma_start3A_320 = tpu.memref_slice %arg3[%mul3A_314] : memref<401408xi32, #tpu.memory_space<hbm>> -> memref<12544xi32, #tpu.memory_space<hbm>>
          tpu.enqueue_dma source(%dma_start3A_320 : memref<12544xi32, #tpu.memory_space<hbm>>) target(%dma_start3A_319 : memref<12544xi32, #tpu.memory_space<vmem>>) target_semaphore(%arg11 : memref<!tpu.dma_semaphore, #tpu.memory_space<semaphore_mem>>)
        } else {
        }
        %eq3A_239 = arith.constant 0 : i32
        %eq3A_240 = arith.cmpi eq, %select_n3A_218, %eq3A_239 : i32
        %convert_element_type3A_241 = arith.extui %eq3A_240 : i1 to i32
        %cond3A_242 = arith.constant 0 : i32
        %cond3A_243 = arith.cmpi ne, %convert_element_type3A_241, %cond3A_242 : i32
        scf.if %cond3A_243 {
          %mul3A_308 = arith.constant 4 : i32
          %mul3A_309 = arith.muli %select_n3A_129, %mul3A_308 : i32
          %add3A_310 = arith.addi %mul3A_309, %scan3A_201 : i32
          %mul3A_311 = arith.constant 12544 : i32
          %mul3A_312 = arith.muli %add3A_310, %mul3A_311 : i32
          %dma_wait3A = arith.constant 0 : i32
          %dma_wait3A_313 = tpu.memref_slice %arg6[%dma_wait3A] : memref<25088xi32, #tpu.memory_space<vmem>> -> memref<12544xi32, #tpu.memory_space<vmem>>
          %dma_wait3A_314 = tpu.memref_slice %arg3[%mul3A_312] : memref<401408xi32, #tpu.memory_space<hbm>> -> memref<12544xi32, #tpu.memory_space<hbm>>
          %dma_wait3A_315 = arith.constant 0 : i32
          %dma_wait3A_316 = tpu.memref_slice %arg6[%dma_wait3A_315] : memref<25088xi32, #tpu.memory_space<vmem>> -> memref<12544xi32, #tpu.memory_space<vmem>>
          %dma_wait3A_317 = tpu.memref_slice %arg3[%mul3A_312] : memref<401408xi32, #tpu.memory_space<hbm>> -> memref<12544xi32, #tpu.memory_space<hbm>>
          tpu.wait_dma2 semaphore(%arg11 : memref<!tpu.dma_semaphore, #tpu.memory_space<semaphore_mem>>) src(%dma_wait3A_317 : memref<12544xi32, #tpu.memory_space<hbm>>) dst(%dma_wait3A_316 : memref<12544xi32, #tpu.memory_space<vmem>>)
        } else {
        }
        %eq3A_244 = arith.constant 1 : i32
        %eq3A_245 = arith.cmpi eq, %select_n3A_218, %eq3A_244 : i32
        %convert_element_type3A_246 = arith.extui %eq3A_245 : i1 to i32
        %cond3A_247 = arith.constant 0 : i32
        %cond3A_248 = arith.cmpi ne, %convert_element_type3A_246, %cond3A_247 : i32
        scf.if %cond3A_248 {
          %mul3A_308 = arith.constant 4 : i32
          %mul3A_309 = arith.muli %select_n3A_129, %mul3A_308 : i32
          %add3A_310 = arith.addi %mul3A_309, %scan3A_201 : i32
          %mul3A_311 = arith.constant 12544 : i32
          %mul3A_312 = arith.muli %add3A_310, %mul3A_311 : i32
          %dma_wait3A = arith.constant 12544 : i32
          %dma_wait3A_313 = tpu.memref_slice %arg6[%dma_wait3A] : memref<25088xi32, #tpu.memory_space<vmem>> -> memref<12544xi32, #tpu.memory_space<vmem>>
          %dma_wait3A_314 = tpu.memref_slice %arg3[%mul3A_312] : memref<401408xi32, #tpu.memory_space<hbm>> -> memref<12544xi32, #tpu.memory_space<hbm>>
          %dma_wait3A_315 = arith.constant 12544 : i32
          %dma_wait3A_316 = tpu.memref_slice %arg6[%dma_wait3A_315] : memref<25088xi32, #tpu.memory_space<vmem>> -> memref<12544xi32, #tpu.memory_space<vmem>>
          %dma_wait3A_317 = tpu.memref_slice %arg3[%mul3A_312] : memref<401408xi32, #tpu.memory_space<hbm>> -> memref<12544xi32, #tpu.memory_space<hbm>>
          tpu.wait_dma2 semaphore(%arg12 : memref<!tpu.dma_semaphore, #tpu.memory_space<semaphore_mem>>) src(%dma_wait3A_317 : memref<12544xi32, #tpu.memory_space<hbm>>) dst(%dma_wait3A_316 : memref<12544xi32, #tpu.memory_space<vmem>>)
        } else {
        }
        %mul3A_249 = arith.constant 12544 : i32
        %mul3A_250 = arith.muli %select_n3A_218, %mul3A_249 : i32
        %jit3A_251 = arith.constant 2 : i32
        %div3A_252 = arith.divsi %scan3A_201, %jit3A_251 : i32
        %sign3A_253 = arith.constant 0 : i32
        %sign3A_254 = arith.cmpi sgt, %scan3A_201, %sign3A_253 : i32
        %sign3A_255 = arith.extui %sign3A_254 : i1 to i32
        %sign3A_256 = arith.constant 0 : i32
        %sign3A_257 = arith.cmpi slt, %scan3A_201, %sign3A_256 : i32
        %sign3A_258 = arith.extui %sign3A_257 : i1 to i32
        %sign3A_259 = arith.subi %sign3A_255, %sign3A_258 : i32
        %sign3A_260 = arith.constant 0 : i32
        %sign3A_261 = arith.cmpi sgt, %jit3A_251, %sign3A_260 : i32
        %sign3A_262 = arith.extui %sign3A_261 : i1 to i32
        %sign3A_263 = arith.constant 0 : i32
        %sign3A_264 = arith.cmpi slt, %jit3A_251, %sign3A_263 : i32
        %sign3A_265 = arith.extui %sign3A_264 : i1 to i32
        %sign3A_266 = arith.subi %sign3A_262, %sign3A_265 : i32
        %ne3A_267 = arith.cmpi ne, %sign3A_259, %sign3A_266 : i32
        %rem3A_268 = arith.remsi %scan3A_201, %jit3A_251 : i32
        %ne3A_269 = arith.constant 0 : i32
        %ne3A_270 = arith.cmpi ne, %rem3A_268, %ne3A_269 : i32
        %and3A_271 = arith.andi %ne3A_267, %ne3A_270 : i1
        %sub3A_272 = arith.constant 1 : i32
        %sub3A_273 = arith.subi %div3A_252, %sub3A_272 : i32
        %select_n3A_274 = arith.select %and3A_271, %sub3A_273, %div3A_252 : i32
        %mul3A_275 = arith.constant 12768 : i32
        %mul3A_276 = arith.muli %select_n3A_274, %mul3A_275 : i32
        %jit3A_277 = arith.constant 2 : i32
        %eq3A_278 = arith.constant 0 : i32
        %eq3A_279 = arith.cmpi eq, %jit3A_277, %eq3A_278 : i32
        %jit3A_280 = arith.constant 1 : i32
        %select_n3A_281 = arith.select %eq3A_279, %jit3A_280, %jit3A_277 : i32
        %rem3A_282 = arith.remsi %scan3A_201, %select_n3A_281 : i32
        %ne3A_283 = arith.constant 0 : i32
        %ne3A_284 = arith.cmpi ne, %rem3A_282, %ne3A_283 : i32
        %lt3A_285 = arith.constant 0 : i32
        %lt3A_286 = arith.cmpi slt, %rem3A_282, %lt3A_285 : i32
        %lt3A_287 = arith.constant 0 : i32
        %lt3A_288 = arith.cmpi slt, %select_n3A_281, %lt3A_287 : i32
        %ne3A_289 = arith.xori %lt3A_286, %lt3A_288 : i1
        %and3A_290 = arith.andi %ne3A_289, %ne3A_284 : i1
        %add3A_291 = arith.addi %rem3A_282, %select_n3A_281 : i32
        %select_n3A_292 = arith.select %and3A_290, %add3A_291, %rem3A_282 : i32
        %mul3A_293 = arith.constant 2 : i32
        %mul3A_294 = arith.muli %select_n3A_292, %mul3A_293 : i32
        %add3A_295 = arith.constant 8192 : i32
        %add3A_296 = arith.addi %select_n3A_136, %add3A_295 : i32
        %convert_element_type3A_297 = arith.sitofp %add3A_296 : i32 to f32
        %add3A_298 = arith.constant 5.120000e+02 : f32
        %add3A_299 = arith.addf %convert_element_type3A_297, %add3A_298 : f32
        %convert_element_type3A_300 = arith.sitofp %select_n3A_136 : i32 to f32
        %add3A_301 = arith.constant 5.120000e+02 : f32
        %add3A_302 = arith.addf %convert_element_type3A_300, %add3A_301 : f32
        %parallel_loop3A_303 = arith.constant 0 : i32
        %parallel_loop3A_304 = arith.constant 112 : i32
        %parallel_loop3A_305 = arith.constant 1 : i32
        %parallel_loop3A_306 = arith.constant 3.583500e+03 : f32
        scf.for %parallel_loop3A_308 = %parallel_loop3A_303 to %parallel_loop3A_304 step %parallel_loop3A_305  : i32 {
          %parallel_loop3A_309 = arith.constant 114 : i32
          %parallel_loop3A_310 = arith.muli %parallel_loop3A_308, %parallel_loop3A_309 : i32
          %parallel_loop3A_311 = arith.addi %mul3A_276, %parallel_loop3A_310 : i32
          %parallel_loop3A_312 = arith.constant 112 : i32
          %parallel_loop3A_313 = arith.muli %parallel_loop3A_308, %parallel_loop3A_312 : i32
          %parallel_loop3A_314 = arith.addi %mul3A_250, %parallel_loop3A_313 : i32
          %parallel_loop3A_315 = arith.constant 1 : i32
          %parallel_loop3A_316 = arith.addi %parallel_loop3A_311, %parallel_loop3A_315 : i32
          %parallel_loop3A_317 = arith.constant 0 : i32
          %parallel_loop3A_318 = arith.addi %parallel_loop3A_316, %parallel_loop3A_317 : i32
          %parallel_loop3A_319 = arith.index_cast %parallel_loop3A_318 : i32 to index
          %parallel_loop3A_320 = tpu.vector_load %arg7[%parallel_loop3A_319] {strides = array<i32>} : memref<25536xf32, #tpu.memory_space<vmem>>, vector<16xf32>,
          %parallel_loop3A_321 = arith.addi %parallel_loop3A_311, %mul3A_294 : i32
          %parallel_loop3A_322 = arith.constant 0 : i32
          %parallel_loop3A_323 = arith.addi %parallel_loop3A_321, %parallel_loop3A_322 : i32
          %parallel_loop3A_324 = arith.index_cast %parallel_loop3A_323 : i32 to index
          %parallel_loop3A_325 = tpu.vector_load %arg7[%parallel_loop3A_324] {strides = array<i32>} : memref<25536xf32, #tpu.memory_space<vmem>>, vector<16xf32>,
          %parallel_loop3A_326 = arith.constant 7.500000e-01 : f32
          %parallel_loop3A_327 = vector.broadcast %parallel_loop3A_326 : f32 to vector<16xf32>
          %parallel_loop3A_328 = arith.mulf %parallel_loop3A_327, %parallel_loop3A_320 : vector<16xf32>
          %parallel_loop3A_329 = arith.constant 2.500000e-01 : f32
          %parallel_loop3A_330 = vector.broadcast %parallel_loop3A_329 : f32 to vector<16xf32>
          %parallel_loop3A_331 = arith.mulf %parallel_loop3A_330, %parallel_loop3A_325 : vector<16xf32>
          %parallel_loop3A_332 = arith.addf %parallel_loop3A_328, %parallel_loop3A_331 : vector<16xf32>
          %parallel_loop3A_333 = arith.constant 0 : i32
          %parallel_loop3A_334 = arith.addi %parallel_loop3A_314, %parallel_loop3A_333 : i32
          %parallel_loop3A_335 = arith.index_cast %parallel_loop3A_334 : i32 to index
          %parallel_loop3A_336 = tpu.vector_load %arg6[%parallel_loop3A_335] {strides = array<i32>} : memref<25088xi32, #tpu.memory_space<vmem>>, vector<16xi32>,
          %parallel_loop3A_337 = vector.broadcast %sub3A_132 : i32 to vector<16xi32>
          %parallel_loop3A_338 = arith.cmpi eq, %parallel_loop3A_336, %parallel_loop3A_337 : vector<16xi32>
          %parallel_loop3A_339 = arith.constant 0.000000e+00 : f32
          %parallel_loop3A_340 = vector.broadcast %parallel_loop3A_339 : f32 to vector<16xf32>
          %parallel_loop3A_341 = arith.subf %parallel_loop3A_340, %parallel_loop3A_332 : vector<16xf32>
          %parallel_loop3A_342 = arith.select %parallel_loop3A_338, %parallel_loop3A_341, %parallel_loop3A_332 : vector<16xi1>, vector<16xf32>
          %parallel_loop3A_343 = vector.broadcast %parallel_loop3A_306 : f32 to vector<16xf32>
          %parallel_loop3A_344 = arith.minimumf %parallel_loop3A_342, %parallel_loop3A_343 : vector<16xf32>
          %parallel_loop3A_345 = arith.constant -5.120000e+02 : f32
          %parallel_loop3A_346 = vector.broadcast %parallel_loop3A_345 : f32 to vector<16xf32>
          %parallel_loop3A_347 = arith.cmpf ogt, %parallel_loop3A_344, %parallel_loop3A_346 : vector<16xf32>
          %parallel_loop3A_348 = vector.broadcast %add3A_299 : f32 to vector<16xf32>
          %parallel_loop3A_349 = vector.broadcast %add3A_302 : f32 to vector<16xf32>
          %parallel_loop3A_350 = arith.select %parallel_loop3A_338, %parallel_loop3A_348, %parallel_loop3A_349 : vector<16xi1>, vector<16xf32>
          %parallel_loop3A_351 = arith.addf %parallel_loop3A_344, %parallel_loop3A_350 : vector<16xf32>
          %parallel_loop3A_352 = arith.fptosi %parallel_loop3A_351 : vector<16xf32> to vector<16xi32>
          tpu.vector_store_idx %arg8[%parallel_loop3A_352], %broadcast_in_dim3A_74 masked %parallel_loop3A_347 {add = true} : memref<16384xf32, #tpu.memory_space<vmem>>[vector<16xi32>], vector<16xf32>, vector<16xi1>
          %parallel_loop3A_353 = arith.constant 1 : i32
          %parallel_loop3A_354 = arith.addi %parallel_loop3A_311, %parallel_loop3A_353 : i32
          %parallel_loop3A_355 = arith.constant 16 : i32
          %parallel_loop3A_356 = arith.addi %parallel_loop3A_354, %parallel_loop3A_355 : i32
          %parallel_loop3A_357 = arith.index_cast %parallel_loop3A_356 : i32 to index
          %parallel_loop3A_358 = tpu.vector_load %arg7[%parallel_loop3A_357] {strides = array<i32>} : memref<25536xf32, #tpu.memory_space<vmem>>, vector<16xf32>,
          %parallel_loop3A_359 = arith.addi %parallel_loop3A_311, %mul3A_294 : i32
          %parallel_loop3A_360 = arith.constant 16 : i32
          %parallel_loop3A_361 = arith.addi %parallel_loop3A_359, %parallel_loop3A_360 : i32
          %parallel_loop3A_362 = arith.index_cast %parallel_loop3A_361 : i32 to index
          %parallel_loop3A_363 = tpu.vector_load %arg7[%parallel_loop3A_362] {strides = array<i32>} : memref<25536xf32, #tpu.memory_space<vmem>>, vector<16xf32>,
          %parallel_loop3A_364 = arith.constant 7.500000e-01 : f32
          %parallel_loop3A_365 = vector.broadcast %parallel_loop3A_364 : f32 to vector<16xf32>
          %parallel_loop3A_366 = arith.mulf %parallel_loop3A_365, %parallel_loop3A_358 : vector<16xf32>
          %parallel_loop3A_367 = arith.constant 2.500000e-01 : f32
          %parallel_loop3A_368 = vector.broadcast %parallel_loop3A_367 : f32 to vector<16xf32>
          %parallel_loop3A_369 = arith.mulf %parallel_loop3A_368, %parallel_loop3A_363 : vector<16xf32>
          %parallel_loop3A_370 = arith.addf %parallel_loop3A_366, %parallel_loop3A_369 : vector<16xf32>
          %parallel_loop3A_371 = arith.constant 16 : i32
          %parallel_loop3A_372 = arith.addi %parallel_loop3A_314, %parallel_loop3A_371 : i32
          %parallel_loop3A_373 = arith.index_cast %parallel_loop3A_372 : i32 to index
          %parallel_loop3A_374 = tpu.vector_load %arg6[%parallel_loop3A_373] {strides = array<i32>} : memref<25088xi32, #tpu.memory_space<vmem>>, vector<16xi32>,
          %parallel_loop3A_375 = vector.broadcast %sub3A_132 : i32 to vector<16xi32>
          %parallel_loop3A_376 = arith.cmpi eq, %parallel_loop3A_374, %parallel_loop3A_375 : vector<16xi32>
          %parallel_loop3A_377 = arith.constant 0.000000e+00 : f32
          %parallel_loop3A_378 = vector.broadcast %parallel_loop3A_377 : f32 to vector<16xf32>
          %parallel_loop3A_379 = arith.subf %parallel_loop3A_378, %parallel_loop3A_370 : vector<16xf32>
          %parallel_loop3A_380 = arith.select %parallel_loop3A_376, %parallel_loop3A_379, %parallel_loop3A_370 : vector<16xi1>, vector<16xf32>
          %parallel_loop3A_381 = vector.broadcast %parallel_loop3A_306 : f32 to vector<16xf32>
          %parallel_loop3A_382 = arith.minimumf %parallel_loop3A_380, %parallel_loop3A_381 : vector<16xf32>
          %parallel_loop3A_383 = arith.constant -5.120000e+02 : f32
          %parallel_loop3A_384 = vector.broadcast %parallel_loop3A_383 : f32 to vector<16xf32>
          %parallel_loop3A_385 = arith.cmpf ogt, %parallel_loop3A_382, %parallel_loop3A_384 : vector<16xf32>
          %parallel_loop3A_386 = vector.broadcast %add3A_299 : f32 to vector<16xf32>
          %parallel_loop3A_387 = vector.broadcast %add3A_302 : f32 to vector<16xf32>
          %parallel_loop3A_388 = arith.select %parallel_loop3A_376, %parallel_loop3A_386, %parallel_loop3A_387 : vector<16xi1>, vector<16xf32>
          %parallel_loop3A_389 = arith.addf %parallel_loop3A_382, %parallel_loop3A_388 : vector<16xf32>
          %parallel_loop3A_390 = arith.fptosi %parallel_loop3A_389 : vector<16xf32> to vector<16xi32>
          tpu.vector_store_idx %arg8[%parallel_loop3A_390], %broadcast_in_dim3A_74 masked %parallel_loop3A_385 {add = true} : memref<16384xf32, #tpu.memory_space<vmem>>[vector<16xi32>], vector<16xf32>, vector<16xi1>
          %parallel_loop3A_391 = arith.constant 1 : i32
          %parallel_loop3A_392 = arith.addi %parallel_loop3A_311, %parallel_loop3A_391 : i32
          %parallel_loop3A_393 = arith.constant 32 : i32
          %parallel_loop3A_394 = arith.addi %parallel_loop3A_392, %parallel_loop3A_393 : i32
          %parallel_loop3A_395 = arith.index_cast %parallel_loop3A_394 : i32 to index
          %parallel_loop3A_396 = tpu.vector_load %arg7[%parallel_loop3A_395] {strides = array<i32>} : memref<25536xf32, #tpu.memory_space<vmem>>, vector<16xf32>,
          %parallel_loop3A_397 = arith.addi %parallel_loop3A_311, %mul3A_294 : i32
          %parallel_loop3A_398 = arith.constant 32 : i32
          %parallel_loop3A_399 = arith.addi %parallel_loop3A_397, %parallel_loop3A_398 : i32
          %parallel_loop3A_400 = arith.index_cast %parallel_loop3A_399 : i32 to index
          %parallel_loop3A_401 = tpu.vector_load %arg7[%parallel_loop3A_400] {strides = array<i32>} : memref<25536xf32, #tpu.memory_space<vmem>>, vector<16xf32>,
          %parallel_loop3A_402 = arith.constant 7.500000e-01 : f32
          %parallel_loop3A_403 = vector.broadcast %parallel_loop3A_402 : f32 to vector<16xf32>
          %parallel_loop3A_404 = arith.mulf %parallel_loop3A_403, %parallel_loop3A_396 : vector<16xf32>
          %parallel_loop3A_405 = arith.constant 2.500000e-01 : f32
          %parallel_loop3A_406 = vector.broadcast %parallel_loop3A_405 : f32 to vector<16xf32>
          %parallel_loop3A_407 = arith.mulf %parallel_loop3A_406, %parallel_loop3A_401 : vector<16xf32>
          %parallel_loop3A_408 = arith.addf %parallel_loop3A_404, %parallel_loop3A_407 : vector<16xf32>
          %parallel_loop3A_409 = arith.constant 32 : i32
          %parallel_loop3A_410 = arith.addi %parallel_loop3A_314, %parallel_loop3A_409 : i32
          %parallel_loop3A_411 = arith.index_cast %parallel_loop3A_410 : i32 to index
          %parallel_loop3A_412 = tpu.vector_load %arg6[%parallel_loop3A_411] {strides = array<i32>} : memref<25088xi32, #tpu.memory_space<vmem>>, vector<16xi32>,
          %parallel_loop3A_413 = vector.broadcast %sub3A_132 : i32 to vector<16xi32>
          %parallel_loop3A_414 = arith.cmpi eq, %parallel_loop3A_412, %parallel_loop3A_413 : vector<16xi32>
          %parallel_loop3A_415 = arith.constant 0.000000e+00 : f32
          %parallel_loop3A_416 = vector.broadcast %parallel_loop3A_415 : f32 to vector<16xf32>
          %parallel_loop3A_417 = arith.subf %parallel_loop3A_416, %parallel_loop3A_408 : vector<16xf32>
          %parallel_loop3A_418 = arith.select %parallel_loop3A_414, %parallel_loop3A_417, %parallel_loop3A_408 : vector<16xi1>, vector<16xf32>
          %parallel_loop3A_419 = vector.broadcast %parallel_loop3A_306 : f32 to vector<16xf32>
          %parallel_loop3A_420 = arith.minimumf %parallel_loop3A_418, %parallel_loop3A_419 : vector<16xf32>
          %parallel_loop3A_421 = arith.constant -5.120000e+02 : f32
          %parallel_loop3A_422 = vector.broadcast %parallel_loop3A_421 : f32 to vector<16xf32>
          %parallel_loop3A_423 = arith.cmpf ogt, %parallel_loop3A_420, %parallel_loop3A_422 : vector<16xf32>
          %parallel_loop3A_424 = vector.broadcast %add3A_299 : f32 to vector<16xf32>
          %parallel_loop3A_425 = vector.broadcast %add3A_302 : f32 to vector<16xf32>
          %parallel_loop3A_426 = arith.select %parallel_loop3A_414, %parallel_loop3A_424, %parallel_loop3A_425 : vector<16xi1>, vector<16xf32>
          %parallel_loop3A_427 = arith.addf %parallel_loop3A_420, %parallel_loop3A_426 : vector<16xf32>
          %parallel_loop3A_428 = arith.fptosi %parallel_loop3A_427 : vector<16xf32> to vector<16xi32>
          tpu.vector_store_idx %arg8[%parallel_loop3A_428], %broadcast_in_dim3A_74 masked %parallel_loop3A_423 {add = true} : memref<16384xf32, #tpu.memory_space<vmem>>[vector<16xi32>], vector<16xf32>, vector<16xi1>
          %parallel_loop3A_429 = arith.constant 1 : i32
          %parallel_loop3A_430 = arith.addi %parallel_loop3A_311, %parallel_loop3A_429 : i32
          %parallel_loop3A_431 = arith.constant 48 : i32
          %parallel_loop3A_432 = arith.addi %parallel_loop3A_430, %parallel_loop3A_431 : i32
          %parallel_loop3A_433 = arith.index_cast %parallel_loop3A_432 : i32 to index
          %parallel_loop3A_434 = tpu.vector_load %arg7[%parallel_loop3A_433] {strides = array<i32>} : memref<25536xf32, #tpu.memory_space<vmem>>, vector<16xf32>,
          %parallel_loop3A_435 = arith.addi %parallel_loop3A_311, %mul3A_294 : i32
          %parallel_loop3A_436 = arith.constant 48 : i32
          %parallel_loop3A_437 = arith.addi %parallel_loop3A_435, %parallel_loop3A_436 : i32
          %parallel_loop3A_438 = arith.index_cast %parallel_loop3A_437 : i32 to index
          %parallel_loop3A_439 = tpu.vector_load %arg7[%parallel_loop3A_438] {strides = array<i32>} : memref<25536xf32, #tpu.memory_space<vmem>>, vector<16xf32>,
          %parallel_loop3A_440 = arith.constant 7.500000e-01 : f32
          %parallel_loop3A_441 = vector.broadcast %parallel_loop3A_440 : f32 to vector<16xf32>
          %parallel_loop3A_442 = arith.mulf %parallel_loop3A_441, %parallel_loop3A_434 : vector<16xf32>
          %parallel_loop3A_443 = arith.constant 2.500000e-01 : f32
          %parallel_loop3A_444 = vector.broadcast %parallel_loop3A_443 : f32 to vector<16xf32>
          %parallel_loop3A_445 = arith.mulf %parallel_loop3A_444, %parallel_loop3A_439 : vector<16xf32>
          %parallel_loop3A_446 = arith.addf %parallel_loop3A_442, %parallel_loop3A_445 : vector<16xf32>
          %parallel_loop3A_447 = arith.constant 48 : i32
          %parallel_loop3A_448 = arith.addi %parallel_loop3A_314, %parallel_loop3A_447 : i32
          %parallel_loop3A_449 = arith.index_cast %parallel_loop3A_448 : i32 to index
          %parallel_loop3A_450 = tpu.vector_load %arg6[%parallel_loop3A_449] {strides = array<i32>} : memref<25088xi32, #tpu.memory_space<vmem>>, vector<16xi32>,
          %parallel_loop3A_451 = vector.broadcast %sub3A_132 : i32 to vector<16xi32>
          %parallel_loop3A_452 = arith.cmpi eq, %parallel_loop3A_450, %parallel_loop3A_451 : vector<16xi32>
          %parallel_loop3A_453 = arith.constant 0.000000e+00 : f32
          %parallel_loop3A_454 = vector.broadcast %parallel_loop3A_453 : f32 to vector<16xf32>
          %parallel_loop3A_455 = arith.subf %parallel_loop3A_454, %parallel_loop3A_446 : vector<16xf32>
          %parallel_loop3A_456 = arith.select %parallel_loop3A_452, %parallel_loop3A_455, %parallel_loop3A_446 : vector<16xi1>, vector<16xf32>
          %parallel_loop3A_457 = vector.broadcast %parallel_loop3A_306 : f32 to vector<16xf32>
          %parallel_loop3A_458 = arith.minimumf %parallel_loop3A_456, %parallel_loop3A_457 : vector<16xf32>
          %parallel_loop3A_459 = arith.constant -5.120000e+02 : f32
          %parallel_loop3A_460 = vector.broadcast %parallel_loop3A_459 : f32 to vector<16xf32>
          %parallel_loop3A_461 = arith.cmpf ogt, %parallel_loop3A_458, %parallel_loop3A_460 : vector<16xf32>
          %parallel_loop3A_462 = vector.broadcast %add3A_299 : f32 to vector<16xf32>
          %parallel_loop3A_463 = vector.broadcast %add3A_302 : f32 to vector<16xf32>
          %parallel_loop3A_464 = arith.select %parallel_loop3A_452, %parallel_loop3A_462, %parallel_loop3A_463 : vector<16xi1>, vector<16xf32>
          %parallel_loop3A_465 = arith.addf %parallel_loop3A_458, %parallel_loop3A_464 : vector<16xf32>
          %parallel_loop3A_466 = arith.fptosi %parallel_loop3A_465 : vector<16xf32> to vector<16xi32>
          tpu.vector_store_idx %arg8[%parallel_loop3A_466], %broadcast_in_dim3A_74 masked %parallel_loop3A_461 {add = true} : memref<16384xf32, #tpu.memory_space<vmem>>[vector<16xi32>], vector<16xf32>, vector<16xi1>
          %parallel_loop3A_467 = arith.constant 1 : i32
          %parallel_loop3A_468 = arith.addi %parallel_loop3A_311, %parallel_loop3A_467 : i32
          %parallel_loop3A_469 = arith.constant 64 : i32
          %parallel_loop3A_470 = arith.addi %parallel_loop3A_468, %parallel_loop3A_469 : i32
          %parallel_loop3A_471 = arith.index_cast %parallel_loop3A_470 : i32 to index
          %parallel_loop3A_472 = tpu.vector_load %arg7[%parallel_loop3A_471] {strides = array<i32>} : memref<25536xf32, #tpu.memory_space<vmem>>, vector<16xf32>,
          %parallel_loop3A_473 = arith.addi %parallel_loop3A_311, %mul3A_294 : i32
          %parallel_loop3A_474 = arith.constant 64 : i32
          %parallel_loop3A_475 = arith.addi %parallel_loop3A_473, %parallel_loop3A_474 : i32
          %parallel_loop3A_476 = arith.index_cast %parallel_loop3A_475 : i32 to index
          %parallel_loop3A_477 = tpu.vector_load %arg7[%parallel_loop3A_476] {strides = array<i32>} : memref<25536xf32, #tpu.memory_space<vmem>>, vector<16xf32>,
          %parallel_loop3A_478 = arith.constant 7.500000e-01 : f32
          %parallel_loop3A_479 = vector.broadcast %parallel_loop3A_478 : f32 to vector<16xf32>
          %parallel_loop3A_480 = arith.mulf %parallel_loop3A_479, %parallel_loop3A_472 : vector<16xf32>
          %parallel_loop3A_481 = arith.constant 2.500000e-01 : f32
          %parallel_loop3A_482 = vector.broadcast %parallel_loop3A_481 : f32 to vector<16xf32>
          %parallel_loop3A_483 = arith.mulf %parallel_loop3A_482, %parallel_loop3A_477 : vector<16xf32>
          %parallel_loop3A_484 = arith.addf %parallel_loop3A_480, %parallel_loop3A_483 : vector<16xf32>
          %parallel_loop3A_485 = arith.constant 64 : i32
          %parallel_loop3A_486 = arith.addi %parallel_loop3A_314, %parallel_loop3A_485 : i32
          %parallel_loop3A_487 = arith.index_cast %parallel_loop3A_486 : i32 to index
          %parallel_loop3A_488 = tpu.vector_load %arg6[%parallel_loop3A_487] {strides = array<i32>} : memref<25088xi32, #tpu.memory_space<vmem>>, vector<16xi32>,
          %parallel_loop3A_489 = vector.broadcast %sub3A_132 : i32 to vector<16xi32>
          %parallel_loop3A_490 = arith.cmpi eq, %parallel_loop3A_488, %parallel_loop3A_489 : vector<16xi32>
          %parallel_loop3A_491 = arith.constant 0.000000e+00 : f32
          %parallel_loop3A_492 = vector.broadcast %parallel_loop3A_491 : f32 to vector<16xf32>
          %parallel_loop3A_493 = arith.subf %parallel_loop3A_492, %parallel_loop3A_484 : vector<16xf32>
          %parallel_loop3A_494 = arith.select %parallel_loop3A_490, %parallel_loop3A_493, %parallel_loop3A_484 : vector<16xi1>, vector<16xf32>
          %parallel_loop3A_495 = vector.broadcast %parallel_loop3A_306 : f32 to vector<16xf32>
          %parallel_loop3A_496 = arith.minimumf %parallel_loop3A_494, %parallel_loop3A_495 : vector<16xf32>
          %parallel_loop3A_497 = arith.constant -5.120000e+02 : f32
          %parallel_loop3A_498 = vector.broadcast %parallel_loop3A_497 : f32 to vector<16xf32>
          %parallel_loop3A_499 = arith.cmpf ogt, %parallel_loop3A_496, %parallel_loop3A_498 : vector<16xf32>
          %parallel_loop3A_500 = vector.broadcast %add3A_299 : f32 to vector<16xf32>
          %parallel_loop3A_501 = vector.broadcast %add3A_302 : f32 to vector<16xf32>
          %parallel_loop3A_502 = arith.select %parallel_loop3A_490, %parallel_loop3A_500, %parallel_loop3A_501 : vector<16xi1>, vector<16xf32>
          %parallel_loop3A_503 = arith.addf %parallel_loop3A_496, %parallel_loop3A_502 : vector<16xf32>
          %parallel_loop3A_504 = arith.fptosi %parallel_loop3A_503 : vector<16xf32> to vector<16xi32>
          tpu.vector_store_idx %arg8[%parallel_loop3A_504], %broadcast_in_dim3A_74 masked %parallel_loop3A_499 {add = true} : memref<16384xf32, #tpu.memory_space<vmem>>[vector<16xi32>], vector<16xf32>, vector<16xi1>
          %parallel_loop3A_505 = arith.constant 1 : i32
          %parallel_loop3A_506 = arith.addi %parallel_loop3A_311, %parallel_loop3A_505 : i32
          %parallel_loop3A_507 = arith.constant 80 : i32
          %parallel_loop3A_508 = arith.addi %parallel_loop3A_506, %parallel_loop3A_507 : i32
          %parallel_loop3A_509 = arith.index_cast %parallel_loop3A_508 : i32 to index
          %parallel_loop3A_510 = tpu.vector_load %arg7[%parallel_loop3A_509] {strides = array<i32>} : memref<25536xf32, #tpu.memory_space<vmem>>, vector<16xf32>,
          %parallel_loop3A_511 = arith.addi %parallel_loop3A_311, %mul3A_294 : i32
          %parallel_loop3A_512 = arith.constant 80 : i32
          %parallel_loop3A_513 = arith.addi %parallel_loop3A_511, %parallel_loop3A_512 : i32
          %parallel_loop3A_514 = arith.index_cast %parallel_loop3A_513 : i32 to index
          %parallel_loop3A_515 = tpu.vector_load %arg7[%parallel_loop3A_514] {strides = array<i32>} : memref<25536xf32, #tpu.memory_space<vmem>>, vector<16xf32>,
          %parallel_loop3A_516 = arith.constant 7.500000e-01 : f32
          %parallel_loop3A_517 = vector.broadcast %parallel_loop3A_516 : f32 to vector<16xf32>
          %parallel_loop3A_518 = arith.mulf %parallel_loop3A_517, %parallel_loop3A_510 : vector<16xf32>
          %parallel_loop3A_519 = arith.constant 2.500000e-01 : f32
          %parallel_loop3A_520 = vector.broadcast %parallel_loop3A_519 : f32 to vector<16xf32>
          %parallel_loop3A_521 = arith.mulf %parallel_loop3A_520, %parallel_loop3A_515 : vector<16xf32>
          %parallel_loop3A_522 = arith.addf %parallel_loop3A_518, %parallel_loop3A_521 : vector<16xf32>
          %parallel_loop3A_523 = arith.constant 80 : i32
          %parallel_loop3A_524 = arith.addi %parallel_loop3A_314, %parallel_loop3A_523 : i32
          %parallel_loop3A_525 = arith.index_cast %parallel_loop3A_524 : i32 to index
          %parallel_loop3A_526 = tpu.vector_load %arg6[%parallel_loop3A_525] {strides = array<i32>} : memref<25088xi32, #tpu.memory_space<vmem>>, vector<16xi32>,
          %parallel_loop3A_527 = vector.broadcast %sub3A_132 : i32 to vector<16xi32>
          %parallel_loop3A_528 = arith.cmpi eq, %parallel_loop3A_526, %parallel_loop3A_527 : vector<16xi32>
          %parallel_loop3A_529 = arith.constant 0.000000e+00 : f32
          %parallel_loop3A_530 = vector.broadcast %parallel_loop3A_529 : f32 to vector<16xf32>
          %parallel_loop3A_531 = arith.subf %parallel_loop3A_530, %parallel_loop3A_522 : vector<16xf32>
          %parallel_loop3A_532 = arith.select %parallel_loop3A_528, %parallel_loop3A_531, %parallel_loop3A_522 : vector<16xi1>, vector<16xf32>
          %parallel_loop3A_533 = vector.broadcast %parallel_loop3A_306 : f32 to vector<16xf32>
          %parallel_loop3A_534 = arith.minimumf %parallel_loop3A_532, %parallel_loop3A_533 : vector<16xf32>
          %parallel_loop3A_535 = arith.constant -5.120000e+02 : f32
          %parallel_loop3A_536 = vector.broadcast %parallel_loop3A_535 : f32 to vector<16xf32>
          %parallel_loop3A_537 = arith.cmpf ogt, %parallel_loop3A_534, %parallel_loop3A_536 : vector<16xf32>
          %parallel_loop3A_538 = vector.broadcast %add3A_299 : f32 to vector<16xf32>
          %parallel_loop3A_539 = vector.broadcast %add3A_302 : f32 to vector<16xf32>
          %parallel_loop3A_540 = arith.select %parallel_loop3A_528, %parallel_loop3A_538, %parallel_loop3A_539 : vector<16xi1>, vector<16xf32>
          %parallel_loop3A_541 = arith.addf %parallel_loop3A_534, %parallel_loop3A_540 : vector<16xf32>
          %parallel_loop3A_542 = arith.fptosi %parallel_loop3A_541 : vector<16xf32> to vector<16xi32>
          tpu.vector_store_idx %arg8[%parallel_loop3A_542], %broadcast_in_dim3A_74 masked %parallel_loop3A_537 {add = true} : memref<16384xf32, #tpu.memory_space<vmem>>[vector<16xi32>], vector<16xf32>, vector<16xi1>
          %parallel_loop3A_543 = arith.constant 1 : i32
          %parallel_loop3A_544 = arith.addi %parallel_loop3A_311, %parallel_loop3A_543 : i32
          %parallel_loop3A_545 = arith.constant 96 : i32
          %parallel_loop3A_546 = arith.addi %parallel_loop3A_544, %parallel_loop3A_545 : i32
          %parallel_loop3A_547 = arith.index_cast %parallel_loop3A_546 : i32 to index
          %parallel_loop3A_548 = tpu.vector_load %arg7[%parallel_loop3A_547] {strides = array<i32>} : memref<25536xf32, #tpu.memory_space<vmem>>, vector<16xf32>,
          %parallel_loop3A_549 = arith.addi %parallel_loop3A_311, %mul3A_294 : i32
          %parallel_loop3A_550 = arith.constant 96 : i32
          %parallel_loop3A_551 = arith.addi %parallel_loop3A_549, %parallel_loop3A_550 : i32
          %parallel_loop3A_552 = arith.index_cast %parallel_loop3A_551 : i32 to index
          %parallel_loop3A_553 = tpu.vector_load %arg7[%parallel_loop3A_552] {strides = array<i32>} : memref<25536xf32, #tpu.memory_space<vmem>>, vector<16xf32>,
          %parallel_loop3A_554 = arith.constant 7.500000e-01 : f32
          %parallel_loop3A_555 = vector.broadcast %parallel_loop3A_554 : f32 to vector<16xf32>
          %parallel_loop3A_556 = arith.mulf %parallel_loop3A_555, %parallel_loop3A_548 : vector<16xf32>
          %parallel_loop3A_557 = arith.constant 2.500000e-01 : f32
          %parallel_loop3A_558 = vector.broadcast %parallel_loop3A_557 : f32 to vector<16xf32>
          %parallel_loop3A_559 = arith.mulf %parallel_loop3A_558, %parallel_loop3A_553 : vector<16xf32>
          %parallel_loop3A_560 = arith.addf %parallel_loop3A_556, %parallel_loop3A_559 : vector<16xf32>
          %parallel_loop3A_561 = arith.constant 96 : i32
          %parallel_loop3A_562 = arith.addi %parallel_loop3A_314, %parallel_loop3A_561 : i32
          %parallel_loop3A_563 = arith.index_cast %parallel_loop3A_562 : i32 to index
          %parallel_loop3A_564 = tpu.vector_load %arg6[%parallel_loop3A_563] {strides = array<i32>} : memref<25088xi32, #tpu.memory_space<vmem>>, vector<16xi32>,
          %parallel_loop3A_565 = vector.broadcast %sub3A_132 : i32 to vector<16xi32>
          %parallel_loop3A_566 = arith.cmpi eq, %parallel_loop3A_564, %parallel_loop3A_565 : vector<16xi32>
          %parallel_loop3A_567 = arith.constant 0.000000e+00 : f32
          %parallel_loop3A_568 = vector.broadcast %parallel_loop3A_567 : f32 to vector<16xf32>
          %parallel_loop3A_569 = arith.subf %parallel_loop3A_568, %parallel_loop3A_560 : vector<16xf32>
          %parallel_loop3A_570 = arith.select %parallel_loop3A_566, %parallel_loop3A_569, %parallel_loop3A_560 : vector<16xi1>, vector<16xf32>
          %parallel_loop3A_571 = vector.broadcast %parallel_loop3A_306 : f32 to vector<16xf32>
          %parallel_loop3A_572 = arith.minimumf %parallel_loop3A_570, %parallel_loop3A_571 : vector<16xf32>
          %parallel_loop3A_573 = arith.constant -5.120000e+02 : f32
          %parallel_loop3A_574 = vector.broadcast %parallel_loop3A_573 : f32 to vector<16xf32>
          %parallel_loop3A_575 = arith.cmpf ogt, %parallel_loop3A_572, %parallel_loop3A_574 : vector<16xf32>
          %parallel_loop3A_576 = vector.broadcast %add3A_299 : f32 to vector<16xf32>
          %parallel_loop3A_577 = vector.broadcast %add3A_302 : f32 to vector<16xf32>
          %parallel_loop3A_578 = arith.select %parallel_loop3A_566, %parallel_loop3A_576, %parallel_loop3A_577 : vector<16xi1>, vector<16xf32>
          %parallel_loop3A_579 = arith.addf %parallel_loop3A_572, %parallel_loop3A_578 : vector<16xf32>
          %parallel_loop3A_580 = arith.fptosi %parallel_loop3A_579 : vector<16xf32> to vector<16xi32>
          tpu.vector_store_idx %arg8[%parallel_loop3A_580], %broadcast_in_dim3A_74 masked %parallel_loop3A_575 {add = true} : memref<16384xf32, #tpu.memory_space<vmem>>[vector<16xi32>], vector<16xf32>, vector<16xi1>
        } {sc.loop_unroll_factor = 2 : i64, sc.parallel_access}
        %scan3A_307 = arith.constant 0 : i32
        scf.yield %scan3A_307 : i32
      }
      %scan3A_199 = arith.constant 4 : i32
      %while3A_200 = arith.constant 0 : i32
      scf.yield %while3A_200 : i32
    }
    %while3A_97 = arith.constant 1 : i32
    %while3A_98 = scf.for %while3A_103 = %while3A_94 to %while3A_90 step %while3A_97 iter_args(%while3A_104 = %while3A_96) -> (i32)  : i32 {
      %add3A_105 = arith.addi %select_n3A, %while3A_103 : i32
      %jit3A_106 = arith.constant 21 : i32
      %div3A_107 = arith.divsi %add3A_105, %jit3A_106 : i32
      %sign3A_108 = arith.constant 0 : i32
      %sign3A_109 = arith.cmpi sgt, %add3A_105, %sign3A_108 : i32
      %sign3A_110 = arith.extui %sign3A_109 : i1 to i32
      %sign3A_111 = arith.constant 0 : i32
      %sign3A_112 = arith.cmpi slt, %add3A_105, %sign3A_111 : i32
      %sign3A_113 = arith.extui %sign3A_112 : i1 to i32
      %sign3A_114 = arith.subi %sign3A_110, %sign3A_113 : i32
      %sign3A_115 = arith.constant 0 : i32
      %sign3A_116 = arith.cmpi sgt, %jit3A_106, %sign3A_115 : i32
      %sign3A_117 = arith.extui %sign3A_116 : i1 to i32
      %sign3A_118 = arith.constant 0 : i32
      %sign3A_119 = arith.cmpi slt, %jit3A_106, %sign3A_118 : i32
      %sign3A_120 = arith.extui %sign3A_119 : i1 to i32
      %sign3A_121 = arith.subi %sign3A_117, %sign3A_120 : i32
      %ne3A_122 = arith.cmpi ne, %sign3A_114, %sign3A_121 : i32
      %rem3A_123 = arith.remsi %add3A_105, %jit3A_106 : i32
      %ne3A_124 = arith.constant 0 : i32
      %ne3A_125 = arith.cmpi ne, %rem3A_123, %ne3A_124 : i32
      %and3A_126 = arith.andi %ne3A_122, %ne3A_125 : i1
      %sub3A_127 = arith.constant 1 : i32
      %sub3A_128 = arith.subi %div3A_107, %sub3A_127 : i32
      %select_n3A_129 = arith.select %and3A_126, %sub3A_128, %div3A_107 : i32
      %mul3A_130 = arith.constant 21 : i32
      %mul3A_131 = arith.muli %select_n3A_129, %mul3A_130 : i32
      %sub3A_132 = arith.subi %add3A_105, %mul3A_131 : i32
      %ne3A_133 = arith.cmpi ne, %select_n3A_129, %select_n3A_71 : i32
      %jit3A_134 = arith.constant 4096 : i32
      %jit3A_135 = arith.constant 0 : i32
      %select_n3A_136 = arith.select %ne3A_133, %jit3A_134, %jit3A_135 : i32
      %jit3A_137 = arith.constant 2 : i32
      %eq3A = arith.constant 0 : i32
      %eq3A_138 = arith.cmpi eq, %jit3A_137, %eq3A : i32
      %jit3A_139 = arith.constant 1 : i32
      %select_n3A_140 = arith.select %eq3A_138, %jit3A_139, %jit3A_137 : i32
      %rem3A_141 = arith.remsi %while3A_103, %select_n3A_140 : i32
      %ne3A_142 = arith.constant 0 : i32
      %ne3A_143 = arith.cmpi ne, %rem3A_141, %ne3A_142 : i32
      %lt3A = arith.constant 0 : i32
      %lt3A_144 = arith.cmpi slt, %rem3A_141, %lt3A : i32
      %lt3A_145 = arith.constant 0 : i32
      %lt3A_146 = arith.cmpi slt, %select_n3A_140, %lt3A_145 : i32
      %ne3A_147 = arith.xori %lt3A_144, %lt3A_146 : i1
      %and3A_148 = arith.andi %ne3A_147, %ne3A_143 : i1
      %add3A_149 = arith.addi %rem3A_141, %select_n3A_140 : i32
      %select_n3A_150 = arith.select %and3A_148, %add3A_149, %rem3A_141 : i32
      %add3A_151 = arith.constant 1 : i32
      %add3A_152 = arith.addi %while3A_103, %add3A_151 : i32
      %lt3A_153 = arith.cmpi slt, %add3A_152, %sub3A_47 : i32
      %eq3A_154 = arith.constant 0 : i32
      %eq3A_155 = arith.cmpi eq, %select_n3A_150, %eq3A_154 : i32
      %and3A_156 = arith.andi %lt3A_153, %eq3A_155 : i1
      %convert_element_type3A = arith.extui %and3A_156 : i1 to i32
      %cond3A = arith.constant 0 : i32
      %cond3A_157 = arith.cmpi ne, %convert_element_type3A, %cond3A : i32
      scf.if %cond3A_157 {
        %add3A_201 = arith.constant 1 : i32
        %add3A_202 = arith.addi %add3A_105, %add3A_201 : i32
        %mul3A_203 = arith.constant 12544 : i32
        %mul3A_204 = arith.muli %add3A_202, %mul3A_203 : i32
        %dma_start3A_205 = arith.constant 12544 : i32
        %dma_start3A_206 = tpu.memref_slice %arg5[%dma_start3A_205] : memref<25088xf32, #tpu.memory_space<vmem>> -> memref<12544xf32, #tpu.memory_space<vmem>>
        %dma_start3A_207 = tpu.memref_slice %arg2[%mul3A_204] : memref<2107392xf32, #tpu.memory_space<hbm>> -> memref<12544xf32, #tpu.memory_space<hbm>>
        %dma_start3A_208 = arith.constant 12544 : i32
        %dma_start3A_209 = tpu.memref_slice %arg5[%dma_start3A_208] : memref<25088xf32, #tpu.memory_space<vmem>> -> memref<12544xf32, #tpu.memory_space<vmem>>
        %dma_start3A_210 = tpu.memref_slice %arg2[%mul3A_204] : memref<2107392xf32, #tpu.memory_space<hbm>> -> memref<12544xf32, #tpu.memory_space<hbm>>
        tpu.enqueue_dma source(%dma_start3A_210 : memref<12544xf32, #tpu.memory_space<hbm>>) target(%dma_start3A_209 : memref<12544xf32, #tpu.memory_space<vmem>>) target_semaphore(%arg10 : memref<!tpu.dma_semaphore, #tpu.memory_space<semaphore_mem>>)
      } else {
      }
      %add3A_158 = arith.constant 1 : i32
      %add3A_159 = arith.addi %while3A_103, %add3A_158 : i32
      %lt3A_160 = arith.cmpi slt, %add3A_159, %sub3A_47 : i32
      %eq3A_161 = arith.constant 1 : i32
      %eq3A_162 = arith.cmpi eq, %select_n3A_150, %eq3A_161 : i32
      %and3A_163 = arith.andi %lt3A_160, %eq3A_162 : i1
      %convert_element_type3A_164 = arith.extui %and3A_163 : i1 to i32
      %cond3A_165 = arith.constant 0 : i32
      %cond3A_166 = arith.cmpi ne, %convert_element_type3A_164, %cond3A_165 : i32
      scf.if %cond3A_166 {
        %add3A_201 = arith.constant 1 : i32
        %add3A_202 = arith.addi %add3A_105, %add3A_201 : i32
        %mul3A_203 = arith.constant 12544 : i32
        %mul3A_204 = arith.muli %add3A_202, %mul3A_203 : i32
        %dma_start3A_205 = arith.constant 0 : i32
        %dma_start3A_206 = tpu.memref_slice %arg5[%dma_start3A_205] : memref<25088xf32, #tpu.memory_space<vmem>> -> memref<12544xf32, #tpu.memory_space<vmem>>
        %dma_start3A_207 = tpu.memref_slice %arg2[%mul3A_204] : memref<2107392xf32, #tpu.memory_space<hbm>> -> memref<12544xf32, #tpu.memory_space<hbm>>
        %dma_start3A_208 = arith.constant 0 : i32
        %dma_start3A_209 = tpu.memref_slice %arg5[%dma_start3A_208] : memref<25088xf32, #tpu.memory_space<vmem>> -> memref<12544xf32, #tpu.memory_space<vmem>>
        %dma_start3A_210 = tpu.memref_slice %arg2[%mul3A_204] : memref<2107392xf32, #tpu.memory_space<hbm>> -> memref<12544xf32, #tpu.memory_space<hbm>>
        tpu.enqueue_dma source(%dma_start3A_210 : memref<12544xf32, #tpu.memory_space<hbm>>) target(%dma_start3A_209 : memref<12544xf32, #tpu.memory_space<vmem>>) target_semaphore(%arg9 : memref<!tpu.dma_semaphore, #tpu.memory_space<semaphore_mem>>)
      } else {
      }
      %eq3A_167 = arith.constant 0 : i32
      %eq3A_168 = arith.cmpi eq, %select_n3A_150, %eq3A_167 : i32
      %convert_element_type3A_169 = arith.extui %eq3A_168 : i1 to i32
      %cond3A_170 = arith.constant 0 : i32
      %cond3A_171 = arith.cmpi ne, %convert_element_type3A_169, %cond3A_170 : i32
      scf.if %cond3A_171 {
        %mul3A_201 = arith.constant 12544 : i32
        %mul3A_202 = arith.muli %add3A_105, %mul3A_201 : i32
        %dma_wait3A = arith.constant 0 : i32
        %dma_wait3A_203 = tpu.memref_slice %arg5[%dma_wait3A] : memref<25088xf32, #tpu.memory_space<vmem>> -> memref<12544xf32, #tpu.memory_space<vmem>>
        %dma_wait3A_204 = tpu.memref_slice %arg2[%mul3A_202] : memref<2107392xf32, #tpu.memory_space<hbm>> -> memref<12544xf32, #tpu.memory_space<hbm>>
        %dma_wait3A_205 = arith.constant 0 : i32
        %dma_wait3A_206 = tpu.memref_slice %arg5[%dma_wait3A_205] : memref<25088xf32, #tpu.memory_space<vmem>> -> memref<12544xf32, #tpu.memory_space<vmem>>
        %dma_wait3A_207 = tpu.memref_slice %arg2[%mul3A_202] : memref<2107392xf32, #tpu.memory_space<hbm>> -> memref<12544xf32, #tpu.memory_space<hbm>>
        tpu.wait_dma2 semaphore(%arg9 : memref<!tpu.dma_semaphore, #tpu.memory_space<semaphore_mem>>) src(%dma_wait3A_207 : memref<12544xf32, #tpu.memory_space<hbm>>) dst(%dma_wait3A_206 : memref<12544xf32, #tpu.memory_space<vmem>>)
      } else {
      }
      %eq3A_172 = arith.constant 1 : i32
      %eq3A_173 = arith.cmpi eq, %select_n3A_150, %eq3A_172 : i32
      %convert_element_type3A_174 = arith.extui %eq3A_173 : i1 to i32
      %cond3A_175 = arith.constant 0 : i32
      %cond3A_176 = arith.cmpi ne, %convert_element_type3A_174, %cond3A_175 : i32
      scf.if %cond3A_176 {
        %mul3A_201 = arith.constant 12544 : i32
        %mul3A_202 = arith.muli %add3A_105, %mul3A_201 : i32
        %dma_wait3A = arith.constant 12544 : i32
        %dma_wait3A_203 = tpu.memref_slice %arg5[%dma_wait3A] : memref<25088xf32, #tpu.memory_space<vmem>> -> memref<12544xf32, #tpu.memory_space<vmem>>
        %dma_wait3A_204 = tpu.memref_slice %arg2[%mul3A_202] : memref<2107392xf32, #tpu.memory_space<hbm>> -> memref<12544xf32, #tpu.memory_space<hbm>>
        %dma_wait3A_205 = arith.constant 12544 : i32
        %dma_wait3A_206 = tpu.memref_slice %arg5[%dma_wait3A_205] : memref<25088xf32, #tpu.memory_space<vmem>> -> memref<12544xf32, #tpu.memory_space<vmem>>
        %dma_wait3A_207 = tpu.memref_slice %arg2[%mul3A_202] : memref<2107392xf32, #tpu.memory_space<hbm>> -> memref<12544xf32, #tpu.memory_space<hbm>>
        tpu.wait_dma2 semaphore(%arg10 : memref<!tpu.dma_semaphore, #tpu.memory_space<semaphore_mem>>) src(%dma_wait3A_207 : memref<12544xf32, #tpu.memory_space<hbm>>) dst(%dma_wait3A_206 : memref<12544xf32, #tpu.memory_space<vmem>>)
      } else {
      }
      %mul3A_177 = arith.constant 4 : i32
      %mul3A_178 = arith.muli %select_n3A_129, %mul3A_177 : i32
      %add3A_179 = arith.constant 0 : i32
      %add3A_180 = arith.addi %mul3A_178, %add3A_179 : i32
      %mul3A_181 = arith.constant 12544 : i32
      %mul3A_182 = arith.muli %add3A_180, %mul3A_181 : i32
      %dma_start3A_183 = arith.constant 0 : i32
      %dma_start3A_184 = tpu.memref_slice %arg6[%dma_start3A_183] : memref<25088xi32, #tpu.memory_space<vmem>> -> memref<12544xi32, #tpu.memory_space<vmem>>
      %dma_start3A_185 = tpu.memref_slice %arg3[%mul3A_182] : memref<401408xi32, #tpu.memory_space<hbm>> -> memref<12544xi32, #tpu.memory_space<hbm>>
      %dma_start3A_186 = arith.constant 0 : i32
      %dma_start3A_187 = tpu.memref_slice %arg6[%dma_start3A_186] : memref<25088xi32, #tpu.memory_space<vmem>> -> memref<12544xi32, #tpu.memory_space<vmem>>
      %dma_start3A_188 = tpu.memref_slice %arg3[%mul3A_182] : memref<401408xi32, #tpu.memory_space<hbm>> -> memref<12544xi32, #tpu.memory_space<hbm>>
      tpu.enqueue_dma source(%dma_start3A_188 : memref<12544xi32, #tpu.memory_space<hbm>>) target(%dma_start3A_187 : memref<12544xi32, #tpu.memory_space<vmem>>) target_semaphore(%arg11 : memref<!tpu.dma_semaphore, #tpu.memory_space<semaphore_mem>>)
      %mul3A_189 = arith.constant 12544 : i32
      %mul3A_190 = arith.muli %select_n3A_150, %mul3A_189 : i32
      %parallel_loop3A = arith.constant 0 : i32
      %parallel_loop3A_191 = arith.constant 112 : i32
      %parallel_loop3A_192 = arith.constant 1 : i32
      scf.for %parallel_loop3A_201 = %parallel_loop3A to %parallel_loop3A_191 step %parallel_loop3A_192  : i32 {
        %parallel_loop3A_202 = arith.constant 112 : i32
        %parallel_loop3A_203 = arith.muli %parallel_loop3A_201, %parallel_loop3A_202 : i32
        %parallel_loop3A_204 = arith.addi %mul3A_190, %parallel_loop3A_203 : i32
        %parallel_loop3A_205 = arith.constant 1 : i32
        %parallel_loop3A_206 = arith.subi %parallel_loop3A_201, %parallel_loop3A_205 : i32
        %parallel_loop3A_207 = arith.constant 0 : i32
        %parallel_loop3A_208 = arith.maxsi %parallel_loop3A_206, %parallel_loop3A_207 : i32
        %parallel_loop3A_209 = arith.constant 112 : i32
        %parallel_loop3A_210 = arith.muli %parallel_loop3A_208, %parallel_loop3A_209 : i32
        %parallel_loop3A_211 = arith.addi %mul3A_190, %parallel_loop3A_210 : i32
        %parallel_loop3A_212 = arith.constant 1 : i32
        %parallel_loop3A_213 = arith.addi %parallel_loop3A_201, %parallel_loop3A_212 : i32
        %parallel_loop3A_214 = arith.constant 111 : i32
        %parallel_loop3A_215 = arith.minsi %parallel_loop3A_213, %parallel_loop3A_214 : i32
        %parallel_loop3A_216 = arith.constant 112 : i32
        %parallel_loop3A_217 = arith.muli %parallel_loop3A_215, %parallel_loop3A_216 : i32
        %parallel_loop3A_218 = arith.addi %mul3A_190, %parallel_loop3A_217 : i32
        %parallel_loop3A_219 = arith.constant 114 : i32
        %parallel_loop3A_220 = arith.muli %parallel_loop3A_201, %parallel_loop3A_219 : i32
        %parallel_loop3A_221 = arith.constant 114 : i32
        %parallel_loop3A_222 = arith.muli %parallel_loop3A_201, %parallel_loop3A_221 : i32
        %parallel_loop3A_223 = arith.constant 12768 : i32
        %parallel_loop3A_224 = arith.addi %parallel_loop3A_223, %parallel_loop3A_222 : i32
        %parallel_loop3A_225 = arith.constant 0 : i32
        %parallel_loop3A_226 = arith.addi %parallel_loop3A_204, %parallel_loop3A_225 : i32
        %parallel_loop3A_227 = arith.index_cast %parallel_loop3A_226 : i32 to index
        %parallel_loop3A_228 = tpu.vector_load %arg5[%parallel_loop3A_227] {strides = array<i32>} : memref<25088xf32, #tpu.memory_space<vmem>>, vector<16xf32>,
        %parallel_loop3A_229 = arith.constant 0 : i32
        %parallel_loop3A_230 = arith.addi %parallel_loop3A_211, %parallel_loop3A_229 : i32
        %parallel_loop3A_231 = arith.index_cast %parallel_loop3A_230 : i32 to index
        %parallel_loop3A_232 = tpu.vector_load %arg5[%parallel_loop3A_231] {strides = array<i32>} : memref<25088xf32, #tpu.memory_space<vmem>>, vector<16xf32>,
        %parallel_loop3A_233 = arith.constant 0 : i32
        %parallel_loop3A_234 = arith.addi %parallel_loop3A_218, %parallel_loop3A_233 : i32
        %parallel_loop3A_235 = arith.index_cast %parallel_loop3A_234 : i32 to index
        %parallel_loop3A_236 = tpu.vector_load %arg5[%parallel_loop3A_235] {strides = array<i32>} : memref<25088xf32, #tpu.memory_space<vmem>>, vector<16xf32>,
        %parallel_loop3A_237 = arith.constant 1.280000e+02 : f32
        %parallel_loop3A_238 = vector.broadcast %parallel_loop3A_237 : f32 to vector<16xf32>
        %parallel_loop3A_239 = arith.mulf %parallel_loop3A_238, %parallel_loop3A_232 : vector<16xf32>
        %parallel_loop3A_240 = arith.constant 3.840000e+02 : f32
        %parallel_loop3A_241 = vector.broadcast %parallel_loop3A_240 : f32 to vector<16xf32>
        %parallel_loop3A_242 = arith.mulf %parallel_loop3A_241, %parallel_loop3A_228 : vector<16xf32>
        %parallel_loop3A_243 = arith.addf %parallel_loop3A_239, %parallel_loop3A_242 : vector<16xf32>
        %parallel_loop3A_244 = arith.constant 3.840000e+02 : f32
        %parallel_loop3A_245 = vector.broadcast %parallel_loop3A_244 : f32 to vector<16xf32>
        %parallel_loop3A_246 = arith.mulf %parallel_loop3A_245, %parallel_loop3A_228 : vector<16xf32>
        %parallel_loop3A_247 = arith.constant 1.280000e+02 : f32
        %parallel_loop3A_248 = vector.broadcast %parallel_loop3A_247 : f32 to vector<16xf32>
        %parallel_loop3A_249 = arith.mulf %parallel_loop3A_248, %parallel_loop3A_236 : vector<16xf32>
        %parallel_loop3A_250 = arith.addf %parallel_loop3A_246, %parallel_loop3A_249 : vector<16xf32>
        %parallel_loop3A_251 = arith.constant 1 : i32
        %parallel_loop3A_252 = arith.addi %parallel_loop3A_220, %parallel_loop3A_251 : i32
        %parallel_loop3A_253 = arith.constant 0 : i32
        %parallel_loop3A_254 = arith.addi %parallel_loop3A_252, %parallel_loop3A_253 : i32
        %parallel_loop3A_255 = arith.index_cast %parallel_loop3A_254 : i32 to index
        %parallel_loop3A_256 = tpu.vector_load %arg7[%parallel_loop3A_255] {strides = array<i32>} : memref<25536xf32, #tpu.memory_space<vmem>>, vector<16xf32>,
        tpu.vector_store %arg7[%parallel_loop3A_255], %parallel_loop3A_243 {strides = array<i32>} : memref<25536xf32, #tpu.memory_space<vmem>>, vector<16xf32>,
        %parallel_loop3A_257 = arith.constant 1 : i32
        %parallel_loop3A_258 = arith.addi %parallel_loop3A_224, %parallel_loop3A_257 : i32
        %parallel_loop3A_259 = arith.constant 0 : i32
        %parallel_loop3A_260 = arith.addi %parallel_loop3A_258, %parallel_loop3A_259 : i32
        %parallel_loop3A_261 = arith.index_cast %parallel_loop3A_260 : i32 to index
        %parallel_loop3A_262 = tpu.vector_load %arg7[%parallel_loop3A_261] {strides = array<i32>} : memref<25536xf32, #tpu.memory_space<vmem>>, vector<16xf32>,
        tpu.vector_store %arg7[%parallel_loop3A_261], %parallel_loop3A_250 {strides = array<i32>} : memref<25536xf32, #tpu.memory_space<vmem>>, vector<16xf32>,
        %parallel_loop3A_263 = vector.broadcast %parallel_loop3A_220 : i32 to vector<16xi32>
        %parallel_loop3A_264 = arith.addi %parallel_loop3A_263, %iota3A : vector<16xi32>
        %parallel_loop3A_265 = arith.constant 0 : i32
        %parallel_loop3A_266 = vector.broadcast %parallel_loop3A_265 : i32 to vector<16xi32>
        %parallel_loop3A_267 = arith.cmpi eq, %iota3A, %parallel_loop3A_266 : vector<16xi32>
        tpu.vector_store_idx %arg7[%parallel_loop3A_264], %parallel_loop3A_243 masked %parallel_loop3A_267 : memref<25536xf32, #tpu.memory_space<vmem>>[vector<16xi32>], vector<16xf32>, vector<16xi1>
        %parallel_loop3A_268 = vector.broadcast %parallel_loop3A_224 : i32 to vector<16xi32>
        %parallel_loop3A_269 = arith.addi %parallel_loop3A_268, %iota3A : vector<16xi32>
        %parallel_loop3A_270 = arith.constant 0 : i32
        %parallel_loop3A_271 = vector.broadcast %parallel_loop3A_270 : i32 to vector<16xi32>
        %parallel_loop3A_272 = arith.cmpi eq, %iota3A, %parallel_loop3A_271 : vector<16xi32>
        tpu.vector_store_idx %arg7[%parallel_loop3A_269], %parallel_loop3A_250 masked %parallel_loop3A_272 : memref<25536xf32, #tpu.memory_space<vmem>>[vector<16xi32>], vector<16xf32>, vector<16xi1>
        %parallel_loop3A_273 = arith.constant 16 : i32
        %parallel_loop3A_274 = arith.addi %parallel_loop3A_204, %parallel_loop3A_273 : i32
        %parallel_loop3A_275 = arith.index_cast %parallel_loop3A_274 : i32 to index
        %parallel_loop3A_276 = tpu.vector_load %arg5[%parallel_loop3A_275] {strides = array<i32>} : memref<25088xf32, #tpu.memory_space<vmem>>, vector<16xf32>,
        %parallel_loop3A_277 = arith.constant 16 : i32
        %parallel_loop3A_278 = arith.addi %parallel_loop3A_211, %parallel_loop3A_277 : i32
        %parallel_loop3A_279 = arith.index_cast %parallel_loop3A_278 : i32 to index
        %parallel_loop3A_280 = tpu.vector_load %arg5[%parallel_loop3A_279] {strides = array<i32>} : memref<25088xf32, #tpu.memory_space<vmem>>, vector<16xf32>,
        %parallel_loop3A_281 = arith.constant 16 : i32
        %parallel_loop3A_282 = arith.addi %parallel_loop3A_218, %parallel_loop3A_281 : i32
        %parallel_loop3A_283 = arith.index_cast %parallel_loop3A_282 : i32 to index
        %parallel_loop3A_284 = tpu.vector_load %arg5[%parallel_loop3A_283] {strides = array<i32>} : memref<25088xf32, #tpu.memory_space<vmem>>, vector<16xf32>,
        %parallel_loop3A_285 = arith.constant 1.280000e+02 : f32
        %parallel_loop3A_286 = vector.broadcast %parallel_loop3A_285 : f32 to vector<16xf32>
        %parallel_loop3A_287 = arith.mulf %parallel_loop3A_286, %parallel_loop3A_280 : vector<16xf32>
        %parallel_loop3A_288 = arith.constant 3.840000e+02 : f32
        %parallel_loop3A_289 = vector.broadcast %parallel_loop3A_288 : f32 to vector<16xf32>
        %parallel_loop3A_290 = arith.mulf %parallel_loop3A_289, %parallel_loop3A_276 : vector<16xf32>
        %parallel_loop3A_291 = arith.addf %parallel_loop3A_287, %parallel_loop3A_290 : vector<16xf32>
        %parallel_loop3A_292 = arith.constant 3.840000e+02 : f32
        %parallel_loop3A_293 = vector.broadcast %parallel_loop3A_292 : f32 to vector<16xf32>
        %parallel_loop3A_294 = arith.mulf %parallel_loop3A_293, %parallel_loop3A_276 : vector<16xf32>
        %parallel_loop3A_295 = arith.constant 1.280000e+02 : f32
        %parallel_loop3A_296 = vector.broadcast %parallel_loop3A_295 : f32 to vector<16xf32>
        %parallel_loop3A_297 = arith.mulf %parallel_loop3A_296, %parallel_loop3A_284 : vector<16xf32>
        %parallel_loop3A_298 = arith.addf %parallel_loop3A_294, %parallel_loop3A_297 : vector<16xf32>
        %parallel_loop3A_299 = arith.constant 1 : i32
        %parallel_loop3A_300 = arith.addi %parallel_loop3A_220, %parallel_loop3A_299 : i32
        %parallel_loop3A_301 = arith.constant 16 : i32
        %parallel_loop3A_302 = arith.addi %parallel_loop3A_300, %parallel_loop3A_301 : i32
        %parallel_loop3A_303 = arith.index_cast %parallel_loop3A_302 : i32 to index
        %parallel_loop3A_304 = tpu.vector_load %arg7[%parallel_loop3A_303] {strides = array<i32>} : memref<25536xf32, #tpu.memory_space<vmem>>, vector<16xf32>,
        tpu.vector_store %arg7[%parallel_loop3A_303], %parallel_loop3A_291 {strides = array<i32>} : memref<25536xf32, #tpu.memory_space<vmem>>, vector<16xf32>,
        %parallel_loop3A_305 = arith.constant 1 : i32
        %parallel_loop3A_306 = arith.addi %parallel_loop3A_224, %parallel_loop3A_305 : i32
        %parallel_loop3A_307 = arith.constant 16 : i32
        %parallel_loop3A_308 = arith.addi %parallel_loop3A_306, %parallel_loop3A_307 : i32
        %parallel_loop3A_309 = arith.index_cast %parallel_loop3A_308 : i32 to index
        %parallel_loop3A_310 = tpu.vector_load %arg7[%parallel_loop3A_309] {strides = array<i32>} : memref<25536xf32, #tpu.memory_space<vmem>>, vector<16xf32>,
        tpu.vector_store %arg7[%parallel_loop3A_309], %parallel_loop3A_298 {strides = array<i32>} : memref<25536xf32, #tpu.memory_space<vmem>>, vector<16xf32>,
        %parallel_loop3A_311 = arith.constant 32 : i32
        %parallel_loop3A_312 = arith.addi %parallel_loop3A_204, %parallel_loop3A_311 : i32
        %parallel_loop3A_313 = arith.index_cast %parallel_loop3A_312 : i32 to index
        %parallel_loop3A_314 = tpu.vector_load %arg5[%parallel_loop3A_313] {strides = array<i32>} : memref<25088xf32, #tpu.memory_space<vmem>>, vector<16xf32>,
        %parallel_loop3A_315 = arith.constant 32 : i32
        %parallel_loop3A_316 = arith.addi %parallel_loop3A_211, %parallel_loop3A_315 : i32
        %parallel_loop3A_317 = arith.index_cast %parallel_loop3A_316 : i32 to index
        %parallel_loop3A_318 = tpu.vector_load %arg5[%parallel_loop3A_317] {strides = array<i32>} : memref<25088xf32, #tpu.memory_space<vmem>>, vector<16xf32>,
        %parallel_loop3A_319 = arith.constant 32 : i32
        %parallel_loop3A_320 = arith.addi %parallel_loop3A_218, %parallel_loop3A_319 : i32
        %parallel_loop3A_321 = arith.index_cast %parallel_loop3A_320 : i32 to index
        %parallel_loop3A_322 = tpu.vector_load %arg5[%parallel_loop3A_321] {strides = array<i32>} : memref<25088xf32, #tpu.memory_space<vmem>>, vector<16xf32>,
        %parallel_loop3A_323 = arith.constant 1.280000e+02 : f32
        %parallel_loop3A_324 = vector.broadcast %parallel_loop3A_323 : f32 to vector<16xf32>
        %parallel_loop3A_325 = arith.mulf %parallel_loop3A_324, %parallel_loop3A_318 : vector<16xf32>
        %parallel_loop3A_326 = arith.constant 3.840000e+02 : f32
        %parallel_loop3A_327 = vector.broadcast %parallel_loop3A_326 : f32 to vector<16xf32>
        %parallel_loop3A_328 = arith.mulf %parallel_loop3A_327, %parallel_loop3A_314 : vector<16xf32>
        %parallel_loop3A_329 = arith.addf %parallel_loop3A_325, %parallel_loop3A_328 : vector<16xf32>
        %parallel_loop3A_330 = arith.constant 3.840000e+02 : f32
        %parallel_loop3A_331 = vector.broadcast %parallel_loop3A_330 : f32 to vector<16xf32>
        %parallel_loop3A_332 = arith.mulf %parallel_loop3A_331, %parallel_loop3A_314 : vector<16xf32>
        %parallel_loop3A_333 = arith.constant 1.280000e+02 : f32
        %parallel_loop3A_334 = vector.broadcast %parallel_loop3A_333 : f32 to vector<16xf32>
        %parallel_loop3A_335 = arith.mulf %parallel_loop3A_334, %parallel_loop3A_322 : vector<16xf32>
        %parallel_loop3A_336 = arith.addf %parallel_loop3A_332, %parallel_loop3A_335 : vector<16xf32>
        %parallel_loop3A_337 = arith.constant 1 : i32
        %parallel_loop3A_338 = arith.addi %parallel_loop3A_220, %parallel_loop3A_337 : i32
        %parallel_loop3A_339 = arith.constant 32 : i32
        %parallel_loop3A_340 = arith.addi %parallel_loop3A_338, %parallel_loop3A_339 : i32
        %parallel_loop3A_341 = arith.index_cast %parallel_loop3A_340 : i32 to index
        %parallel_loop3A_342 = tpu.vector_load %arg7[%parallel_loop3A_341] {strides = array<i32>} : memref<25536xf32, #tpu.memory_space<vmem>>, vector<16xf32>,
        tpu.vector_store %arg7[%parallel_loop3A_341], %parallel_loop3A_329 {strides = array<i32>} : memref<25536xf32, #tpu.memory_space<vmem>>, vector<16xf32>,
        %parallel_loop3A_343 = arith.constant 1 : i32
        %parallel_loop3A_344 = arith.addi %parallel_loop3A_224, %parallel_loop3A_343 : i32
        %parallel_loop3A_345 = arith.constant 32 : i32
        %parallel_loop3A_346 = arith.addi %parallel_loop3A_344, %parallel_loop3A_345 : i32
        %parallel_loop3A_347 = arith.index_cast %parallel_loop3A_346 : i32 to index
        %parallel_loop3A_348 = tpu.vector_load %arg7[%parallel_loop3A_347] {strides = array<i32>} : memref<25536xf32, #tpu.memory_space<vmem>>, vector<16xf32>,
        tpu.vector_store %arg7[%parallel_loop3A_347], %parallel_loop3A_336 {strides = array<i32>} : memref<25536xf32, #tpu.memory_space<vmem>>, vector<16xf32>,
        %parallel_loop3A_349 = arith.constant 48 : i32
        %parallel_loop3A_350 = arith.addi %parallel_loop3A_204, %parallel_loop3A_349 : i32
        %parallel_loop3A_351 = arith.index_cast %parallel_loop3A_350 : i32 to index
        %parallel_loop3A_352 = tpu.vector_load %arg5[%parallel_loop3A_351] {strides = array<i32>} : memref<25088xf32, #tpu.memory_space<vmem>>, vector<16xf32>,
        %parallel_loop3A_353 = arith.constant 48 : i32
        %parallel_loop3A_354 = arith.addi %parallel_loop3A_211, %parallel_loop3A_353 : i32
        %parallel_loop3A_355 = arith.index_cast %parallel_loop3A_354 : i32 to index
        %parallel_loop3A_356 = tpu.vector_load %arg5[%parallel_loop3A_355] {strides = array<i32>} : memref<25088xf32, #tpu.memory_space<vmem>>, vector<16xf32>,
        %parallel_loop3A_357 = arith.constant 48 : i32
        %parallel_loop3A_358 = arith.addi %parallel_loop3A_218, %parallel_loop3A_357 : i32
        %parallel_loop3A_359 = arith.index_cast %parallel_loop3A_358 : i32 to index
        %parallel_loop3A_360 = tpu.vector_load %arg5[%parallel_loop3A_359] {strides = array<i32>} : memref<25088xf32, #tpu.memory_space<vmem>>, vector<16xf32>,
        %parallel_loop3A_361 = arith.constant 1.280000e+02 : f32
        %parallel_loop3A_362 = vector.broadcast %parallel_loop3A_361 : f32 to vector<16xf32>
        %parallel_loop3A_363 = arith.mulf %parallel_loop3A_362, %parallel_loop3A_356 : vector<16xf32>
        %parallel_loop3A_364 = arith.constant 3.840000e+02 : f32
        %parallel_loop3A_365 = vector.broadcast %parallel_loop3A_364 : f32 to vector<16xf32>
        %parallel_loop3A_366 = arith.mulf %parallel_loop3A_365, %parallel_loop3A_352 : vector<16xf32>
        %parallel_loop3A_367 = arith.addf %parallel_loop3A_363, %parallel_loop3A_366 : vector<16xf32>
        %parallel_loop3A_368 = arith.constant 3.840000e+02 : f32
        %parallel_loop3A_369 = vector.broadcast %parallel_loop3A_368 : f32 to vector<16xf32>
        %parallel_loop3A_370 = arith.mulf %parallel_loop3A_369, %parallel_loop3A_352 : vector<16xf32>
        %parallel_loop3A_371 = arith.constant 1.280000e+02 : f32
        %parallel_loop3A_372 = vector.broadcast %parallel_loop3A_371 : f32 to vector<16xf32>
        %parallel_loop3A_373 = arith.mulf %parallel_loop3A_372, %parallel_loop3A_360 : vector<16xf32>
        %parallel_loop3A_374 = arith.addf %parallel_loop3A_370, %parallel_loop3A_373 : vector<16xf32>
        %parallel_loop3A_375 = arith.constant 1 : i32
        %parallel_loop3A_376 = arith.addi %parallel_loop3A_220, %parallel_loop3A_375 : i32
        %parallel_loop3A_377 = arith.constant 48 : i32
        %parallel_loop3A_378 = arith.addi %parallel_loop3A_376, %parallel_loop3A_377 : i32
        %parallel_loop3A_379 = arith.index_cast %parallel_loop3A_378 : i32 to index
        %parallel_loop3A_380 = tpu.vector_load %arg7[%parallel_loop3A_379] {strides = array<i32>} : memref<25536xf32, #tpu.memory_space<vmem>>, vector<16xf32>,
        tpu.vector_store %arg7[%parallel_loop3A_379], %parallel_loop3A_367 {strides = array<i32>} : memref<25536xf32, #tpu.memory_space<vmem>>, vector<16xf32>,
        %parallel_loop3A_381 = arith.constant 1 : i32
        %parallel_loop3A_382 = arith.addi %parallel_loop3A_224, %parallel_loop3A_381 : i32
        %parallel_loop3A_383 = arith.constant 48 : i32
        %parallel_loop3A_384 = arith.addi %parallel_loop3A_382, %parallel_loop3A_383 : i32
        %parallel_loop3A_385 = arith.index_cast %parallel_loop3A_384 : i32 to index
        %parallel_loop3A_386 = tpu.vector_load %arg7[%parallel_loop3A_385] {strides = array<i32>} : memref<25536xf32, #tpu.memory_space<vmem>>, vector<16xf32>,
        tpu.vector_store %arg7[%parallel_loop3A_385], %parallel_loop3A_374 {strides = array<i32>} : memref<25536xf32, #tpu.memory_space<vmem>>, vector<16xf32>,
        %parallel_loop3A_387 = arith.constant 64 : i32
        %parallel_loop3A_388 = arith.addi %parallel_loop3A_204, %parallel_loop3A_387 : i32
        %parallel_loop3A_389 = arith.index_cast %parallel_loop3A_388 : i32 to index
        %parallel_loop3A_390 = tpu.vector_load %arg5[%parallel_loop3A_389] {strides = array<i32>} : memref<25088xf32, #tpu.memory_space<vmem>>, vector<16xf32>,
        %parallel_loop3A_391 = arith.constant 64 : i32
        %parallel_loop3A_392 = arith.addi %parallel_loop3A_211, %parallel_loop3A_391 : i32
        %parallel_loop3A_393 = arith.index_cast %parallel_loop3A_392 : i32 to index
        %parallel_loop3A_394 = tpu.vector_load %arg5[%parallel_loop3A_393] {strides = array<i32>} : memref<25088xf32, #tpu.memory_space<vmem>>, vector<16xf32>,
        %parallel_loop3A_395 = arith.constant 64 : i32
        %parallel_loop3A_396 = arith.addi %parallel_loop3A_218, %parallel_loop3A_395 : i32
        %parallel_loop3A_397 = arith.index_cast %parallel_loop3A_396 : i32 to index
        %parallel_loop3A_398 = tpu.vector_load %arg5[%parallel_loop3A_397] {strides = array<i32>} : memref<25088xf32, #tpu.memory_space<vmem>>, vector<16xf32>,
        %parallel_loop3A_399 = arith.constant 1.280000e+02 : f32
        %parallel_loop3A_400 = vector.broadcast %parallel_loop3A_399 : f32 to vector<16xf32>
        %parallel_loop3A_401 = arith.mulf %parallel_loop3A_400, %parallel_loop3A_394 : vector<16xf32>
        %parallel_loop3A_402 = arith.constant 3.840000e+02 : f32
        %parallel_loop3A_403 = vector.broadcast %parallel_loop3A_402 : f32 to vector<16xf32>
        %parallel_loop3A_404 = arith.mulf %parallel_loop3A_403, %parallel_loop3A_390 : vector<16xf32>
        %parallel_loop3A_405 = arith.addf %parallel_loop3A_401, %parallel_loop3A_404 : vector<16xf32>
        %parallel_loop3A_406 = arith.constant 3.840000e+02 : f32
        %parallel_loop3A_407 = vector.broadcast %parallel_loop3A_406 : f32 to vector<16xf32>
        %parallel_loop3A_408 = arith.mulf %parallel_loop3A_407, %parallel_loop3A_390 : vector<16xf32>
        %parallel_loop3A_409 = arith.constant 1.280000e+02 : f32
        %parallel_loop3A_410 = vector.broadcast %parallel_loop3A_409 : f32 to vector<16xf32>
        %parallel_loop3A_411 = arith.mulf %parallel_loop3A_410, %parallel_loop3A_398 : vector<16xf32>
        %parallel_loop3A_412 = arith.addf %parallel_loop3A_408, %parallel_loop3A_411 : vector<16xf32>
        %parallel_loop3A_413 = arith.constant 1 : i32
        %parallel_loop3A_414 = arith.addi %parallel_loop3A_220, %parallel_loop3A_413 : i32
        %parallel_loop3A_415 = arith.constant 64 : i32
        %parallel_loop3A_416 = arith.addi %parallel_loop3A_414, %parallel_loop3A_415 : i32
        %parallel_loop3A_417 = arith.index_cast %parallel_loop3A_416 : i32 to index
        %parallel_loop3A_418 = tpu.vector_load %arg7[%parallel_loop3A_417] {strides = array<i32>} : memref<25536xf32, #tpu.memory_space<vmem>>, vector<16xf32>,
        tpu.vector_store %arg7[%parallel_loop3A_417], %parallel_loop3A_405 {strides = array<i32>} : memref<25536xf32, #tpu.memory_space<vmem>>, vector<16xf32>,
        %parallel_loop3A_419 = arith.constant 1 : i32
        %parallel_loop3A_420 = arith.addi %parallel_loop3A_224, %parallel_loop3A_419 : i32
        %parallel_loop3A_421 = arith.constant 64 : i32
        %parallel_loop3A_422 = arith.addi %parallel_loop3A_420, %parallel_loop3A_421 : i32
        %parallel_loop3A_423 = arith.index_cast %parallel_loop3A_422 : i32 to index
        %parallel_loop3A_424 = tpu.vector_load %arg7[%parallel_loop3A_423] {strides = array<i32>} : memref<25536xf32, #tpu.memory_space<vmem>>, vector<16xf32>,
        tpu.vector_store %arg7[%parallel_loop3A_423], %parallel_loop3A_412 {strides = array<i32>} : memref<25536xf32, #tpu.memory_space<vmem>>, vector<16xf32>,
        %parallel_loop3A_425 = arith.constant 80 : i32
        %parallel_loop3A_426 = arith.addi %parallel_loop3A_204, %parallel_loop3A_425 : i32
        %parallel_loop3A_427 = arith.index_cast %parallel_loop3A_426 : i32 to index
        %parallel_loop3A_428 = tpu.vector_load %arg5[%parallel_loop3A_427] {strides = array<i32>} : memref<25088xf32, #tpu.memory_space<vmem>>, vector<16xf32>,
        %parallel_loop3A_429 = arith.constant 80 : i32
        %parallel_loop3A_430 = arith.addi %parallel_loop3A_211, %parallel_loop3A_429 : i32
        %parallel_loop3A_431 = arith.index_cast %parallel_loop3A_430 : i32 to index
        %parallel_loop3A_432 = tpu.vector_load %arg5[%parallel_loop3A_431] {strides = array<i32>} : memref<25088xf32, #tpu.memory_space<vmem>>, vector<16xf32>,
        %parallel_loop3A_433 = arith.constant 80 : i32
        %parallel_loop3A_434 = arith.addi %parallel_loop3A_218, %parallel_loop3A_433 : i32
        %parallel_loop3A_435 = arith.index_cast %parallel_loop3A_434 : i32 to index
        %parallel_loop3A_436 = tpu.vector_load %arg5[%parallel_loop3A_435] {strides = array<i32>} : memref<25088xf32, #tpu.memory_space<vmem>>, vector<16xf32>,
        %parallel_loop3A_437 = arith.constant 1.280000e+02 : f32
        %parallel_loop3A_438 = vector.broadcast %parallel_loop3A_437 : f32 to vector<16xf32>
        %parallel_loop3A_439 = arith.mulf %parallel_loop3A_438, %parallel_loop3A_432 : vector<16xf32>
        %parallel_loop3A_440 = arith.constant 3.840000e+02 : f32
        %parallel_loop3A_441 = vector.broadcast %parallel_loop3A_440 : f32 to vector<16xf32>
        %parallel_loop3A_442 = arith.mulf %parallel_loop3A_441, %parallel_loop3A_428 : vector<16xf32>
        %parallel_loop3A_443 = arith.addf %parallel_loop3A_439, %parallel_loop3A_442 : vector<16xf32>
        %parallel_loop3A_444 = arith.constant 3.840000e+02 : f32
        %parallel_loop3A_445 = vector.broadcast %parallel_loop3A_444 : f32 to vector<16xf32>
        %parallel_loop3A_446 = arith.mulf %parallel_loop3A_445, %parallel_loop3A_428 : vector<16xf32>
        %parallel_loop3A_447 = arith.constant 1.280000e+02 : f32
        %parallel_loop3A_448 = vector.broadcast %parallel_loop3A_447 : f32 to vector<16xf32>
        %parallel_loop3A_449 = arith.mulf %parallel_loop3A_448, %parallel_loop3A_436 : vector<16xf32>
        %parallel_loop3A_450 = arith.addf %parallel_loop3A_446, %parallel_loop3A_449 : vector<16xf32>
        %parallel_loop3A_451 = arith.constant 1 : i32
        %parallel_loop3A_452 = arith.addi %parallel_loop3A_220, %parallel_loop3A_451 : i32
        %parallel_loop3A_453 = arith.constant 80 : i32
        %parallel_loop3A_454 = arith.addi %parallel_loop3A_452, %parallel_loop3A_453 : i32
        %parallel_loop3A_455 = arith.index_cast %parallel_loop3A_454 : i32 to index
        %parallel_loop3A_456 = tpu.vector_load %arg7[%parallel_loop3A_455] {strides = array<i32>} : memref<25536xf32, #tpu.memory_space<vmem>>, vector<16xf32>,
        tpu.vector_store %arg7[%parallel_loop3A_455], %parallel_loop3A_443 {strides = array<i32>} : memref<25536xf32, #tpu.memory_space<vmem>>, vector<16xf32>,
        %parallel_loop3A_457 = arith.constant 1 : i32
        %parallel_loop3A_458 = arith.addi %parallel_loop3A_224, %parallel_loop3A_457 : i32
        %parallel_loop3A_459 = arith.constant 80 : i32
        %parallel_loop3A_460 = arith.addi %parallel_loop3A_458, %parallel_loop3A_459 : i32
        %parallel_loop3A_461 = arith.index_cast %parallel_loop3A_460 : i32 to index
        %parallel_loop3A_462 = tpu.vector_load %arg7[%parallel_loop3A_461] {strides = array<i32>} : memref<25536xf32, #tpu.memory_space<vmem>>, vector<16xf32>,
        tpu.vector_store %arg7[%parallel_loop3A_461], %parallel_loop3A_450 {strides = array<i32>} : memref<25536xf32, #tpu.memory_space<vmem>>, vector<16xf32>,
        %parallel_loop3A_463 = arith.constant 96 : i32
        %parallel_loop3A_464 = arith.addi %parallel_loop3A_204, %parallel_loop3A_463 : i32
        %parallel_loop3A_465 = arith.index_cast %parallel_loop3A_464 : i32 to index
        %parallel_loop3A_466 = tpu.vector_load %arg5[%parallel_loop3A_465] {strides = array<i32>} : memref<25088xf32, #tpu.memory_space<vmem>>, vector<16xf32>,
        %parallel_loop3A_467 = arith.constant 96 : i32
        %parallel_loop3A_468 = arith.addi %parallel_loop3A_211, %parallel_loop3A_467 : i32
        %parallel_loop3A_469 = arith.index_cast %parallel_loop3A_468 : i32 to index
        %parallel_loop3A_470 = tpu.vector_load %arg5[%parallel_loop3A_469] {strides = array<i32>} : memref<25088xf32, #tpu.memory_space<vmem>>, vector<16xf32>,
        %parallel_loop3A_471 = arith.constant 96 : i32
        %parallel_loop3A_472 = arith.addi %parallel_loop3A_218, %parallel_loop3A_471 : i32
        %parallel_loop3A_473 = arith.index_cast %parallel_loop3A_472 : i32 to index
        %parallel_loop3A_474 = tpu.vector_load %arg5[%parallel_loop3A_473] {strides = array<i32>} : memref<25088xf32, #tpu.memory_space<vmem>>, vector<16xf32>,
        %parallel_loop3A_475 = arith.constant 1.280000e+02 : f32
        %parallel_loop3A_476 = vector.broadcast %parallel_loop3A_475 : f32 to vector<16xf32>
        %parallel_loop3A_477 = arith.mulf %parallel_loop3A_476, %parallel_loop3A_470 : vector<16xf32>
        %parallel_loop3A_478 = arith.constant 3.840000e+02 : f32
        %parallel_loop3A_479 = vector.broadcast %parallel_loop3A_478 : f32 to vector<16xf32>
        %parallel_loop3A_480 = arith.mulf %parallel_loop3A_479, %parallel_loop3A_466 : vector<16xf32>
        %parallel_loop3A_481 = arith.addf %parallel_loop3A_477, %parallel_loop3A_480 : vector<16xf32>
        %parallel_loop3A_482 = arith.constant 3.840000e+02 : f32
        %parallel_loop3A_483 = vector.broadcast %parallel_loop3A_482 : f32 to vector<16xf32>
        %parallel_loop3A_484 = arith.mulf %parallel_loop3A_483, %parallel_loop3A_466 : vector<16xf32>
        %parallel_loop3A_485 = arith.constant 1.280000e+02 : f32
        %parallel_loop3A_486 = vector.broadcast %parallel_loop3A_485 : f32 to vector<16xf32>
        %parallel_loop3A_487 = arith.mulf %parallel_loop3A_486, %parallel_loop3A_474 : vector<16xf32>
        %parallel_loop3A_488 = arith.addf %parallel_loop3A_484, %parallel_loop3A_487 : vector<16xf32>
        %parallel_loop3A_489 = arith.constant 1 : i32
        %parallel_loop3A_490 = arith.addi %parallel_loop3A_220, %parallel_loop3A_489 : i32
        %parallel_loop3A_491 = arith.constant 96 : i32
        %parallel_loop3A_492 = arith.addi %parallel_loop3A_490, %parallel_loop3A_491 : i32
        %parallel_loop3A_493 = arith.index_cast %parallel_loop3A_492 : i32 to index
        %parallel_loop3A_494 = tpu.vector_load %arg7[%parallel_loop3A_493] {strides = array<i32>} : memref<25536xf32, #tpu.memory_space<vmem>>, vector<16xf32>,
        tpu.vector_store %arg7[%parallel_loop3A_493], %parallel_loop3A_481 {strides = array<i32>} : memref<25536xf32, #tpu.memory_space<vmem>>, vector<16xf32>,
        %parallel_loop3A_495 = arith.constant 1 : i32
        %parallel_loop3A_496 = arith.addi %parallel_loop3A_224, %parallel_loop3A_495 : i32
        %parallel_loop3A_497 = arith.constant 96 : i32
        %parallel_loop3A_498 = arith.addi %parallel_loop3A_496, %parallel_loop3A_497 : i32
        %parallel_loop3A_499 = arith.index_cast %parallel_loop3A_498 : i32 to index
        %parallel_loop3A_500 = tpu.vector_load %arg7[%parallel_loop3A_499] {strides = array<i32>} : memref<25536xf32, #tpu.memory_space<vmem>>, vector<16xf32>,
        tpu.vector_store %arg7[%parallel_loop3A_499], %parallel_loop3A_488 {strides = array<i32>} : memref<25536xf32, #tpu.memory_space<vmem>>, vector<16xf32>,
        %parallel_loop3A_501 = arith.constant 98 : i32
        %parallel_loop3A_502 = arith.addi %parallel_loop3A_220, %parallel_loop3A_501 : i32
        %parallel_loop3A_503 = vector.broadcast %parallel_loop3A_502 : i32 to vector<16xi32>
        %parallel_loop3A_504 = arith.addi %parallel_loop3A_503, %iota3A : vector<16xi32>
        %parallel_loop3A_505 = arith.constant 15 : i32
        %parallel_loop3A_506 = vector.broadcast %parallel_loop3A_505 : i32 to vector<16xi32>
        %parallel_loop3A_507 = arith.cmpi eq, %iota3A, %parallel_loop3A_506 : vector<16xi32>
        tpu.vector_store_idx %arg7[%parallel_loop3A_504], %parallel_loop3A_481 masked %parallel_loop3A_507 : memref<25536xf32, #tpu.memory_space<vmem>>[vector<16xi32>], vector<16xf32>, vector<16xi1>
        %parallel_loop3A_508 = arith.constant 98 : i32
        %parallel_loop3A_509 = arith.addi %parallel_loop3A_224, %parallel_loop3A_508 : i32
        %parallel_loop3A_510 = vector.broadcast %parallel_loop3A_509 : i32 to vector<16xi32>
        %parallel_loop3A_511 = arith.addi %parallel_loop3A_510, %iota3A : vector<16xi32>
        %parallel_loop3A_512 = arith.constant 15 : i32
        %parallel_loop3A_513 = vector.broadcast %parallel_loop3A_512 : i32 to vector<16xi32>
        %parallel_loop3A_514 = arith.cmpi eq, %iota3A, %parallel_loop3A_513 : vector<16xi32>
        tpu.vector_store_idx %arg7[%parallel_loop3A_511], %parallel_loop3A_488 masked %parallel_loop3A_514 : memref<25536xf32, #tpu.memory_space<vmem>>[vector<16xi32>], vector<16xf32>, vector<16xi1>
      } {sc.loop_unroll_factor = 2 : i64, sc.parallel_access}
      %scan3A_193 = arith.constant 0 : i32
      %scan3A_194 = arith.constant 0 : i32
      %scan3A_195 = arith.constant 4 : i32
      %scan3A_196 = arith.addi %scan3A_194, %scan3A_195 : i32
      %scan3A_197 = arith.constant 1 : i32
      %scan3A_198 = scf.for %scan3A_201 = %scan3A_194 to %scan3A_196 step %scan3A_197 iter_args(%scan3A_202 = %scan3A_193) -> (i32)  : i32 {
        %jit3A_203 = arith.constant 2 : i32
        %eq3A_204 = arith.constant 0 : i32
        %eq3A_205 = arith.cmpi eq, %jit3A_203, %eq3A_204 : i32
        %jit3A_206 = arith.constant 1 : i32
        %select_n3A_207 = arith.select %eq3A_205, %jit3A_206, %jit3A_203 : i32
        %rem3A_208 = arith.remsi %scan3A_201, %select_n3A_207 : i32
        %ne3A_209 = arith.constant 0 : i32
        %ne3A_210 = arith.cmpi ne, %rem3A_208, %ne3A_209 : i32
        %lt3A_211 = arith.constant 0 : i32
        %lt3A_212 = arith.cmpi slt, %rem3A_208, %lt3A_211 : i32
        %lt3A_213 = arith.constant 0 : i32
        %lt3A_214 = arith.cmpi slt, %select_n3A_207, %lt3A_213 : i32
        %ne3A_215 = arith.xori %lt3A_212, %lt3A_214 : i1
        %and3A_216 = arith.andi %ne3A_215, %ne3A_210 : i1
        %add3A_217 = arith.addi %rem3A_208, %select_n3A_207 : i32
        %select_n3A_218 = arith.select %and3A_216, %add3A_217, %rem3A_208 : i32
        %add3A_219 = arith.constant 1 : i32
        %add3A_220 = arith.addi %scan3A_201, %add3A_219 : i32
        %lt3A_221 = arith.constant 4 : i32
        %lt3A_222 = arith.cmpi slt, %add3A_220, %lt3A_221 : i32
        %eq3A_223 = arith.constant 0 : i32
        %eq3A_224 = arith.cmpi eq, %select_n3A_218, %eq3A_223 : i32
        %and3A_225 = arith.andi %lt3A_222, %eq3A_224 : i1
        %convert_element_type3A_226 = arith.extui %and3A_225 : i1 to i32
        %cond3A_227 = arith.constant 0 : i32
        %cond3A_228 = arith.cmpi ne, %convert_element_type3A_226, %cond3A_227 : i32
        scf.if %cond3A_228 {
          %add3A_308 = arith.constant 1 : i32
          %add3A_309 = arith.addi %scan3A_201, %add3A_308 : i32
          %mul3A_310 = arith.constant 4 : i32
          %mul3A_311 = arith.muli %select_n3A_129, %mul3A_310 : i32
          %add3A_312 = arith.addi %mul3A_311, %add3A_309 : i32
          %mul3A_313 = arith.constant 12544 : i32
          %mul3A_314 = arith.muli %add3A_312, %mul3A_313 : i32
          %dma_start3A_315 = arith.constant 12544 : i32
          %dma_start3A_316 = tpu.memref_slice %arg6[%dma_start3A_315] : memref<25088xi32, #tpu.memory_space<vmem>> -> memref<12544xi32, #tpu.memory_space<vmem>>
          %dma_start3A_317 = tpu.memref_slice %arg3[%mul3A_314] : memref<401408xi32, #tpu.memory_space<hbm>> -> memref<12544xi32, #tpu.memory_space<hbm>>
          %dma_start3A_318 = arith.constant 12544 : i32
          %dma_start3A_319 = tpu.memref_slice %arg6[%dma_start3A_318] : memref<25088xi32, #tpu.memory_space<vmem>> -> memref<12544xi32, #tpu.memory_space<vmem>>
          %dma_start3A_320 = tpu.memref_slice %arg3[%mul3A_314] : memref<401408xi32, #tpu.memory_space<hbm>> -> memref<12544xi32, #tpu.memory_space<hbm>>
          tpu.enqueue_dma source(%dma_start3A_320 : memref<12544xi32, #tpu.memory_space<hbm>>) target(%dma_start3A_319 : memref<12544xi32, #tpu.memory_space<vmem>>) target_semaphore(%arg12 : memref<!tpu.dma_semaphore, #tpu.memory_space<semaphore_mem>>)
        } else {
        }
        %add3A_229 = arith.constant 1 : i32
        %add3A_230 = arith.addi %scan3A_201, %add3A_229 : i32
        %lt3A_231 = arith.constant 4 : i32
        %lt3A_232 = arith.cmpi slt, %add3A_230, %lt3A_231 : i32
        %eq3A_233 = arith.constant 1 : i32
        %eq3A_234 = arith.cmpi eq, %select_n3A_218, %eq3A_233 : i32
        %and3A_235 = arith.andi %lt3A_232, %eq3A_234 : i1
        %convert_element_type3A_236 = arith.extui %and3A_235 : i1 to i32
        %cond3A_237 = arith.constant 0 : i32
        %cond3A_238 = arith.cmpi ne, %convert_element_type3A_236, %cond3A_237 : i32
        scf.if %cond3A_238 {
          %add3A_308 = arith.constant 1 : i32
          %add3A_309 = arith.addi %scan3A_201, %add3A_308 : i32
          %mul3A_310 = arith.constant 4 : i32
          %mul3A_311 = arith.muli %select_n3A_129, %mul3A_310 : i32
          %add3A_312 = arith.addi %mul3A_311, %add3A_309 : i32
          %mul3A_313 = arith.constant 12544 : i32
          %mul3A_314 = arith.muli %add3A_312, %mul3A_313 : i32
          %dma_start3A_315 = arith.constant 0 : i32
          %dma_start3A_316 = tpu.memref_slice %arg6[%dma_start3A_315] : memref<25088xi32, #tpu.memory_space<vmem>> -> memref<12544xi32, #tpu.memory_space<vmem>>
          %dma_start3A_317 = tpu.memref_slice %arg3[%mul3A_314] : memref<401408xi32, #tpu.memory_space<hbm>> -> memref<12544xi32, #tpu.memory_space<hbm>>
          %dma_start3A_318 = arith.constant 0 : i32
          %dma_start3A_319 = tpu.memref_slice %arg6[%dma_start3A_318] : memref<25088xi32, #tpu.memory_space<vmem>> -> memref<12544xi32, #tpu.memory_space<vmem>>
          %dma_start3A_320 = tpu.memref_slice %arg3[%mul3A_314] : memref<401408xi32, #tpu.memory_space<hbm>> -> memref<12544xi32, #tpu.memory_space<hbm>>
          tpu.enqueue_dma source(%dma_start3A_320 : memref<12544xi32, #tpu.memory_space<hbm>>) target(%dma_start3A_319 : memref<12544xi32, #tpu.memory_space<vmem>>) target_semaphore(%arg11 : memref<!tpu.dma_semaphore, #tpu.memory_space<semaphore_mem>>)
        } else {
        }
        %eq3A_239 = arith.constant 0 : i32
        %eq3A_240 = arith.cmpi eq, %select_n3A_218, %eq3A_239 : i32
        %convert_element_type3A_241 = arith.extui %eq3A_240 : i1 to i32
        %cond3A_242 = arith.constant 0 : i32
        %cond3A_243 = arith.cmpi ne, %convert_element_type3A_241, %cond3A_242 : i32
        scf.if %cond3A_243 {
          %mul3A_308 = arith.constant 4 : i32
          %mul3A_309 = arith.muli %select_n3A_129, %mul3A_308 : i32
          %add3A_310 = arith.addi %mul3A_309, %scan3A_201 : i32
          %mul3A_311 = arith.constant 12544 : i32
          %mul3A_312 = arith.muli %add3A_310, %mul3A_311 : i32
          %dma_wait3A = arith.constant 0 : i32
          %dma_wait3A_313 = tpu.memref_slice %arg6[%dma_wait3A] : memref<25088xi32, #tpu.memory_space<vmem>> -> memref<12544xi32, #tpu.memory_space<vmem>>
          %dma_wait3A_314 = tpu.memref_slice %arg3[%mul3A_312] : memref<401408xi32, #tpu.memory_space<hbm>> -> memref<12544xi32, #tpu.memory_space<hbm>>
          %dma_wait3A_315 = arith.constant 0 : i32
          %dma_wait3A_316 = tpu.memref_slice %arg6[%dma_wait3A_315] : memref<25088xi32, #tpu.memory_space<vmem>> -> memref<12544xi32, #tpu.memory_space<vmem>>
          %dma_wait3A_317 = tpu.memref_slice %arg3[%mul3A_312] : memref<401408xi32, #tpu.memory_space<hbm>> -> memref<12544xi32, #tpu.memory_space<hbm>>
          tpu.wait_dma2 semaphore(%arg11 : memref<!tpu.dma_semaphore, #tpu.memory_space<semaphore_mem>>) src(%dma_wait3A_317 : memref<12544xi32, #tpu.memory_space<hbm>>) dst(%dma_wait3A_316 : memref<12544xi32, #tpu.memory_space<vmem>>)
        } else {
        }
        %eq3A_244 = arith.constant 1 : i32
        %eq3A_245 = arith.cmpi eq, %select_n3A_218, %eq3A_244 : i32
        %convert_element_type3A_246 = arith.extui %eq3A_245 : i1 to i32
        %cond3A_247 = arith.constant 0 : i32
        %cond3A_248 = arith.cmpi ne, %convert_element_type3A_246, %cond3A_247 : i32
        scf.if %cond3A_248 {
          %mul3A_308 = arith.constant 4 : i32
          %mul3A_309 = arith.muli %select_n3A_129, %mul3A_308 : i32
          %add3A_310 = arith.addi %mul3A_309, %scan3A_201 : i32
          %mul3A_311 = arith.constant 12544 : i32
          %mul3A_312 = arith.muli %add3A_310, %mul3A_311 : i32
          %dma_wait3A = arith.constant 12544 : i32
          %dma_wait3A_313 = tpu.memref_slice %arg6[%dma_wait3A] : memref<25088xi32, #tpu.memory_space<vmem>> -> memref<12544xi32, #tpu.memory_space<vmem>>
          %dma_wait3A_314 = tpu.memref_slice %arg3[%mul3A_312] : memref<401408xi32, #tpu.memory_space<hbm>> -> memref<12544xi32, #tpu.memory_space<hbm>>
          %dma_wait3A_315 = arith.constant 12544 : i32
          %dma_wait3A_316 = tpu.memref_slice %arg6[%dma_wait3A_315] : memref<25088xi32, #tpu.memory_space<vmem>> -> memref<12544xi32, #tpu.memory_space<vmem>>
          %dma_wait3A_317 = tpu.memref_slice %arg3[%mul3A_312] : memref<401408xi32, #tpu.memory_space<hbm>> -> memref<12544xi32, #tpu.memory_space<hbm>>
          tpu.wait_dma2 semaphore(%arg12 : memref<!tpu.dma_semaphore, #tpu.memory_space<semaphore_mem>>) src(%dma_wait3A_317 : memref<12544xi32, #tpu.memory_space<hbm>>) dst(%dma_wait3A_316 : memref<12544xi32, #tpu.memory_space<vmem>>)
        } else {
        }
        %mul3A_249 = arith.constant 12544 : i32
        %mul3A_250 = arith.muli %select_n3A_218, %mul3A_249 : i32
        %jit3A_251 = arith.constant 2 : i32
        %div3A_252 = arith.divsi %scan3A_201, %jit3A_251 : i32
        %sign3A_253 = arith.constant 0 : i32
        %sign3A_254 = arith.cmpi sgt, %scan3A_201, %sign3A_253 : i32
        %sign3A_255 = arith.extui %sign3A_254 : i1 to i32
        %sign3A_256 = arith.constant 0 : i32
        %sign3A_257 = arith.cmpi slt, %scan3A_201, %sign3A_256 : i32
        %sign3A_258 = arith.extui %sign3A_257 : i1 to i32
        %sign3A_259 = arith.subi %sign3A_255, %sign3A_258 : i32
        %sign3A_260 = arith.constant 0 : i32
        %sign3A_261 = arith.cmpi sgt, %jit3A_251, %sign3A_260 : i32
        %sign3A_262 = arith.extui %sign3A_261 : i1 to i32
        %sign3A_263 = arith.constant 0 : i32
        %sign3A_264 = arith.cmpi slt, %jit3A_251, %sign3A_263 : i32
        %sign3A_265 = arith.extui %sign3A_264 : i1 to i32
        %sign3A_266 = arith.subi %sign3A_262, %sign3A_265 : i32
        %ne3A_267 = arith.cmpi ne, %sign3A_259, %sign3A_266 : i32
        %rem3A_268 = arith.remsi %scan3A_201, %jit3A_251 : i32
        %ne3A_269 = arith.constant 0 : i32
        %ne3A_270 = arith.cmpi ne, %rem3A_268, %ne3A_269 : i32
        %and3A_271 = arith.andi %ne3A_267, %ne3A_270 : i1
        %sub3A_272 = arith.constant 1 : i32
        %sub3A_273 = arith.subi %div3A_252, %sub3A_272 : i32
        %select_n3A_274 = arith.select %and3A_271, %sub3A_273, %div3A_252 : i32
        %mul3A_275 = arith.constant 12768 : i32
        %mul3A_276 = arith.muli %select_n3A_274, %mul3A_275 : i32
        %jit3A_277 = arith.constant 2 : i32
        %eq3A_278 = arith.constant 0 : i32
        %eq3A_279 = arith.cmpi eq, %jit3A_277, %eq3A_278 : i32
        %jit3A_280 = arith.constant 1 : i32
        %select_n3A_281 = arith.select %eq3A_279, %jit3A_280, %jit3A_277 : i32
        %rem3A_282 = arith.remsi %scan3A_201, %select_n3A_281 : i32
        %ne3A_283 = arith.constant 0 : i32
        %ne3A_284 = arith.cmpi ne, %rem3A_282, %ne3A_283 : i32
        %lt3A_285 = arith.constant 0 : i32
        %lt3A_286 = arith.cmpi slt, %rem3A_282, %lt3A_285 : i32
        %lt3A_287 = arith.constant 0 : i32
        %lt3A_288 = arith.cmpi slt, %select_n3A_281, %lt3A_287 : i32
        %ne3A_289 = arith.xori %lt3A_286, %lt3A_288 : i1
        %and3A_290 = arith.andi %ne3A_289, %ne3A_284 : i1
        %add3A_291 = arith.addi %rem3A_282, %select_n3A_281 : i32
        %select_n3A_292 = arith.select %and3A_290, %add3A_291, %rem3A_282 : i32
        %mul3A_293 = arith.constant 2 : i32
        %mul3A_294 = arith.muli %select_n3A_292, %mul3A_293 : i32
        %add3A_295 = arith.constant 8192 : i32
        %add3A_296 = arith.addi %select_n3A_136, %add3A_295 : i32
        %convert_element_type3A_297 = arith.sitofp %add3A_296 : i32 to f32
        %add3A_298 = arith.constant 5.120000e+02 : f32
        %add3A_299 = arith.addf %convert_element_type3A_297, %add3A_298 : f32
        %convert_element_type3A_300 = arith.sitofp %select_n3A_136 : i32 to f32
        %add3A_301 = arith.constant 5.120000e+02 : f32
        %add3A_302 = arith.addf %convert_element_type3A_300, %add3A_301 : f32
        %parallel_loop3A_303 = arith.constant 0 : i32
        %parallel_loop3A_304 = arith.constant 112 : i32
        %parallel_loop3A_305 = arith.constant 1 : i32
        %parallel_loop3A_306 = arith.constant 3.583500e+03 : f32
        scf.for %parallel_loop3A_308 = %parallel_loop3A_303 to %parallel_loop3A_304 step %parallel_loop3A_305  : i32 {
          %parallel_loop3A_309 = arith.constant 114 : i32
          %parallel_loop3A_310 = arith.muli %parallel_loop3A_308, %parallel_loop3A_309 : i32
          %parallel_loop3A_311 = arith.addi %mul3A_276, %parallel_loop3A_310 : i32
          %parallel_loop3A_312 = arith.constant 112 : i32
          %parallel_loop3A_313 = arith.muli %parallel_loop3A_308, %parallel_loop3A_312 : i32
          %parallel_loop3A_314 = arith.addi %mul3A_250, %parallel_loop3A_313 : i32
          %parallel_loop3A_315 = arith.constant 1 : i32
          %parallel_loop3A_316 = arith.addi %parallel_loop3A_311, %parallel_loop3A_315 : i32
          %parallel_loop3A_317 = arith.constant 0 : i32
          %parallel_loop3A_318 = arith.addi %parallel_loop3A_316, %parallel_loop3A_317 : i32
          %parallel_loop3A_319 = arith.index_cast %parallel_loop3A_318 : i32 to index
          %parallel_loop3A_320 = tpu.vector_load %arg7[%parallel_loop3A_319] {strides = array<i32>} : memref<25536xf32, #tpu.memory_space<vmem>>, vector<16xf32>,
          %parallel_loop3A_321 = arith.addi %parallel_loop3A_311, %mul3A_294 : i32
          %parallel_loop3A_322 = arith.constant 0 : i32
          %parallel_loop3A_323 = arith.addi %parallel_loop3A_321, %parallel_loop3A_322 : i32
          %parallel_loop3A_324 = arith.index_cast %parallel_loop3A_323 : i32 to index
          %parallel_loop3A_325 = tpu.vector_load %arg7[%parallel_loop3A_324] {strides = array<i32>} : memref<25536xf32, #tpu.memory_space<vmem>>, vector<16xf32>,
          %parallel_loop3A_326 = arith.constant 7.500000e-01 : f32
          %parallel_loop3A_327 = vector.broadcast %parallel_loop3A_326 : f32 to vector<16xf32>
          %parallel_loop3A_328 = arith.mulf %parallel_loop3A_327, %parallel_loop3A_320 : vector<16xf32>
          %parallel_loop3A_329 = arith.constant 2.500000e-01 : f32
          %parallel_loop3A_330 = vector.broadcast %parallel_loop3A_329 : f32 to vector<16xf32>
          %parallel_loop3A_331 = arith.mulf %parallel_loop3A_330, %parallel_loop3A_325 : vector<16xf32>
          %parallel_loop3A_332 = arith.addf %parallel_loop3A_328, %parallel_loop3A_331 : vector<16xf32>
          %parallel_loop3A_333 = arith.constant 0 : i32
          %parallel_loop3A_334 = arith.addi %parallel_loop3A_314, %parallel_loop3A_333 : i32
          %parallel_loop3A_335 = arith.index_cast %parallel_loop3A_334 : i32 to index
          %parallel_loop3A_336 = tpu.vector_load %arg6[%parallel_loop3A_335] {strides = array<i32>} : memref<25088xi32, #tpu.memory_space<vmem>>, vector<16xi32>,
          %parallel_loop3A_337 = vector.broadcast %sub3A_132 : i32 to vector<16xi32>
          %parallel_loop3A_338 = arith.cmpi eq, %parallel_loop3A_336, %parallel_loop3A_337 : vector<16xi32>
          %parallel_loop3A_339 = arith.constant 0.000000e+00 : f32
          %parallel_loop3A_340 = vector.broadcast %parallel_loop3A_339 : f32 to vector<16xf32>
          %parallel_loop3A_341 = arith.subf %parallel_loop3A_340, %parallel_loop3A_332 : vector<16xf32>
          %parallel_loop3A_342 = arith.select %parallel_loop3A_338, %parallel_loop3A_341, %parallel_loop3A_332 : vector<16xi1>, vector<16xf32>
          %parallel_loop3A_343 = vector.broadcast %parallel_loop3A_306 : f32 to vector<16xf32>
          %parallel_loop3A_344 = arith.minimumf %parallel_loop3A_342, %parallel_loop3A_343 : vector<16xf32>
          %parallel_loop3A_345 = arith.constant -5.120000e+02 : f32
          %parallel_loop3A_346 = vector.broadcast %parallel_loop3A_345 : f32 to vector<16xf32>
          %parallel_loop3A_347 = arith.cmpf ogt, %parallel_loop3A_344, %parallel_loop3A_346 : vector<16xf32>
          %parallel_loop3A_348 = vector.broadcast %add3A_299 : f32 to vector<16xf32>
          %parallel_loop3A_349 = vector.broadcast %add3A_302 : f32 to vector<16xf32>
          %parallel_loop3A_350 = arith.select %parallel_loop3A_338, %parallel_loop3A_348, %parallel_loop3A_349 : vector<16xi1>, vector<16xf32>
          %parallel_loop3A_351 = arith.addf %parallel_loop3A_344, %parallel_loop3A_350 : vector<16xf32>
          %parallel_loop3A_352 = arith.fptosi %parallel_loop3A_351 : vector<16xf32> to vector<16xi32>
          tpu.vector_store_idx %arg8[%parallel_loop3A_352], %broadcast_in_dim3A_74 masked %parallel_loop3A_347 {add = true} : memref<16384xf32, #tpu.memory_space<vmem>>[vector<16xi32>], vector<16xf32>, vector<16xi1>
          %parallel_loop3A_353 = arith.constant 1 : i32
          %parallel_loop3A_354 = arith.addi %parallel_loop3A_311, %parallel_loop3A_353 : i32
          %parallel_loop3A_355 = arith.constant 16 : i32
          %parallel_loop3A_356 = arith.addi %parallel_loop3A_354, %parallel_loop3A_355 : i32
          %parallel_loop3A_357 = arith.index_cast %parallel_loop3A_356 : i32 to index
          %parallel_loop3A_358 = tpu.vector_load %arg7[%parallel_loop3A_357] {strides = array<i32>} : memref<25536xf32, #tpu.memory_space<vmem>>, vector<16xf32>,
          %parallel_loop3A_359 = arith.addi %parallel_loop3A_311, %mul3A_294 : i32
          %parallel_loop3A_360 = arith.constant 16 : i32
          %parallel_loop3A_361 = arith.addi %parallel_loop3A_359, %parallel_loop3A_360 : i32
          %parallel_loop3A_362 = arith.index_cast %parallel_loop3A_361 : i32 to index
          %parallel_loop3A_363 = tpu.vector_load %arg7[%parallel_loop3A_362] {strides = array<i32>} : memref<25536xf32, #tpu.memory_space<vmem>>, vector<16xf32>,
          %parallel_loop3A_364 = arith.constant 7.500000e-01 : f32
          %parallel_loop3A_365 = vector.broadcast %parallel_loop3A_364 : f32 to vector<16xf32>
          %parallel_loop3A_366 = arith.mulf %parallel_loop3A_365, %parallel_loop3A_358 : vector<16xf32>
          %parallel_loop3A_367 = arith.constant 2.500000e-01 : f32
          %parallel_loop3A_368 = vector.broadcast %parallel_loop3A_367 : f32 to vector<16xf32>
          %parallel_loop3A_369 = arith.mulf %parallel_loop3A_368, %parallel_loop3A_363 : vector<16xf32>
          %parallel_loop3A_370 = arith.addf %parallel_loop3A_366, %parallel_loop3A_369 : vector<16xf32>
          %parallel_loop3A_371 = arith.constant 16 : i32
          %parallel_loop3A_372 = arith.addi %parallel_loop3A_314, %parallel_loop3A_371 : i32
          %parallel_loop3A_373 = arith.index_cast %parallel_loop3A_372 : i32 to index
          %parallel_loop3A_374 = tpu.vector_load %arg6[%parallel_loop3A_373] {strides = array<i32>} : memref<25088xi32, #tpu.memory_space<vmem>>, vector<16xi32>,
          %parallel_loop3A_375 = vector.broadcast %sub3A_132 : i32 to vector<16xi32>
          %parallel_loop3A_376 = arith.cmpi eq, %parallel_loop3A_374, %parallel_loop3A_375 : vector<16xi32>
          %parallel_loop3A_377 = arith.constant 0.000000e+00 : f32
          %parallel_loop3A_378 = vector.broadcast %parallel_loop3A_377 : f32 to vector<16xf32>
          %parallel_loop3A_379 = arith.subf %parallel_loop3A_378, %parallel_loop3A_370 : vector<16xf32>
          %parallel_loop3A_380 = arith.select %parallel_loop3A_376, %parallel_loop3A_379, %parallel_loop3A_370 : vector<16xi1>, vector<16xf32>
          %parallel_loop3A_381 = vector.broadcast %parallel_loop3A_306 : f32 to vector<16xf32>
          %parallel_loop3A_382 = arith.minimumf %parallel_loop3A_380, %parallel_loop3A_381 : vector<16xf32>
          %parallel_loop3A_383 = arith.constant -5.120000e+02 : f32
          %parallel_loop3A_384 = vector.broadcast %parallel_loop3A_383 : f32 to vector<16xf32>
          %parallel_loop3A_385 = arith.cmpf ogt, %parallel_loop3A_382, %parallel_loop3A_384 : vector<16xf32>
          %parallel_loop3A_386 = vector.broadcast %add3A_299 : f32 to vector<16xf32>
          %parallel_loop3A_387 = vector.broadcast %add3A_302 : f32 to vector<16xf32>
          %parallel_loop3A_388 = arith.select %parallel_loop3A_376, %parallel_loop3A_386, %parallel_loop3A_387 : vector<16xi1>, vector<16xf32>
          %parallel_loop3A_389 = arith.addf %parallel_loop3A_382, %parallel_loop3A_388 : vector<16xf32>
          %parallel_loop3A_390 = arith.fptosi %parallel_loop3A_389 : vector<16xf32> to vector<16xi32>
          tpu.vector_store_idx %arg8[%parallel_loop3A_390], %broadcast_in_dim3A_74 masked %parallel_loop3A_385 {add = true} : memref<16384xf32, #tpu.memory_space<vmem>>[vector<16xi32>], vector<16xf32>, vector<16xi1>
          %parallel_loop3A_391 = arith.constant 1 : i32
          %parallel_loop3A_392 = arith.addi %parallel_loop3A_311, %parallel_loop3A_391 : i32
          %parallel_loop3A_393 = arith.constant 32 : i32
          %parallel_loop3A_394 = arith.addi %parallel_loop3A_392, %parallel_loop3A_393 : i32
          %parallel_loop3A_395 = arith.index_cast %parallel_loop3A_394 : i32 to index
          %parallel_loop3A_396 = tpu.vector_load %arg7[%parallel_loop3A_395] {strides = array<i32>} : memref<25536xf32, #tpu.memory_space<vmem>>, vector<16xf32>,
          %parallel_loop3A_397 = arith.addi %parallel_loop3A_311, %mul3A_294 : i32
          %parallel_loop3A_398 = arith.constant 32 : i32
          %parallel_loop3A_399 = arith.addi %parallel_loop3A_397, %parallel_loop3A_398 : i32
          %parallel_loop3A_400 = arith.index_cast %parallel_loop3A_399 : i32 to index
          %parallel_loop3A_401 = tpu.vector_load %arg7[%parallel_loop3A_400] {strides = array<i32>} : memref<25536xf32, #tpu.memory_space<vmem>>, vector<16xf32>,
          %parallel_loop3A_402 = arith.constant 7.500000e-01 : f32
          %parallel_loop3A_403 = vector.broadcast %parallel_loop3A_402 : f32 to vector<16xf32>
          %parallel_loop3A_404 = arith.mulf %parallel_loop3A_403, %parallel_loop3A_396 : vector<16xf32>
          %parallel_loop3A_405 = arith.constant 2.500000e-01 : f32
          %parallel_loop3A_406 = vector.broadcast %parallel_loop3A_405 : f32 to vector<16xf32>
          %parallel_loop3A_407 = arith.mulf %parallel_loop3A_406, %parallel_loop3A_401 : vector<16xf32>
          %parallel_loop3A_408 = arith.addf %parallel_loop3A_404, %parallel_loop3A_407 : vector<16xf32>
          %parallel_loop3A_409 = arith.constant 32 : i32
          %parallel_loop3A_410 = arith.addi %parallel_loop3A_314, %parallel_loop3A_409 : i32
          %parallel_loop3A_411 = arith.index_cast %parallel_loop3A_410 : i32 to index
          %parallel_loop3A_412 = tpu.vector_load %arg6[%parallel_loop3A_411] {strides = array<i32>} : memref<25088xi32, #tpu.memory_space<vmem>>, vector<16xi32>,
          %parallel_loop3A_413 = vector.broadcast %sub3A_132 : i32 to vector<16xi32>
          %parallel_loop3A_414 = arith.cmpi eq, %parallel_loop3A_412, %parallel_loop3A_413 : vector<16xi32>
          %parallel_loop3A_415 = arith.constant 0.000000e+00 : f32
          %parallel_loop3A_416 = vector.broadcast %parallel_loop3A_415 : f32 to vector<16xf32>
          %parallel_loop3A_417 = arith.subf %parallel_loop3A_416, %parallel_loop3A_408 : vector<16xf32>
          %parallel_loop3A_418 = arith.select %parallel_loop3A_414, %parallel_loop3A_417, %parallel_loop3A_408 : vector<16xi1>, vector<16xf32>
          %parallel_loop3A_419 = vector.broadcast %parallel_loop3A_306 : f32 to vector<16xf32>
          %parallel_loop3A_420 = arith.minimumf %parallel_loop3A_418, %parallel_loop3A_419 : vector<16xf32>
          %parallel_loop3A_421 = arith.constant -5.120000e+02 : f32
          %parallel_loop3A_422 = vector.broadcast %parallel_loop3A_421 : f32 to vector<16xf32>
          %parallel_loop3A_423 = arith.cmpf ogt, %parallel_loop3A_420, %parallel_loop3A_422 : vector<16xf32>
          %parallel_loop3A_424 = vector.broadcast %add3A_299 : f32 to vector<16xf32>
          %parallel_loop3A_425 = vector.broadcast %add3A_302 : f32 to vector<16xf32>
          %parallel_loop3A_426 = arith.select %parallel_loop3A_414, %parallel_loop3A_424, %parallel_loop3A_425 : vector<16xi1>, vector<16xf32>
          %parallel_loop3A_427 = arith.addf %parallel_loop3A_420, %parallel_loop3A_426 : vector<16xf32>
          %parallel_loop3A_428 = arith.fptosi %parallel_loop3A_427 : vector<16xf32> to vector<16xi32>
          tpu.vector_store_idx %arg8[%parallel_loop3A_428], %broadcast_in_dim3A_74 masked %parallel_loop3A_423 {add = true} : memref<16384xf32, #tpu.memory_space<vmem>>[vector<16xi32>], vector<16xf32>, vector<16xi1>
          %parallel_loop3A_429 = arith.constant 1 : i32
          %parallel_loop3A_430 = arith.addi %parallel_loop3A_311, %parallel_loop3A_429 : i32
          %parallel_loop3A_431 = arith.constant 48 : i32
          %parallel_loop3A_432 = arith.addi %parallel_loop3A_430, %parallel_loop3A_431 : i32
          %parallel_loop3A_433 = arith.index_cast %parallel_loop3A_432 : i32 to index
          %parallel_loop3A_434 = tpu.vector_load %arg7[%parallel_loop3A_433] {strides = array<i32>} : memref<25536xf32, #tpu.memory_space<vmem>>, vector<16xf32>,
          %parallel_loop3A_435 = arith.addi %parallel_loop3A_311, %mul3A_294 : i32
          %parallel_loop3A_436 = arith.constant 48 : i32
          %parallel_loop3A_437 = arith.addi %parallel_loop3A_435, %parallel_loop3A_436 : i32
          %parallel_loop3A_438 = arith.index_cast %parallel_loop3A_437 : i32 to index
          %parallel_loop3A_439 = tpu.vector_load %arg7[%parallel_loop3A_438] {strides = array<i32>} : memref<25536xf32, #tpu.memory_space<vmem>>, vector<16xf32>,
          %parallel_loop3A_440 = arith.constant 7.500000e-01 : f32
          %parallel_loop3A_441 = vector.broadcast %parallel_loop3A_440 : f32 to vector<16xf32>
          %parallel_loop3A_442 = arith.mulf %parallel_loop3A_441, %parallel_loop3A_434 : vector<16xf32>
          %parallel_loop3A_443 = arith.constant 2.500000e-01 : f32
          %parallel_loop3A_444 = vector.broadcast %parallel_loop3A_443 : f32 to vector<16xf32>
          %parallel_loop3A_445 = arith.mulf %parallel_loop3A_444, %parallel_loop3A_439 : vector<16xf32>
          %parallel_loop3A_446 = arith.addf %parallel_loop3A_442, %parallel_loop3A_445 : vector<16xf32>
          %parallel_loop3A_447 = arith.constant 48 : i32
          %parallel_loop3A_448 = arith.addi %parallel_loop3A_314, %parallel_loop3A_447 : i32
          %parallel_loop3A_449 = arith.index_cast %parallel_loop3A_448 : i32 to index
          %parallel_loop3A_450 = tpu.vector_load %arg6[%parallel_loop3A_449] {strides = array<i32>} : memref<25088xi32, #tpu.memory_space<vmem>>, vector<16xi32>,
          %parallel_loop3A_451 = vector.broadcast %sub3A_132 : i32 to vector<16xi32>
          %parallel_loop3A_452 = arith.cmpi eq, %parallel_loop3A_450, %parallel_loop3A_451 : vector<16xi32>
          %parallel_loop3A_453 = arith.constant 0.000000e+00 : f32
          %parallel_loop3A_454 = vector.broadcast %parallel_loop3A_453 : f32 to vector<16xf32>
          %parallel_loop3A_455 = arith.subf %parallel_loop3A_454, %parallel_loop3A_446 : vector<16xf32>
          %parallel_loop3A_456 = arith.select %parallel_loop3A_452, %parallel_loop3A_455, %parallel_loop3A_446 : vector<16xi1>, vector<16xf32>
          %parallel_loop3A_457 = vector.broadcast %parallel_loop3A_306 : f32 to vector<16xf32>
          %parallel_loop3A_458 = arith.minimumf %parallel_loop3A_456, %parallel_loop3A_457 : vector<16xf32>
          %parallel_loop3A_459 = arith.constant -5.120000e+02 : f32
          %parallel_loop3A_460 = vector.broadcast %parallel_loop3A_459 : f32 to vector<16xf32>
          %parallel_loop3A_461 = arith.cmpf ogt, %parallel_loop3A_458, %parallel_loop3A_460 : vector<16xf32>
          %parallel_loop3A_462 = vector.broadcast %add3A_299 : f32 to vector<16xf32>
          %parallel_loop3A_463 = vector.broadcast %add3A_302 : f32 to vector<16xf32>
          %parallel_loop3A_464 = arith.select %parallel_loop3A_452, %parallel_loop3A_462, %parallel_loop3A_463 : vector<16xi1>, vector<16xf32>
          %parallel_loop3A_465 = arith.addf %parallel_loop3A_458, %parallel_loop3A_464 : vector<16xf32>
          %parallel_loop3A_466 = arith.fptosi %parallel_loop3A_465 : vector<16xf32> to vector<16xi32>
          tpu.vector_store_idx %arg8[%parallel_loop3A_466], %broadcast_in_dim3A_74 masked %parallel_loop3A_461 {add = true} : memref<16384xf32, #tpu.memory_space<vmem>>[vector<16xi32>], vector<16xf32>, vector<16xi1>
          %parallel_loop3A_467 = arith.constant 1 : i32
          %parallel_loop3A_468 = arith.addi %parallel_loop3A_311, %parallel_loop3A_467 : i32
          %parallel_loop3A_469 = arith.constant 64 : i32
          %parallel_loop3A_470 = arith.addi %parallel_loop3A_468, %parallel_loop3A_469 : i32
          %parallel_loop3A_471 = arith.index_cast %parallel_loop3A_470 : i32 to index
          %parallel_loop3A_472 = tpu.vector_load %arg7[%parallel_loop3A_471] {strides = array<i32>} : memref<25536xf32, #tpu.memory_space<vmem>>, vector<16xf32>,
          %parallel_loop3A_473 = arith.addi %parallel_loop3A_311, %mul3A_294 : i32
          %parallel_loop3A_474 = arith.constant 64 : i32
          %parallel_loop3A_475 = arith.addi %parallel_loop3A_473, %parallel_loop3A_474 : i32
          %parallel_loop3A_476 = arith.index_cast %parallel_loop3A_475 : i32 to index
          %parallel_loop3A_477 = tpu.vector_load %arg7[%parallel_loop3A_476] {strides = array<i32>} : memref<25536xf32, #tpu.memory_space<vmem>>, vector<16xf32>,
          %parallel_loop3A_478 = arith.constant 7.500000e-01 : f32
          %parallel_loop3A_479 = vector.broadcast %parallel_loop3A_478 : f32 to vector<16xf32>
          %parallel_loop3A_480 = arith.mulf %parallel_loop3A_479, %parallel_loop3A_472 : vector<16xf32>
          %parallel_loop3A_481 = arith.constant 2.500000e-01 : f32
          %parallel_loop3A_482 = vector.broadcast %parallel_loop3A_481 : f32 to vector<16xf32>
          %parallel_loop3A_483 = arith.mulf %parallel_loop3A_482, %parallel_loop3A_477 : vector<16xf32>
          %parallel_loop3A_484 = arith.addf %parallel_loop3A_480, %parallel_loop3A_483 : vector<16xf32>
          %parallel_loop3A_485 = arith.constant 64 : i32
          %parallel_loop3A_486 = arith.addi %parallel_loop3A_314, %parallel_loop3A_485 : i32
          %parallel_loop3A_487 = arith.index_cast %parallel_loop3A_486 : i32 to index
          %parallel_loop3A_488 = tpu.vector_load %arg6[%parallel_loop3A_487] {strides = array<i32>} : memref<25088xi32, #tpu.memory_space<vmem>>, vector<16xi32>,
          %parallel_loop3A_489 = vector.broadcast %sub3A_132 : i32 to vector<16xi32>
          %parallel_loop3A_490 = arith.cmpi eq, %parallel_loop3A_488, %parallel_loop3A_489 : vector<16xi32>
          %parallel_loop3A_491 = arith.constant 0.000000e+00 : f32
          %parallel_loop3A_492 = vector.broadcast %parallel_loop3A_491 : f32 to vector<16xf32>
          %parallel_loop3A_493 = arith.subf %parallel_loop3A_492, %parallel_loop3A_484 : vector<16xf32>
          %parallel_loop3A_494 = arith.select %parallel_loop3A_490, %parallel_loop3A_493, %parallel_loop3A_484 : vector<16xi1>, vector<16xf32>
          %parallel_loop3A_495 = vector.broadcast %parallel_loop3A_306 : f32 to vector<16xf32>
          %parallel_loop3A_496 = arith.minimumf %parallel_loop3A_494, %parallel_loop3A_495 : vector<16xf32>
          %parallel_loop3A_497 = arith.constant -5.120000e+02 : f32
          %parallel_loop3A_498 = vector.broadcast %parallel_loop3A_497 : f32 to vector<16xf32>
          %parallel_loop3A_499 = arith.cmpf ogt, %parallel_loop3A_496, %parallel_loop3A_498 : vector<16xf32>
          %parallel_loop3A_500 = vector.broadcast %add3A_299 : f32 to vector<16xf32>
          %parallel_loop3A_501 = vector.broadcast %add3A_302 : f32 to vector<16xf32>
          %parallel_loop3A_502 = arith.select %parallel_loop3A_490, %parallel_loop3A_500, %parallel_loop3A_501 : vector<16xi1>, vector<16xf32>
          %parallel_loop3A_503 = arith.addf %parallel_loop3A_496, %parallel_loop3A_502 : vector<16xf32>
          %parallel_loop3A_504 = arith.fptosi %parallel_loop3A_503 : vector<16xf32> to vector<16xi32>
          tpu.vector_store_idx %arg8[%parallel_loop3A_504], %broadcast_in_dim3A_74 masked %parallel_loop3A_499 {add = true} : memref<16384xf32, #tpu.memory_space<vmem>>[vector<16xi32>], vector<16xf32>, vector<16xi1>
          %parallel_loop3A_505 = arith.constant 1 : i32
          %parallel_loop3A_506 = arith.addi %parallel_loop3A_311, %parallel_loop3A_505 : i32
          %parallel_loop3A_507 = arith.constant 80 : i32
          %parallel_loop3A_508 = arith.addi %parallel_loop3A_506, %parallel_loop3A_507 : i32
          %parallel_loop3A_509 = arith.index_cast %parallel_loop3A_508 : i32 to index
          %parallel_loop3A_510 = tpu.vector_load %arg7[%parallel_loop3A_509] {strides = array<i32>} : memref<25536xf32, #tpu.memory_space<vmem>>, vector<16xf32>,
          %parallel_loop3A_511 = arith.addi %parallel_loop3A_311, %mul3A_294 : i32
          %parallel_loop3A_512 = arith.constant 80 : i32
          %parallel_loop3A_513 = arith.addi %parallel_loop3A_511, %parallel_loop3A_512 : i32
          %parallel_loop3A_514 = arith.index_cast %parallel_loop3A_513 : i32 to index
          %parallel_loop3A_515 = tpu.vector_load %arg7[%parallel_loop3A_514] {strides = array<i32>} : memref<25536xf32, #tpu.memory_space<vmem>>, vector<16xf32>,
          %parallel_loop3A_516 = arith.constant 7.500000e-01 : f32
          %parallel_loop3A_517 = vector.broadcast %parallel_loop3A_516 : f32 to vector<16xf32>
          %parallel_loop3A_518 = arith.mulf %parallel_loop3A_517, %parallel_loop3A_510 : vector<16xf32>
          %parallel_loop3A_519 = arith.constant 2.500000e-01 : f32
          %parallel_loop3A_520 = vector.broadcast %parallel_loop3A_519 : f32 to vector<16xf32>
          %parallel_loop3A_521 = arith.mulf %parallel_loop3A_520, %parallel_loop3A_515 : vector<16xf32>
          %parallel_loop3A_522 = arith.addf %parallel_loop3A_518, %parallel_loop3A_521 : vector<16xf32>
          %parallel_loop3A_523 = arith.constant 80 : i32
          %parallel_loop3A_524 = arith.addi %parallel_loop3A_314, %parallel_loop3A_523 : i32
          %parallel_loop3A_525 = arith.index_cast %parallel_loop3A_524 : i32 to index
          %parallel_loop3A_526 = tpu.vector_load %arg6[%parallel_loop3A_525] {strides = array<i32>} : memref<25088xi32, #tpu.memory_space<vmem>>, vector<16xi32>,
          %parallel_loop3A_527 = vector.broadcast %sub3A_132 : i32 to vector<16xi32>
          %parallel_loop3A_528 = arith.cmpi eq, %parallel_loop3A_526, %parallel_loop3A_527 : vector<16xi32>
          %parallel_loop3A_529 = arith.constant 0.000000e+00 : f32
          %parallel_loop3A_530 = vector.broadcast %parallel_loop3A_529 : f32 to vector<16xf32>
          %parallel_loop3A_531 = arith.subf %parallel_loop3A_530, %parallel_loop3A_522 : vector<16xf32>
          %parallel_loop3A_532 = arith.select %parallel_loop3A_528, %parallel_loop3A_531, %parallel_loop3A_522 : vector<16xi1>, vector<16xf32>
          %parallel_loop3A_533 = vector.broadcast %parallel_loop3A_306 : f32 to vector<16xf32>
          %parallel_loop3A_534 = arith.minimumf %parallel_loop3A_532, %parallel_loop3A_533 : vector<16xf32>
          %parallel_loop3A_535 = arith.constant -5.120000e+02 : f32
          %parallel_loop3A_536 = vector.broadcast %parallel_loop3A_535 : f32 to vector<16xf32>
          %parallel_loop3A_537 = arith.cmpf ogt, %parallel_loop3A_534, %parallel_loop3A_536 : vector<16xf32>
          %parallel_loop3A_538 = vector.broadcast %add3A_299 : f32 to vector<16xf32>
          %parallel_loop3A_539 = vector.broadcast %add3A_302 : f32 to vector<16xf32>
          %parallel_loop3A_540 = arith.select %parallel_loop3A_528, %parallel_loop3A_538, %parallel_loop3A_539 : vector<16xi1>, vector<16xf32>
          %parallel_loop3A_541 = arith.addf %parallel_loop3A_534, %parallel_loop3A_540 : vector<16xf32>
          %parallel_loop3A_542 = arith.fptosi %parallel_loop3A_541 : vector<16xf32> to vector<16xi32>
          tpu.vector_store_idx %arg8[%parallel_loop3A_542], %broadcast_in_dim3A_74 masked %parallel_loop3A_537 {add = true} : memref<16384xf32, #tpu.memory_space<vmem>>[vector<16xi32>], vector<16xf32>, vector<16xi1>
          %parallel_loop3A_543 = arith.constant 1 : i32
          %parallel_loop3A_544 = arith.addi %parallel_loop3A_311, %parallel_loop3A_543 : i32
          %parallel_loop3A_545 = arith.constant 96 : i32
          %parallel_loop3A_546 = arith.addi %parallel_loop3A_544, %parallel_loop3A_545 : i32
          %parallel_loop3A_547 = arith.index_cast %parallel_loop3A_546 : i32 to index
          %parallel_loop3A_548 = tpu.vector_load %arg7[%parallel_loop3A_547] {strides = array<i32>} : memref<25536xf32, #tpu.memory_space<vmem>>, vector<16xf32>,
          %parallel_loop3A_549 = arith.addi %parallel_loop3A_311, %mul3A_294 : i32
          %parallel_loop3A_550 = arith.constant 96 : i32
          %parallel_loop3A_551 = arith.addi %parallel_loop3A_549, %parallel_loop3A_550 : i32
          %parallel_loop3A_552 = arith.index_cast %parallel_loop3A_551 : i32 to index
          %parallel_loop3A_553 = tpu.vector_load %arg7[%parallel_loop3A_552] {strides = array<i32>} : memref<25536xf32, #tpu.memory_space<vmem>>, vector<16xf32>,
          %parallel_loop3A_554 = arith.constant 7.500000e-01 : f32
          %parallel_loop3A_555 = vector.broadcast %parallel_loop3A_554 : f32 to vector<16xf32>
          %parallel_loop3A_556 = arith.mulf %parallel_loop3A_555, %parallel_loop3A_548 : vector<16xf32>
          %parallel_loop3A_557 = arith.constant 2.500000e-01 : f32
          %parallel_loop3A_558 = vector.broadcast %parallel_loop3A_557 : f32 to vector<16xf32>
          %parallel_loop3A_559 = arith.mulf %parallel_loop3A_558, %parallel_loop3A_553 : vector<16xf32>
          %parallel_loop3A_560 = arith.addf %parallel_loop3A_556, %parallel_loop3A_559 : vector<16xf32>
          %parallel_loop3A_561 = arith.constant 96 : i32
          %parallel_loop3A_562 = arith.addi %parallel_loop3A_314, %parallel_loop3A_561 : i32
          %parallel_loop3A_563 = arith.index_cast %parallel_loop3A_562 : i32 to index
          %parallel_loop3A_564 = tpu.vector_load %arg6[%parallel_loop3A_563] {strides = array<i32>} : memref<25088xi32, #tpu.memory_space<vmem>>, vector<16xi32>,
          %parallel_loop3A_565 = vector.broadcast %sub3A_132 : i32 to vector<16xi32>
          %parallel_loop3A_566 = arith.cmpi eq, %parallel_loop3A_564, %parallel_loop3A_565 : vector<16xi32>
          %parallel_loop3A_567 = arith.constant 0.000000e+00 : f32
          %parallel_loop3A_568 = vector.broadcast %parallel_loop3A_567 : f32 to vector<16xf32>
          %parallel_loop3A_569 = arith.subf %parallel_loop3A_568, %parallel_loop3A_560 : vector<16xf32>
          %parallel_loop3A_570 = arith.select %parallel_loop3A_566, %parallel_loop3A_569, %parallel_loop3A_560 : vector<16xi1>, vector<16xf32>
          %parallel_loop3A_571 = vector.broadcast %parallel_loop3A_306 : f32 to vector<16xf32>
          %parallel_loop3A_572 = arith.minimumf %parallel_loop3A_570, %parallel_loop3A_571 : vector<16xf32>
          %parallel_loop3A_573 = arith.constant -5.120000e+02 : f32
          %parallel_loop3A_574 = vector.broadcast %parallel_loop3A_573 : f32 to vector<16xf32>
          %parallel_loop3A_575 = arith.cmpf ogt, %parallel_loop3A_572, %parallel_loop3A_574 : vector<16xf32>
          %parallel_loop3A_576 = vector.broadcast %add3A_299 : f32 to vector<16xf32>
          %parallel_loop3A_577 = vector.broadcast %add3A_302 : f32 to vector<16xf32>
          %parallel_loop3A_578 = arith.select %parallel_loop3A_566, %parallel_loop3A_576, %parallel_loop3A_577 : vector<16xi1>, vector<16xf32>
          %parallel_loop3A_579 = arith.addf %parallel_loop3A_572, %parallel_loop3A_578 : vector<16xf32>
          %parallel_loop3A_580 = arith.fptosi %parallel_loop3A_579 : vector<16xf32> to vector<16xi32>
          tpu.vector_store_idx %arg8[%parallel_loop3A_580], %broadcast_in_dim3A_74 masked %parallel_loop3A_575 {add = true} : memref<16384xf32, #tpu.memory_space<vmem>>[vector<16xi32>], vector<16xf32>, vector<16xi1>
        } {sc.loop_unroll_factor = 2 : i64, sc.parallel_access}
        %scan3A_307 = arith.constant 0 : i32
        scf.yield %scan3A_307 : i32
      }
      %scan3A_199 = arith.constant 4 : i32
      %while3A_200 = arith.constant 0 : i32
      scf.yield %while3A_200 : i32
    }
    %mul3A_99 = arith.constant 4 : i32
    %mul3A_100 = arith.muli %add3A, %mul3A_99 : i32
    %mul3A_101 = arith.constant 4096 : i32
    %mul3A_102 = arith.muli %mul3A_100, %mul3A_101 : i32
    "tpu.region"() ({
      %run_scoped3A = tpu.sem_alloc : memref<!tpu.dma_semaphore, #tpu.memory_space<semaphore_mem>>
      %dma_start3A_103 = tpu.memref_slice %arg4[%mul3A_102] : memref<524288xf32, #tpu.memory_space<hbm>> -> memref<16384xf32, #tpu.memory_space<hbm>>
      %dma_start3A_104 = tpu.memref_slice %arg4[%mul3A_102] : memref<524288xf32, #tpu.memory_space<hbm>> -> memref<16384xf32, #tpu.memory_space<hbm>>
      tpu.enqueue_dma source(%arg8 : memref<16384xf32, #tpu.memory_space<vmem>>) target(%dma_start3A_104 : memref<16384xf32, #tpu.memory_space<hbm>>) target_semaphore(%run_scoped3A : memref<!tpu.dma_semaphore, #tpu.memory_space<semaphore_mem>>)
      %dma_wait3A = tpu.memref_slice %arg4[%mul3A_102] : memref<524288xf32, #tpu.memory_space<hbm>> -> memref<16384xf32, #tpu.memory_space<hbm>>
      %dma_wait3A_105 = tpu.memref_slice %arg4[%mul3A_102] : memref<524288xf32, #tpu.memory_space<hbm>> -> memref<16384xf32, #tpu.memory_space<hbm>>
      tpu.wait_dma2 semaphore(%run_scoped3A : memref<!tpu.dma_semaphore, #tpu.memory_space<semaphore_mem>>) src(%arg8 : memref<16384xf32, #tpu.memory_space<vmem>>) dst(%dma_wait3A_105 : memref<16384xf32, #tpu.memory_space<hbm>>)
      tpu.yield
    }) : () -> ()
    return
  }
}

module attributes {stable_mosaic.version = 14 : i64} {
  func.func @_reduce_kernel(%arg0: memref<128x4096xf32, #tpu.memory_space<vmem>>, %arg1: memref<16x128xf32, #tpu.memory_space<vmem>>, %arg2: memref<1x1xf32, #tpu.memory_space<smem>>) attributes {dimension_semantics = [], scalar_prefetch = 0 : i64, scratch_operands = 0 : i64, tpu.core_type = #tpu.core_type<tc>} {
    %get3A = arith.constant 0 : index
    %get3A_0 = arith.constant 0 : index
    %get3A_1 = vector.load %arg0[%get3A, %get3A_0] : memref<128x4096xf32, #tpu.memory_space<vmem>>, vector<128x4096xf32>
    %get3A_2 = arith.constant 0 : index
    %get3A_3 = arith.constant 0 : index
    %get3A_4 = vector.load %arg1[%get3A_2, %get3A_3] : memref<16x128xf32, #tpu.memory_space<vmem>>, vector<16x128xf32>
    %dot_general3A = arith.constant dense<0.000000e+00> : vector<16x4096xf32>
    %dot_general3A_5 = tpu.matmul %get3A_4, %get3A_1, %dot_general3A {dimension_numbers = #tpu.dot_dimension_numbers<[1], [0], [0], [1], [0, 0, 1, 1], [], []>, transpose_lhs_hint = false} : vector<16x128xf32>, vector<128x4096xf32>, vector<16x4096xf32> -> vector<16x4096xf32>
    %slice3A = vector.extract_strided_slice %dot_general3A_5 {offsets = [0, 0], sizes = [8, 4096], strides = [1, 1]} : vector<16x4096xf32> to vector<8x4096xf32>
    %slice3A_6 = vector.extract_strided_slice %dot_general3A_5 {offsets = [8, 0], sizes = [8, 4096], strides = [1, 1]} : vector<16x4096xf32> to vector<8x4096xf32>
    %broadcast_in_dim3A = arith.constant 0.000000e+00 : f32
    %broadcast_in_dim3A_7 = vector.broadcast %broadcast_in_dim3A : f32 to vector<8x1xf32>
    %slice3A_8 = vector.extract_strided_slice %slice3A {offsets = [0, 1], sizes = [8, 4095], strides = [1, 1]} : vector<8x4096xf32> to vector<8x4095xf32>
    %concatenate3A = tpu.concatenate %slice3A_8, %broadcast_in_dim3A_7 in 1 : vector<8x4095xf32>, vector<8x1xf32> -> vector<8x4096xf32>
    %add3A = arith.addf %slice3A, %concatenate3A : vector<8x4096xf32>
    %slice3A_9 = vector.extract_strided_slice %slice3A_6 {offsets = [0, 1], sizes = [8, 4095], strides = [1, 1]} : vector<8x4096xf32> to vector<8x4095xf32>
    %concatenate3A_10 = tpu.concatenate %slice3A_9, %broadcast_in_dim3A_7 in 1 : vector<8x4095xf32>, vector<8x1xf32> -> vector<8x4096xf32>
    %add3A_11 = arith.addf %slice3A_6, %concatenate3A_10 : vector<8x4096xf32>
    %broadcast_in_dim3A_12 = arith.constant 0.000000e+00 : f32
    %broadcast_in_dim3A_13 = vector.broadcast %broadcast_in_dim3A_12 : f32 to vector<8x2xf32>
    %slice3A_14 = vector.extract_strided_slice %add3A {offsets = [0, 2], sizes = [8, 4094], strides = [1, 1]} : vector<8x4096xf32> to vector<8x4094xf32>
    %concatenate3A_15 = tpu.concatenate %slice3A_14, %broadcast_in_dim3A_13 in 1 : vector<8x4094xf32>, vector<8x2xf32> -> vector<8x4096xf32>
    %add3A_16 = arith.addf %add3A, %concatenate3A_15 : vector<8x4096xf32>
    %slice3A_17 = vector.extract_strided_slice %add3A_11 {offsets = [0, 2], sizes = [8, 4094], strides = [1, 1]} : vector<8x4096xf32> to vector<8x4094xf32>
    %concatenate3A_18 = tpu.concatenate %slice3A_17, %broadcast_in_dim3A_13 in 1 : vector<8x4094xf32>, vector<8x2xf32> -> vector<8x4096xf32>
    %add3A_19 = arith.addf %add3A_11, %concatenate3A_18 : vector<8x4096xf32>
    %broadcast_in_dim3A_20 = arith.constant 0.000000e+00 : f32
    %broadcast_in_dim3A_21 = vector.broadcast %broadcast_in_dim3A_20 : f32 to vector<8x4xf32>
    %slice3A_22 = vector.extract_strided_slice %add3A_16 {offsets = [0, 4], sizes = [8, 4092], strides = [1, 1]} : vector<8x4096xf32> to vector<8x4092xf32>
    %concatenate3A_23 = tpu.concatenate %slice3A_22, %broadcast_in_dim3A_21 in 1 : vector<8x4092xf32>, vector<8x4xf32> -> vector<8x4096xf32>
    %add3A_24 = arith.addf %add3A_16, %concatenate3A_23 : vector<8x4096xf32>
    %slice3A_25 = vector.extract_strided_slice %add3A_19 {offsets = [0, 4], sizes = [8, 4092], strides = [1, 1]} : vector<8x4096xf32> to vector<8x4092xf32>
    %concatenate3A_26 = tpu.concatenate %slice3A_25, %broadcast_in_dim3A_21 in 1 : vector<8x4092xf32>, vector<8x4xf32> -> vector<8x4096xf32>
    %add3A_27 = arith.addf %add3A_19, %concatenate3A_26 : vector<8x4096xf32>
    %broadcast_in_dim3A_28 = arith.constant 0.000000e+00 : f32
    %broadcast_in_dim3A_29 = vector.broadcast %broadcast_in_dim3A_28 : f32 to vector<8x8xf32>
    %slice3A_30 = vector.extract_strided_slice %add3A_24 {offsets = [0, 8], sizes = [8, 4088], strides = [1, 1]} : vector<8x4096xf32> to vector<8x4088xf32>
    %concatenate3A_31 = tpu.concatenate %slice3A_30, %broadcast_in_dim3A_29 in 1 : vector<8x4088xf32>, vector<8x8xf32> -> vector<8x4096xf32>
    %add3A_32 = arith.addf %add3A_24, %concatenate3A_31 : vector<8x4096xf32>
    %slice3A_33 = vector.extract_strided_slice %add3A_27 {offsets = [0, 8], sizes = [8, 4088], strides = [1, 1]} : vector<8x4096xf32> to vector<8x4088xf32>
    %concatenate3A_34 = tpu.concatenate %slice3A_33, %broadcast_in_dim3A_29 in 1 : vector<8x4088xf32>, vector<8x8xf32> -> vector<8x4096xf32>
    %add3A_35 = arith.addf %add3A_27, %concatenate3A_34 : vector<8x4096xf32>
    %broadcast_in_dim3A_36 = arith.constant 0.000000e+00 : f32
    %broadcast_in_dim3A_37 = vector.broadcast %broadcast_in_dim3A_36 : f32 to vector<8x16xf32>
    %slice3A_38 = vector.extract_strided_slice %add3A_32 {offsets = [0, 16], sizes = [8, 4080], strides = [1, 1]} : vector<8x4096xf32> to vector<8x4080xf32>
    %concatenate3A_39 = tpu.concatenate %slice3A_38, %broadcast_in_dim3A_37 in 1 : vector<8x4080xf32>, vector<8x16xf32> -> vector<8x4096xf32>
    %add3A_40 = arith.addf %add3A_32, %concatenate3A_39 : vector<8x4096xf32>
    %slice3A_41 = vector.extract_strided_slice %add3A_35 {offsets = [0, 16], sizes = [8, 4080], strides = [1, 1]} : vector<8x4096xf32> to vector<8x4080xf32>
    %concatenate3A_42 = tpu.concatenate %slice3A_41, %broadcast_in_dim3A_37 in 1 : vector<8x4080xf32>, vector<8x16xf32> -> vector<8x4096xf32>
    %add3A_43 = arith.addf %add3A_35, %concatenate3A_42 : vector<8x4096xf32>
    %broadcast_in_dim3A_44 = arith.constant 0.000000e+00 : f32
    %broadcast_in_dim3A_45 = vector.broadcast %broadcast_in_dim3A_44 : f32 to vector<8x32xf32>
    %slice3A_46 = vector.extract_strided_slice %add3A_40 {offsets = [0, 32], sizes = [8, 4064], strides = [1, 1]} : vector<8x4096xf32> to vector<8x4064xf32>
    %concatenate3A_47 = tpu.concatenate %slice3A_46, %broadcast_in_dim3A_45 in 1 : vector<8x4064xf32>, vector<8x32xf32> -> vector<8x4096xf32>
    %add3A_48 = arith.addf %add3A_40, %concatenate3A_47 : vector<8x4096xf32>
    %slice3A_49 = vector.extract_strided_slice %add3A_43 {offsets = [0, 32], sizes = [8, 4064], strides = [1, 1]} : vector<8x4096xf32> to vector<8x4064xf32>
    %concatenate3A_50 = tpu.concatenate %slice3A_49, %broadcast_in_dim3A_45 in 1 : vector<8x4064xf32>, vector<8x32xf32> -> vector<8x4096xf32>
    %add3A_51 = arith.addf %add3A_43, %concatenate3A_50 : vector<8x4096xf32>
    %broadcast_in_dim3A_52 = arith.constant 0.000000e+00 : f32
    %broadcast_in_dim3A_53 = vector.broadcast %broadcast_in_dim3A_52 : f32 to vector<8x64xf32>
    %slice3A_54 = vector.extract_strided_slice %add3A_48 {offsets = [0, 64], sizes = [8, 4032], strides = [1, 1]} : vector<8x4096xf32> to vector<8x4032xf32>
    %concatenate3A_55 = tpu.concatenate %slice3A_54, %broadcast_in_dim3A_53 in 1 : vector<8x4032xf32>, vector<8x64xf32> -> vector<8x4096xf32>
    %add3A_56 = arith.addf %add3A_48, %concatenate3A_55 : vector<8x4096xf32>
    %slice3A_57 = vector.extract_strided_slice %add3A_51 {offsets = [0, 64], sizes = [8, 4032], strides = [1, 1]} : vector<8x4096xf32> to vector<8x4032xf32>
    %concatenate3A_58 = tpu.concatenate %slice3A_57, %broadcast_in_dim3A_53 in 1 : vector<8x4032xf32>, vector<8x64xf32> -> vector<8x4096xf32>
    %add3A_59 = arith.addf %add3A_51, %concatenate3A_58 : vector<8x4096xf32>
    %broadcast_in_dim3A_60 = arith.constant 0.000000e+00 : f32
    %broadcast_in_dim3A_61 = vector.broadcast %broadcast_in_dim3A_60 : f32 to vector<8x128xf32>
    %slice3A_62 = vector.extract_strided_slice %add3A_56 {offsets = [0, 128], sizes = [8, 3968], strides = [1, 1]} : vector<8x4096xf32> to vector<8x3968xf32>
    %concatenate3A_63 = tpu.concatenate %slice3A_62, %broadcast_in_dim3A_61 in 1 : vector<8x3968xf32>, vector<8x128xf32> -> vector<8x4096xf32>
    %add3A_64 = arith.addf %add3A_56, %concatenate3A_63 : vector<8x4096xf32>
    %slice3A_65 = vector.extract_strided_slice %add3A_59 {offsets = [0, 128], sizes = [8, 3968], strides = [1, 1]} : vector<8x4096xf32> to vector<8x3968xf32>
    %concatenate3A_66 = tpu.concatenate %slice3A_65, %broadcast_in_dim3A_61 in 1 : vector<8x3968xf32>, vector<8x128xf32> -> vector<8x4096xf32>
    %add3A_67 = arith.addf %add3A_59, %concatenate3A_66 : vector<8x4096xf32>
    %broadcast_in_dim3A_68 = arith.constant 0.000000e+00 : f32
    %broadcast_in_dim3A_69 = vector.broadcast %broadcast_in_dim3A_68 : f32 to vector<8x256xf32>
    %slice3A_70 = vector.extract_strided_slice %add3A_64 {offsets = [0, 256], sizes = [8, 3840], strides = [1, 1]} : vector<8x4096xf32> to vector<8x3840xf32>
    %concatenate3A_71 = tpu.concatenate %slice3A_70, %broadcast_in_dim3A_69 in 1 : vector<8x3840xf32>, vector<8x256xf32> -> vector<8x4096xf32>
    %add3A_72 = arith.addf %add3A_64, %concatenate3A_71 : vector<8x4096xf32>
    %slice3A_73 = vector.extract_strided_slice %add3A_67 {offsets = [0, 256], sizes = [8, 3840], strides = [1, 1]} : vector<8x4096xf32> to vector<8x3840xf32>
    %concatenate3A_74 = tpu.concatenate %slice3A_73, %broadcast_in_dim3A_69 in 1 : vector<8x3840xf32>, vector<8x256xf32> -> vector<8x4096xf32>
    %add3A_75 = arith.addf %add3A_67, %concatenate3A_74 : vector<8x4096xf32>
    %broadcast_in_dim3A_76 = arith.constant 0.000000e+00 : f32
    %broadcast_in_dim3A_77 = vector.broadcast %broadcast_in_dim3A_76 : f32 to vector<8x512xf32>
    %slice3A_78 = vector.extract_strided_slice %add3A_72 {offsets = [0, 512], sizes = [8, 3584], strides = [1, 1]} : vector<8x4096xf32> to vector<8x3584xf32>
    %concatenate3A_79 = tpu.concatenate %slice3A_78, %broadcast_in_dim3A_77 in 1 : vector<8x3584xf32>, vector<8x512xf32> -> vector<8x4096xf32>
    %add3A_80 = arith.addf %add3A_72, %concatenate3A_79 : vector<8x4096xf32>
    %slice3A_81 = vector.extract_strided_slice %add3A_75 {offsets = [0, 512], sizes = [8, 3584], strides = [1, 1]} : vector<8x4096xf32> to vector<8x3584xf32>
    %concatenate3A_82 = tpu.concatenate %slice3A_81, %broadcast_in_dim3A_77 in 1 : vector<8x3584xf32>, vector<8x512xf32> -> vector<8x4096xf32>
    %add3A_83 = arith.addf %add3A_75, %concatenate3A_82 : vector<8x4096xf32>
    %broadcast_in_dim3A_84 = arith.constant 0.000000e+00 : f32
    %broadcast_in_dim3A_85 = vector.broadcast %broadcast_in_dim3A_84 : f32 to vector<8x1024xf32>
    %slice3A_86 = vector.extract_strided_slice %add3A_80 {offsets = [0, 1024], sizes = [8, 3072], strides = [1, 1]} : vector<8x4096xf32> to vector<8x3072xf32>
    %concatenate3A_87 = tpu.concatenate %slice3A_86, %broadcast_in_dim3A_85 in 1 : vector<8x3072xf32>, vector<8x1024xf32> -> vector<8x4096xf32>
    %add3A_88 = arith.addf %add3A_80, %concatenate3A_87 : vector<8x4096xf32>
    %slice3A_89 = vector.extract_strided_slice %add3A_83 {offsets = [0, 1024], sizes = [8, 3072], strides = [1, 1]} : vector<8x4096xf32> to vector<8x3072xf32>
    %concatenate3A_90 = tpu.concatenate %slice3A_89, %broadcast_in_dim3A_85 in 1 : vector<8x3072xf32>, vector<8x1024xf32> -> vector<8x4096xf32>
    %add3A_91 = arith.addf %add3A_83, %concatenate3A_90 : vector<8x4096xf32>
    %broadcast_in_dim3A_92 = arith.constant 0.000000e+00 : f32
    %broadcast_in_dim3A_93 = vector.broadcast %broadcast_in_dim3A_92 : f32 to vector<8x2048xf32>
    %slice3A_94 = vector.extract_strided_slice %add3A_88 {offsets = [0, 2048], sizes = [8, 2048], strides = [1, 1]} : vector<8x4096xf32> to vector<8x2048xf32>
    %concatenate3A_95 = tpu.concatenate %slice3A_94, %broadcast_in_dim3A_93 in 1 : vector<8x2048xf32>, vector<8x2048xf32> -> vector<8x4096xf32>
    %add3A_96 = arith.addf %add3A_88, %concatenate3A_95 : vector<8x4096xf32>
    %slice3A_97 = vector.extract_strided_slice %add3A_91 {offsets = [0, 2048], sizes = [8, 2048], strides = [1, 1]} : vector<8x4096xf32> to vector<8x2048xf32>
    %concatenate3A_98 = tpu.concatenate %slice3A_97, %broadcast_in_dim3A_93 in 1 : vector<8x2048xf32>, vector<8x2048xf32> -> vector<8x4096xf32>
    %add3A_99 = arith.addf %add3A_91, %concatenate3A_98 : vector<8x4096xf32>
    %sub3A = arith.subf %add3A_96, %slice3A : vector<8x4096xf32>
    %sub3A_100 = arith.subf %add3A_99, %slice3A_6 : vector<8x4096xf32>
    %sub3A_101 = arith.constant 5.017600e+04 : f32
    %sub3A_102 = vector.broadcast %sub3A_101 : f32 to vector<8x4096xf32>
    %sub3A_103 = arith.subf %sub3A_102, %add3A_99 : vector<8x4096xf32>
    %add3A_104 = arith.constant 5.017600e+04 : f32
    %add3A_105 = vector.broadcast %add3A_104 : f32 to vector<8x4096xf32>
    %add3A_106 = arith.addf %add3A_105, %add3A_96 : vector<8x4096xf32>
    %sub3A_107 = arith.subf %add3A_106, %add3A_99 : vector<8x4096xf32>
    %div3A = arith.divf %sub3A_103, %sub3A_107 : vector<8x4096xf32>
    %sub3A_108 = arith.constant 1.000000e+00 : f32
    %sub3A_109 = vector.broadcast %sub3A_108 : f32 to vector<8x4096xf32>
    %sub3A_110 = arith.subf %sub3A_109, %div3A : vector<8x4096xf32>
    %sub3A_111 = arith.constant 5.017600e+04 : f32
    %sub3A_112 = vector.broadcast %sub3A_111 : f32 to vector<8x4096xf32>
    %sub3A_113 = arith.subf %sub3A_112, %sub3A_100 : vector<8x4096xf32>
    %add3A_114 = arith.constant 5.017600e+04 : f32
    %add3A_115 = vector.broadcast %add3A_114 : f32 to vector<8x4096xf32>
    %add3A_116 = arith.addf %add3A_115, %sub3A : vector<8x4096xf32>
    %sub3A_117 = arith.subf %add3A_116, %sub3A_100 : vector<8x4096xf32>
    %div3A_118 = arith.divf %sub3A_113, %sub3A_117 : vector<8x4096xf32>
    %sub3A_119 = arith.constant 1.000000e+00 : f32
    %sub3A_120 = vector.broadcast %sub3A_119 : f32 to vector<8x4096xf32>
    %sub3A_121 = arith.subf %sub3A_120, %div3A_118 : vector<8x4096xf32>
    %add3A_122 = arith.addf %sub3A_110, %sub3A_121 : vector<8x4096xf32>
    %mul3A = arith.constant 5.000000e-01 : f32
    %mul3A_123 = vector.broadcast %mul3A : f32 to vector<8x4096xf32>
    %mul3A_124 = arith.mulf %mul3A_123, %add3A_122 : vector<8x4096xf32>
    %reduce_sum3A = vector.shape_cast %mul3A_124 : vector<8x4096xf32> to vector<1x8x4096xf32>
    %reduce_sum3A_125 = arith.constant dense<0.000000e+00> : vector<1xf32>
    %reduce_sum3A_126 = vector.multi_reduction <add>, %reduce_sum3A, %reduce_sum3A_125 [1, 2] : vector<1x8x4096xf32> to vector<1xf32>
    %reduce_sum3A_127 = vector.shape_cast %reduce_sum3A_126 : vector<1xf32> to vector<1x1x1xf32>
    %reduce_sum3A_128 = vector.extract %reduce_sum3A_127[0, 0, 0] : f32 from vector<1x1x1xf32>
    %mul3A_129 = arith.constant 0.001953125 : f32
    %mul3A_130 = arith.mulf %mul3A_129, %reduce_sum3A_128 : f32
    %div3A_131 = arith.constant 8.000000e+00 : f32
    %div3A_132 = arith.divf %mul3A_130, %div3A_131 : f32
    %swap3A = arith.constant 0 : index
    %swap3A_133 = arith.constant 0 : index
    %swap3A_134 = memref.load %arg2[%swap3A, %swap3A_133] : memref<1x1xf32, #tpu.memory_space<smem>>
    memref.store %div3A_132, %arg2[%swap3A, %swap3A_133] : memref<1x1xf32, #tpu.memory_space<smem>>
    return
  }
}

</mosaic_0001>

<sc_bundles>
// kernel: kernel.4.cloned.1.call-start
scs
__scs_entry_jumppad:
0x0: {  	(pc) =	sbr.rel $0x88, $3  }
0x1: {  	(tag) =	ssettag $0x0;
	lr =	simm.s32 $0x1  }
0x2: {  	[smem:$0x3F9F] =	sst lr;
	_ =	strace $0xD0000000  }
0x3: {  	_ = 	snop  }
0x4: {  	_ = 	snop  }
0x5: {  	_ = 	snop  }
0x6: {  	_ = 	snop  }
0x7: {  	_ = 	snop  }
__scs_overlays_trampoline_lowered:
0x8: {  	[smem:$0x3FAE] =	sst s0  }
0x9: {  	[smem:$0x3FAF] =	sst s1  }
0xa: {  	[smem:$0x3FB0] =	sst s2  }
0xb: {  	[smem:$0x3FB1] =	sst s3  }
0xc: {  	[smem:$0x3FB2] =	sst s4  }
0xd: {  	[smem:$0x3FB3] =	sst s5  }
0xe: {  	[smem:$0x3FB4] =	sst s6  }
0xf: {  	[smem:$0x3FB5] =	sst s7  }
0x10: {  	[smem:$0x3FB6] =	sst s8  }
0x11: {  	[smem:$0x3FB7] =	sst s9;
	s0 =	simm.s32 @!p0 $0x0  }
0x12: {  	s1 =	sld [smem:$0x3F9D];
	s0 =	simm.s32 @p0 $0x1  }
0x13: {  	[smem:$0x3FB8] =	sst s0;
	s0 =	simm.s32 @!p1 $0x0  }
0x14: {  	s2 =	sld [smem:$0x3F9C];
	s0 =	simm.s32 @p1 $0x1  }
0x15: {  	[smem:$0x3FB9] =	sst s0;
	s0 =	simm.s32 @!p2 $0x0  }
0x16: {  	s3 =	sld [smem:$0x3FDB];
	s0 =	simm.s32 @p2 $0x1  }
0x17: {  	s4 =	simm.s32 $0x1BF5;
	[smem:$0x3FBB] =	sst s0  }
0x18: {  	s0 =	sld [smem:$0x3F9E];
	_ =	swait.ge [sflag:s4], $0x0  }
0x19: {  	s7 =	sld [smem:$0x3F9F]  }
0x1a: {  	s8 =	sadd.s32 $0xFFFFE003, lr  }
0x1b: {  	s9 =	sadd.s32 $0xFFFFFEF7, lr;
	s5 =	simm.s32 $0xFFFFFFFF;
	p2 =	slt.u32 s8, $0xFFFFF086  }
0x1c: {  	p1 =	slt.u32 s9, $0xF7A;
	s5 =	simm.s32 @!p2 $0x0  }
0x1d: {  	s5 =	simm.s32 @p1 $0x1;
	p0 =	seq.s32 s7, s2  }
0x1e: {  	s7 =	smul.u32 @!p0 $0xF7A, s2;
	p2 =	seq.s32 @!p0 s5, $0x0  }
0x1f: {  	s9 =	smul.u32 $0xF7A, s1;
	s8 =	simm.s32 @!p0 $0x1BF5;
	p2 =	por !p2, p0  }
0x20: {  	[sflag:s8] =	ssyncset.s32 @!p0 $0xFFFFF086;
	s6 =	sadd.s32 @!p0 s3, s7;
	s7 =	simm.s32 @!p0 $0x108  }
0x21: {  	s3 =	sadd.s32 s3, s9;
	s6 =	sadd.s32 @!p0 $0x88, s6;
	s7 =	simm.s32 @p2 $0x1082  }
0x22: {  	[simem:s7], [sflag:s8] =	dma.local @!p0 [hbm:s6], $0xF7A  }
0x23: {  	s9 =	sor.u32 $0xD0000000, s2;
	s6 =	simm.s32 $0x108;
	_ =	swait.ge @!p0 [sflag:s8], $0x0  }
0x24: {  	s3 =	sadd.s32 $0x88, s3;
	s6 =	simm.s32 @!p1 $0x1082;
	[sflag:s4] =	ssyncset.s32 $0xFFFFF086  }
0x25: {  	[simem:s6], [sflag:s4] =	dma.local [hbm:s3], $0xF7A  }
0x26: {  	[smem:$0x3F9F] =	sst s1;
	(tag) =	ssettag s2;
	_ =	strace s9  }
0x27: {  	s1 =	sld [smem:$0x3FAF]  }
0x28: {  	s2 =	sld [smem:$0x3FB0]  }
0x29: {  	s4 =	sld [smem:$0x3FB2]  }
0x2a: {  	p0 =	seq.s32 s5, $0x0;
	s5 =	sld [smem:$0x3FB3]  }
0x2b: {  	s6 =	sld [smem:$0x3FB4]  }
0x2c: {  	s7 =	sld [smem:$0x3FB5]  }
0x2d: {  	s3 =	simm.s32 $0x108;
	s8 =	sld [smem:$0x3FB6]  }
0x2e: {  	s3 =	simm.s32 @!p0 $0x1082;
	s9 =	sld [smem:$0x3FB7]  }
0x2f: {  	lr =	sadd.s32 s0, s3;
	s0 =	sld [smem:$0x3FAE]  }
0x30: {  	s3 =	sld [smem:$0x3FB1]  }
0x31: {  	[smem:$0x3FBA] =	sst s10  }
0x32: {  	s10 =	sld [smem:$0x3FB8];
	_ =	sdelay $0x3  }
0x33: {  	p0 =	seq.s32 s10, $0x1;
	s10 =	sld [smem:$0x3FBA];
	_ =	sdelay $0x3  }
0x34: {  	[smem:$0x3FBA] =	sst s10  }
0x35: {  	s10 =	sld [smem:$0x3FB9];
	_ =	sdelay $0x3  }
0x36: {  	p1 =	seq.s32 s10, $0x1;
	s10 =	sld [smem:$0x3FBA];
	_ =	sdelay $0x3  }
0x37: {  	[smem:$0x3FBA] =	sst s10  }
0x38: {  	s10 =	sld [smem:$0x3FBB]  }
0x39: {  	_ = 	snop;
	(pc) =	sbr.ind lr, $3  }
0x3a: {  	_ = 	snop  }
0x3b: {  	_ = 	snop  }
0x3c: {  	p2 =	seq.s32 s10, $0x1;
	s10 =	sld [smem:$0x3FBA]  }
0x3d: {  	_ =	shalt  }
0x3e: {  	_ =	shalt  }
0x3f: {  	_ =	shalt  }
0x40: {  	_ =	shalt  }
0x41: {  	_ =	shalt  }
0x42: {  	_ =	shalt  }
0x43: {  	_ =	shalt  }
0x44: {  	_ =	shalt  }
0x45: {  	_ =	shalt  }
0x46: {  	_ =	shalt  }
0x47: {  	_ =	shalt  }
0x48: {  	_ =	shalt  }
0x49: {  	_ =	shalt  }
0x4a: {  	_ =	shalt  }
0x4b: {  	_ =	shalt  }
0x4c: {  	_ =	shalt  }
0x4d: {  	_ =	shalt  }
0x4e: {  	_ =	shalt  }
0x4f: {  	_ =	shalt  }
0x50: {  	_ =	shalt  }
0x51: {  	_ =	shalt  }
0x52: {  	_ =	shalt  }
0x53: {  	_ =	shalt  }
0x54: {  	_ =	shalt  }
0x55: {  	_ =	shalt  }
0x56: {  	_ =	shalt  }
0x57: {  	_ =	shalt  }
0x58: {  	_ =	shalt  }
0x59: {  	_ =	shalt  }
0x5a: {  	_ =	shalt  }
0x5b: {  	_ =	shalt  }
0x5c: {  	_ =	shalt  }
0x5d: {  	_ =	shalt  }
0x5e: {  	_ =	shalt  }
0x5f: {  	_ =	shalt  }
0x60: {  	_ =	shalt  }
0x61: {  	_ =	shalt  }
0x62: {  	_ =	shalt  }
0x63: {  	_ =	shalt  }
0x64: {  	_ =	shalt  }
0x65: {  	_ =	shalt  }
0x66: {  	_ =	shalt  }
0x67: {  	_ =	shalt  }
0x68: {  	_ =	shalt  }
0x69: {  	_ =	shalt  }
0x6a: {  	_ =	shalt  }
0x6b: {  	_ =	shalt  }
0x6c: {  	_ =	shalt  }
0x6d: {  	_ =	shalt  }
0x6e: {  	_ =	shalt  }
0x6f: {  	_ =	shalt  }
0x70: {  	_ =	shalt  }
0x71: {  	_ =	shalt  }
0x72: {  	_ =	shalt  }
0x73: {  	_ =	shalt  }
0x74: {  	_ =	shalt  }
0x75: {  	_ =	shalt  }
0x76: {  	_ =	shalt  }
0x77: {  	_ =	shalt  }
0x78: {  	_ =	shalt  }
0x79: {  	_ =	shalt  }
0x7a: {  	_ =	shalt  }
0x7b: {  	_ =	shalt  }
0x7c: {  	_ =	shalt  }
0x7d: {  	_ =	shalt  }
0x7e: {  	_ =	shalt  }
0x7f: {  	_ =	shalt  }
0x80: {  	_ =	shalt  }
0x81: {  	_ =	shalt  }
0x82: {  	_ =	shalt  }
0x83: {  	_ =	shalt  }
0x84: {  	_ =	shalt  }
0x85: {  	_ =	shalt  }
0x86: {  	_ =	shalt  }
0x87: {  	_ =	shalt  }
.Lfunc_end0:
.L_simem_size_0:
called_computation_lowered:
.L_overlay_start_0:
0x88: {  	s2 =	sld [smem:$0x3FD9]  }
0x89: {  	s3 =	sld [smem:$0x3FFE];
	_ =	sdelay $0x1  }
0x8a: {  	s1 =	srdreg.scid  }
0x8b: {  	s0 =	sand.u32 $0x1, s1  }
0x8c: {  	s16 =	sshll.u32 s0, $0xA;
	s2 =	sadd.s32 s3, s2  }
0x8d: {  	s2 =	sadd.s32 s2, s16  }
0x8e: {  	[smem:$0x3FC6] =	sst s2  }
0x8f: {  	_ = 	snop  }
0x90: {  	(tm) =	ssettm $0x1  }
0x91: {  	s17 =	sld [smem:$0x3FFB];
	_ =	sdelay $0x3  }
0x92: {  	_ =	strace s17  }
0x93: {  	s2 =	sld [smem:$0x3FFC];
	_ =	sdelay $0x3  }
0x94: {  	_ =	strace s2  }
0x95: {  	s2 =	sld [smem:$0x3FFD];
	_ =	sdelay $0x3  }
0x96: {  	_ =	strace s2  }
0x97: {  	_ =	strace $0x8FFFFFFF  }
0x98: {  	s18 =	sld [smem:$0x3FDB];
	_ =	sdelay $0x1  }
0x99: {  	s19 =	simm.s32 $_scs_section_size  }
0x9a: {  	s4 =	simm.s32 $_size__tile_overlayer_lowered;
	s5 =	simm.s32 $_tile_overlayer_lowered  }
0x9b: {  	s22 =	simm.s32 $0x1BFF;
	s21 =	sshll.u32 s5, $0x1;
	s2 =	sadd.s32 s19, s18  }
0x9c: {  	s6 =	simm.s32 $0x0;
	s20 =	sshll.u32 s4, $0x1;
	s4 =	sadd.s32 s21, s2  }
0x9d: {  	[timem:s6], [sflag:s22] =	dma.local [hbm:s4], s20  }
0x9e: {  	_ =	swait.ge [sflag:s22], s20  }
0x9f: {  	s3 =	ssub.s32 $0x0, s20;
	[sflag:s22] =	ssyncset.done $0x0  }
0xa0: {  	[sflag:s22] =	ssyncadd.s32 s3;
	_ =	sdelay $0x1  }
0xa1: {  	s23 =	simm.s32 $0x1B8B  }
0xa2: {  	_ =	swait.ge [sflag:s23], $0x1  }
0xa3: {  	[sflag:s23] =	ssyncset.done $0x0  }
0xa4: {  	s25 =	simm.s32 $0x1B8E;
	s24 =	sld [smem:$0x3FFE];
	[sflag:s23] =	ssyncadd.s32 $0xFFFFFFFF  }
0xa5: {  	s26 =	simm.s32 $execute0_lowered;
	[smem:$0x3FD2] =	sst s25  }
0xa6: {  	s4 =	sshll.u32 s26, $0x1;
	_ =	strace $0x80000046;
	[dreg:$0x1] =	wrdreg $0xFFFFFFFF  }
0xa7: {  	s28 =	simm.s32 $_size_execute0_lowered;
	s2 =	sadd.s32 s2, s4;
	[dreg:$0x0] =	wrdreg $0x0  }
0xa8: {  	s4 =	sshll.u32 s28, $0x1;
	[dreg:$0x2] =	wrdreg s2  }
0xa9: {  	[dreg:$0x3] =	wrdreg s4  }
0xaa: {  	[dreg:$0x4] =	wrdreg $0xC0  }
0xab: {  	_ =	task [dreg:s6], $0x5FFFF  }
0xac: {  	[dreg:$0x1] =	wrdreg $0xFFFFFFFF  }
0xad: {  	[dreg:$0x0] =	wrdreg $0x60  }
0xae: {  	[dreg:$0x2] =	wrdreg s24  }
0xaf: {  	[dreg:$0x3] =	wrdreg $0x9  }
0xb0: {  	_ =	task.clear_ibuf [dreg:s6], $0x4FFFF;
	_ =	strace $0x90000046  }
0xb1: {  	s29 =	simm.s32 $0x9;
	_ =	strace $0x80000048  }
0xb2: {  	_ =	swait.ge [sflag:s29], $0x1  }
0xb3: {  	[sflag:s29] =	ssyncadd.s32 $0xFFFFFFFF  }
0xb4: {  	_ =	strace $0x90000048  }
0xb5: {  	_ =	sfence  }
0xb6: {  	s30 =	sld [smem:$0x0];
	_ =	sdelay $0x2  }
0xb7: {  	s31 =	sshll.u32 s1, $0xD;
	s1 =	sshrl.u32 s1, $0x2  }
0xb8: {  	s3 =	sand.u32 $0x4000, s31;
	s1 =	sadd.s32 s1, s30  }
0xb9: {  	s0 =	sor.u32 s3, s0;
	s1 =	sshll.u32 s1, $0x11  }
0xba: {  	s0 =	sor.u32 s1, s0  }
0xbb: {  	s0 =	sadd.s32 $0x8F2B, s0  }
0xbc: {  	[sflag:s0] =	ssyncadd.remote.s32 $0x1  }
0xbd: {  	_ =	sfence.sel $0xFFFF  }
0xbe: {  	[dreg:$0x0] =	wrdreg $0xFFFFFFFF;
	(pc) =	sbr.abs _section_cstart, $3  }
0xbf: {  	[dreg:$0x1] =	wrdreg $0xFFFFFFFF  }
0xc0: {  	_ =	task.clear_ibuf [dreg:s6], $0x2FFFF;
	_ =	strace $0x9FFFFFFF  }
0xc1: {  	(tm) =	ssettm $0x7FFFFFFF  }
tec
execute0_lowered:
.L_overlay_start_1:
0x0: {  	(tag) =	ssettag $0x1  }
0x1: {  	s0 =	rddreg [dreg:$0x0];
	s1 =	srdreg.scid  }
0x2: {  	s3 =	stileid.u32;
	s4 =	simm.s32 $0x0;
	s1 =	sand.u32 $0x1, s1  }
0x3: {  	s2 =	sshll.u32 s3, $0x1;
	[smem:$0x7FF] =	sst s4;
	s7 =	sadd.s32 $0xCA00, s0  }
0x4: {  	s4 =	sadd.s32 $0x600, s0;
	s3 =	sshrl.u32 s3, $0x1;
	s2 =	sor.u32 s1, s2  }
0x5: {  	_ =	strace $0x80000047;
	s1 =	ssub.s32 $0x2, s1;
	[dreg:$0x6] =	wrdreg s3  }
0x6: {  	s5 =	sshll.u32 s2, $0xB;
	s2 =	smul.u32 $0x15, s2;
	s29 =	sshrl.u32 s1, $0x1  }
0x7: {  	[dreg:$0x3] =	wrdreg s7;
	s0 =	sadd.s32 s5, s0;
	s1 =	ssub.s32 s1, s29  }
0x8: {  	s8 =	sshrl.u32 s2, $0x2;
	s2 =	sadd.s32 $0x15, s2;
	s0 =	sadd.s32 $0x4D000, s0  }
.Ltmp0:
0x9: {  	s31 =	smax.u32 s1, $0x1;
	[dreg:$0x4] =	wrdreg s8;
	(pc) =	sbr.rel .LBB2_1-.Ltmp0, $4  }
0xa: {  	vm0 =	vcmask $0x3F3C;
	s2 =	sshrl.u32 s2, $0x2;
	s6 =	smul.u32 $0x620, s8;
	[dreg:$0x8] =	wrdreg s0  }
0xb: {  	s12 =	simm.s32 $0xC400;
	[dreg:$0x9] =	wrdreg s31;
	s2 =	ssub.s32 s2, s8  }
0xc: {  	s13 =	simm.s32 $0x12800;
	s30 =	sadd.s32 s7, s6;
	[dreg:$0x5] =	wrdreg s2  }
0xd: {  	v0 =	vimm.f32 $0.0e+00;
	v1 =	vlaneseq.u32;
	v2 =	vimm.f32 $1.000000000e+00;
	p0 =	sgt.s32 s2, $0x0;
	s2 =	simm.s32 $0x0;
	[dreg:$0x7] =	wrdreg s30  }
.LBB2_4:
0xe: {  	s0 =	simm.s32 $0x0;
	s1 =	rddreg [dreg:$0x8];
	s30 =	simm.s32 $0x5  }
0xf: {  	[hbm4b:s1+s0] =	stream.linear.scatter [tilespmem:s13], [sflag:$0x5], $0x4000, $0x38;
	[tilespmem:$0x16800] =	vst v63  }
0x10: {  	_ =	swait.ge [sflag:s30], $0x4000  }
0x11: {  	s2 =	rddreg [dreg:$0xa]  }
0x12: {  	s31 =	rddreg [dreg:$0x9];
	s2 =	sadd.s32 $0x1, s2  }
0x13: {  	p1 =	sne.s32 s2, s31  }
.Ltmp1:
0x14: {  	_ = 	snop;
	(pc) =	sbr.rel @!p1 .LBB2_5-.Ltmp1, $3  }
0x15: {  	_ =	sdelay $0x1  }
0x16: {  	[sflag:s30] =	ssyncset.done $0x0  }
0x17: {  	[sflag:s30] =	ssyncadd.s32 $0xFFFFC000  }
.LBB2_1:
0x18: {  	[dreg:$0xa] =	wrdreg s2;
	s0 =	simm.s32 $0x40;
	s1 =	simm.s32 $0x0  }
.LBB2_2:
0x19: {  	p1 =	sne.s32 s0, $0xFFC0;
	[tilespmem:s1+$0x12800] =	vst v0;
	s1 =	smov.u32 s0;
	s0 =	sadd.s32 $0x40, s0  }
.Ltmp2:
0x1a: {  	(pc) =	sbr.rel @p1 .LBB2_2-.Ltmp2, $2  }
0x1b: {  	_ =	sdelay $0x2  }
0x1c: {  	s1 =	sshra.s32 s1, $0x2  }
.Ltmp3:
0x1d: {  	(pc) =	sbr.rel @!p0 .LBB2_4-.Ltmp3, $4  }
0x1e: {  	_ = 	snop  }
0x1f: {  	s10 =	simm.s32 $0x0  }
0x20: {  	[tilespmem:s1+$0x12800] =	vst v0;
	s0 =	rddreg [dreg:$0x7];
	p1 =	por $0x0, $0x0;
	s3 =	simm.s32 $0x0  }
0x21: {  	[tilespmem:s10], [sflag:$0x1] =	stream.linear.gather [hbm4b:s0+s10], $0x3100, $0x38;
	[tilespmem:$0x16800] =	vst v63  }
.LBB2_7:
0x22: {  	s15 =	sadd.s32 $0x1, s3;
	s2 =	rddreg [dreg:$0x5]  }
0x23: {  	s1 =	sand.u32 $0x1, s3;
	p2 =	sge.s32 s15, s2  }
0x24: {  	s0 =	rddreg [dreg:$0x4];
	p3 =	sne.s32 @!p2 s1, $0x0  }
0x25: {  	s0 =	sadd.s32 s0, s3;
	p3 =	por p3, p2  }
0x26: {  	s2 =	smul.u32 @!p3 $0x3100, s0;
	_ =	sdelay $0x1  }
0x27: {  	s3 =	rddreg [dreg:$0x3];
	s2 =	sshrl.u32 @!p3 s2, $0x3  }
0x28: {  	s2 =	sadd.s32 @!p3 s3, s2  }
0x29: {  	s5 =	simm.s32 @!p3 $0x0;
	s6 =	simm.s32 @!p3 $0x3100;
	s2 =	sadd.s32 @!p3 $0x620, s2  }
0x2a: {  	[tilespmem:s6], [sflag:$0x2] =	stream.linear.gather @!p3 [hbm4b:s2+s5], $0x3100, $0x38;
	[tilespmem:$0x16800] =	vst v63  }
0x2b: {  	p3 =	seq.s32 s1, $0x1  }
0x2c: {  	p4 =	por !p3, p2  }
0x2d: {  	s2 =	smul.u32 @!p4 $0x3100, s0;
	_ =	sdelay $0x1  }
0x2e: {  	s5 =	simm.s32 $0x1;
	s2 =	sshrl.u32 @!p4 s2, $0x3  }
0x2f: {  	s7 =	smulhi.u32 $0x86186187, s0;
	s5 =	simm.s32 @!p1 $0x0;
	s2 =	sadd.s32 @!p4 s3, s2  }
0x30: {  	s16 =	smul.u32 $0x3100, s5;
	s8 =	simm.s32 @!p4 $0x0;
	s2 =	sadd.s32 @!p4 $0x620, s2  }
0x31: {  	[tilespmem:s8], [sflag:$0x1] =	stream.linear.gather @!p4 [hbm4b:s2+s8], $0x3100, $0x38;
	[tilespmem:$0x16800] =	vst v63  }
0x32: {  	[dreg:$0xb] =	wrdreg s15;
	s17 =	ssub.s32 s0, s7;
	p4 =	sne.s32 s1, $0x0  }
0x33: {  	[dreg:$0x2] =	wrdreg s16;
	s2 =	sshrl.u32 s17, $0x1;
	s6 =	simm.s32 @!p4 $0x1  }
0x34: {  	s22 =	simm.s32 $0x6200;
	s2 =	sadd.s32 s7, s2;
	_ =	swait.ge @!p4 [sflag:s6], $0x3100  }
0x35: {  	s26 =	simm.s32 $0x0;
	s18 =	sshrl.u32 s2, $0x4;
	[sflag:s6] =	ssyncset.done @!p4 $0x0  }
0x36: {  	s2 =	simm.s32 @p3 $0x2;
	s19 =	smul.u32 $0xC400, s18;
	[sflag:s6] =	ssyncadd.s32 @!p4 $0xFFFFCF00  }
0x37: {  	s11 =	simm.s32 $0x70;
	s14 =	sand.u32 $0x60, s10;
	_ =	swait.ge @p3 [sflag:s2], $0x3100  }
0x38: {  	s5 =	smul.u32 $0xC400, s5;
	s6 =	sshrl.u32 s19, $0x3;
	[sflag:s2] =	ssyncset.done @p3 $0x0  }
0x39: {  	s21 =	sadd.s32 s4, s6;
	s24 =	rddreg [dreg:$0x6];
	[sflag:s2] =	ssyncadd.s32 @p3 $0xFFFFCF00  }
0x3a: {  	[tilespmem:s22], [sflag:$0x3] =	stream.linear.gather [hbm4b:s21+s10], $0x3100, $0x38;
	[tilespmem:$0x16800] =	vst v63  }
0x3b: {  	p3 =	seq.s32 s18, s24;
	s21 =	smul.u32 $0x3100, s1;
	s1 =	simm.s32 $0x0  }
0x3c: {  	s20 =	smul.u32 $0xFFFFFFEB, s18;
	[dreg:$0xc] =	wrdreg s18;
	s1 =	simm.s32 @!p3 $0x1000  }
0x3d: {  	s3 =	smax.u32 s26, $0x1;
	[dreg:$0xe] =	wrdreg s1;
	s1 =	smin.u32 s26, $0x6D  }
0x3e: {  	s0 =	sadd.s32 s0, s20;
	s25 =	rddreg [dreg:$0x2];
	s1 =	smul.u32 $0x70, s1  }
0x3f: {  	[dreg:$0xd] =	wrdreg s0;
	s6 =	sand.u32 $0x70, s11;
	s0 =	sadd.s32 $0x0, s25  }
0x40: {  	s15 =	sadd.s32 $0x70, s0;
	s9 =	sand.u32 $0x7F80, s0;
	s0 =	sadd.s32 $0xE0, s1  }
0x41: {  	s16 =	sand.u32 $0x7F80, s15;
	s7 =	sor.u32 s14, s9;
	s17 =	sadd.s32 s21, s0  }
0x42: {  	v4 =	vld [tilespmem:s7+$0x0];
	s1 =	sor.u32 s6, s16;
	s19 =	sand.u32 $0x70, s0;
	s18 =	sand.u32 $0xFF80, s17  }
0x43: {  	s23 =	sshrl.u32 s5, $0x2;
	s5 =	smul.u32 $0x70, s3;
	v5 =	vld [tilespmem:s1+$0x0];
	s6 =	sor.u32 s19, s18  }
0x44: {  	v6 =	vld [tilespmem:s6+$0x0]  }
0x45: {  	s9 =	sadd.s32 $0xFFFFFF90, s5  }
0x46: {  	s5 =	sadd.s32 s21, s9  }
0x47: {  	s20 =	sand.u32 $0x70, s9;
	s5 =	sand.u32 $0xFFFFFF80, s5  }
0x48: {  	s22 =	simm.s32 $0x72;
	s5 =	sor.u32 s20, s5;
	v7 =	vmul.f32 $1.280000000e+02, v4;
	v5 =	vmul.f32 $3.840000000e+02, v5  }
0x49: {  	s2 =	sor.u32 $0x80, s23;
	s23 =	simm.s32 $0x3252;
	v9 =	vadd.s32 s22, v1;
	v8 =	vld [tilespmem:s5+$0x0];
	v6 =	vmul.f32 $1.280000000e+02, v6  }
0x4a: {  	v11 =	vadd.s32 s23, v1;
	v10 =	vld [tilespmem:s1+$0x0];
	v7 =	vadd.f32 v5, v7  }
0x4b: {  	s31 =	simm.s32 $0xF6B3;
	v5 =	vadd.f32 v6, v5  }
0x4c: {  	[tilespmem:s31+$0xFFFFCDC0] =	vst v7  }
0x4d: {  	v3 =	vmov s21;
	[tilespmem:s31+$0xFFFFFFA0] =	vst v5  }
0x4e: {  	v4 =	vmul.f32 $3.840000000e+02, v4;
	v6 =	vmul.f32 $1.280000000e+02, v8;
	[tilespmem:v9+s12+$0x0] =	vst.idx.msk $0x1, v7  }
0x4f: {  	s24 =	simm.s32 $0x31E0;
	v8 =	vadd.s32 s10, v1;
	v7 =	vmul.f32 $1.280000000e+02, v10;
	[tilespmem:v11+s12+$0x0] =	vst.idx.msk $0x1, v5  }
0x50: {  	v9 =	vadd.s32 s24, v1;
	v5 =	vadd.f32 v6, v4;
	v6 =	vld [tilespmem:s2+$0x0]  }
0x51: {  	v4 =	vadd.f32 v7, v4;
	v7 =	vld [tilespmem:s7+$0x10]  }
0x52: {  	v10 =	vld.idx.msk [tilespmem:v3+s0+$0x10 ss:$0x1], $0xffff;
	[tilespmem:s31+$0xFFFFCD4E] =	vst v5  }
0x53: {  	[tilespmem:s31+$0xFFFFFF2E] =	vst v4  }
0x54: {  	[tilespmem:v8+s12+$0x0] =	vst.idx.msk $0x1, v5  }
0x55: {  	[tilespmem:v9+s12+$0x0] =	vst.idx.msk $0x1, v4  }
0x56: {  	v4 =	vld.idx.msk [tilespmem:v3+s9+$0x10 ss:$0x1], $0xffff;
	v5 =	vmul.f32 $1.280000000e+02, v7;
	v6 =	vmul.f32 $3.840000000e+02, v6  }
0x57: {  	v7 =	vld [tilespmem:s7+$0x10];
	v8 =	vmul.f32 $1.280000000e+02, v10  }
0x58: {  	v9 =	vld [tilespmem:s2+$0x0];
	v5 =	vadd.f32 v5, v6  }
0x59: {  	v6 =	vadd.f32 v8, v6  }
0x5a: {  	[tilespmem:s31+$0xFFFFCDD0] =	vst v5  }
0x5b: {  	[tilespmem:s31+$0xFFFFFFB0] =	vst v6  }
0x5c: {  	v4 =	vmul.f32 $1.280000000e+02, v4;
	v5 =	vmul.f32 $3.840000000e+02, v7;
	v6 =	vld [tilespmem:s2+$0x10]  }
0x5d: {  	s25 =	simm.s32 $0x2;
	s26 =	rddreg [dreg:$0x2];
	v7 =	vmul.f32 $1.280000000e+02, v9;
	v8 =	vld [tilespmem:s2+$0xFFFFFFA0]  }
0x5e: {  	s11 =	simm.s32 $0xE0;
	s5 =	sadd.s32 $0xE0, s26;
	s1 =	smin.u32 s25, $0x6D;
	v9 =	vld.idx.msk [tilespmem:v3+s0+$0x20 ss:$0x1], $0xffff;
	v4 =	vadd.f32 v4, v5  }
0x5f: {  	s15 =	sadd.s32 $0x70, s5;
	s5 =	sand.u32 $0x7F80, s5;
	s7 =	sand.u32 $0x60, s11;
	v5 =	vadd.f32 v7, v5  }
0x60: {  	s1 =	smul.u32 $0x70, s1;
	s16 =	sor.u32 s7, s5;
	[tilespmem:s31+$0xFFFFCD5E] =	vst v4  }
0x61: {  	s14 =	simm.s32 $0x150;
	v10 =	vld [tilespmem:s16+$0x0];
	[tilespmem:s31+$0xFFFFFF3E] =	vst v5  }
0x62: {  	s8 =	sand.u32 $0x70, s14;
	s14 =	sadd.s32 $0xE0, s1;
	v4 =	vld.idx.msk [tilespmem:v3+s9+$0x20 ss:$0x1], $0xffff;
	v7 =	vmul.f32 $1.280000000e+02, v8;
	v6 =	vmul.f32 $3.840000000e+02, v6  }
0x63: {  	s3 =	smax.u32 s25, $0x1;
	s17 =	sand.u32 $0x7F80, s15;
	s18 =	sadd.s32 s21, s14;
	v5 =	vld [tilespmem:s2+$0xFFFFFFA0];
	v9 =	vmul.f32 $1.280000000e+02, v9  }
0x64: {  	s19 =	sand.u32 $0x70, s14;
	s5 =	sor.u32 s8, s17;
	s7 =	sand.u32 $0xFF80, s18;
	v8 =	vld [tilespmem:s2+$0x10];
	v7 =	vadd.f32 v7, v6  }
0x65: {  	s6 =	smul.u32 $0x70, s3;
	s7 =	sor.u32 s19, s7;
	v6 =	vadd.f32 v9, v6;
	v9 =	vld [tilespmem:s5+$0x0]  }
0x66: {  	[tilespmem:s31+$0xFFFFCDE0] =	vst v7;
	v7 =	vld [tilespmem:s7+$0x0]  }
0x67: {  	s23 =	sadd.s32 $0xFFFFFF90, s6;
	[tilespmem:s31+$0xFFFFFFC0] =	vst v6  }
0x68: {  	s6 =	sadd.s32 s21, s23;
	v4 =	vmul.f32 $1.280000000e+02, v4;
	v5 =	vmul.f32 $3.840000000e+02, v5;
	v6 =	vld [tilespmem:s2+$0x20]  }
0x69: {  	s20 =	sand.u32 $0x70, s23;
	s6 =	sand.u32 $0xFFFFFF80, s6;
	v8 =	vmul.f32 $1.280000000e+02, v8;
	v11 =	vld [tilespmem:s2+$0xFFFFFFB0]  }
0x6a: {  	s22 =	simm.s32 $0x156;
	s6 =	sor.u32 s20, s6;
	v13 =	vmul.f32 $1.280000000e+02, v10;
	v12 =	vld.idx.msk [tilespmem:v3+s0+$0x30 ss:$0x1], $0xffff;
	v4 =	vadd.f32 v4, v5;
	v9 =	vmul.f32 $3.840000000e+02, v9  }
0x6b: {  	v14 =	vld [tilespmem:s6+$0x0];
	s24 =	simm.s32 $0x3336;
	v5 =	vadd.f32 v8, v5;
	v8 =	vadd.s32 s22, v1;
	v7 =	vmul.f32 $1.280000000e+02, v7  }
0x6c: {  	v15 =	vld [tilespmem:s5+$0x0];
	[tilespmem:s31+$0xFFFFCD6E] =	vst v4;
	v4 =	vadd.f32 v9, v13;
	v13 =	vadd.s32 s24, v1  }
0x6d: {  	s22 =	simm.s32 $0xF797;
	[tilespmem:s31+$0xFFFFFF4E] =	vst v5;
	v5 =	vadd.f32 v7, v9  }
0x6e: {  	v6 =	vmul.f32 $3.840000000e+02, v6;
	[tilespmem:s22+$0xFFFFCDC0] =	vst v4;
	v7 =	vmul.f32 $1.280000000e+02, v11  }
0x6f: {  	s3 =	simm.s32 $0x4;
	v9 =	vld.idx.msk [tilespmem:v3+s9+$0x30 ss:$0x1], $0xffff;
	v11 =	vmul.f32 $1.280000000e+02, v12;
	[tilespmem:s22+$0xFFFFFFA0] =	vst v5  }
0x70: {  	v10 =	vmul.f32 $3.840000000e+02, v10;
	s5 =	smax.u32 s3, $0x1;
	v12 =	vld [tilespmem:s2+$0xFFFFFFB0];
	[tilespmem:v8+s12+$0x0] =	vst.idx.msk $0x1, v4;
	v4 =	vadd.f32 v7, v6;
	v7 =	vmul.f32 $1.280000000e+02, v14  }
0x71: {  	s25 =	simm.s32 $0xE4;
	s5 =	smul.u32 $0x70, s5;
	s24 =	sadd.s32 $0xE0, s2;
	v14 =	vld [tilespmem:s2+$0x20];
	[tilespmem:v13+s12+$0x0] =	vst.idx.msk $0x1, v5;
	v5 =	vadd.f32 v11, v6;
	v6 =	vmul.f32 $1.280000000e+02, v15  }
0x72: {  	s26 =	simm.s32 $0x32C4;
	v8 =	vadd.s32 s25, v1;
	[tilespmem:s31+$0xFFFFCDF0] =	vst v4;
	v4 =	vadd.f32 v7, v10;
	v7 =	vld [tilespmem:s24+$0x0]  }
0x73: {  	v11 =	vadd.s32 s26, v1;
	s26 =	sadd.s32 $0xFFFFFF90, s5;
	[tilespmem:s31+$0xFFFFFFD0] =	vst v5;
	v5 =	vadd.f32 v6, v10;
	v6 =	vld [tilespmem:s16+$0x10]  }
0x74: {  	s5 =	sadd.s32 s21, s26;
	v10 =	vld.idx.msk [tilespmem:v3+s14+$0x10 ss:$0x1], $0xffff  }
0x75: {  	s20 =	sand.u32 $0x70, s26;
	s5 =	sand.u32 $0xFFFFFF80, s5;
	[tilespmem:s22+$0xFFFFCD4E] =	vst v4;
	v13 =	vld [tilespmem:s2+$0x30]  }
0x76: {  	v9 =	vmul.f32 $1.280000000e+02, v9;
	v12 =	vmul.f32 $3.840000000e+02, v12;
	v15 =	vld [tilespmem:s2+$0xFFFFFFC0];
	s5 =	sor.u32 s20, s5;
	[tilespmem:s22+$0xFFFFFF2E] =	vst v5  }
0x77: {  	v14 =	vmul.f32 $1.280000000e+02, v14;
	v17 =	vld [tilespmem:s5+$0x0];
	[tilespmem:v8+s12+$0x0] =	vst.idx.msk $0x1, v4  }
0x78: {  	s8 =	rddreg [dreg:$0x2];
	v4 =	vadd.f32 v9, v12;
	v8 =	vld.idx.msk [tilespmem:v3+s0+$0x40 ss:$0x1], $0xffff;
	[tilespmem:v11+s12+$0x0] =	vst.idx.msk $0x1, v5  }
0x79: {  	s10 =	smin.u32 s3, $0x6D;
	s1 =	sadd.s32 $0x1C0, s8;
	v5 =	vadd.f32 v14, v12;
	v7 =	vmul.f32 $3.840000000e+02, v7;
	v9 =	vld.idx.msk [tilespmem:v3+s23+$0x10 ss:$0x1], $0xffff  }
0x7a: {  	s15 =	simm.s32 $0x230;
	s6 =	smul.u32 $0x70, s10;
	v6 =	vmul.f32 $1.280000000e+02, v6;
	[tilespmem:s31+$0xFFFFCD7E] =	vst v4;
	v4 =	vld [tilespmem:s16+$0x10];
	v10 =	vmul.f32 $1.280000000e+02, v10;
	s16 =	sadd.s32 $0x70, s1  }
0x7b: {  	s8 =	sand.u32 $0x70, s15;
	[tilespmem:s31+$0xFFFFFF5E] =	vst v5;
	v5 =	vld [tilespmem:s24+$0x0];
	s17 =	sand.u32 $0x7F80, s16  }
0x7c: {  	s28 =	sadd.s32 $0xE0, s6;
	v6 =	vadd.f32 v6, v7;
	v7 =	vadd.f32 v10, v7;
	v10 =	vld.idx.msk [tilespmem:v3+s9+$0x40 ss:$0x1], $0xffff;
	s6 =	sor.u32 s8, s17  }
0x7d: {  	v11 =	vmul.f32 $1.280000000e+02, v15;
	v12 =	vmul.f32 $3.840000000e+02, v13;
	v18 =	vld [tilespmem:s6+$0x0]  }
0x7e: {  	v8 =	vmul.f32 $1.280000000e+02, v8;
	[tilespmem:s22+$0xFFFFCDD0] =	vst v6;
	v6 =	vld [tilespmem:s2+$0xFFFFFFC0]  }
0x7f: {  	v11 =	vadd.f32 v11, v12;
	[tilespmem:s22+$0xFFFFFFB0] =	vst v7;
	v7 =	vld [tilespmem:s2+$0x30]  }
0x80: {  	v9 =	vmul.f32 $1.280000000e+02, v9;
	v4 =	vmul.f32 $3.840000000e+02, v4;
	v13 =	vld [tilespmem:s24+$0x10];
	v8 =	vadd.f32 v8, v12  }
0x81: {  	v12 =	vld [tilespmem:s24+$0xFFFFFFA0];
	[tilespmem:s31+$0xFFFFCE00] =	vst v11;
	v5 =	vmul.f32 $1.280000000e+02, v5  }
0x82: {  	v11 =	vld.idx.msk [tilespmem:v3+s14+$0x20 ss:$0x1], $0xffff;
	v9 =	vadd.f32 v9, v4;
	[tilespmem:s31+$0xFFFFFFE0] =	vst v8  }
0x83: {  	v4 =	vadd.f32 v5, v4;
	v5 =	vmul.f32 $1.280000000e+02, v10;
	v8 =	vld [tilespmem:s2+$0x40];
	v6 =	vmul.f32 $3.840000000e+02, v6  }
0x84: {  	[tilespmem:s22+$0xFFFFCD5E] =	vst v9;
	v9 =	vld [tilespmem:s2+$0xFFFFFFD0]  }
0x85: {  	v7 =	vmul.f32 $1.280000000e+02, v7;
	[tilespmem:s22+$0xFFFFFF3E] =	vst v4;
	v4 =	vadd.f32 v5, v6;
	v5 =	vld.idx.msk [tilespmem:v3+s0+$0x50 ss:$0x1], $0xffff  }
0x86: {  	s11 =	simm.s32 $0x1C0;
	v10 =	vld.idx.msk [tilespmem:v3+s23+$0x20 ss:$0x1], $0xffff  }
0x87: {  	s7 =	sand.u32 $0x60, s11;
	s1 =	sand.u32 $0x7F80, s1;
	v12 =	vmul.f32 $1.280000000e+02, v12;
	v13 =	vmul.f32 $3.840000000e+02, v13;
	v6 =	vadd.f32 v7, v6;
	v7 =	vld [tilespmem:s24+$0xFFFFFFA0]  }
0x88: {  	s18 =	sadd.s32 s21, s28;
	s1 =	sor.u32 s7, s1;
	v11 =	vmul.f32 $1.280000000e+02, v11;
	v14 =	vld [tilespmem:s24+$0x10]  }
0x89: {  	s19 =	sand.u32 $0x70, s28;
	s7 =	sand.u32 $0xFF80, s18;
	[tilespmem:s31+$0xFFFFFF6E] =	vst v6;
	v6 =	vadd.f32 v12, v13;
	v12 =	vld [tilespmem:s1+$0x0];
	v8 =	vmul.f32 $3.840000000e+02, v8;
	v9 =	vmul.f32 $1.280000000e+02, v9  }
0x8a: {  	s7 =	sor.u32 s19, s7;
	v11 =	vadd.f32 v11, v13;
	[tilespmem:s31+$0xFFFFCD8E] =	vst v4;
	v13 =	vld [tilespmem:s6+$0x0];
	v5 =	vmul.f32 $1.280000000e+02, v5  }
0x8b: {  	[tilespmem:s22+$0xFFFFCDE0] =	vst v6;
	v6 =	vld [tilespmem:s7+$0x0];
	v9 =	vadd.f32 v9, v8  }
0x8c: {  	v4 =	vld.idx.msk [tilespmem:v3+s9+$0x50 ss:$0x1], $0xffff;
	[tilespmem:s22+$0xFFFFFFC0] =	vst v11;
	v5 =	vadd.f32 v5, v8  }
0x8d: {  	v11 =	vld [tilespmem:s24+$0x20];
	v7 =	vmul.f32 $3.840000000e+02, v7;
	[tilespmem:s31+$0xFFFFCE10] =	vst v9;
	v9 =	vmul.f32 $1.280000000e+02, v10  }
0x8e: {  	v8 =	vld [tilespmem:s24+$0xFFFFFFB0];
	[tilespmem:s31+$0xFFFFFFF0] =	vst v5;
	v5 =	vmul.f32 $1.280000000e+02, v14  }
0x8f: {  	v10 =	vld.idx.msk [tilespmem:v3+s14+$0x30 ss:$0x1], $0xffff;
	v13 =	vmul.f32 $3.840000000e+02, v13;
	v9 =	vadd.f32 v9, v7  }
0x90: {  	s25 =	simm.s32 $0x23A;
	v6 =	vmul.f32 $1.280000000e+02, v6;
	v14 =	vld [tilespmem:s2+$0x50];
	v5 =	vadd.f32 v5, v7;
	v7 =	vmul.f32 $1.280000000e+02, v12  }
0x91: {  	s3 =	simm.s32 $0x341A;
	v15 =	vld [tilespmem:s2+$0xFFFFFFE0];
	[tilespmem:s22+$0xFFFFCD6E] =	vst v9;
	v9 =	vadd.s32 s25, v1  }
0x92: {  	v16 =	vld.idx.msk [tilespmem:v3+s0+$0x60 ss:$0x1], $0xffff;
	v6 =	vadd.f32 v6, v13;
	[tilespmem:s22+$0xFFFFFF4E] =	vst v5;
	v5 =	vadd.f32 v13, v7;
	v7 =	vadd.s32 s3, v1  }
0x93: {  	s25 =	simm.s32 $0xF87B;
	v13 =	vld.idx.msk [tilespmem:v3+s23+$0x30 ss:$0x1], $0xffff  }
0x94: {  	v11 =	vmul.f32 $3.840000000e+02, v11;
	v8 =	vmul.f32 $1.280000000e+02, v8;
	[tilespmem:s25+$0xFFFFFFA0] =	vst v6;
	v19 =	vld [tilespmem:s24+$0xFFFFFFB0]  }
0x95: {  	v10 =	vmul.f32 $1.280000000e+02, v10;
	v20 =	vld [tilespmem:s24+$0x20];
	[tilespmem:s25+$0xFFFFCDC0] =	vst v5  }
0x96: {  	s30 =	simm.s32 $0x1C8;
	v12 =	vmul.f32 $3.840000000e+02, v12;
	[tilespmem:v9+s12+$0x0] =	vst.idx.msk $0x1, v5;
	v5 =	vadd.f32 v8, v11;
	v8 =	vld [tilespmem:s2+$0xFFFFFFD0];
	v9 =	vmul.f32 $1.280000000e+02, v17  }
0x97: {  	s29 =	sadd.s32 $0xE0, s24;
	s5 =	simm.s32 $0x33A8;
	v17 =	vadd.s32 s30, v1;
	[tilespmem:v7+s12+$0x0] =	vst.idx.msk $0x1, v6;
	v6 =	vadd.f32 v10, v11;
	v7 =	vld [tilespmem:s2+$0x40];
	v10 =	vmul.f32 $1.280000000e+02, v18  }
0x98: {  	v11 =	vadd.s32 s5, v1;
	[tilespmem:s22+$0xFFFFCDF0] =	vst v5;
	v5 =	vadd.f32 v9, v12;
	v9 =	vld [tilespmem:s29+$0x0]  }
0x99: {  	[tilespmem:s22+$0xFFFFFFD0] =	vst v6;
	v6 =	vadd.f32 v10, v12;
	v10 =	vld [tilespmem:s1+$0x10]  }
0x9a: {  	v12 =	vld.idx.msk [tilespmem:v3+s28+$0x10 ss:$0x1], $0xffff;
	[tilespmem:s25+$0xFFFFCD4E] =	vst v5  }
0x9b: {  	v13 =	vmul.f32 $1.280000000e+02, v13;
	v18 =	vmul.f32 $3.840000000e+02, v19;
	v19 =	vld [tilespmem:s24+$0x30];
	[tilespmem:s25+$0xFFFFFF2E] =	vst v6  }
0x9c: {  	s8 =	simm.s32 $0x6;
	v20 =	vmul.f32 $1.280000000e+02, v20;
	v21 =	vld [tilespmem:s24+$0xFFFFFFC0];
	[tilespmem:v17+s12+$0x0] =	vst.idx.msk $0x1, v5  }
0x9d: {  	s11 =	smin.u32 s8, $0x6D;
	v5 =	vadd.f32 v13, v18;
	v13 =	vld.idx.msk [tilespmem:v3+s14+$0x40 ss:$0x1], $0xffff;
	[tilespmem:v11+s12+$0x0] =	vst.idx.msk $0x1, v6  }
0x9e: {  	s6 =	rddreg [dreg:$0x2];
	s5 =	smul.u32 $0x70, s11;
	v6 =	vadd.f32 v20, v18;
	v9 =	vmul.f32 $3.840000000e+02, v9;
	v11 =	vld.idx.msk [tilespmem:v3+s26+$0x10 ss:$0x1], $0xffff;
	v10 =	vmul.f32 $1.280000000e+02, v10  }
0x9f: {  	s15 =	simm.s32 $0x310;
	s0 =	sadd.s32 $0x2A0, s6;
	[tilespmem:s22+$0xFFFFCD7E] =	vst v5;
	v5 =	vld [tilespmem:s1+$0x10];
	v12 =	vmul.f32 $1.280000000e+02, v12  }
0xa0: {  	s17 =	sadd.s32 $0x70, s0;
	s11 =	sand.u32 $0x7F80, s0;
	s0 =	sadd.s32 $0xE0, s5;
	[tilespmem:s22+$0xFFFFFF5E] =	vst v6;
	v6 =	vld [tilespmem:s29+$0x0];
	v10 =	vadd.f32 v10, v9  }
0xa1: {  	s6 =	sand.u32 $0x70, s15;
	s5 =	sadd.s32 s21, s0;
	s19 =	sand.u32 $0x70, s0;
	v9 =	vadd.f32 v12, v9;
	v12 =	vld.idx.msk [tilespmem:v3+s23+$0x40 ss:$0x1], $0xffff  }
0xa2: {  	s18 =	sand.u32 $0xFF80, s5;
	s1 =	sand.u32 $0x7F80, s17;
	v17 =	vmul.f32 $1.280000000e+02, v21;
	v18 =	vmul.f32 $3.840000000e+02, v19;
	[tilespmem:s25+$0xFFFFCDD0] =	vst v10;
	v10 =	vld [tilespmem:s24+$0xFFFFFFC0]  }
0xa3: {  	s6 =	sor.u32 s6, s1;
	s1 =	sor.u32 s19, s18;
	v13 =	vmul.f32 $1.280000000e+02, v13;
	[tilespmem:s25+$0xFFFFFFB0] =	vst v9;
	v9 =	vld [tilespmem:s24+$0x30]  }
0xa4: {  	v21 =	vld [tilespmem:s1+$0x0];
	v17 =	vadd.f32 v17, v18;
	v11 =	vmul.f32 $1.280000000e+02, v11;
	v5 =	vmul.f32 $3.840000000e+02, v5  }
0xa5: {  	v19 =	vld [tilespmem:s29+$0x10];
	v13 =	vadd.f32 v13, v18;
	v6 =	vmul.f32 $1.280000000e+02, v6  }
0xa6: {  	[tilespmem:s22+$0xFFFFCE00] =	vst v17;
	v17 =	vld.idx.msk [tilespmem:v3+s28+$0x20 ss:$0x1], $0xffff;
	v11 =	vadd.f32 v11, v5  }
0xa7: {  	v18 =	vld [tilespmem:s29+$0xFFFFFFA0];
	[tilespmem:s22+$0xFFFFFFE0] =	vst v13;
	v5 =	vadd.f32 v6, v5;
	v6 =	vmul.f32 $1.280000000e+02, v12;
	v10 =	vmul.f32 $3.840000000e+02, v10  }
0xa8: {  	v12 =	vld [tilespmem:s24+$0x40];
	[tilespmem:s25+$0xFFFFCD5E] =	vst v11;
	v9 =	vmul.f32 $1.280000000e+02, v9  }
0xa9: {  	v14 =	vmul.f32 $3.840000000e+02, v14;
	v13 =	vmul.f32 $1.280000000e+02, v15;
	v11 =	vld [tilespmem:s24+$0xFFFFFFD0];
	[tilespmem:s25+$0xFFFFFF3E] =	vst v5;
	v5 =	vadd.f32 v6, v10  }
0xaa: {  	v15 =	vmul.f32 $1.280000000e+02, v16;
	v6 =	vld.idx.msk [tilespmem:v3+s14+$0x50 ss:$0x1], $0xffff;
	v9 =	vadd.f32 v9, v10  }
0xab: {  	s7 =	simm.s32 $0xD4;
	v19 =	vmul.f32 $3.840000000e+02, v19;
	v17 =	vmul.f32 $1.280000000e+02, v17;
	v16 =	vld.idx.msk [tilespmem:v3+s26+$0x20 ss:$0x1], $0xffff;
	v10 =	vadd.f32 v13, v14;
	[tilespmem:s22+$0xFFFFCD8E] =	vst v5  }
0xac: {  	v18 =	vmul.f32 $1.280000000e+02, v18;
	v13 =	vld [tilespmem:s29+$0xFFFFFFA0];
	v14 =	vadd.f32 v15, v14;
	v5 =	vadd.s32 s7, v1;
	[tilespmem:s22+$0xFFFFFF6E] =	vst v9  }
0xad: {  	s10 =	simm.s32 $0x2A0;
	v15 =	vld [tilespmem:s29+$0x10];
	v17 =	vadd.f32 v17, v19;
	[tilespmem:s31+$0xFFFFCE20] =	vst v10  }
0xae: {  	s16 =	sand.u32 $0x60, s10;
	v9 =	vadd.f32 v18, v19;
	[tilespmem:s31+$0x0] =	vst v14;
	v12 =	vmul.f32 $3.840000000e+02, v12;
	v19 =	vld [tilespmem:s6+$0x0];
	v11 =	vmul.f32 $1.280000000e+02, v11  }
0xaf: {  	s20 =	simm.s32 $0x32B4;
	v4 =	vmul.f32 $1.280000000e+02, v4;
	s7 =	sor.u32 s16, s11;
	v18 =	vld.idx.msk [tilespmem:v3+s23+$0x50 ss:$0x1], $0xffff;
	[tilespmem:s25+$0xFFFFFFC0] =	vst v17;
	v6 =	vmul.f32 $1.280000000e+02, v6  }
0xb0: {  	s3 =	smax.u32 s8, $0x1;
	v8 =	vmul.f32 $3.840000000e+02, v8;
	v20 =	vld [tilespmem:s7+$0x0];
	[tilespmem:s25+$0xFFFFCDE0] =	vst v9;
	v9 =	vadd.s32 s20, v1;
	v11 =	vadd.f32 v11, v12  }
0xb1: {  	s11 =	smul.u32 $0x70, s3;
	[tilespmem:v5+s12+$0x0] =	vst.idx.msk vm0, v10;
	v5 =	vld [tilespmem:s29+$0x20];
	v6 =	vadd.f32 v6, v12  }
0xb2: {  	v7 =	vmul.f32 $1.280000000e+02, v7;
	v4 =	vadd.f32 v4, v8;
	v10 =	vld [tilespmem:s29+$0xFFFFFFB0];
	[tilespmem:s22+$0xFFFFCE10] =	vst v11  }
0xb3: {  	s1 =	sadd.s32 $0xFFFFFF90, s11;
	v11 =	vmul.f32 $1.280000000e+02, v16;
	v12 =	vmul.f32 $3.840000000e+02, v13;
	v13 =	vld.idx.msk [tilespmem:v3+s28+$0x30 ss:$0x1], $0xffff;
	[tilespmem:s22+$0xFFFFFFF0] =	vst v6  }
0xb4: {  	[tilespmem:s31+$0xFFFFCD9E] =	vst v4;
	v4 =	vmul.f32 $1.280000000e+02, v15;
	s15 =	sadd.s32 s21, s1;
	v6 =	vadd.f32 v7, v8;
	v7 =	vld [tilespmem:s24+$0x50]  }
0xb5: {  	s16 =	sand.u32 $0x70, s1;
	s5 =	sand.u32 $0xFFFFFF80, s15;
	s15 =	simm.s32 $0x31E;
	[tilespmem:v9+s12+$0x0] =	vst.idx.msk vm0, v14;
	v8 =	vadd.f32 v11, v12;
	v9 =	vmul.f32 $1.280000000e+02, v20;
	v11 =	vmul.f32 $3.840000000e+02, v19;
	v14 =	vld [tilespmem:s24+$0xFFFFFFE0]  }
0xb6: {  	s17 =	simm.s32 $0x34FE;
	s5 =	sor.u32 s16, s5;
	v15 =	vadd.s32 s15, v1;
	v4 =	vadd.f32 v4, v12;
	v12 =	vmul.f32 $1.280000000e+02, v21;
	[tilespmem:s31+$0xFFFFFF7E] =	vst v6;
	v6 =	vld.idx.msk [tilespmem:v3+s14+$0x60 ss:$0x1], $0xffff  }
0xb7: {  	v16 =	vadd.s32 s17, v1;
	[tilespmem:s25+$0xFFFFCD6E] =	vst v8;
	v8 =	vld [tilespmem:s5+$0x0];
	v9 =	vadd.f32 v11, v9  }
0xb8: {  	[tilespmem:s25+$0xFFFFFF4E] =	vst v4;
	v4 =	vld [tilespmem:s6+$0x0];
	v11 =	vadd.f32 v12, v11;
	s14 =	simm.s32 $0xF95F  }
0xb9: {  	v12 =	vld.idx.msk [tilespmem:v3+s26+$0x30 ss:$0x1], $0xffff;
	v10 =	vmul.f32 $1.280000000e+02, v10;
	v5 =	vmul.f32 $3.840000000e+02, v5;
	[tilespmem:s14+$0xFFFFCDC0] =	vst v9  }
0xba: {  	v17 =	vld [tilespmem:s29+$0xFFFFFFB0];
	v13 =	vmul.f32 $1.280000000e+02, v13;
	[tilespmem:s14+$0xFFFFFFA0] =	vst v11  }
0xbb: {  	s18 =	simm.s32 $0x1B8;
	[tilespmem:v15+s12+$0x0] =	vst.idx.msk $0x1, v9;
	v9 =	vld [tilespmem:s29+$0x20];
	v10 =	vadd.f32 v10, v5;
	v14 =	vmul.f32 $1.280000000e+02, v14;
	v7 =	vmul.f32 $3.840000000e+02, v7  }
0xbc: {  	s19 =	simm.s32 $0x3398;
	v5 =	vadd.f32 v13, v5;
	v13 =	vadd.s32 s18, v1;
	[tilespmem:v16+s12+$0x0] =	vst.idx.msk $0x1, v11;
	v11 =	vld [tilespmem:s24+$0xFFFFFFD0];
	v6 =	vmul.f32 $1.280000000e+02, v6  }
0xbd: {  	v15 =	vadd.s32 s19, v1;
	v16 =	vld [tilespmem:s2+$0xFFFFFFE0];
	[tilespmem:s25+$0xFFFFCDF0] =	vst v10;
	v14 =	vadd.f32 v14, v7  }
0xbe: {  	v10 =	vld [tilespmem:s24+$0x40];
	[tilespmem:s25+$0xFFFFFFD0] =	vst v5;
	v5 =	vadd.f32 v6, v7  }
0xbf: {  	s11 =	simm.s32 $0x2AC;
	v8 =	vmul.f32 $1.280000000e+02, v8;
	v23 =	vld [tilespmem:s7+$0x10];
	v7 =	vmul.f32 $3.840000000e+02, v20;
	[tilespmem:s22+$0xFFFFCE20] =	vst v14  }
0xc0: {  	s20 =	simm.s32 $0x348C;
	v19 =	vadd.s32 s11, v1;
	v4 =	vmul.f32 $1.280000000e+02, v4;
	v6 =	vld.idx.msk [tilespmem:v3+s9+$0x60 ss:$0x1], $0xffff;
	s9 =	sadd.s32 $0xE0, s29;
	[tilespmem:s22+$0x0] =	vst v5  }
0xc1: {  	v21 =	vadd.s32 s20, v1;
	v20 =	vld [tilespmem:s9+$0x0];
	v22 =	vadd.f32 v8, v7;
	[tilespmem:v13+s12+$0x0] =	vst.idx.msk vm0, v14  }
0xc2: {  	v4 =	vadd.f32 v4, v7;
	v7 =	vld.idx.msk [tilespmem:v3+s0+$0x10 ss:$0x1], $0xffff;
	[tilespmem:v15+s12+$0x0] =	vst.idx.msk vm0, v5  }
0xc3: {  	s3 =	simm.s32 $0x62;
	v13 =	vld [tilespmem:s29+$0x30];
	v5 =	vmul.f32 $1.280000000e+02, v12;
	v12 =	vmul.f32 $3.840000000e+02, v17;
	[tilespmem:s14+$0xFFFFCD4E] =	vst v22  }
0xc4: {  	v8 =	vadd.s32 s3, v1;
	v14 =	vmul.f32 $1.280000000e+02, v9;
	[tilespmem:s14+$0xFFFFFF2E] =	vst v4;
	v15 =	vld [tilespmem:s29+$0xFFFFFFC0]  }
0xc5: {  	s6 =	simm.s32 $0x3242;
	v11 =	vmul.f32 $3.840000000e+02, v11;
	v17 =	vmul.f32 $1.280000000e+02, v18;
	v18 =	vld.idx.msk [tilespmem:v3+s28+$0x40 ss:$0x1], $0xffff;
	[tilespmem:v19+s12+$0x0] =	vst.idx.msk $0x1, v22;
	v5 =	vadd.f32 v5, v12  }
0xc6: {  	v9 =	vadd.s32 s6, v1;
	v10 =	vmul.f32 $1.280000000e+02, v10;
	v12 =	vadd.f32 v14, v12;
	[tilespmem:v21+s12+$0x0] =	vst.idx.msk $0x1, v4;
	v14 =	vld [tilespmem:s2+$0x50]  }
0xc7: {  	v17 =	vadd.f32 v17, v11;
	v21 =	vmul.f32 $1.280000000e+02, v23;
	v20 =	vmul.f32 $3.840000000e+02, v20;
	v19 =	vld.idx.msk [tilespmem:v3+s1+$0x10 ss:$0x1], $0xffff;
	[tilespmem:s25+$0xFFFFCD7E] =	vst v5  }
0xc8: {  	s15 =	simm.s32 $0x146;
	v22 =	vmul.f32 $3.840000000e+02, v16;
	v7 =	vmul.f32 $1.280000000e+02, v7;
	v5 =	vadd.f32 v10, v11;
	v10 =	vld [tilespmem:s7+$0x10];
	[tilespmem:s25+$0xFFFFFF5E] =	vst v12  }
0xc9: {  	v4 =	vadd.s32 s15, v1;
	v23 =	vld [tilespmem:s9+$0x0];
	v11 =	vmul.f32 $1.280000000e+02, v6;
	v16 =	vadd.f32 v21, v20;
	[tilespmem:s22+$0xFFFFCD9E] =	vst v17  }
0xca: {  	s16 =	simm.s32 $0x3326;
	v13 =	vmul.f32 $3.840000000e+02, v13;
	v7 =	vadd.f32 v7, v20;
	v17 =	vld.idx.msk [tilespmem:v3+s26+$0x40 ss:$0x1], $0xffff;
	v20 =	vmul.f32 $1.280000000e+02, v15;
	[tilespmem:s22+$0xFFFFFF7E] =	vst v5  }
0xcb: {  	s17 =	simm.s32 $0x22A;
	v6 =	vadd.s32 s16, v1;
	v24 =	vld [tilespmem:s29+$0xFFFFFFC0];
	v12 =	vadd.f32 v11, v22;
	[tilespmem:s14+$0xFFFFCDD0] =	vst v16;
	v11 =	vmul.f32 $1.280000000e+02, v18  }
0xcc: {  	v15 =	vld [tilespmem:s29+$0x30];
	v5 =	vadd.s32 s17, v1;
	v14 =	vmul.f32 $1.280000000e+02, v14;
	[tilespmem:s14+$0xFFFFFFB0] =	vst v7;
	v18 =	vadd.f32 v20, v13  }
0xcd: {  	s18 =	simm.s32 $0x340A;
	v19 =	vmul.f32 $1.280000000e+02, v19;
	v16 =	vld [tilespmem:s9+$0x10];
	v25 =	vadd.f32 v11, v13;
	[tilespmem:s31+$0xFFFFCDAE] =	vst v12;
	v21 =	vmul.f32 $3.840000000e+02, v10  }
0xce: {  	s20 =	simm.s32 $0x34EE;
	s19 =	simm.s32 $0x30E;
	v7 =	vadd.s32 s18, v1;
	v23 =	vmul.f32 $1.280000000e+02, v23;
	v20 =	vld [tilespmem:s9+$0xFFFFFFA0];
	[tilespmem:s25+$0xFFFFCE00] =	vst v18;
	v13 =	vadd.f32 v14, v22  }
0xcf: {  	v11 =	vadd.s32 s19, v1;
	v10 =	vadd.s32 s20, v1;
	v18 =	vld.idx.msk [tilespmem:v3+s0+$0x20 ss:$0x1], $0xffff;
	[tilespmem:s25+$0xFFFFFFE0] =	vst v25;
	v22 =	vadd.f32 v19, v21  }
0xd0: {  	s2 =	simm.s32 $0xF95F;
	s15 =	smov.u32 s9;
	v21 =	vadd.f32 v23, v21;
	v19 =	vmul.f32 $1.280000000e+02, v17;
	v17 =	vmul.f32 $3.840000000e+02, v24;
	v14 =	vld [tilespmem:s29+$0x40];
	[tilespmem:s31+$0xFFFFFF8E] =	vst v13;
	s31 =	simm.s32 $0x2AC  }
.LBB2_8:
0xd1: {  	s8 =	sadd.s32 $0x2, s8;
	[tilespmem:s14+$0xFFFFCD5E] =	vst v22;
	v22 =	vld [tilespmem:s29+$0xFFFFFFD0];
	v15 =	vmul.f32 $1.280000000e+02, v15  }
0xd2: {  	s5 =	rddreg [dreg:$0x2];
	s10 =	sadd.s32 $0xE0, s10;
	s6 =	smin.u32 s8, $0x6D;
	[tilespmem:s14+$0xFFFFFF3E] =	vst v21;
	v19 =	vadd.f32 v19, v17;
	v21 =	vld.idx.msk [tilespmem:v3+s28+$0x50 ss:$0x1], $0xffff  }
0xd3: {  	s7 =	sadd.s32 $0x70, s10;
	s5 =	sadd.s32 s10, s5;
	s6 =	smul.u32 $0x70, s6;
	v23 =	vld.idx.msk [tilespmem:v3+s1+$0x20 ss:$0x1], $0xffff;
	[tilespmem:v8+s12+$0x0] =	vst.idx.msk vm0, v12;
	v16 =	vmul.f32 $3.840000000e+02, v16;
	v15 =	vadd.f32 v15, v17  }
0xd4: {  	s16 =	sand.u32 $0x60, s10;
	s19 =	sand.u32 $0x70, s7;
	s17 =	sadd.s32 $0x70, s5;
	v12 =	vld [tilespmem:s9+$0xFFFFFFA0];
	[tilespmem:s25+$0xFFFFCD8E] =	vst v19;
	v18 =	vmul.f32 $1.280000000e+02, v18;
	v17 =	vmul.f32 $1.280000000e+02, v20  }
0xd5: {  	v8 =	vmov v4;
	v4 =	vmov v5;
	v5 =	vmov v11;
	s5 =	sand.u32 $0x7F80, s5;
	s18 =	sand.u32 $0x7F80, s17;
	s6 =	sadd.s32 $0xE0, s6;
	v11 =	vld [tilespmem:s9+$0x10];
	[tilespmem:s25+$0xFFFFFF6E] =	vst v15  }
0xd6: {  	s7 =	sor.u32 s16, s5;
	s16 =	sor.u32 s19, s18;
	s20 =	sadd.s32 s21, s6;
	v15 =	vadd.f32 v17, v16;
	v16 =	vadd.f32 v18, v16;
	v17 =	vld.idx.msk [tilespmem:v3+s26+$0x50 ss:$0x1], $0xffff  }
0xd7: {  	v14 =	vmul.f32 $3.840000000e+02, v14;
	s19 =	sand.u32 $0x70, s6;
	s18 =	sand.u32 $0xFF80, s20;
	v18 =	vmul.f32 $1.280000000e+02, v22;
	[tilespmem:v9+s12+$0x0] =	vst.idx.msk vm0, v13;
	v9 =	vmovc v6;
	v6 =	vmovc v7;
	v7 =	vmov v10;
	v10 =	vld [tilespmem:s16+$0x0]  }
0xd8: {  	s3 =	smax.u32 s8, $0x1;
	s5 =	sor.u32 s19, s18;
	v13 =	vld [tilespmem:s7+$0x0];
	[tilespmem:s14+$0xFFFFCDE0] =	vst v15;
	v15 =	vmul.f32 $1.280000000e+02, v21  }
0xd9: {  	s3 =	smul.u32 $0x70, s3;
	v20 =	vmul.f32 $1.280000000e+02, v23;
	v12 =	vmul.f32 $3.840000000e+02, v12;
	v19 =	vld [tilespmem:s5+$0x0];
	[tilespmem:s14+$0xFFFFFFC0] =	vst v16;
	v16 =	vadd.f32 v18, v14  }
0xda: {  	v11 =	vmul.f32 $1.280000000e+02, v11;
	v18 =	vld [tilespmem:s9+$0x20];
	v14 =	vadd.f32 v15, v14  }
0xdb: {  	s5 =	sadd.s32 $0xFFFFFF90, s3;
	v15 =	vadd.f32 v20, v12;
	v20 =	vld [tilespmem:s9+$0xFFFFFFB0];
	[tilespmem:s25+$0xFFFFCE10] =	vst v16  }
0xdc: {  	s11 =	sadd.s32 $0xE4, s11;
	v11 =	vadd.f32 v11, v12;
	s3 =	sadd.s32 s21, s5;
	v12 =	vld.idx.msk [tilespmem:v3+s0+$0x30 ss:$0x1], $0xffff;
	[tilespmem:s25+$0xFFFFFFF0] =	vst v14;
	v21 =	vmul.f32 $3.840000000e+02, v10  }
0xdd: {  	s19 =	sadd.s32 $0x72, s11;
	s20 =	sand.u32 $0x70, s5;
	s3 =	sand.u32 $0xFFFFFF80, s3;
	v16 =	vmul.f32 $3.840000000e+02, v13;
	v14 =	vld [tilespmem:s29+$0x50];
	v13 =	vmul.f32 $1.280000000e+02, v13  }
0xde: {  	v24 =	vadd.s32 s19, v1;
	[tilespmem:s14+$0xFFFFFF4E] =	vst v11;
	s3 =	sor.u32 s20, s3;
	s20 =	sadd.s32 $0x3252, s11;
	v22 =	vld [tilespmem:s29+$0xFFFFFFE0];
	v19 =	vmul.f32 $1.280000000e+02, v19  }
0xdf: {  	[tilespmem:s14+$0xFFFFCD6E] =	vst v15;
	v25 =	vld.idx.msk [tilespmem:v3+s28+$0x60 ss:$0x1], $0xffff;
	v27 =	vadd.s32 s20, v1;
	v13 =	vadd.f32 v21, v13  }
0xe0: {  	s14 =	sadd.s32 $0xE4, s14;
	v26 =	vld [tilespmem:s3+$0x0];
	v19 =	vadd.f32 v19, v21  }
0xe1: {  	v28 =	vld [tilespmem:s16+$0x0];
	v20 =	vmul.f32 $1.280000000e+02, v20;
	v18 =	vmul.f32 $3.840000000e+02, v18;
	[tilespmem:s14+$0xFFFFCDC0] =	vst v13  }
0xe2: {  	v29 =	vld [tilespmem:s9+$0xFFFFFFB0];
	v12 =	vmul.f32 $1.280000000e+02, v12;
	[tilespmem:s14+$0xFFFFFFA0] =	vst v19  }
0xe3: {  	v57 =	vld [tilespmem:s24+$0xFFFFFFE0];
	v20 =	vadd.f32 v20, v18;
	v22 =	vmul.f32 $1.280000000e+02, v22;
	v14 =	vmul.f32 $3.840000000e+02, v14;
	[tilespmem:v24+s12+$0x0] =	vst.idx.msk $0x1, v13  }
0xe4: {  	s19 =	sadd.s32 $0xD4, s30;
	v21 =	vld.idx.msk [tilespmem:v3+s1+$0x30 ss:$0x1], $0xffff;
	v12 =	vadd.f32 v12, v18;
	[tilespmem:v27+s12+$0x0] =	vst.idx.msk $0x1, v19;
	v19 =	vmul.f32 $1.280000000e+02, v25  }
0xe5: {  	v52 =	vadd.s32 s19, v1;
	s20 =	sadd.s32 $0x32B4, s30;
	v53 =	vmul.f32 $1.280000000e+02, v26;
	v13 =	vld [tilespmem:s9+$0x20];
	v22 =	vadd.f32 v22, v14;
	[tilespmem:s2+$0xFFFFCDF0] =	vst v20  }
0xe6: {  	v54 =	vadd.s32 s20, v1;
	v18 =	vld [tilespmem:s29+$0xFFFFFFD0];
	[tilespmem:s2+$0xFFFFFFD0] =	vst v12;
	v12 =	vadd.f32 v19, v14  }
0xe7: {  	s9 =	sadd.s32 $0xE0, s9;
	v20 =	vld [tilespmem:s29+$0x40];
	v19 =	vadd.f32 v53, v16;
	[tilespmem:s25+$0xFFFFCE20] =	vst v22  }
0xe8: {  	s18 =	sadd.s32 $0x31E0, s11;
	v15 =	vadd.s32 s11, v1;
	v55 =	vmul.f32 $1.280000000e+02, v28;
	v58 =	vld [tilespmem:s9+$0x0];
	[tilespmem:s25+$0x0] =	vst v12  }
0xe9: {  	v23 =	vadd.s32 s18, v1;
	v14 =	vld.idx.msk [tilespmem:v3+s23+$0x60 ss:$0x1], $0xffff;
	[tilespmem:s14+$0xFFFFCD4E] =	vst v19  }
0xea: {  	s28 =	smov.u32 s0;
	s0 =	smov.u32 s6;
	v16 =	vadd.f32 v55, v16;
	v59 =	vld [tilespmem:s7+$0x10];
	[tilespmem:v52+s12+$0x0] =	vst.idx.msk vm0, v22  }
0xeb: {  	v17 =	vmul.f32 $1.280000000e+02, v17;
	v22 =	vld.idx.msk [tilespmem:v3+s0+$0x10 ss:$0x1], $0xffff;
	[tilespmem:v54+s12+$0x0] =	vst.idx.msk vm0, v12  }
0xec: {  	v56 =	vmul.f32 $3.840000000e+02, v29;
	v21 =	vmul.f32 $1.280000000e+02, v21;
	[tilespmem:s14+$0xFFFFFF2E] =	vst v16;
	v24 =	vld [tilespmem:s15+$0x30]  }
0xed: {  	v13 =	vmul.f32 $1.280000000e+02, v13;
	v18 =	vmul.f32 $3.840000000e+02, v18;
	[tilespmem:v15+s12+$0x0] =	vst.idx.msk $0x1, v19;
	v60 =	vld [tilespmem:s15+$0xFFFFFFC0]  }
0xee: {  	v21 =	vadd.f32 v21, v56;
	v20 =	vmul.f32 $1.280000000e+02, v20;
	[tilespmem:v23+s12+$0x0] =	vst.idx.msk $0x1, v16;
	v15 =	vld.idx.msk [tilespmem:v3+s28+$0x40 ss:$0x1], $0xffff  }
0xef: {  	s23 =	smov.u32 s26;
	s26 =	smov.u32 s1;
	s1 =	smov.u32 s5;
	v13 =	vadd.f32 v13, v56;
	v17 =	vadd.f32 v17, v18;
	v16 =	vld [tilespmem:s24+$0x50]  }
0xf0: {  	v19 =	vld.idx.msk [tilespmem:v3+s1+$0x10 ss:$0x1], $0xffff;
	[tilespmem:s2+$0xFFFFCD7E] =	vst v21;
	v18 =	vadd.f32 v20, v18;
	v23 =	vmul.f32 $3.840000000e+02, v58;
	v20 =	vmul.f32 $1.280000000e+02, v59  }
0xf1: {  	v21 =	vld [tilespmem:s7+$0x10];
	[tilespmem:s2+$0xFFFFFF5E] =	vst v13;
	v22 =	vmul.f32 $1.280000000e+02, v22  }
0xf2: {  	v12 =	vmul.f32 $1.280000000e+02, v14;
	v14 =	vmul.f32 $3.840000000e+02, v57;
	v13 =	vld [tilespmem:s9+$0x0];
	[tilespmem:s25+$0xFFFFCD9E] =	vst v17;
	v20 =	vadd.f32 v20, v23  }
0xf3: {  	s24 =	smov.u32 s29;
	s29 =	smov.u32 s15;
	v24 =	vmul.f32 $3.840000000e+02, v24;
	v17 =	vadd.f32 v22, v23;
	v23 =	vld.idx.msk [tilespmem:v3+s26+$0x40 ss:$0x1], $0xffff;
	v22 =	vmul.f32 $1.280000000e+02, v60;
	[tilespmem:s25+$0xFFFFFF7E] =	vst v18  }
0xf4: {  	p3 =	slt.u32 s8, $0x6E;
	v12 =	vadd.f32 v12, v14;
	v18 =	vmul.f32 $1.280000000e+02, v15;
	[tilespmem:s14+$0xFFFFCDD0] =	vst v20;
	v61 =	vld [tilespmem:s29+$0xFFFFFFC0]  }
.Ltmp4:
0xf5: {  	v62 =	vmul.f32 $1.280000000e+02, v16;
	v15 =	vld [tilespmem:s29+$0x30];
	[tilespmem:s14+$0xFFFFFFB0] =	vst v17;
	v17 =	vadd.f32 v22, v24;
	(pc) =	sbr.rel @p3 .LBB2_8-.Ltmp4, $4  }
0xf6: {  	v19 =	vmul.f32 $1.280000000e+02, v19;
	v21 =	vmul.f32 $3.840000000e+02, v21;
	[tilespmem:s22+$0xFFFFCDAE] =	vst v12;
	v24 =	vadd.f32 v18, v24;
	v16 =	vld [tilespmem:s9+$0x10]  }
0xf7: {  	s17 =	sadd.s32 $0x62, s11;
	s18 =	sadd.s32 $0x3242, s11;
	v63 =	vmul.f32 $1.280000000e+02, v13;
	v13 =	vadd.f32 v62, v14;
	v20 =	vld [tilespmem:s9+$0xFFFFFFA0];
	[tilespmem:s2+$0xFFFFCE00] =	vst v17  }
0xf8: {  	v11 =	vadd.s32 s17, v1;
	v10 =	vadd.s32 s18, v1;
	s30 =	smov.u32 s31;
	s31 =	smov.u32 s11;
	s15 =	smov.u32 s9;
	v22 =	vadd.f32 v19, v21;
	v18 =	vld.idx.msk [tilespmem:v3+s0+$0x20 ss:$0x1], $0xffff;
	[tilespmem:s2+$0xFFFFFFE0] =	vst v24  }
0xf9: {  	v21 =	vadd.f32 v63, v21;
	[tilespmem:s22+$0xFFFFFF8E] =	vst v13;
	s22 =	smov.u32 s25;
	s25 =	smov.u32 s2;
	v19 =	vmul.f32 $1.280000000e+02, v23;
	s2 =	smov.u32 s14;
	v17 =	vmul.f32 $3.840000000e+02, v61;
	v14 =	vld [tilespmem:s29+$0x40]  }
0xfa: {  	_ =	sdelay $0x1  }
0xfb: {  	[tilespmem:s14+$0xFFFFCD5E] =	vst v22  }
0xfc: {  	[tilespmem:s14+$0xFFFFFF3E] =	vst v21  }
0xfd: {  	v16 =	vmul.f32 $3.840000000e+02, v16;
	v20 =	vmul.f32 $1.280000000e+02, v20;
	v21 =	vld.idx.msk [tilespmem:v3+s1+$0x20 ss:$0x1], $0xffff  }
0xfe: {  	v22 =	vld [tilespmem:s9+$0xFFFFFFA0];
	v18 =	vmul.f32 $1.280000000e+02, v18  }
0xff: {  	v34 =	vld [tilespmem:s9+$0x10];
	v20 =	vadd.f32 v20, v16  }
0x100: {  	v16 =	vadd.f32 v18, v16  }
0x101: {  	[tilespmem:s14+$0xFFFFCDE0] =	vst v20  }
0x102: {  	[tilespmem:s14+$0xFFFFFFC0] =	vst v16  }
0x103: {  	v21 =	vmul.f32 $1.280000000e+02, v21;
	v22 =	vmul.f32 $3.840000000e+02, v22;
	v16 =	vld [tilespmem:s9+$0x20]  }
0x104: {  	v18 =	vmul.f32 $1.280000000e+02, v34;
	v20 =	vld [tilespmem:s9+$0xFFFFFFB0]  }
0x105: {  	v23 =	vld.idx.msk [tilespmem:v3+s0+$0x30 ss:$0x1], $0xffff;
	v21 =	vadd.f32 v21, v22  }
0x106: {  	v18 =	vadd.f32 v18, v22  }
0x107: {  	[tilespmem:s14+$0xFFFFCD6E] =	vst v21  }
0x108: {  	[tilespmem:s14+$0xFFFFFF4E] =	vst v18  }
0x109: {  	v38 =	vld.idx.msk [tilespmem:v3+s1+$0x30 ss:$0x1], $0xffff;
	v20 =	vmul.f32 $1.280000000e+02, v20;
	v16 =	vmul.f32 $3.840000000e+02, v16  }
0x10a: {  	v24 =	vld [tilespmem:s9+$0xFFFFFFB0];
	v37 =	vmul.f32 $1.280000000e+02, v23  }
0x10b: {  	v39 =	vld [tilespmem:s9+$0x20];
	v20 =	vadd.f32 v20, v16  }
0x10c: {  	v16 =	vadd.f32 v37, v16  }
0x10d: {  	v35 =	vld [tilespmem:s29+$0xFFFFFFD0];
	[tilespmem:s2+$0xFFFFCDF0] =	vst v20  }
0x10e: {  	v36 =	vld.idx.msk [tilespmem:v3+s28+$0x50 ss:$0x1], $0xffff;
	v15 =	vmul.f32 $1.280000000e+02, v15;
	[tilespmem:s2+$0xFFFFFFD0] =	vst v16  }
0x10f: {  	v40 =	vadd.f32 v19, v17;
	v45 =	vmul.f32 $1.280000000e+02, v38;
	v46 =	vmul.f32 $3.840000000e+02, v24;
	v20 =	vld [tilespmem:s15+$0x30]  }
0x110: {  	v15 =	vadd.f32 v15, v17;
	v48 =	vmul.f32 $1.280000000e+02, v39;
	v43 =	vld [tilespmem:s15+$0xFFFFFFC0]  }
0x111: {  	[tilespmem:s25+$0xFFFFCD8E] =	vst v40;
	v47 =	vld.idx.msk [tilespmem:v3+s0+$0x40 ss:$0x1], $0xffff;
	v49 =	vadd.f32 v45, v46  }
0x112: {  	[tilespmem:s25+$0xFFFFFF6E] =	vst v15;
	v51 =	vadd.f32 v48, v46  }
0x113: {  	v32 =	vld [tilespmem:s24+$0xFFFFFFE0];
	v14 =	vmul.f32 $3.840000000e+02, v14;
	v41 =	vmul.f32 $1.280000000e+02, v35;
	[tilespmem:s2+$0xFFFFCD7E] =	vst v49  }
0x114: {  	v42 =	vmul.f32 $1.280000000e+02, v36;
	v50 =	vld.idx.msk [tilespmem:v3+s26+$0x50 ss:$0x1], $0xffff;
	[tilespmem:s2+$0xFFFFFF5E] =	vst v51  }
0x115: {  	v44 =	vadd.f32 v41, v14;
	v57 =	vld.idx.msk [tilespmem:v3+s1+$0x40 ss:$0x1], $0xffff;
	v53 =	vmul.f32 $1.280000000e+02, v43;
	v54 =	vmul.f32 $3.840000000e+02, v20  }
0x116: {  	v14 =	vadd.f32 v42, v14;
	v58 =	vld [tilespmem:s15+$0xFFFFFFC0];
	v56 =	vmul.f32 $1.280000000e+02, v47  }
0x117: {  	[tilespmem:s25+$0xFFFFCE10] =	vst v44;
	v59 =	vld [tilespmem:s15+$0x30];
	v16 =	vadd.f32 v53, v54  }
0x118: {  	v63 =	vld [tilespmem:s29+$0xFFFFFFD0];
	[tilespmem:s25+$0xFFFFFFF0] =	vst v14;
	v14 =	vadd.f32 v56, v54  }
0x119: {  	v52 =	vld [tilespmem:s29+$0x50];
	[tilespmem:s2+$0xFFFFCE00] =	vst v16  }
0x11a: {  	v55 =	vld [tilespmem:s29+$0xFFFFFFE0];
	[tilespmem:s2+$0xFFFFFFE0] =	vst v14  }
0x11b: {  	v20 =	vmul.f32 $1.280000000e+02, v57;
	v21 =	vmul.f32 $3.840000000e+02, v58;
	v14 =	vld [tilespmem:s15+$0x40]  }
0x11c: {  	v18 =	vmul.f32 $1.280000000e+02, v59;
	v61 =	vld [tilespmem:s15+$0xFFFFFFD0]  }
0x11d: {  	v62 =	vld.idx.msk [tilespmem:v3+s0+$0x50 ss:$0x1], $0xffff;
	v28 =	vadd.f32 v20, v21  }
0x11e: {  	v60 =	vld.idx.msk [tilespmem:v3+s28+$0x60 ss:$0x1], $0xffff;
	v31 =	vadd.f32 v18, v21  }
0x11f: {  	v27 =	vld [tilespmem:s29+$0x40];
	v17 =	vmul.f32 $1.280000000e+02, v50;
	v40 =	vmul.f32 $3.840000000e+02, v63;
	[tilespmem:s2+$0xFFFFCD8E] =	vst v28  }
0x120: {  	v35 =	vld [tilespmem:s24+$0x50];
	v25 =	vmul.f32 $1.280000000e+02, v55;
	v26 =	vmul.f32 $3.840000000e+02, v52;
	[tilespmem:s2+$0xFFFFFF6E] =	vst v31  }
0x121: {  	[tilespmem:v8+s12+$0x0] =	vst.idx.msk vm0, v12;
	v42 =	vadd.f32 v17, v40;
	v38 =	vld.idx.msk [tilespmem:v3+s1+$0x50 ss:$0x1], $0xffff;
	v33 =	vmul.f32 $1.280000000e+02, v61;
	v14 =	vmul.f32 $3.840000000e+02, v14  }
0x122: {  	s3 =	sadd.s32 $0xD4, s30;
	[tilespmem:v9+s12+$0x0] =	vst.idx.msk vm0, v13;
	v8 =	vadd.f32 v25, v26;
	v39 =	vld [tilespmem:s15+$0xFFFFFFD0];
	v36 =	vmul.f32 $1.280000000e+02, v62  }
0x123: {  	v34 =	vadd.s32 s3, v1;
	[tilespmem:s25+$0xFFFFCD9E] =	vst v42;
	v29 =	vmul.f32 $1.280000000e+02, v60;
	v41 =	vld [tilespmem:s15+$0x40];
	v19 =	vadd.f32 v33, v14  }
0x124: {  	v30 =	vld.idx.msk [tilespmem:v3+s23+$0x60 ss:$0x1], $0xffff;
	s23 =	sadd.s32 $0x32B4, s30;
	[tilespmem:s25+$0xFFFFCE20] =	vst v8;
	v14 =	vadd.f32 v36, v14  }
0x125: {  	v15 =	vmul.f32 $1.280000000e+02, v27;
	v37 =	vadd.s32 s23, v1;
	v9 =	vadd.f32 v29, v26;
	[tilespmem:s2+$0xFFFFCE10] =	vst v19  }
0x126: {  	v12 =	vmul.f32 $1.280000000e+02, v35;
	[tilespmem:s2+$0xFFFFFFF0] =	vst v14  }
0x127: {  	[tilespmem:s25+$0x0] =	vst v9;
	v45 =	vadd.f32 v15, v40;
	v47 =	vmul.f32 $1.280000000e+02, v38;
	v16 =	vmul.f32 $3.840000000e+02, v39;
	v44 =	vld [tilespmem:s15+$0x50]  }
0x128: {  	[tilespmem:v34+s12+$0x0] =	vst.idx.msk vm0, v8;
	v43 =	vmul.f32 $3.840000000e+02, v32;
	v50 =	vmul.f32 $1.280000000e+02, v41;
	v46 =	vld [tilespmem:s15+$0xFFFFFFE0]  }
0x129: {  	v13 =	vmul.f32 $1.280000000e+02, v30;
	[tilespmem:s25+$0xFFFFFF7E] =	vst v45;
	v48 =	vld.idx.msk [tilespmem:v3+s0+$0x60 ss:$0x1], $0xffff;
	v8 =	vadd.f32 v47, v16  }
0x12a: {  	[tilespmem:v37+s12+$0x0] =	vst.idx.msk vm0, v9;
	v51 =	vld.idx.msk [tilespmem:v3+s26+$0x60 ss:$0x1], $0xffff;
	v49 =	vadd.f32 v12, v43;
	v12 =	vadd.f32 v50, v16  }
0x12b: {  	v52 =	vld [tilespmem:s29+$0xFFFFFFE0];
	v13 =	vadd.f32 v13, v43;
	[tilespmem:s2+$0xFFFFCD9E] =	vst v8  }
0x12c: {  	v54 =	vld [tilespmem:s29+$0x50];
	[tilespmem:s2+$0xFFFFFF7E] =	vst v12  }
0x12d: {  	s26 =	sadd.s32 $0xD4, s31;
	[tilespmem:s22+$0xFFFFCDAE] =	vst v13;
	v3 =	vld.idx.msk [tilespmem:v3+s1+$0x60 ss:$0x1], $0xffff;
	v15 =	vmul.f32 $1.280000000e+02, v46;
	v53 =	vmul.f32 $3.840000000e+02, v44  }
0x12e: {  	s28 =	sadd.s32 $0x32B4, s31;
	v56 =	vadd.s32 s26, v1;
	[tilespmem:s22+$0xFFFFFF8E] =	vst v49;
	v58 =	vld [tilespmem:s15+$0xFFFFFFE0];
	v55 =	vmul.f32 $1.280000000e+02, v48  }
0x12f: {  	v57 =	vadd.s32 s28, v1;
	[tilespmem:v4+s12+$0x0] =	vst.idx.msk vm0, v13;
	v4 =	vadd.f32 v15, v53  }
0x130: {  	[tilespmem:v6+s12+$0x0] =	vst.idx.msk vm0, v49;
	v6 =	vadd.f32 v55, v53  }
0x131: {  	v59 =	vmul.f32 $1.280000000e+02, v51;
	v60 =	vmul.f32 $3.840000000e+02, v52;
	v61 =	vld [tilespmem:s15+$0x50];
	[tilespmem:s2+$0xFFFFCE20] =	vst v4  }
0x132: {  	v62 =	vmul.f32 $1.280000000e+02, v54;
	[tilespmem:s2+$0x0] =	vst v6  }
0x133: {  	v3 =	vmul.f32 $1.280000000e+02, v3;
	v8 =	vmul.f32 $3.840000000e+02, v58;
	[tilespmem:v56+s12+$0x0] =	vst.idx.msk vm0, v4;
	v4 =	vadd.f32 v59, v60  }
0x134: {  	[tilespmem:v57+s12+$0x0] =	vst.idx.msk vm0, v6;
	v6 =	vadd.f32 v62, v60  }
0x135: {  	v3 =	vadd.f32 v3, v8;
	[tilespmem:s25+$0xFFFFCDAE] =	vst v4  }
0x136: {  	v63 =	vmul.f32 $1.280000000e+02, v61;
	[tilespmem:s25+$0xFFFFFF8E] =	vst v6  }
0x137: {  	[tilespmem:s2+$0xFFFFCDAE] =	vst v3  }
0x138: {  	[tilespmem:v5+s12+$0x0] =	vst.idx.msk vm0, v4;
	v4 =	vadd.f32 v63, v8  }
0x139: {  	[tilespmem:v7+s12+$0x0] =	vst.idx.msk vm0, v6  }
0x13a: {  	[tilespmem:s2+$0xFFFFFF8E] =	vst v4  }
0x13b: {  	[tilespmem:v11+s12+$0x0] =	vst.idx.msk vm0, v3  }
0x13c: {  	[tilespmem:v10+s12+$0x0] =	vst.idx.msk vm0, v4  }
0x13d: {  	s29 =	rddreg [dreg:$0xe]  }
0x13e: {  	s2 =	rddreg [dreg:$0xc];
	s30 =	sor.u32 $0x2200, s29;
	s1 =	sor.u32 $0x200, s29  }
0x13f: {  	s0 =	scvt.s32.f32 s30;
	s1 =	scvt.s32.f32 s1  }
0x140: {  	s19 =	simm.s32 $0x0;
	s31 =	rddreg [dreg:$0xd]  }
0x141: {  	p3 =	por $0x0, $0x0;
	s20 =	simm.s32 $0x0;
	s18 =	sshll.u32 s2, $0x2;
	v3 =	vmov s31;
	v4 =	vmov s0;
	v5 =	vmov s1  }
.LBB2_11:
0x142: {  	s1 =	sand.u32 $0x1, s20  }
0x143: {  	s0 =	smov.u32 s20;
	s20 =	sadd.s32 $0x1, s20;
	p4 =	seq.s32 s1, $0x1  }
0x144: {  	s2 =	sadd.s32 @!p4 s18, s20  }
0x145: {  	p5 =	seq.s32 s0, $0x3;
	s2 =	smul.u32 @!p4 $0x3100, s2  }
0x146: {  	p5 =	por !p4, p5  }
0x147: {  	s5 =	simm.s32 @!p4 $0x0;
	s3 =	sadd.s32 @!p5 s18, s20;
	s2 =	sshrl.u32 @!p4 s2, $0x3  }
0x148: {  	s6 =	simm.s32 @!p4 $0x9300;
	s3 =	smul.u32 @!p5 $0x3100, s3;
	s2 =	sadd.s32 @!p4 s4, s2  }
0x149: {  	[tilespmem:s6], [sflag:$0x4] =	stream.linear.gather @!p4 [hbm4b:s2+s5], $0x3100, $0x38;
	[tilespmem:$0x16800] =	vst v63  }
0x14a: {  	s3 =	sshrl.u32 @!p5 s3, $0x3;
	s2 =	simm.s32 $0x1  }
0x14b: {  	s3 =	sadd.s32 @!p5 s4, s3;
	s5 =	simm.s32 @!p5 $0x0;
	s6 =	simm.s32 @!p5 $0x6200  }
0x14c: {  	[tilespmem:s6], [sflag:$0x3] =	stream.linear.gather @!p5 [hbm4b:s3+s5], $0x3100, $0x38;
	[tilespmem:$0x16800] =	vst v63  }
0x14d: {  	s2 =	simm.s32 @!p3 $0x0;
	p5 =	sne.s32 s1, $0x0  }
0x14e: {  	s9 =	sshll.u32 s2, $0x3;
	s3 =	simm.s32 @!p5 $0x3  }
0x14f: {  	s1 =	sshrl.u32 s9, $0x2;
	_ =	swait.ge @!p5 [sflag:s3], $0x3100  }
0x150: {  	s0 =	sshrl.u32 s0, $0x1;
	v6 =	vmov s1;
	[sflag:s3] =	ssyncset.done @!p5 $0x0  }
0x151: {  	s0 =	smul.u32 $0xC780, s0;
	s1 =	simm.s32 @p4 $0x4;
	[sflag:s3] =	ssyncadd.s32 @!p5 $0xFFFFCF00  }
0x152: {  	_ =	swait.ge @p4 [sflag:s1], $0x3100  }
0x153: {  	s0 =	sshra.s32 s0, $0x2;
	[sflag:s1] =	ssyncset.done @p4 $0x0  }
0x154: {  	s29 =	sadd.s32 $0xC472, s0;
	[sflag:s1] =	ssyncadd.s32 @p4 $0xFFFFCF00  }
0x155: {  	s24 =	smul.u32 $0x3100, s2;
	v7 =	vld.idx.msk [tilespmem:v6+s29+$0x0 ss:$0x1], $0xffff  }
0x156: {  	v8 =	vld [tilespmem:s29+$0x1]  }
0x157: {  	s10 =	sadd.s32 $0x0, s24  }
0x158: {  	s11 =	simm.s32 $0x70;
	s14 =	sadd.s32 $0x70, s10  }
0x159: {  	s3 =	sand.u32 $0x7F80, s14;
	s1 =	sand.u32 $0x70, s11  }
0x15a: {  	s1 =	sor.u32 s1, s3  }
0x15b: {  	v9 =	vld [tilespmem:s1+$0x6200];
	v8 =	vmul.f32 $7.500000000e-01, v8;
	v7 =	vmul.f32 $2.500000000e-01, v7;
	_ =	sdelay $0x1  }
0x15c: {  	v7 =	vadd.f32 v7, v8;
	_ =	sdelay $0x1  }
0x15d: {  	v8 =	vsub.f32 $0.0e+00, v7  }
0x15e: {  	vm1 =	veq.s32 v9, v3  }
0x15f: {  	v7 =	vsel vm1, v8, v7  }
0x160: {  	v8 =	vsel vm1, v4, v5;
	v7 =	vmin.f32 v7, $3.583500000e+03  }
0x161: {  	v8 =	vadd.f32 v7, v8;
	_ =	sdelay $0x1  }
0x162: {  	v8 =	vtrunc.f32 v8  }
0x163: {  	vm1 =	vgt.f32 v7, $-5.120000000e+02;
	v7 =	vcvt.f32.s32 v8;
	_ =	sdelay $0x5  }
0x164: {  	[tilespmem:v7+s13+$0x0] =	vst.idx.add.f32.msk vm1, v2  }
0x165: {  	v7 =	vld.idx.msk [tilespmem:v6+s29+$0x10 ss:$0x1], $0xffff  }
0x166: {  	v8 =	vld [tilespmem:s29+$0x11]  }
0x167: {  	s15 =	smul.u32 $0xC400, s2;
	_ =	sdelay $0x1  }
0x168: {  	s1 =	sshrl.u32 s15, $0x2  }
0x169: {  	s30 =	sadd.s32 $0x6280, s1  }
0x16a: {  	v9 =	vld [tilespmem:s30+$0x0];
	v8 =	vmul.f32 $7.500000000e-01, v8;
	v7 =	vmul.f32 $2.500000000e-01, v7;
	_ =	sdelay $0x1  }
0x16b: {  	v7 =	vadd.f32 v7, v8;
	_ =	sdelay $0x1  }
0x16c: {  	v8 =	vsub.f32 $0.0e+00, v7  }
0x16d: {  	v10 =	vld.idx.msk [tilespmem:v6+s29+$0xFFFFFF8E ss:$0x1], $0xffff;
	vm1 =	veq.s32 v9, v3  }
0x16e: {  	v9 =	vld [tilespmem:s29+$0xFFFFFF8F];
	v7 =	vsel vm1, v8, v7  }
0x16f: {  	v8 =	vsel vm1, v4, v5;
	v7 =	vmin.f32 v7, $3.583500000e+03  }
0x170: {  	v8 =	vadd.f32 v7, v8  }
0x171: {  	s16 =	sand.u32 $0x60, s19;
	s0 =	sand.u32 $0x7F80, s10  }
0x172: {  	s0 =	sor.u32 s16, s0;
	v10 =	vmul.f32 $2.500000000e-01, v10;
	v8 =	vtrunc.f32 v8  }
0x173: {  	v11 =	vld [tilespmem:s0+$0x6200];
	v9 =	vmul.f32 $7.500000000e-01, v9;
	vm1 =	vgt.f32 v7, $-5.120000000e+02;
	v7 =	vcvt.f32.s32 v8;
	_ =	sdelay $0x1  }
0x174: {  	v8 =	vadd.f32 v10, v9;
	_ =	sdelay $0x1  }
0x175: {  	v9 =	vsub.f32 $0.0e+00, v8  }
0x176: {  	vm2 =	veq.s32 v11, v3  }
0x177: {  	v8 =	vsel vm2, v9, v8;
	[tilespmem:v7+s13+$0x0] =	vst.idx.add.f32.msk vm1, v2  }
0x178: {  	v8 =	vmin.f32 v8, $3.583500000e+03;
	v7 =	vsel vm2, v4, v5;
	v9 =	vld.idx.msk [tilespmem:v6+s29+$0x20 ss:$0x1], $0xffff  }
0x179: {  	v7 =	vadd.f32 v8, v7;
	v10 =	vld [tilespmem:s29+$0x21];
	_ =	sdelay $0x1  }
0x17a: {  	v7 =	vtrunc.f32 v7  }
0x17b: {  	s21 =	sadd.s32 $0xE4, s29;
	vm1 =	vgt.f32 v8, $-5.120000000e+02;
	v7 =	vcvt.f32.s32 v7  }
0x17c: {  	v12 =	vld [tilespmem:s21+$0x1]  }
0x17d: {  	v8 =	vld [tilespmem:s30+$0x10];
	v10 =	vmul.f32 $7.500000000e-01, v10;
	v9 =	vmul.f32 $2.500000000e-01, v9  }
0x17e: {  	v11 =	vld.idx.msk [tilespmem:v6+s21+$0x0 ss:$0x1], $0xffff  }
0x17f: {  	s17 =	sadd.s32 $0xE0, s24;
	v9 =	vadd.f32 v9, v10  }
0x180: {  	s22 =	simm.s32 $0x150;
	s23 =	sadd.s32 $0x70, s17  }
0x181: {  	s2 =	sand.u32 $0x70, s22;
	s3 =	sand.u32 $0x7F80, s23;
	[tilespmem:v7+s13+$0x0] =	vst.idx.add.f32.msk vm1, v2;
	v7 =	vsub.f32 $0.0e+00, v9  }
0x182: {  	s2 =	sor.u32 s2, s3;
	vm1 =	veq.s32 v8, v3;
	v10 =	vld.idx.msk [tilespmem:v6+s29+$0xFFFFFF9E ss:$0x1], $0xffff  }
0x183: {  	v8 =	vmul.f32 $7.500000000e-01, v12;
	v7 =	vsel vm1, v7, v9;
	v9 =	vmul.f32 $2.500000000e-01, v11;
	v11 =	vld [tilespmem:s2+$0x6200]  }
0x184: {  	v12 =	vld [tilespmem:s29+$0xFFFFFF9F];
	v13 =	vsel vm1, v4, v5;
	v7 =	vmin.f32 v7, $3.583500000e+03  }
0x185: {  	v13 =	vadd.f32 v7, v13;
	v8 =	vadd.f32 v9, v8;
	_ =	sdelay $0x1  }
0x186: {  	v9 =	vtrunc.f32 v13;
	v13 =	vsub.f32 $0.0e+00, v8  }
0x187: {  	v14 =	vld [tilespmem:s0+$0x6210];
	vm1 =	vgt.f32 v7, $-5.120000000e+02;
	v7 =	vcvt.f32.s32 v9;
	vm2 =	veq.s32 v11, v3  }
0x188: {  	v9 =	vmul.f32 $2.500000000e-01, v10;
	v10 =	vmul.f32 $7.500000000e-01, v12;
	v11 =	vld.idx.msk [tilespmem:v6+s21+$0xFFFFFF8E ss:$0x1], $0xffff;
	v8 =	vsel vm2, v13, v8  }
0x189: {  	s25 =	simm.s32 $0xE0;
	v12 =	vld [tilespmem:s21+$0xFFFFFF8F];
	v13 =	vsel vm2, v4, v5;
	v8 =	vmin.f32 v8, $3.583500000e+03  }
0x18a: {  	s1 =	sand.u32 $0x7F80, s17;
	s0 =	sand.u32 $0x60, s25;
	v9 =	vadd.f32 v9, v10;
	v10 =	vadd.f32 v8, v13  }
0x18b: {  	s0 =	sor.u32 s0, s1  }
0x18c: {  	v15 =	vld [tilespmem:s0+$0x6200];
	v13 =	vsub.f32 $0.0e+00, v9;
	v10 =	vtrunc.f32 v10  }
0x18d: {  	vm2 =	veq.s32 v14, v3;
	[tilespmem:v7+s13+$0x0] =	vst.idx.add.f32.msk vm1, v2;
	vm1 =	vgt.f32 v8, $-5.120000000e+02;
	v7 =	vcvt.f32.s32 v10  }
0x18e: {  	v8 =	vsel vm2, v13, v9;
	v9 =	vmul.f32 $2.500000000e-01, v11;
	v10 =	vmul.f32 $7.500000000e-01, v12;
	v11 =	vld.idx.msk [tilespmem:v6+s29+$0x30 ss:$0x1], $0xffff  }
0x18f: {  	v12 =	vsel vm2, v4, v5;
	v8 =	vmin.f32 v8, $3.583500000e+03;
	v13 =	vld [tilespmem:s29+$0x31]  }
0x190: {  	v12 =	vadd.f32 v8, v12;
	v9 =	vadd.f32 v9, v10;
	_ =	sdelay $0x1  }
0x191: {  	v14 =	vld [tilespmem:s30+$0x20];
	v10 =	vtrunc.f32 v12;
	v12 =	vsub.f32 $0.0e+00, v9  }
0x192: {  	vm3 =	veq.s32 v15, v3;
	vm2 =	vgt.f32 v8, $-5.120000000e+02;
	v8 =	vcvt.f32.s32 v10;
	[tilespmem:v7+s13+$0x0] =	vst.idx.add.f32.msk vm1, v2  }
0x193: {  	v7 =	vsel vm3, v12, v9;
	v9 =	vmul.f32 $7.500000000e-01, v13;
	v10 =	vmul.f32 $2.500000000e-01, v11;
	v11 =	vld.idx.msk [tilespmem:v6+s21+$0x10 ss:$0x1], $0xffff  }
0x194: {  	v12 =	vsel vm3, v4, v5;
	v7 =	vmin.f32 v7, $3.583500000e+03;
	v13 =	vld [tilespmem:s21+$0x11]  }
0x195: {  	v12 =	vadd.f32 v7, v12;
	v9 =	vadd.f32 v10, v9;
	_ =	sdelay $0x1  }
0x196: {  	v10 =	vtrunc.f32 v12;
	v12 =	vsub.f32 $0.0e+00, v9  }
0x197: {  	s22 =	sadd.s32 $0xE0, s30;
	vm1 =	vgt.f32 v7, $-5.120000000e+02;
	[tilespmem:v8+s13+$0x0] =	vst.idx.add.f32.msk vm2, v2;
	v7 =	vcvt.f32.s32 v10;
	vm2 =	veq.s32 v14, v3  }
0x198: {  	v8 =	vsel vm2, v12, v9;
	v9 =	vmul.f32 $7.500000000e-01, v13;
	v10 =	vmul.f32 $2.500000000e-01, v11;
	v11 =	vld [tilespmem:s22+$0x0]  }
0x199: {  	v12 =	vld.idx.msk [tilespmem:v6+s29+$0xFFFFFFAE ss:$0x1], $0xffff;
	v13 =	vsel vm2, v4, v5;
	v8 =	vmin.f32 v8, $3.583500000e+03  }
0x19a: {  	v14 =	vld [tilespmem:s29+$0xFFFFFFAF];
	v13 =	vadd.f32 v8, v13;
	v9 =	vadd.f32 v10, v9;
	_ =	sdelay $0x1  }
0x19b: {  	v10 =	vtrunc.f32 v13;
	v13 =	vsub.f32 $0.0e+00, v9  }
0x19c: {  	v15 =	vld [tilespmem:s30+$0xFFFFFFA0];
	vm2 =	vgt.f32 v8, $-5.120000000e+02;
	vm3 =	veq.s32 v11, v3  }
0x19d: {  	v8 =	vcvt.f32.s32 v10;
	v10 =	vmul.f32 $2.500000000e-01, v12;
	[tilespmem:v7+s13+$0x0] =	vst.idx.add.f32.msk vm1, v2;
	v7 =	vsel vm3, v13, v9  }
0x19e: {  	v9 =	vmul.f32 $7.500000000e-01, v14;
	v11 =	vld.idx.msk [tilespmem:v6+s21+$0xFFFFFF9E ss:$0x1], $0xffff;
	v12 =	vsel vm3, v4, v5;
	v7 =	vmin.f32 v7, $3.583500000e+03  }
0x19f: {  	v13 =	vld [tilespmem:s21+$0xFFFFFF9F];
	v12 =	vadd.f32 v7, v12  }
0x1a0: {  	v9 =	vadd.f32 v10, v9  }
0x1a1: {  	v12 =	vtrunc.f32 v12  }
0x1a2: {  	v10 =	vld [tilespmem:s0+$0x6210];
	vm1 =	vgt.f32 v7, $-5.120000000e+02;
	v14 =	vsub.f32 $0.0e+00, v9;
	v7 =	vcvt.f32.s32 v12  }
0x1a3: {  	[tilespmem:v8+s13+$0x0] =	vst.idx.add.f32.msk vm2, v2;
	vm2 =	veq.s32 v15, v3  }
0x1a4: {  	v11 =	vmul.f32 $2.500000000e-01, v11;
	v12 =	vmul.f32 $7.500000000e-01, v13;
	v9 =	vsel vm2, v14, v9;
	v13 =	vld [tilespmem:s29+$0x41]  }
0x1a5: {  	v8 =	vld.idx.msk [tilespmem:v6+s29+$0x40 ss:$0x1], $0xffff;
	v14 =	vsel vm2, v4, v5;
	v9 =	vmin.f32 v9, $3.583500000e+03  }
0x1a6: {  	v11 =	vadd.f32 v11, v12;
	v14 =	vadd.f32 v9, v14  }
0x1a7: {  	v12 =	vld [tilespmem:s30+$0x30]  }
0x1a8: {  	vm2 =	vgt.f32 v9, $-5.120000000e+02;
	v15 =	vsub.f32 $0.0e+00, v11;
	v14 =	vtrunc.f32 v14;
	[tilespmem:v7+s13+$0x0] =	vst.idx.add.f32.msk vm1, v2  }
0x1a9: {  	vm1 =	veq.s32 v10, v3;
	v7 =	vmul.f32 $7.500000000e-01, v13;
	v9 =	vcvt.f32.s32 v14;
	v13 =	vld [tilespmem:s21+$0x21]  }
0x1aa: {  	v8 =	vmul.f32 $2.500000000e-01, v8;
	v10 =	vld.idx.msk [tilespmem:v6+s21+$0x20 ss:$0x1], $0xffff;
	v11 =	vsel vm1, v15, v11  }
0x1ab: {  	v14 =	vsel vm1, v4, v5;
	v15 =	vld [tilespmem:s22+$0x10];
	v11 =	vmin.f32 v11, $3.583500000e+03  }
0x1ac: {  	s26 =	sadd.s32 $0x1C0, s24;
	s23 =	sadd.s32 $0xE4, s21;
	v7 =	vadd.f32 v8, v7;
	v8 =	vadd.f32 v11, v14  }
0x1ad: {  	s5 =	sadd.s32 $0x70, s26;
	s3 =	simm.s32 $0x230;
	vm3 =	veq.s32 v12, v3;
	vm1 =	vgt.f32 v11, $-5.120000000e+02;
	v11 =	vld.idx.msk [tilespmem:v6+s23+$0x0 ss:$0x1], $0xffff  }
0x1ae: {  	s2 =	sand.u32 $0x7F80, s5;
	s1 =	sand.u32 $0x70, s3;
	v14 =	vsub.f32 $0.0e+00, v7;
	v8 =	vtrunc.f32 v8;
	v12 =	vmul.f32 $7.500000000e-01, v13;
	v13 =	vld [tilespmem:s23+$0x1]  }
0x1af: {  	s1 =	sor.u32 s1, s2;
	v10 =	vmul.f32 $2.500000000e-01, v10;
	[tilespmem:v9+s13+$0x0] =	vst.idx.add.f32.msk vm2, v2;
	v8 =	vcvt.f32.s32 v8  }
0x1b0: {  	v7 =	vsel vm3, v14, v7;
	vm2 =	veq.s32 v15, v3;
	v15 =	vld [tilespmem:s1+$0x6200]  }
0x1b1: {  	v9 =	vsel vm3, v4, v5;
	v7 =	vmin.f32 v7, $3.583500000e+03;
	v14 =	vld.idx.msk [tilespmem:v6+s29+$0xFFFFFFBE ss:$0x1], $0xffff;
	v10 =	vadd.f32 v10, v12  }
0x1b2: {  	v9 =	vadd.f32 v7, v9;
	v12 =	vld [tilespmem:s29+$0xFFFFFFBF]  }
0x1b3: {  	v11 =	vmul.f32 $2.500000000e-01, v11;
	v16 =	vsub.f32 $0.0e+00, v10  }
0x1b4: {  	s6 =	simm.s32 $0x1C0;
	vm3 =	vgt.f32 v7, $-5.120000000e+02;
	v9 =	vtrunc.f32 v9;
	v13 =	vmul.f32 $7.500000000e-01, v13  }
0x1b5: {  	s0 =	sand.u32 $0x7F80, s26;
	s1 =	sand.u32 $0x60, s6;
	v7 =	vcvt.f32.s32 v9;
	v9 =	vsel vm2, v16, v10;
	[tilespmem:v8+s13+$0x0] =	vst.idx.add.f32.msk vm1, v2;
	vm1 =	veq.s32 v15, v3  }
0x1b6: {  	v17 =	vld [tilespmem:s30+$0xFFFFFFB0];
	s0 =	sor.u32 s1, s0;
	v8 =	vmin.f32 v9, $3.583500000e+03;
	v9 =	vsel vm2, v4, v5;
	v10 =	vadd.f32 v11, v13  }
0x1b7: {  	v15 =	vld [tilespmem:s0+$0x6200];
	v11 =	vmul.f32 $2.500000000e-01, v14;
	v12 =	vmul.f32 $7.500000000e-01, v12;
	v9 =	vadd.f32 v8, v9  }
0x1b8: {  	v14 =	vld [tilespmem:s23+$0xFFFFFF8F];
	v16 =	vsub.f32 $0.0e+00, v10  }
0x1b9: {  	v13 =	vld.idx.msk [tilespmem:v6+s23+$0xFFFFFF8E ss:$0x1], $0xffff;
	v11 =	vadd.f32 v11, v12;
	v9 =	vtrunc.f32 v9  }
0x1ba: {  	v18 =	vld [tilespmem:s21+$0xFFFFFFAF];
	vm2 =	vgt.f32 v8, $-5.120000000e+02;
	v8 =	vcvt.f32.s32 v9;
	v9 =	vsel vm1, v16, v10  }
0x1bb: {  	v10 =	vsub.f32 $0.0e+00, v11;
	[tilespmem:v7+s13+$0x0] =	vst.idx.add.f32.msk vm3, v2;
	v7 =	vmin.f32 v9, $3.583500000e+03;
	v9 =	vsel vm1, v4, v5  }
0x1bc: {  	v12 =	vld.idx.msk [tilespmem:v6+s21+$0xFFFFFFAE ss:$0x1], $0xffff;
	vm1 =	veq.s32 v17, v3;
	v9 =	vadd.f32 v7, v9  }
0x1bd: {  	v16 =	vld.idx.msk [tilespmem:v6+s29+$0x50 ss:$0x1], $0xffff;
	v14 =	vmul.f32 $7.500000000e-01, v14;
	v17 =	vsel vm1, v4, v5;
	v10 =	vsel vm1, v10, v11  }
0x1be: {  	v11 =	vmul.f32 $2.500000000e-01, v13;
	v13 =	vld [tilespmem:s29+$0x51];
	v10 =	vmin.f32 v10, $3.583500000e+03;
	v9 =	vtrunc.f32 v9  }
0x1bf: {  	v19 =	vld [tilespmem:s22+$0xFFFFFFA0];
	vm1 =	vgt.f32 v7, $-5.120000000e+02;
	v17 =	vadd.f32 v10, v17;
	v7 =	vcvt.f32.s32 v9  }
0x1c0: {  	v9 =	vadd.f32 v11, v14;
	[tilespmem:v8+s13+$0x0] =	vst.idx.add.f32.msk vm2, v2  }
0x1c1: {  	vm3 =	veq.s32 v15, v3;
	v12 =	vmul.f32 $2.500000000e-01, v12;
	v8 =	vtrunc.f32 v17;
	v11 =	vld.idx.msk [tilespmem:v6+s21+$0x30 ss:$0x1], $0xffff  }
0x1c2: {  	vm2 =	vgt.f32 v10, $-5.120000000e+02;
	v15 =	vmul.f32 $2.500000000e-01, v16;
	v10 =	vsub.f32 $0.0e+00, v9;
	v14 =	vld [tilespmem:s21+$0x31]  }
0x1c3: {  	v16 =	vld [tilespmem:s30+$0x40];
	v8 =	vcvt.f32.s32 v8;
	v13 =	vmul.f32 $7.500000000e-01, v13  }
0x1c4: {  	v17 =	vld [tilespmem:s22+$0x20];
	v9 =	vsel vm3, v10, v9;
	v10 =	vmul.f32 $7.500000000e-01, v18;
	v18 =	vsel vm3, v4, v5  }
0x1c5: {  	v13 =	vadd.f32 v15, v13;
	vm3 =	veq.s32 v19, v3;
	v9 =	vmin.f32 v9, $3.583500000e+03;
	[tilespmem:v7+s13+$0x0] =	vst.idx.add.f32.msk vm1, v2  }
0x1c6: {  	v7 =	vadd.f32 v9, v18;
	vm1 =	vgt.f32 v9, $-5.120000000e+02;
	v9 =	vadd.f32 v12, v10;
	v10 =	vld.idx.msk [tilespmem:v6+s23+$0x10 ss:$0x1], $0xffff  }
0x1c7: {  	v12 =	vsub.f32 $0.0e+00, v13;
	v14 =	vmul.f32 $7.500000000e-01, v14;
	v11 =	vmul.f32 $2.500000000e-01, v11;
	v15 =	vld [tilespmem:s23+$0x11]  }
0x1c8: {  	vm4 =	veq.s32 v16, v3;
	v16 =	vsel vm3, v4, v5;
	v7 =	vtrunc.f32 v7  }
0x1c9: {  	v12 =	vsel vm4, v12, v13;
	[tilespmem:v8+s13+$0x0] =	vst.idx.add.f32.msk vm2, v2;
	v8 =	vsub.f32 $0.0e+00, v9;
	v11 =	vadd.f32 v11, v14  }
0x1ca: {  	s25 =	sadd.s32 $0xE0, s22;
	v13 =	vsel vm4, v4, v5;
	vm2 =	veq.s32 v17, v3;
	v12 =	vmin.f32 v12, $3.583500000e+03  }
0x1cb: {  	v17 =	vld [tilespmem:s25+$0x0];
	v7 =	vcvt.f32.s32 v7;
	v13 =	vadd.f32 v12, v13;
	v18 =	vsub.f32 $0.0e+00, v11  }
0x1cc: {  	v14 =	vld [tilespmem:s29+$0xFFFFFFCF];
	v8 =	vsel vm3, v8, v9;
	v15 =	vmul.f32 $7.500000000e-01, v15;
	v10 =	vmul.f32 $2.500000000e-01, v10  }
0x1cd: {  	v8 =	vmin.f32 v8, $3.583500000e+03;
	v9 =	vtrunc.f32 v13;
	v11 =	vsel vm2, v18, v11  }
0x1ce: {  	v13 =	vld.idx.msk [tilespmem:v6+s29+$0xFFFFFFCE ss:$0x1], $0xffff;
	v18 =	vsel vm2, v4, v5;
	v11 =	vmin.f32 v11, $3.583500000e+03;
	v10 =	vadd.f32 v10, v15  }
0x1cf: {  	vm2 =	vgt.f32 v12, $-5.120000000e+02;
	v9 =	vcvt.f32.s32 v9;
	v12 =	vadd.f32 v11, v18  }
0x1d0: {  	v16 =	vadd.f32 v8, v16;
	v15 =	vld [tilespmem:s30+$0xFFFFFFC0];
	v18 =	vsub.f32 $0.0e+00, v10  }
0x1d1: {  	v14 =	vmul.f32 $7.500000000e-01, v14;
	[tilespmem:v7+s13+$0x0] =	vst.idx.add.f32.msk vm1, v2;
	vm1 =	veq.s32 v17, v3;
	v7 =	vtrunc.f32 v12  }
0x1d2: {  	vm3 =	vgt.f32 v11, $-5.120000000e+02;
	v12 =	vld.idx.msk [tilespmem:v6+s23+$0xFFFFFF9E ss:$0x1], $0xffff;
	v7 =	vcvt.f32.s32 v7;
	v10 =	vsel vm1, v18, v10  }
0x1d3: {  	v17 =	vsel vm1, v4, v5;
	v11 =	vmul.f32 $2.500000000e-01, v13;
	v13 =	vld [tilespmem:s23+$0xFFFFFF9F];
	v10 =	vmin.f32 v10, $3.583500000e+03  }
0x1d4: {  	v16 =	vtrunc.f32 v16;
	v18 =	vld [tilespmem:s0+$0x6210];
	v17 =	vadd.f32 v10, v17  }
0x1d5: {  	vm1 =	vgt.f32 v8, $-5.120000000e+02;
	v8 =	vadd.f32 v11, v14;
	v11 =	vcvt.f32.s32 v16;
	[tilespmem:v9+s13+$0x0] =	vst.idx.add.f32.msk vm2, v2  }
0x1d6: {  	v9 =	vld.idx.msk [tilespmem:v6+s29+$0x60 ss:$0x1], $0xffff;
	v14 =	vtrunc.f32 v17  }
0x1d7: {  	vm2 =	vgt.f32 v10, $-5.120000000e+02;
	v16 =	vsub.f32 $0.0e+00, v8;
	v17 =	vld [tilespmem:s29+$0x61];
	v10 =	vcvt.f32.s32 v14  }
0x1d8: {  	vm4 =	veq.s32 v15, v3;
	v12 =	vmul.f32 $2.500000000e-01, v12;
	v13 =	vmul.f32 $7.500000000e-01, v13;
	[tilespmem:v7+s13+$0x0] =	vst.idx.add.f32.msk vm3, v2  }
0x1d9: {  	v7 =	vsel vm4, v16, v8;
	v8 =	vld.idx.msk [tilespmem:v6+s21+$0x40 ss:$0x1], $0xffff  }
0x1da: {  	v14 =	vsel vm4, v4, v5;
	v12 =	vadd.f32 v12, v13;
	v7 =	vmin.f32 v7, $3.583500000e+03;
	v13 =	vld [tilespmem:s21+$0x41]  }
0x1db: {  	[tilespmem:v11+s13+$0x0] =	vst.idx.add.f32.msk vm1, v2;
	v11 =	vadd.f32 v7, v14  }
0x1dc: {  	vm1 =	veq.s32 v18, v3;
	v15 =	vld [tilespmem:s22+$0x30];
	v14 =	vsub.f32 $0.0e+00, v12  }
0x1dd: {  	v16 =	vsel vm1, v4, v5;
	v11 =	vtrunc.f32 v11;
	[tilespmem:v10+s13+$0x0] =	vst.idx.add.f32.msk vm2, v2  }
0x1de: {  	vm2 =	vgt.f32 v7, $-5.120000000e+02;
	v7 =	vcvt.f32.s32 v11;
	v10 =	vsel vm1, v14, v12;
	v11 =	vld.idx.msk [tilespmem:v6+s23+$0x20 ss:$0x1], $0xffff  }
0x1df: {  	v10 =	vmin.f32 v10, $3.583500000e+03;
	v12 =	vmul.f32 $7.500000000e-01, v13;
	v8 =	vmul.f32 $2.500000000e-01, v8;
	v13 =	vld [tilespmem:s23+$0x21]  }
0x1e0: {  	v9 =	vmul.f32 $2.500000000e-01, v9;
	v14 =	vmul.f32 $7.500000000e-01, v17;
	v17 =	vld [tilespmem:s30+$0x50];
	v16 =	vadd.f32 v10, v16  }
0x1e1: {  	v18 =	vld.idx.msk [tilespmem:v6+s21+$0xFFFFFFBE ss:$0x1], $0xffff;
	v8 =	vadd.f32 v8, v12  }
0x1e2: {  	vm3 =	veq.s32 v15, v3;
	v15 =	vld [tilespmem:s25+$0x10];
	v9 =	vadd.f32 v9, v14;
	v14 =	vtrunc.f32 v16  }
0x1e3: {  	vm1 =	vgt.f32 v10, $-5.120000000e+02;
	v12 =	vld [tilespmem:s21+$0xFFFFFFBF];
	v10 =	vcvt.f32.s32 v14;
	v14 =	vsub.f32 $0.0e+00, v8  }
0x1e4: {  	s7 =	sadd.s32 $0x2A0, s24;
	v16 =	vld [tilespmem:s22+$0xFFFFFFB0];
	v13 =	vmul.f32 $7.500000000e-01, v13;
	v11 =	vmul.f32 $2.500000000e-01, v11  }
0x1e5: {  	s8 =	simm.s32 $0x310;
	s9 =	sadd.s32 $0x70, s7;
	s26 =	sadd.s32 $0xE4, s23;
	v19 =	vsub.f32 $0.0e+00, v9;
	vm4 =	veq.s32 v17, v3;
	[tilespmem:v7+s13+$0x0] =	vst.idx.add.f32.msk vm2, v2;
	v7 =	vsel vm3, v14, v8  }
0x1e6: {  	s2 =	sand.u32 $0x7F80, s9;
	s1 =	sand.u32 $0x70, s8;
	v17 =	vld [tilespmem:s26+$0x1];
	v8 =	vsel vm3, v4, v5;
	v7 =	vmin.f32 v7, $3.583500000e+03;
	v11 =	vadd.f32 v11, v13  }
0x1e7: {  	s1 =	sor.u32 s1, s2;
	v9 =	vsel vm4, v19, v9;
	v20 =	vsel vm4, v4, v5;
	v14 =	vld.idx.msk [tilespmem:v6+s26+$0x0 ss:$0x1], $0xffff;
	v8 =	vadd.f32 v7, v8  }
0x1e8: {  	vm2 =	veq.s32 v15, v3;
	v15 =	vld [tilespmem:s1+$0x6200];
	v13 =	vmul.f32 $2.500000000e-01, v18;
	v19 =	vsub.f32 $0.0e+00, v11  }
0x1e9: {  	v9 =	vmin.f32 v9, $3.583500000e+03;
	v21 =	vld [tilespmem:s29+$0xFFFFFFDF];
	v12 =	vmul.f32 $7.500000000e-01, v12;
	v8 =	vtrunc.f32 v8  }
0x1ea: {  	[tilespmem:v10+s13+$0x0] =	vst.idx.add.f32.msk vm1, v2;
	vm1 =	vgt.f32 v7, $-5.120000000e+02;
	v7 =	vcvt.f32.s32 v8;
	v8 =	vsel vm2, v19, v11  }
0x1eb: {  	v18 =	vld.idx.msk [tilespmem:v6+s29+$0xFFFFFFDE ss:$0x1], $0xffff;
	v10 =	vadd.f32 v13, v12;
	v12 =	vsel vm2, v4, v5;
	v8 =	vmin.f32 v8, $3.583500000e+03  }
0x1ec: {  	s10 =	simm.s32 $0x2A0;
	v13 =	vmul.f32 $7.500000000e-01, v17;
	v11 =	vld.idx.msk [tilespmem:v6+s26+$0xFFFFFF8E ss:$0x1], $0xffff;
	v14 =	vmul.f32 $2.500000000e-01, v14;
	v12 =	vadd.f32 v8, v12  }
0x1ed: {  	s11 =	sand.u32 $0x60, s10;
	s0 =	sand.u32 $0x7F80, s7;
	vm2 =	veq.s32 v16, v3;
	v16 =	vadd.f32 v9, v20;
	v19 =	vld [tilespmem:s26+$0xFFFFFF8F];
	v17 =	vsub.f32 $0.0e+00, v10  }
0x1ee: {  	s0 =	sor.u32 s11, s0;
	v22 =	vld.idx.msk [tilespmem:v6+s23+$0xFFFFFFAE ss:$0x1], $0xffff;
	v20 =	vsel vm2, v4, v5;
	v13 =	vadd.f32 v14, v13;
	v12 =	vtrunc.f32 v12  }
0x1ef: {  	v14 =	vld [tilespmem:s0+$0x6200];
	v10 =	vsel vm2, v17, v10;
	vm2 =	vgt.f32 v8, $-5.120000000e+02;
	v8 =	vcvt.f32.s32 v12  }
0x1f0: {  	vm3 =	veq.s32 v15, v3;
	v10 =	vmin.f32 v10, $3.583500000e+03;
	[tilespmem:v7+s13+$0x0] =	vst.idx.add.f32.msk vm1, v2;
	v7 =	vsub.f32 $0.0e+00, v13  }
0x1f1: {  	v12 =	vtrunc.f32 v16;
	v16 =	vadd.f32 v10, v20;
	vm1 =	vgt.f32 v10, $-5.120000000e+02;
	v10 =	vld [tilespmem:s21+$0x51]  }
0x1f2: {  	v11 =	vmul.f32 $2.500000000e-01, v11;
	v17 =	vmul.f32 $7.500000000e-01, v19;
	v15 =	vld.idx.msk [tilespmem:v6+s21+$0x50 ss:$0x1], $0xffff;
	v7 =	vsel vm3, v7, v13  }
0x1f3: {  	v19 =	vsel vm3, v4, v5;
	v13 =	vtrunc.f32 v16;
	v16 =	vld [tilespmem:s23+$0xFFFFFFAF];
	v7 =	vmin.f32 v7, $3.583500000e+03  }
0x1f4: {  	v18 =	vmul.f32 $2.500000000e-01, v18;
	v11 =	vadd.f32 v11, v17;
	v17 =	vadd.f32 v7, v19;
	v19 =	vld [tilespmem:s22+$0x40]  }
0x1f5: {  	v20 =	vmul.f32 $7.500000000e-01, v21;
	vm3 =	veq.s32 v14, v3;
	v13 =	vcvt.f32.s32 v13;
	[tilespmem:v8+s13+$0x0] =	vst.idx.add.f32.msk vm2, v2  }
0x1f6: {  	v8 =	vsub.f32 $0.0e+00, v11;
	v10 =	vmul.f32 $7.500000000e-01, v10;
	v14 =	vtrunc.f32 v17;
	v17 =	vld.idx.msk [tilespmem:v6+s23+$0x30 ss:$0x1], $0xffff  }
0x1f7: {  	vm4 =	vgt.f32 v7, $-5.120000000e+02;
	v15 =	vmul.f32 $2.500000000e-01, v15;
	v7 =	vcvt.f32.s32 v14;
	v14 =	vld [tilespmem:s23+$0x31]  }
0x1f8: {  	v51 =	vmul.f32 $2.500000000e-01, v22;
	v52 =	vsel vm3, v4, v5;
	v8 =	vsel vm3, v8, v11  }
0x1f9: {  	v11 =	vmul.f32 $7.500000000e-01, v16;
	v8 =	vmin.f32 v8, $3.583500000e+03;
	v10 =	vadd.f32 v15, v10  }
0x1fa: {  	vm2 =	vgt.f32 v9, $-5.120000000e+02;
	v9 =	vadd.f32 v18, v20;
	v15 =	vld [tilespmem:s25+$0xFFFFFFA0];
	v16 =	vadd.f32 v8, v52  }
0x1fb: {  	[tilespmem:v13+s13+$0x0] =	vst.idx.add.f32.msk vm1, v2;
	vm1 =	vgt.f32 v8, $-5.120000000e+02;
	v8 =	vadd.f32 v51, v11;
	v11 =	vsub.f32 $0.0e+00, v10  }
0x1fc: {  	vm3 =	veq.s32 v19, v3;
	v13 =	vmul.f32 $7.500000000e-01, v14;
	v14 =	vmul.f32 $2.500000000e-01, v17;
	v17 =	vld [tilespmem:s25+$0x20]  }
0x1fd: {  	v16 =	vtrunc.f32 v16;
	v18 =	vsub.f32 $0.0e+00, v8;
	v10 =	vsel vm3, v11, v10;
	[tilespmem:v7+s13+$0x0] =	vst.idx.add.f32.msk vm4, v2  }
0x1fe: {  	v7 =	vmin.f32 v10, $3.583500000e+03;
	v10 =	vsel vm3, v4, v5;
	v11 =	vld.idx.msk [tilespmem:v6+s26+$0x10 ss:$0x1], $0xffff;
	v13 =	vadd.f32 v14, v13  }
0x1ff: {  	vm3 =	veq.s32 v15, v3;
	v14 =	vcvt.f32.s32 v16;
	v10 =	vadd.f32 v7, v10;
	v15 =	vld [tilespmem:s26+$0x11]  }
0x200: {  	v20 =	vld [tilespmem:s30+$0xFFFFFFD0];
	v19 =	vsel vm3, v4, v5;
	v8 =	vsel vm3, v18, v8;
	v18 =	vsub.f32 $0.0e+00, v13  }
0x201: {  	s28 =	sadd.s32 $0xE0, s25;
	v16 =	vld [tilespmem:s21+$0xFFFFFFCF];
	vm4 =	vgt.f32 v7, $-5.120000000e+02;
	v8 =	vmin.f32 v8, $3.583500000e+03;
	vm3 =	veq.s32 v17, v3  }
0x202: {  	v53 =	vld [tilespmem:s28+$0x0];
	v10 =	vtrunc.f32 v10;
	v19 =	vadd.f32 v8, v19;
	v7 =	vsel vm3, v18, v13  }
0x203: {  	v17 =	vld.idx.msk [tilespmem:v6+s21+$0xFFFFFFCE ss:$0x1], $0xffff;
	v10 =	vcvt.f32.s32 v10;
	v18 =	vsel vm3, v4, v5;
	v7 =	vmin.f32 v7, $3.583500000e+03  }
0x204: {  	v13 =	vld [tilespmem:s22+$0xFFFFFFC0];
	v15 =	vmul.f32 $7.500000000e-01, v15;
	v11 =	vmul.f32 $2.500000000e-01, v11;
	v18 =	vadd.f32 v7, v18  }
0x205: {  	[tilespmem:v14+s13+$0x0] =	vst.idx.add.f32.msk vm1, v2;
	vm1 =	vgt.f32 v8, $-5.120000000e+02;
	v8 =	vtrunc.f32 v19  }
0x206: {  	v14 =	vld.idx.msk [tilespmem:v6+s26+$0xFFFFFF9E ss:$0x1], $0xffff;
	v8 =	vcvt.f32.s32 v8;
	v11 =	vadd.f32 v11, v15;
	v15 =	vtrunc.f32 v18  }
0x207: {  	vm3 =	vgt.f32 v7, $-5.120000000e+02;
	v19 =	vld [tilespmem:s0+$0x6210];
	v7 =	vcvt.f32.s32 v15  }
0x208: {  	v16 =	vmul.f32 $7.500000000e-01, v16;
	v17 =	vmul.f32 $2.500000000e-01, v17;
	v18 =	vld [tilespmem:s26+$0xFFFFFF9F];
	v15 =	vsub.f32 $0.0e+00, v9  }
0x209: {  	vm5 =	veq.s32 v20, v3;
	v20 =	vsub.f32 $0.0e+00, v11;
	[tilespmem:v10+s13+$0x0] =	vst.idx.add.f32.msk vm4, v2  }
0x20a: {  	vm4 =	veq.s32 v53, v3;
	v16 =	vadd.f32 v17, v16;
	v9 =	vsel vm5, v15, v9;
	v15 =	vld.idx.msk [tilespmem:v6+s21+$0x60 ss:$0x1], $0xffff  }
0x20b: {  	v10 =	vsel vm5, v4, v5;
	v21 =	vsel vm4, v4, v5;
	v11 =	vsel vm4, v20, v11;
	v20 =	vld [tilespmem:s21+$0x61]  }
0x20c: {  	vm4 =	veq.s32 v13, v3;
	v17 =	vsub.f32 $0.0e+00, v16;
	v11 =	vmin.f32 v11, $3.583500000e+03;
	[tilespmem:v8+s13+$0x0] =	vst.idx.add.f32.msk vm1, v2  }
0x20d: {  	v9 =	vmin.f32 v9, $3.583500000e+03;
	v13 =	vsel vm4, v4, v5;
	v8 =	vadd.f32 v11, v21;
	[tilespmem:v7+s13+$0x0] =	vst.idx.add.f32.msk vm3, v2  }
0x20e: {  	v14 =	vmul.f32 $2.500000000e-01, v14;
	vm1 =	vgt.f32 v9, $-5.120000000e+02;
	v7 =	vadd.f32 v9, v10;
	v9 =	vld.idx.msk [tilespmem:v6+s23+$0xFFFFFFBE ss:$0x1], $0xffff  }
0x20f: {  	v16 =	vsel vm4, v17, v16;
	v10 =	vmul.f32 $7.500000000e-01, v18;
	v8 =	vtrunc.f32 v8;
	v17 =	vld.idx.msk [tilespmem:v6+s23+$0x40 ss:$0x1], $0xffff  }
0x210: {  	v16 =	vmin.f32 v16, $3.583500000e+03;
	vm3 =	vgt.f32 v11, $-5.120000000e+02;
	v8 =	vcvt.f32.s32 v8;
	v11 =	vld [tilespmem:s23+$0x41]  }
0x211: {  	v13 =	vadd.f32 v16, v13;
	vm5 =	vgt.f32 v16, $-5.120000000e+02;
	v16 =	vld [tilespmem:s25+$0xFFFFFFB0];
	v10 =	vadd.f32 v14, v10  }
0x212: {  	v18 =	vmul.f32 $7.500000000e-01, v20;
	v15 =	vmul.f32 $2.500000000e-01, v15;
	v14 =	vld [tilespmem:s23+$0xFFFFFFBF]  }
0x213: {  	v12 =	vcvt.f32.s32 v12;
	vm4 =	veq.s32 v19, v3;
	v19 =	vsub.f32 $0.0e+00, v10  }
0x214: {  	v20 =	vld [tilespmem:s22+$0x50];
	v7 =	vtrunc.f32 v7;
	v13 =	vtrunc.f32 v13;
	v15 =	vadd.f32 v15, v18  }
0x215: {  	v18 =	vld [tilespmem:s25+$0x30];
	v13 =	vcvt.f32.s32 v13;
	v10 =	vsel vm4, v19, v10;
	v11 =	vmul.f32 $7.500000000e-01, v11  }
0x216: {  	v17 =	vmul.f32 $2.500000000e-01, v17;
	v19 =	vsel vm4, v4, v5;
	vm4 =	veq.s32 v16, v3;
	[tilespmem:v8+s13+$0x0] =	vst.idx.add.f32.msk vm3, v2  }
0x217: {  	v10 =	vmin.f32 v10, $3.583500000e+03;
	v8 =	vmul.f32 $2.500000000e-01, v9;
	v14 =	vmul.f32 $7.500000000e-01, v14;
	v54 =	vld.idx.msk [tilespmem:v6+s26+$0x20 ss:$0x1], $0xffff  }
0x218: {  	v11 =	vadd.f32 v17, v11;
	vm3 =	vgt.f32 v10, $-5.120000000e+02;
	v10 =	vadd.f32 v10, v19;
	v17 =	vld [tilespmem:s26+$0x21]  }
0x219: {  	s31 =	sadd.s32 $0xE4, s26;
	[tilespmem:v12+s13+$0x0] =	vst.idx.add.f32.msk vm2, v2;
	vm2 =	veq.s32 v20, v3;
	v9 =	vsub.f32 $0.0e+00, v15;
	v20 =	vsel vm4, v4, v5  }
0x21a: {  	s14 =	sadd.s32 $0x380, s24;
	v55 =	vld.idx.msk [tilespmem:v6+s31+$0x0 ss:$0x1], $0xffff;
	v8 =	vadd.f32 v8, v14;
	v12 =	vsub.f32 $0.0e+00, v11;
	v10 =	vtrunc.f32 v10  }
0x21b: {  	s16 =	sadd.s32 $0x70, s14;
	v9 =	vsel vm2, v9, v15;
	[tilespmem:v13+s13+$0x0] =	vst.idx.add.f32.msk vm5, v2;
	vm5 =	veq.s32 v18, v3;
	v10 =	vcvt.f32.s32 v10  }
0x21c: {  	s15 =	simm.s32 $0x3F0;
	s3 =	sand.u32 $0x7F80, s16;
	v18 =	vld [tilespmem:s28+$0x10];
	v15 =	vsel vm5, v4, v5;
	v11 =	vsel vm5, v12, v11;
	v12 =	vsub.f32 $0.0e+00, v8  }
0x21d: {  	s2 =	sand.u32 $0x70, s15;
	v13 =	vld.idx.msk [tilespmem:v6+s21+$0xFFFFFFDE ss:$0x1], $0xffff;
	v11 =	vmin.f32 v11, $3.583500000e+03;
	v16 =	vmul.f32 $7.500000000e-01, v17;
	v17 =	vmul.f32 $2.500000000e-01, v54  }
0x21e: {  	s2 =	sor.u32 s2, s3;
	v19 =	vsel vm2, v4, v5;
	v14 =	vld [tilespmem:s21+$0xFFFFFFDF];
	v8 =	vsel vm4, v12, v8;
	v15 =	vadd.f32 v11, v15  }
0x21f: {  	v56 =	vld [tilespmem:s2+$0x6200];
	v9 =	vmin.f32 v9, $3.583500000e+03;
	v8 =	vmin.f32 v8, $3.583500000e+03;
	v16 =	vadd.f32 v17, v16  }
0x220: {  	v17 =	vadd.f32 v9, v19;
	v19 =	vadd.f32 v8, v20;
	v15 =	vtrunc.f32 v15;
	v20 =	vld [tilespmem:s31+$0x1]  }
0x221: {  	v7 =	vcvt.f32.s32 v7;
	[tilespmem:v10+s13+$0x0] =	vst.idx.add.f32.msk vm3, v2;
	vm3 =	vgt.f32 v11, $-5.120000000e+02;
	v10 =	vcvt.f32.s32 v15  }
0x222: {  	s1 =	simm.s32 $0x380;
	vm2 =	vgt.f32 v9, $-5.120000000e+02;
	v12 =	vld [tilespmem:s22+$0xFFFFFFD0];
	vm5 =	veq.s32 v18, v3;
	v11 =	vsub.f32 $0.0e+00, v16  }
0x223: {  	s17 =	sand.u32 $0x60, s1;
	s0 =	sand.u32 $0x7F80, s14;
	v9 =	vld.idx.msk [tilespmem:v6+s31+$0xFFFFFF8E ss:$0x1], $0xffff;
	vm4 =	vgt.f32 v8, $-5.120000000e+02;
	v13 =	vmul.f32 $2.500000000e-01, v13;
	v14 =	vmul.f32 $7.500000000e-01, v14  }
0x224: {  	s0 =	sor.u32 s17, s0;
	v18 =	vld [tilespmem:s31+$0xFFFFFF8F];
	v15 =	vtrunc.f32 v17;
	v17 =	vtrunc.f32 v19;
	v11 =	vsel vm5, v11, v16  }
0x225: {  	v57 =	vld [tilespmem:s0+$0x6200];
	v8 =	vcvt.f32.s32 v17;
	v17 =	vsel vm5, v4, v5;
	v11 =	vmin.f32 v11, $3.583500000e+03  }
0x226: {  	v16 =	vld.idx.msk [tilespmem:v6+s26+$0xFFFFFFAE ss:$0x1], $0xffff;
	v19 =	vmul.f32 $7.500000000e-01, v20;
	v20 =	vmul.f32 $2.500000000e-01, v55;
	v17 =	vadd.f32 v11, v17  }
0x227: {  	v15 =	vcvt.f32.s32 v15;
	vm5 =	veq.s32 v12, v3;
	v12 =	vadd.f32 v13, v14;
	[tilespmem:v10+s13+$0x0] =	vst.idx.add.f32.msk vm3, v2  }
0x228: {  	v9 =	vmul.f32 $2.500000000e-01, v9;
	v10 =	vadd.f32 v20, v19;
	v13 =	vtrunc.f32 v17;
	v20 =	vld [tilespmem:s26+$0xFFFFFFAF]  }
0x229: {  	v17 =	vmul.f32 $7.500000000e-01, v18;
	vm3 =	vgt.f32 v11, $-5.120000000e+02;
	v11 =	vcvt.f32.s32 v13;
	v13 =	vld [tilespmem:s23+$0x51]  }
0x22a: {  	vm6 =	veq.s32 v56, v3;
	v14 =	vld.idx.msk [tilespmem:v6+s23+$0x50 ss:$0x1], $0xffff;
	v18 =	vsub.f32 $0.0e+00, v10  }
0x22b: {  	v21 =	vsel vm6, v4, v5;
	[tilespmem:v7+s13+$0x0] =	vst.idx.add.f32.msk vm1, v2;
	v9 =	vadd.f32 v9, v17;
	v17 =	vsub.f32 $0.0e+00, v12  }
0x22c: {  	v16 =	vmul.f32 $2.500000000e-01, v16;
	[tilespmem:v8+s13+$0x0] =	vst.idx.add.f32.msk vm4, v2;
	vm4 =	veq.s32 v57, v3;
	v8 =	vsel vm6, v18, v10  }
0x22d: {  	v58 =	vld [tilespmem:s25+$0x40];
	v18 =	vsub.f32 $0.0e+00, v9;
	v12 =	vsel vm5, v17, v12;
	v8 =	vmin.f32 v8, $3.583500000e+03  }
0x22e: {  	[tilespmem:v15+s13+$0x0] =	vst.idx.add.f32.msk vm2, v2;
	v20 =	vmul.f32 $7.500000000e-01, v20;
	v21 =	vadd.f32 v8, v21;
	v13 =	vmul.f32 $7.500000000e-01, v13  }
0x22f: {  	v10 =	vld [tilespmem:s28+$0xFFFFFFA0];
	v14 =	vmul.f32 $2.500000000e-01, v14;
	v9 =	vsel vm4, v18, v9;
	v18 =	vsel vm4, v4, v5  }
0x230: {  	[tilespmem:v11+s13+$0x0] =	vst.idx.add.f32.msk vm3, v2;
	v11 =	vmin.f32 v12, $3.583500000e+03;
	v9 =	vmin.f32 v9, $3.583500000e+03;
	v12 =	vtrunc.f32 v21  }
0x231: {  	vm3 =	vgt.f32 v8, $-5.120000000e+02;
	v59 =	vld.idx.msk [tilespmem:v6+s26+$0x30 ss:$0x1], $0xffff;
	v13 =	vadd.f32 v14, v13;
	v8 =	vcvt.f32.s32 v12  }
0x232: {  	v14 =	vadd.f32 v9, v18;
	vm4 =	vgt.f32 v9, $-5.120000000e+02;
	v9 =	vadd.f32 v16, v20;
	v16 =	vld [tilespmem:s23+$0xFFFFFFCF]  }
0x233: {  	v12 =	vld [tilespmem:s26+$0x31];
	v18 =	vsub.f32 $0.0e+00, v13  }
0x234: {  	v19 =	vsel vm5, v4, v5;
	v17 =	vld.idx.msk [tilespmem:v6+s23+$0xFFFFFFCE ss:$0x1], $0xffff;
	vm5 =	veq.s32 v58, v3;
	v14 =	vtrunc.f32 v14  }
0x235: {  	v60 =	vld [tilespmem:s28+$0x20];
	vm2 =	veq.s32 v10, v3;
	v14 =	vcvt.f32.s32 v14;
	v13 =	vsel vm5, v18, v13  }
0x236: {  	v10 =	vld [tilespmem:s25+$0xFFFFFFC0];
	v15 =	vsub.f32 $0.0e+00, v9;
	v18 =	vsel vm5, v4, v5;
	v13 =	vmin.f32 v13, $3.583500000e+03  }
0x237: {  	v7 =	vsel vm2, v4, v5;
	v20 =	vmul.f32 $2.500000000e-01, v59;
	v18 =	vadd.f32 v13, v18;
	[tilespmem:v8+s13+$0x0] =	vst.idx.add.f32.msk vm3, v2  }
0x238: {  	v12 =	vmul.f32 $7.500000000e-01, v12;
	v8 =	vsel vm2, v15, v9;
	v9 =	vmul.f32 $7.500000000e-01, v16;
	v16 =	vld.idx.msk [tilespmem:v6+s31+$0x10 ss:$0x1], $0xffff  }
0x239: {  	s2 =	sadd.s32 $0xE0, s28;
	vm1 =	vgt.f32 v13, $-5.120000000e+02;
	v15 =	vmul.f32 $2.500000000e-01, v17;
	v17 =	vtrunc.f32 v18;
	v18 =	vld [tilespmem:s31+$0x11]  }
0x23a: {  	vm3 =	veq.s32 v60, v3;
	v8 =	vmin.f32 v8, $3.583500000e+03;
	v12 =	vadd.f32 v20, v12;
	v61 =	vld [tilespmem:s2+$0x0]  }
0x23b: {  	v7 =	vadd.f32 v8, v7;
	v13 =	vcvt.f32.s32 v17;
	[tilespmem:v14+s13+$0x0] =	vst.idx.add.f32.msk vm4, v2;
	vm2 =	vgt.f32 v8, $-5.120000000e+02  }
0x23c: {  	v9 =	vadd.f32 v15, v9;
	vm4 =	veq.s32 v10, v3;
	v8 =	vsub.f32 $0.0e+00, v12;
	v14 =	vld.idx.msk [tilespmem:v6+s31+$0xFFFFFF9E ss:$0x1], $0xffff  }
0x23d: {  	v17 =	vsel vm3, v4, v5;
	v10 =	vld [tilespmem:s31+$0xFFFFFF9F];
	v20 =	vsel vm4, v4, v5;
	v7 =	vtrunc.f32 v7  }
0x23e: {  	v15 =	vld [tilespmem:s0+$0x6210];
	v7 =	vcvt.f32.s32 v7;
	v8 =	vsel vm3, v8, v12;
	v12 =	vsub.f32 $0.0e+00, v9  }
0x23f: {  	v8 =	vmin.f32 v8, $3.583500000e+03;
	v18 =	vmul.f32 $7.500000000e-01, v18;
	v16 =	vmul.f32 $2.500000000e-01, v16  }
0x240: {  	v62 =	vld [tilespmem:s29+$0xFFFFFFEF];
	vm5 =	veq.s32 v61, v3;
	v17 =	vadd.f32 v8, v17;
	v9 =	vsel vm4, v12, v9  }
0x241: {  	vm3 =	vgt.f32 v8, $-5.120000000e+02;
	[tilespmem:v13+s13+$0x0] =	vst.idx.add.f32.msk vm1, v2;
	v12 =	vadd.f32 v16, v18;
	v14 =	vmul.f32 $2.500000000e-01, v14  }
0x242: {  	vm1 =	vgt.f32 v11, $-5.120000000e+02;
	v10 =	vmul.f32 $7.500000000e-01, v10;
	v13 =	vtrunc.f32 v17;
	v16 =	vld.idx.msk [tilespmem:v6+s23+$0x60 ss:$0x1], $0xffff  }
0x243: {  	vm4 =	veq.s32 v15, v3;
	v8 =	vcvt.f32.s32 v13;
	v13 =	vld [tilespmem:s23+$0x61];
	v15 =	vsub.f32 $0.0e+00, v12  }
0x244: {  	v11 =	vadd.f32 v11, v19;
	v9 =	vmin.f32 v9, $3.583500000e+03;
	v19 =	vld [tilespmem:s25+$0x50];
	v10 =	vadd.f32 v14, v10  }
0x245: {  	[tilespmem:v7+s13+$0x0] =	vst.idx.add.f32.msk vm2, v2;
	v7 =	vadd.f32 v9, v20;
	vm2 =	vgt.f32 v9, $-5.120000000e+02;
	v12 =	vsel vm5, v15, v12  }
0x246: {  	v18 =	vld.idx.msk [tilespmem:v6+s26+$0xFFFFFFBE ss:$0x1], $0xffff;
	v20 =	vsub.f32 $0.0e+00, v10;
	v9 =	vmin.f32 v12, $3.583500000e+03;
	v12 =	vsel vm5, v4, v5  }
0x247: {  	v17 =	vsel vm4, v4, v5;
	v14 =	vld [tilespmem:s26+$0xFFFFFFBF];
	v7 =	vtrunc.f32 v7;
	v12 =	vadd.f32 v9, v12  }
0x248: {  	v15 =	vld [tilespmem:s28+$0xFFFFFFB0];
	v16 =	vmul.f32 $2.500000000e-01, v16;
	v10 =	vsel vm4, v20, v10;
	v13 =	vmul.f32 $7.500000000e-01, v13  }
0x249: {  	vm4 =	vgt.f32 v9, $-5.120000000e+02;
	v10 =	vmin.f32 v10, $3.583500000e+03;
	[tilespmem:v8+s13+$0x0] =	vst.idx.add.f32.msk vm3, v2;
	v8 =	vcvt.f32.s32 v7  }
0x24a: {  	v7 =	vtrunc.f32 v11;
	v11 =	vtrunc.f32 v12;
	v12 =	vld.idx.msk [tilespmem:v6+s26+$0x40 ss:$0x1], $0xffff;
	v13 =	vadd.f32 v16, v13  }
0x24b: {  	vm3 =	vgt.f32 v10, $-5.120000000e+02;
	v10 =	vadd.f32 v10, v17;
	v9 =	vcvt.f32.s32 v11;
	v11 =	vld [tilespmem:s26+$0x41]  }
0x24c: {  	v17 =	vld [tilespmem:s30+$0xFFFFFFE0];
	v20 =	vsub.f32 $0.0e+00, v13  }
0x24d: {  	vm5 =	veq.s32 v19, v3;
	v16 =	vld.idx.msk [tilespmem:v6+s29+$0xFFFFFFEE ss:$0x1], $0xffff;
	v18 =	vmul.f32 $2.500000000e-01, v18;
	v10 =	vtrunc.f32 v10  }
0x24e: {  	vm15 =	veq.s32 v15, v3;
	v15 =	vld [tilespmem:s28+$0x30];
	v10 =	vcvt.f32.s32 v10;
	v13 =	vsel vm5, v20, v13  }
0x24f: {  	v14 =	vmul.f32 $7.500000000e-01, v14;
	[tilespmem:v8+s13+$0x0] =	vst.idx.add.f32.msk vm2, v2;
	v8 =	vmin.f32 v13, $3.583500000e+03;
	v13 =	vsel vm5, v4, v5  }
0x250: {  	v11 =	vmul.f32 $7.500000000e-01, v11;
	v12 =	vmul.f32 $2.500000000e-01, v12;
	v13 =	vadd.f32 v8, v13  }
0x251: {  	v21 =	vmul.f32 $7.500000000e-01, v62;
	v7 =	vcvt.f32.s32 v7;
	[tilespmem:v9+s13+$0x0] =	vst.idx.add.f32.msk vm4, v2;
	v9 =	vadd.f32 v18, v14  }
0x252: {  	v16 =	vmul.f32 $2.500000000e-01, v16;
	v19 =	vld.idx.msk [tilespmem:v6+s31+$0x20 ss:$0x1], $0xffff;
	v11 =	vadd.f32 v12, v11;
	v12 =	vtrunc.f32 v13  }
0x253: {  	vm4 =	vgt.f32 v8, $-5.120000000e+02;
	v18 =	vld [tilespmem:s31+$0x21];
	v13 =	vsub.f32 $0.0e+00, v9;
	v20 =	vcvt.f32.s32 v12  }
0x254: {  	vm2 =	veq.s32 v17, v3;
	vm5 =	veq.s32 v15, v3;
	[tilespmem:v10+s13+$0x0] =	vst.idx.add.f32.msk vm3, v2;
	v63 =	vsub.f32 $0.0e+00, v11  }
0x255: {  	v14 =	vsel vm15, v4, v5;
	v8 =	vsel vm2, v4, v5;
	v12 =	vld.idx.msk [tilespmem:v6+s23+$0xFFFFFFDE ss:$0x1], $0xffff;
	v9 =	vsel vm15, v13, v9  }
0x256: {  	v13 =	vld [tilespmem:s23+$0xFFFFFFDF];
	v23 =	vmin.f32 v9, $3.583500000e+03;
	v15 =	vsel vm5, v63, v11;
	v9 =	vadd.f32 v16, v21  }
0x257: {  	v11 =	vld [tilespmem:s25+$0xFFFFFFD0];
	v10 =	vadd.f32 v23, v14;
	v14 =	vmin.f32 v15, $3.583500000e+03;
	v15 =	vsel vm5, v4, v5  }
0x258: {  	v17 =	vld [tilespmem:s2+$0x10];
	v18 =	vmul.f32 $7.500000000e-01, v18;
	v19 =	vmul.f32 $2.500000000e-01, v19;
	v15 =	vadd.f32 v14, v15  }
0x259: {  	s9 =	sadd.s32 $0xE4, s31;
	s8 =	simm.s32 $0x8;
	s0 =	smov.u32 s2;
	vm3 =	vgt.f32 v23, $-5.120000000e+02;
	v16 =	vtrunc.f32 v10;
	v10 =	vsub.f32 $0.0e+00, v9;
	[tilespmem:v20+s13+$0x0] =	vst.idx.add.f32.msk vm4, v2  }
.LBB2_12:
0x25a: {  	v20 =	vld.idx.msk [tilespmem:v6+s9+$0x0 ss:$0x1], $0xffff;
	s8 =	sadd.s32 $0x2, s8;
	v18 =	vadd.f32 v19, v18;
	v16 =	vcvt.f32.s32 v16;
	v15 =	vtrunc.f32 v15  }
0x25b: {  	s1 =	sadd.s32 $0xE0, s1;
	vm5 =	vgt.f32 v14, $-5.120000000e+02;
	v12 =	vmul.f32 $2.500000000e-01, v12;
	v19 =	vld [tilespmem:s9+$0x1];
	p4 =	slt.u32 s8, $0x6E;
	v14 =	vcvt.f32.s32 v15  }
0x25c: {  	v13 =	vmul.f32 $7.500000000e-01, v13;
	s3 =	sadd.s32 s1, s24;
	s5 =	sand.u32 $0x60, s1;
	vm4 =	veq.s32 v11, v3;
	v15 =	vld.idx.msk [tilespmem:v6+s9+$0xFFFFFF8E ss:$0x1], $0xffff;
	v21 =	vsub.f32 $0.0e+00, v18  }
0x25d: {  	s10 =	sadd.s32 $0x70, s1;
	v9 =	vsel vm2, v10, v9;
	s6 =	sand.u32 $0x7F80, s3;
	s3 =	sadd.s32 $0x70, s3;
	v11 =	vsel vm4, v4, v5;
	v22 =	vld [tilespmem:s9+$0xFFFFFF8F];
	vm6 =	veq.s32 v17, v3  }
0x25e: {  	v12 =	vadd.f32 v12, v13;
	v9 =	vmin.f32 v9, $3.583500000e+03;
	s7 =	sor.u32 s5, s6;
	s3 =	sand.u32 $0x7F80, s3;
	s5 =	sand.u32 $0x70, s10;
	v10 =	vld.idx.msk [tilespmem:v6+s31+$0xFFFFFFAE ss:$0x1], $0xffff;
	v17 =	vsel vm6, v21, v18  }
0x25f: {  	v8 =	vadd.f32 v9, v8;
	s3 =	sor.u32 s5, s3;
	v18 =	vsel vm6, v4, v5;
	v13 =	vld [tilespmem:s7+$0x6200];
	v17 =	vmin.f32 v17, $3.583500000e+03  }
0x260: {  	v20 =	vmul.f32 $2.500000000e-01, v20;
	v19 =	vmul.f32 $7.500000000e-01, v19;
	v21 =	vld [tilespmem:s3+$0x6200];
	v18 =	vadd.f32 v17, v18  }
0x261: {  	vm2 =	vgt.f32 v9, $-5.120000000e+02;
	v8 =	vtrunc.f32 v8;
	[tilespmem:v14+s13+$0x0] =	vst.idx.add.f32.msk vm5, v2;
	v14 =	vsub.f32 $0.0e+00, v12  }
0x262: {  	v9 =	vmul.f32 $2.500000000e-01, v15;
	v15 =	vadd.f32 v20, v19;
	v18 =	vtrunc.f32 v18;
	v19 =	vld.idx.msk [tilespmem:v6+s26+$0x50 ss:$0x1], $0xffff  }
0x263: {  	vm5 =	vgt.f32 v17, $-5.120000000e+02;
	v20 =	vmul.f32 $7.500000000e-01, v22;
	v17 =	vcvt.f32.s32 v18;
	v18 =	vld [tilespmem:s26+$0x51]  }
0x264: {  	v10 =	vmul.f32 $2.500000000e-01, v10;
	vm6 =	veq.s32 v13, v3;
	v13 =	vsub.f32 $0.0e+00, v15;
	v22 =	vld [tilespmem:s31+$0xFFFFFFAF]  }
0x265: {  	v9 =	vadd.f32 v9, v20;
	v20 =	vsel vm6, v4, v5;
	vm7 =	veq.s32 v21, v3;
	v21 =	vld [tilespmem:s2+$0xFFFFFFA0]  }
0x266: {  	v8 =	vcvt.f32.s32 v8;
	v12 =	vsel vm4, v14, v12;
	v13 =	vsel vm7, v13, v15;
	[tilespmem:v16+s13+$0x0] =	vst.idx.add.f32.msk vm3, v2  }
0x267: {  	v14 =	vsub.f32 $0.0e+00, v9;
	v15 =	vsel vm7, v4, v5;
	v13 =	vmin.f32 v13, $3.583500000e+03;
	v16 =	vld.idx.msk [tilespmem:v6+s26+$0xFFFFFFCE ss:$0x1], $0xffff  }
0x268: {  	v19 =	vmul.f32 $2.500000000e-01, v19;
	v15 =	vadd.f32 v13, v15;
	v18 =	vmul.f32 $7.500000000e-01, v18;
	v23 =	vld [tilespmem:s28+$0x40]  }
0x269: {  	v12 =	vmin.f32 v12, $3.583500000e+03;
	v9 =	vsel vm6, v14, v9;
	v14 =	vmul.f32 $7.500000000e-01, v22;
	[tilespmem:v17+s13+$0x0] =	vst.idx.add.f32.msk vm5, v2  }
0x26a: {  	v9 =	vmin.f32 v9, $3.583500000e+03;
	v15 =	vtrunc.f32 v15;
	v17 =	vld.idx.msk [tilespmem:v6+s31+$0x30 ss:$0x1], $0xffff;
	v18 =	vadd.f32 v19, v18  }
0x26b: {  	vm4 =	vgt.f32 v13, $-5.120000000e+02;
	v19 =	vadd.f32 v9, v20;
	v13 =	vcvt.f32.s32 v15;
	v15 =	vld [tilespmem:s31+$0x31]  }
0x26c: {  	vm3 =	vgt.f32 v9, $-5.120000000e+02;
	v10 =	vadd.f32 v10, v14;
	v14 =	vld [tilespmem:s26+$0xFFFFFFCF];
	v9 =	vsub.f32 $0.0e+00, v18  }
0x26d: {  	vm5 =	veq.s32 v21, v3;
	v19 =	vtrunc.f32 v19;
	v20 =	vld [tilespmem:s28+$0xFFFFFFC0];
	vm6 =	veq.s32 v23, v3  }
0x26e: {  	v19 =	vcvt.f32.s32 v19;
	v21 =	vsub.f32 $0.0e+00, v10;
	v9 =	vsel vm6, v9, v18;
	[tilespmem:v7+s13+$0x0] =	vst.idx.add.f32.msk vm1, v2  }
0x26f: {  	v7 =	vsel vm5, v4, v5;
	v22 =	vsel vm6, v4, v5;
	v18 =	vmin.f32 v9, $3.583500000e+03;
	v9 =	vld.idx.msk [tilespmem:v6+s21+$0xFFFFFFEE ss:$0x1], $0xffff  }
0x270: {  	v17 =	vmul.f32 $2.500000000e-01, v17;
	v15 =	vmul.f32 $7.500000000e-01, v15;
	v23 =	vld [tilespmem:s2+$0x20];
	v22 =	vadd.f32 v18, v22  }
0x271: {  	v10 =	vsel vm5, v21, v10;
	[tilespmem:v13+s13+$0x0] =	vst.idx.add.f32.msk vm4, v2;
	v13 =	vmul.f32 $7.500000000e-01, v14;
	v14 =	vmul.f32 $2.500000000e-01, v16  }
0x272: {  	v10 =	vmin.f32 v10, $3.583500000e+03;
	v16 =	vld.idx.msk [tilespmem:v6+s9+$0x10 ss:$0x1], $0xffff;
	v15 =	vadd.f32 v17, v15;
	v17 =	vtrunc.f32 v22  }
0x273: {  	vm1 =	vgt.f32 v18, $-5.120000000e+02;
	v7 =	vadd.f32 v10, v7;
	v21 =	vld [tilespmem:s9+$0x11];
	v17 =	vcvt.f32.s32 v17  }
0x274: {  	v13 =	vadd.f32 v14, v13;
	[tilespmem:v19+s13+$0x0] =	vst.idx.add.f32.msk vm3, v2;
	vm3 =	vgt.f32 v10, $-5.120000000e+02;
	v10 =	vsub.f32 $0.0e+00, v15  }
0x275: {  	vm5 =	veq.s32 v20, v3;
	v7 =	vtrunc.f32 v7;
	v14 =	vld.idx.msk [tilespmem:v6+s9+$0xFFFFFF9E ss:$0x1], $0xffff;
	vm4 =	veq.s32 v23, v3  }
0x276: {  	v7 =	vcvt.f32.s32 v7;
	v18 =	vld [tilespmem:s9+$0xFFFFFF9F];
	v10 =	vsel vm4, v10, v15;
	v15 =	vsub.f32 $0.0e+00, v13  }
0x277: {  	s2 =	sadd.s32 $0xE0, s2;
	v22 =	vsel vm5, v4, v5;
	v20 =	vsel vm4, v4, v5;
	v19 =	vld [tilespmem:s7+$0x6210];
	v10 =	vmin.f32 v10, $3.583500000e+03  }
0x278: {  	v16 =	vmul.f32 $2.500000000e-01, v16;
	v21 =	vmul.f32 $7.500000000e-01, v21;
	v23 =	vld [tilespmem:s2+$0x0];
	v20 =	vadd.f32 v10, v20  }
0x279: {  	v11 =	vadd.f32 v12, v11;
	v13 =	vsel vm5, v15, v13;
	[tilespmem:v17+s13+$0x0] =	vst.idx.add.f32.msk vm1, v2;
	vm1 =	vgt.f32 v12, $-5.120000000e+02  }
0x27a: {  	v13 =	vmin.f32 v13, $3.583500000e+03;
	v12 =	vadd.f32 v16, v21;
	v15 =	vtrunc.f32 v20;
	v16 =	vld.idx.msk [tilespmem:v6+s26+$0x60 ss:$0x1], $0xffff  }
0x27b: {  	vm6 =	vgt.f32 v10, $-5.120000000e+02;
	v14 =	vmul.f32 $2.500000000e-01, v14;
	v10 =	vcvt.f32.s32 v15;
	v15 =	vld [tilespmem:s26+$0x61]  }
0x27c: {  	v17 =	vmul.f32 $7.500000000e-01, v18;
	vm5 =	veq.s32 v19, v3;
	v18 =	vsub.f32 $0.0e+00, v12;
	[tilespmem:v7+s13+$0x0] =	vst.idx.add.f32.msk vm3, v2  }
0x27d: {  	v7 =	vadd.f32 v13, v22;
	v19 =	vsel vm5, v4, v5;
	vm3 =	veq.s32 v23, v3;
	v20 =	vld.idx.msk [tilespmem:v6+s31+$0xFFFFFFBE ss:$0x1], $0xffff  }
0x27e: {  	vm4 =	vgt.f32 v13, $-5.120000000e+02;
	v14 =	vadd.f32 v14, v17;
	v12 =	vsel vm3, v18, v12;
	v17 =	vld [tilespmem:s31+$0xFFFFFFBF]  }
0x27f: {  	v13 =	vsel vm3, v4, v5;
	v7 =	vtrunc.f32 v7;
	v12 =	vmin.f32 v12, $3.583500000e+03;
	v18 =	vld [tilespmem:s0+$0xFFFFFFB0]  }
0x280: {  	v16 =	vmul.f32 $2.500000000e-01, v16;
	v13 =	vadd.f32 v12, v13;
	v15 =	vmul.f32 $7.500000000e-01, v15;
	v21 =	vld [tilespmem:s28+$0x50]  }
0x281: {  	v22 =	vsub.f32 $0.0e+00, v14;
	[tilespmem:v10+s13+$0x0] =	vst.idx.add.f32.msk vm6, v2;
	v10 =	vcvt.f32.s32 v7;
	v7 =	vtrunc.f32 v11  }
0x282: {  	v11 =	vtrunc.f32 v13;
	v13 =	vld.idx.msk [tilespmem:v6+s31+$0x40 ss:$0x1], $0xffff;
	v15 =	vadd.f32 v16, v15;
	v7 =	vcvt.f32.s32 v7  }
0x283: {  	v14 =	vsel vm5, v22, v14;
	vm5 =	vgt.f32 v12, $-5.120000000e+02;
	v11 =	vcvt.f32.s32 v11;
	v12 =	vld [tilespmem:s31+$0x41]  }
0x284: {  	v14 =	vmin.f32 v14, $3.583500000e+03;
	v16 =	vmul.f32 $2.500000000e-01, v20;
	v20 =	vsub.f32 $0.0e+00, v15;
	v22 =	vld [tilespmem:s21+$0xFFFFFFEF];
	s21 =	smov.u32 s23;
	s23 =	smov.u32 s26;
	s26 =	smov.u32 s31  }
0x285: {  	vm3 =	vgt.f32 v14, $-5.120000000e+02;
	v14 =	vadd.f32 v14, v19;
	vm7 =	veq.s32 v21, v3;
	v19 =	vld [tilespmem:s22+$0xFFFFFFE0];
	s22 =	smov.u32 s25;
	s25 =	smov.u32 s28;
	s28 =	smov.u32 s0  }
0x286: {  	v17 =	vmul.f32 $7.500000000e-01, v17;
	vm6 =	veq.s32 v18, v3;
	s31 =	smov.u32 s9;
	s0 =	smov.u32 s2;
	v15 =	vsel vm7, v20, v15;
	[tilespmem:v8+s13+$0x0] =	vst.idx.add.f32.msk vm2, v2  }
0x287: {  	v8 =	vtrunc.f32 v14;
	v14 =	vsel vm7, v4, v5;
	[tilespmem:v10+s13+$0x0] =	vst.idx.add.f32.msk vm4, v2;
	v10 =	vmin.f32 v15, $3.583500000e+03  }
0x288: {  	v13 =	vmul.f32 $2.500000000e-01, v13;
	v12 =	vmul.f32 $7.500000000e-01, v12;
	v15 =	vld [tilespmem:s28+$0x30];
	v14 =	vadd.f32 v10, v14  }
0x289: {  	v18 =	vcvt.f32.s32 v8;
	v8 =	vadd.f32 v16, v17;
	v16 =	vsel vm6, v4, v5;
	[tilespmem:v11+s13+$0x0] =	vst.idx.add.f32.msk vm5, v2  }
0x28a: {  	v9 =	vmul.f32 $2.500000000e-01, v9;
	v17 =	vld.idx.msk [tilespmem:v6+s9+$0x20 ss:$0x1], $0xffff;
	v11 =	vadd.f32 v13, v12;
	v12 =	vtrunc.f32 v14  }
0x28b: {  	vm4 =	vgt.f32 v10, $-5.120000000e+02;
	v13 =	vsub.f32 $0.0e+00, v8;
	v20 =	vld [tilespmem:s9+$0x21];
	v10 =	vcvt.f32.s32 v12  }
0x28c: {  	v21 =	vmul.f32 $7.500000000e-01, v22;
	vm2 =	veq.s32 v19, v3;
	v14 =	vsub.f32 $0.0e+00, v11;
	v12 =	vld.idx.msk [tilespmem:v6+s23+$0xFFFFFFDE ss:$0x1], $0xffff  }
.Ltmp5:
0x28d: {  	v19 =	vsel vm6, v13, v8;
	v8 =	vsel vm2, v4, v5;
	vm5 =	veq.s32 v15, v3;
	v13 =	vld [tilespmem:s23+$0xFFFFFFDF];
	(pc) =	sbr.rel @p4 .LBB2_12-.Ltmp5, $4  }
0x28e: {  	v9 =	vadd.f32 v9, v21;
	v22 =	vmin.f32 v19, $3.583500000e+03;
	v14 =	vsel vm5, v14, v11;
	v11 =	vld [tilespmem:s25+$0xFFFFFFD0]  }
0x28f: {  	v16 =	vadd.f32 v22, v16;
	v15 =	vsel vm5, v4, v5;
	[tilespmem:v18+s13+$0x0] =	vst.idx.add.f32.msk vm3, v2;
	v14 =	vmin.f32 v14, $3.583500000e+03  }
0x290: {  	v19 =	vmul.f32 $2.500000000e-01, v17;
	v18 =	vmul.f32 $7.500000000e-01, v20;
	v17 =	vld [tilespmem:s2+$0x10];
	v15 =	vadd.f32 v14, v15  }
0x291: {  	s9 =	sadd.s32 $0xE4, s9;
	vm3 =	vgt.f32 v22, $-5.120000000e+02;
	v16 =	vtrunc.f32 v16;
	[tilespmem:v10+s13+$0x0] =	vst.idx.add.f32.msk vm4, v2;
	v10 =	vsub.f32 $0.0e+00, v9  }
0x292: {  	v18 =	vadd.f32 v19, v18;
	_ =	sdelay $0x1  }
0x293: {  	v19 =	vsub.f32 $0.0e+00, v18  }
0x294: {  	vm4 =	veq.s32 v17, v3  }
0x295: {  	v49 =	vld.idx.msk [tilespmem:v6+s31+$0xFFFFFFAE ss:$0x1], $0xffff;
	v18 =	vsel vm4, v19, v18  }
0x296: {  	v20 =	vld [tilespmem:s31+$0xFFFFFFAF];
	v50 =	vsel vm4, v4, v5;
	v18 =	vmin.f32 v18, $3.583500000e+03  }
0x297: {  	v19 =	vadd.f32 v18, v50;
	_ =	sdelay $0x1  }
0x298: {  	v19 =	vtrunc.f32 v19  }
0x299: {  	vm14 =	vgt.f32 v18, $-5.120000000e+02;
	v51 =	vcvt.f32.s32 v19  }
0x29a: {  	v52 =	vld [tilespmem:s2+$0xFFFFFFA0];
	v17 =	vmul.f32 $2.500000000e-01, v49;
	v20 =	vmul.f32 $7.500000000e-01, v20;
	_ =	sdelay $0x1  }
0x29b: {  	v17 =	vadd.f32 v17, v20;
	_ =	sdelay $0x1  }
0x29c: {  	v20 =	vsub.f32 $0.0e+00, v17  }
0x29d: {  	vm15 =	veq.s32 v52, v3;
	[tilespmem:v51+s13+$0x0] =	vst.idx.add.f32.msk vm14, v2  }
0x29e: {  	v17 =	vsel vm15, v20, v17;
	v18 =	vld.idx.msk [tilespmem:v6+s31+$0x30 ss:$0x1], $0xffff  }
0x29f: {  	v54 =	vsel vm15, v4, v5;
	v17 =	vmin.f32 v17, $3.583500000e+03;
	v53 =	vld [tilespmem:s31+$0x31]  }
0x2a0: {  	v20 =	vadd.f32 v17, v54;
	_ =	sdelay $0x1  }
0x2a1: {  	v20 =	vtrunc.f32 v20  }
0x2a2: {  	vm8 =	vgt.f32 v17, $-5.120000000e+02;
	v55 =	vcvt.f32.s32 v20  }
0x2a3: {  	v56 =	vld [tilespmem:s2+$0x20];
	v19 =	vmul.f32 $7.500000000e-01, v53;
	v18 =	vmul.f32 $2.500000000e-01, v18;
	_ =	sdelay $0x1  }
0x2a4: {  	v18 =	vadd.f32 v18, v19;
	_ =	sdelay $0x1  }
0x2a5: {  	v19 =	vsub.f32 $0.0e+00, v18  }
0x2a6: {  	vm5 =	veq.s32 v56, v3;
	[tilespmem:v55+s13+$0x0] =	vst.idx.add.f32.msk vm8, v2  }
0x2a7: {  	v58 =	vld.idx.msk [tilespmem:v6+s31+$0xFFFFFFBE ss:$0x1], $0xffff;
	v57 =	vsel vm5, v19, v18  }
0x2a8: {  	v59 =	vsel vm5, v4, v5;
	v60 =	vld [tilespmem:s31+$0xFFFFFFBF];
	v17 =	vmin.f32 v57, $3.583500000e+03  }
0x2a9: {  	v19 =	vadd.f32 v17, v59;
	_ =	sdelay $0x1  }
0x2aa: {  	v19 =	vtrunc.f32 v19  }
0x2ab: {  	vm9 =	vgt.f32 v17, $-5.120000000e+02;
	v61 =	vcvt.f32.s32 v19  }
0x2ac: {  	v62 =	vld [tilespmem:s0+$0xFFFFFFB0];
	v18 =	vmul.f32 $2.500000000e-01, v58;
	v20 =	vmul.f32 $7.500000000e-01, v60;
	_ =	sdelay $0x1  }
0x2ad: {  	v18 =	vadd.f32 v18, v20;
	_ =	sdelay $0x1  }
0x2ae: {  	v20 =	vsub.f32 $0.0e+00, v18  }
0x2af: {  	vm10 =	veq.s32 v62, v3;
	[tilespmem:v61+s13+$0x0] =	vst.idx.add.f32.msk vm9, v2  }
0x2b0: {  	v21 =	vsel vm10, v20, v18;
	v63 =	vld.idx.msk [tilespmem:v6+s31+$0x40 ss:$0x1], $0xffff  }
0x2b1: {  	v19 =	vsel vm10, v4, v5;
	v17 =	vmin.f32 v21, $3.583500000e+03;
	v22 =	vld [tilespmem:s31+$0x41]  }
0x2b2: {  	v16 =	vcvt.f32.s32 v16;
	v19 =	vadd.f32 v17, v19;
	_ =	sdelay $0x1  }
0x2b3: {  	v19 =	vtrunc.f32 v19  }
0x2b4: {  	vm12 =	vgt.f32 v17, $-5.120000000e+02;
	v23 =	vcvt.f32.s32 v19  }
0x2b5: {  	vm11 =	vgt.f32 v14, $-5.120000000e+02;
	v24 =	vld [tilespmem:s0+$0x30];
	v18 =	vmul.f32 $7.500000000e-01, v22;
	v14 =	vmul.f32 $2.500000000e-01, v63  }
0x2b6: {  	v15 =	vtrunc.f32 v15  }
0x2b7: {  	v15 =	vcvt.f32.s32 v15;
	[tilespmem:v16+s13+$0x0] =	vst.idx.add.f32.msk vm3, v2;
	v14 =	vadd.f32 v14, v18  }
0x2b8: {  	v25 =	vld.idx.msk [tilespmem:v6+s26+$0xFFFFFFCE ss:$0x1], $0xffff  }
0x2b9: {  	v16 =	vld [tilespmem:s26+$0xFFFFFFCF];
	v18 =	vsub.f32 $0.0e+00, v14  }
0x2ba: {  	vm3 =	veq.s32 v24, v3;
	[tilespmem:v23+s13+$0x0] =	vst.idx.add.f32.msk vm12, v2  }
0x2bb: {  	v17 =	vld.idx.msk [tilespmem:v6+s31+$0xFFFFFFCE ss:$0x1], $0xffff;
	v14 =	vsel vm3, v18, v14  }
0x2bc: {  	v26 =	vsel vm3, v4, v5;
	v27 =	vld [tilespmem:s31+$0xFFFFFFCF];
	v14 =	vmin.f32 v14, $3.583500000e+03  }
0x2bd: {  	v12 =	vmul.f32 $2.500000000e-01, v12;
	[tilespmem:v15+s13+$0x0] =	vst.idx.add.f32.msk vm11, v2;
	v18 =	vadd.f32 v14, v26  }
0x2be: {  	v16 =	vmul.f32 $7.500000000e-01, v16;
	v15 =	vmul.f32 $2.500000000e-01, v25;
	v21 =	vld [tilespmem:s28+$0xFFFFFFC0]  }
0x2bf: {  	v13 =	vmul.f32 $7.500000000e-01, v13;
	v18 =	vtrunc.f32 v18  }
0x2c0: {  	v28 =	vld.idx.msk [tilespmem:v6+s26+$0x50 ss:$0x1], $0xffff;
	v15 =	vadd.f32 v15, v16;
	vm3 =	vgt.f32 v14, $-5.120000000e+02;
	v29 =	vcvt.f32.s32 v18  }
0x2c1: {  	v30 =	vld [tilespmem:s0+$0xFFFFFFC0];
	v31 =	vmul.f32 $7.500000000e-01, v27;
	v17 =	vmul.f32 $2.500000000e-01, v17  }
0x2c2: {  	v12 =	vadd.f32 v12, v13;
	v32 =	vsub.f32 $0.0e+00, v15;
	v22 =	vld [tilespmem:s26+$0x51]  }
0x2c3: {  	vm13 =	veq.s32 v21, v3;
	v17 =	vadd.f32 v17, v31  }
0x2c4: {  	v53 =	vsub.f32 $0.0e+00, v12;
	v15 =	vsel vm13, v32, v15  }
0x2c5: {  	v21 =	vsel vm13, v4, v5;
	v15 =	vmin.f32 v15, $3.583500000e+03;
	v35 =	vsub.f32 $0.0e+00, v17  }
0x2c6: {  	v20 =	vmul.f32 $2.500000000e-01, v28;
	v36 =	vadd.f32 v15, v21;
	[tilespmem:v29+s13+$0x0] =	vst.idx.add.f32.msk vm3, v2;
	vm3 =	veq.s32 v30, v3  }
0x2c7: {  	v34 =	vld [tilespmem:s28+$0x40];
	vm14 =	vgt.f32 v15, $-5.120000000e+02;
	v33 =	vmul.f32 $7.500000000e-01, v22;
	v17 =	vsel vm3, v35, v17  }
0x2c8: {  	v14 =	vtrunc.f32 v36;
	v38 =	vld.idx.msk [tilespmem:v6+s31+$0x50 ss:$0x1], $0xffff;
	v40 =	vsel vm3, v4, v5;
	v17 =	vmin.f32 v17, $3.583500000e+03  }
0x2c9: {  	v37 =	vadd.f32 v20, v33;
	v14 =	vcvt.f32.s32 v14;
	v39 =	vld [tilespmem:s31+$0x51];
	v20 =	vadd.f32 v17, v40  }
0x2ca: {  	vm9 =	veq.s32 v11, v3  }
0x2cb: {  	v12 =	vsel vm9, v53, v12;
	v58 =	vsel vm9, v4, v5;
	v42 =	vtrunc.f32 v20  }
0x2cc: {  	v12 =	vmin.f32 v12, $3.583500000e+03;
	vm15 =	vgt.f32 v17, $-5.120000000e+02;
	v43 =	vcvt.f32.s32 v42  }
0x2cd: {  	[tilespmem:v7+s13+$0x0] =	vst.idx.add.f32.msk vm1, v2;
	v59 =	vadd.f32 v12, v58;
	v41 =	vsub.f32 $0.0e+00, v37  }
0x2ce: {  	vm3 =	veq.s32 v34, v3;
	v45 =	vld [tilespmem:s0+$0x40];
	v18 =	vmul.f32 $7.500000000e-01, v39;
	v15 =	vmul.f32 $2.500000000e-01, v38  }
0x2cf: {  	v7 =	vtrunc.f32 v59;
	[tilespmem:v14+s13+$0x0] =	vst.idx.add.f32.msk vm14, v2;
	v16 =	vsel vm3, v41, v37  }
0x2d0: {  	v48 =	vld.idx.msk [tilespmem:v6+s26+$0xFFFFFFDE ss:$0x1], $0xffff;
	v44 =	vsel vm3, v4, v5;
	v16 =	vmin.f32 v16, $3.583500000e+03;
	v46 =	vadd.f32 v15, v18  }
0x2d1: {  	vm10 =	vgt.f32 v12, $-5.120000000e+02;
	v7 =	vcvt.f32.s32 v7;
	v49 =	vld [tilespmem:s26+$0xFFFFFFDF];
	v19 =	vadd.f32 v16, v44  }
0x2d2: {  	v50 =	vsub.f32 $0.0e+00, v46;
	[tilespmem:v43+s13+$0x0] =	vst.idx.add.f32.msk vm15, v2  }
0x2d3: {  	v47 =	vtrunc.f32 v19;
	vm8 =	veq.s32 v45, v3;
	v52 =	vld.idx.msk [tilespmem:v6+s31+$0xFFFFFFDE ss:$0x1], $0xffff  }
0x2d4: {  	vm3 =	vgt.f32 v16, $-5.120000000e+02;
	v15 =	vcvt.f32.s32 v47;
	v51 =	vsel vm8, v50, v46;
	v55 =	vld [tilespmem:s31+$0xFFFFFFDF]  }
0x2d5: {  	v25 =	vld.idx.msk [tilespmem:v6+s21+$0xFFFFFFEE ss:$0x1], $0xffff;
	v54 =	vsel vm8, v4, v5;
	v13 =	vmin.f32 v51, $3.583500000e+03  }
0x2d6: {  	v57 =	vld [tilespmem:s28+$0xFFFFFFD0];
	v16 =	vmul.f32 $7.500000000e-01, v49;
	v18 =	vmul.f32 $2.500000000e-01, v48;
	v56 =	vadd.f32 v13, v54  }
0x2d7: {  	[tilespmem:v7+s13+$0x0] =	vst.idx.add.f32.msk vm10, v2  }
0x2d8: {  	v27 =	vld [tilespmem:s21+$0xFFFFFFEF];
	v16 =	vadd.f32 v18, v16;
	v11 =	vtrunc.f32 v56  }
0x2d9: {  	v60 =	vld [tilespmem:s0+$0xFFFFFFD0];
	v14 =	vmul.f32 $2.500000000e-01, v52;
	v61 =	vmul.f32 $7.500000000e-01, v55  }
0x2da: {  	v63 =	vsub.f32 $0.0e+00, v16;
	[tilespmem:v15+s13+$0x0] =	vst.idx.add.f32.msk vm3, v2;
	vm3 =	vgt.f32 v13, $-5.120000000e+02;
	v11 =	vcvt.f32.s32 v11  }
0x2db: {  	v37 =	vld.idx.msk [tilespmem:v6+s23+$0xFFFFFFEE ss:$0x1], $0xffff;
	vm1 =	veq.s32 v57, v3;
	v24 =	vadd.f32 v14, v61  }
0x2dc: {  	v26 =	vsel vm1, v63, v16;
	v15 =	vld.idx.msk [tilespmem:v6+s26+$0x60 ss:$0x1], $0xffff  }
0x2dd: {  	v17 =	vsel vm1, v4, v5;
	v62 =	vld [tilespmem:s26+$0x61];
	v12 =	vmin.f32 v26, $3.583500000e+03;
	v19 =	vsub.f32 $0.0e+00, v24  }
0x2de: {  	v41 =	vld [tilespmem:s23+$0xFFFFFFEF];
	v28 =	vadd.f32 v12, v17;
	vm1 =	veq.s32 v60, v3  }
0x2df: {  	v9 =	vsel vm2, v10, v9;
	v35 =	vmul.f32 $7.500000000e-01, v27;
	v50 =	vld [tilespmem:s25+$0xFFFFFFE0];
	v13 =	vsel vm1, v19, v24  }
0x2e0: {  	v32 =	vsel vm1, v4, v5;
	[tilespmem:v11+s13+$0x0] =	vst.idx.add.f32.msk vm3, v2;
	v11 =	vtrunc.f32 v28;
	v13 =	vmin.f32 v13, $3.583500000e+03  }
0x2e1: {  	v34 =	vld [tilespmem:s22+$0xFFFFFFE0];
	vm1 =	vgt.f32 v12, $-5.120000000e+02;
	v11 =	vcvt.f32.s32 v11;
	v20 =	vadd.f32 v13, v32  }
0x2e2: {  	v9 =	vmin.f32 v9, $3.583500000e+03;
	v30 =	vld [tilespmem:s28+$0x50];
	v29 =	vmul.f32 $7.500000000e-01, v62;
	v15 =	vmul.f32 $2.500000000e-01, v15  }
0x2e3: {  	v8 =	vadd.f32 v9, v8;
	v14 =	vmul.f32 $2.500000000e-01, v25;
	v31 =	vld.idx.msk [tilespmem:v6+s31+$0x60 ss:$0x1], $0xffff;
	v7 =	vtrunc.f32 v20  }
0x2e4: {  	v15 =	vadd.f32 v15, v29;
	v33 =	vld [tilespmem:s31+$0x61];
	vm2 =	vgt.f32 v13, $-5.120000000e+02;
	v7 =	vcvt.f32.s32 v7  }
0x2e5: {  	v16 =	vmul.f32 $7.500000000e-01, v41;
	vm12 =	veq.s32 v50, v3;
	v52 =	vmul.f32 $2.500000000e-01, v37  }
0x2e6: {  	v56 =	vsel vm12, v4, v5;
	v10 =	vadd.f32 v14, v35;
	v36 =	vsub.f32 $0.0e+00, v15;
	v38 =	vld [tilespmem:s0+$0x50]  }
0x2e7: {  	v16 =	vadd.f32 v52, v16;
	vm3 =	veq.s32 v30, v3;
	[tilespmem:v11+s13+$0x0] =	vst.idx.add.f32.msk vm1, v2  }
0x2e8: {  	v42 =	vsub.f32 $0.0e+00, v10;
	v43 =	vsel vm3, v4, v5;
	v39 =	vsel vm3, v36, v15;
	v44 =	vld.idx.msk [tilespmem:v6+s26+$0xFFFFFFEE ss:$0x1], $0xffff  }
0x2e9: {  	vm3 =	veq.s32 v34, v3;
	v12 =	vmul.f32 $7.500000000e-01, v33;
	v40 =	vmul.f32 $2.500000000e-01, v31;
	v46 =	vld [tilespmem:s26+$0xFFFFFFEF]  }
0x2ea: {  	v14 =	vmin.f32 v39, $3.583500000e+03;
	v10 =	vsel vm3, v42, v10;
	v17 =	vsel vm3, v4, v5;
	[tilespmem:v7+s13+$0x0] =	vst.idx.add.f32.msk vm2, v2  }
0x2eb: {  	v45 =	vadd.f32 v14, v43;
	v10 =	vmin.f32 v10, $3.583500000e+03;
	v12 =	vadd.f32 v40, v12;
	v6 =	vld.idx.msk [tilespmem:v6+s31+$0xFFFFFFEE ss:$0x1], $0xffff  }
0x2ec: {  	v55 =	vsub.f32 $0.0e+00, v16;
	v48 =	vadd.f32 v10, v17;
	vm3 =	veq.s32 v38, v3;
	v49 =	vld [tilespmem:s31+$0xFFFFFFEF]  }
0x2ed: {  	vm1 =	vgt.f32 v9, $-5.120000000e+02;
	v9 =	vtrunc.f32 v45;
	v47 =	vsub.f32 $0.0e+00, v12  }
0x2ee: {  	v57 =	vsel vm12, v55, v16;
	v51 =	vsel vm3, v4, v5;
	v9 =	vcvt.f32.s32 v9  }
0x2ef: {  	v53 =	vld [tilespmem:s28+$0xFFFFFFE0];
	v7 =	vtrunc.f32 v8;
	v12 =	vsel vm3, v47, v12;
	v8 =	vtrunc.f32 v48  }
0x2f0: {  	vm2 =	vgt.f32 v14, $-5.120000000e+02;
	v15 =	vmul.f32 $2.500000000e-01, v44;
	v11 =	vmul.f32 $7.500000000e-01, v46  }
0x2f1: {  	vm3 =	vgt.f32 v10, $-5.120000000e+02;
	v54 =	vld [tilespmem:s0+$0xFFFFFFE0];
	v6 =	vmul.f32 $2.500000000e-01, v6;
	v13 =	vmul.f32 $7.500000000e-01, v49  }
0x2f2: {  	v7 =	vcvt.f32.s32 v7;
	v12 =	vmin.f32 v12, $3.583500000e+03;
	v11 =	vadd.f32 v15, v11  }
0x2f3: {  	v8 =	vcvt.f32.s32 v8;
	v17 =	vadd.f32 v12, v51;
	v6 =	vadd.f32 v6, v13  }
0x2f4: {  	vm13 =	veq.s32 v53, v3;
	vm11 =	vgt.f32 v12, $-5.120000000e+02;
	v58 =	vsub.f32 $0.0e+00, v11  }
0x2f5: {  	v60 =	vsel vm13, v4, v5;
	v17 =	vtrunc.f32 v17;
	v59 =	vsub.f32 $0.0e+00, v6  }
0x2f6: {  	vm6 =	veq.s32 v54, v3;
	v11 =	vsel vm13, v58, v11;
	v13 =	vmin.f32 v57, $3.583500000e+03  }
0x2f7: {  	v11 =	vmin.f32 v11, $3.583500000e+03;
	v12 =	vadd.f32 v13, v56;
	v6 =	vsel vm6, v59, v6  }
0x2f8: {  	v61 =	vsel vm6, v4, v5;
	v10 =	vadd.f32 v11, v60;
	v6 =	vmin.f32 v6, $3.583500000e+03  }
0x2f9: {  	v62 =	vcvt.f32.s32 v17;
	v12 =	vtrunc.f32 v12;
	v14 =	vadd.f32 v6, v61  }
0x2fa: {  	vm14 =	vgt.f32 v13, $-5.120000000e+02;
	v10 =	vtrunc.f32 v10;
	v12 =	vcvt.f32.s32 v12  }
0x2fb: {  	vm15 =	vgt.f32 v11, $-5.120000000e+02;
	v10 =	vcvt.f32.s32 v10;
	v63 =	vtrunc.f32 v14  }
0x2fc: {  	[tilespmem:v7+s13+$0x0] =	vst.idx.add.f32.msk vm1, v2;
	vm1 =	vgt.f32 v6, $-5.120000000e+02;
	v6 =	vcvt.f32.s32 v63  }
0x2fd: {  	[tilespmem:v9+s13+$0x0] =	vst.idx.add.f32.msk vm2, v2  }
0x2fe: {  	[tilespmem:v8+s13+$0x0] =	vst.idx.add.f32.msk vm3, v2  }
0x2ff: {  	[tilespmem:v62+s13+$0x0] =	vst.idx.add.f32.msk vm11, v2  }
0x300: {  	[tilespmem:v12+s13+$0x0] =	vst.idx.add.f32.msk vm14, v2  }
0x301: {  	[tilespmem:v10+s13+$0x0] =	vst.idx.add.f32.msk vm15, v2  }
0x302: {  	[tilespmem:v6+s13+$0x0] =	vst.idx.add.f32.msk vm1, v2  }
0x303: {  	p4 =	seq.s32 s20, $0x4  }
.Ltmp6:
0x304: {  	_ = 	snop;
	(pc) =	sbr.rel @!p4 .LBB2_11-.Ltmp6, $2  }
0x305: {  	_ =	sdelay $0x2  }
0x306: {  	p3 =	por !p3, !p3  }
.Ltmp7:
0x307: {  	(pc) =	sbr.rel @!p2 .LBB2_7-.Ltmp7, $4  }
.Ltmp8:
0x308: {  	(pc) =	sbr.rel @p2 .LBB2_4-.Ltmp8, $4  }
0x309: {  	_ = 	snop  }
0x30a: {  	_ = 	snop  }
0x30b: {  	p1 =	por !p1, !p1;
	s10 =	simm.s32 $0x0;
	s3 =	rddreg [dreg:$0xb]  }
0x30c: {  	_ = 	snop  }
.LBB2_5:
0x30d: {  	_ =	sfence.sel $0x180000  }
0x30e: {  	[bflag:$0x0] =	sbarrier.arrive $0xFFFF  }
0x30f: {  	_ =	strace $0x90000047  }
0x310: {  	s0 =	stileid.u32;
	[bflag:$0x2] =	sbarrier.arrive $0xFFFF  }
0x311: {  	p0 =	sne.s32 s0, $0x0;
	s0 =	rddreg [dreg:$0x1]  }
0x312: {  	s0 =	sadd.s32 @!p0 $0x100000, s0  }
0x313: {  	[sflag:s0] =	ssyncadd.tile.s32 @!p0 $0x1;
	_ =	shalt  }
.Lfunc_end2:
_tile_overlayer_lowered:
.L_overlay_start_2:
0x314: {  	(tag) =	ssettag $0x2  }
0x315: {  	s0 =	rddreg [dreg:$0x0];
	s2 =	stileid.u32  }
0x316: {  	s1 =	rddreg [dreg:$0x1];
	p0 =	sne.s32 s2, $0x0  }
0x317: {  	s3 =	rddreg [dreg:$0x2];
	[bflag:$0x3] =	sbarrier.arrive $0xFFFF;
	s2 =	simm.s32 @!p0 $0x1C05  }
0x318: {  	[timem:s3], [sflag:s2] =	dma.local @!p0 [hbm:s0], s1  }
0x319: {  	s0 =	simm.s32 @!p0 $0x5  }
0x31a: {  	_ =	swait.ge @!p0 [sflag:s0], s1  }
0x31b: {  	s1 =	ssub.s32 @!p0 $0x0, s1;
	[sflag:s0] =	ssyncset.done @!p0 $0x0  }
0x31c: {  	[sflag:s0] =	ssyncadd.s32 @!p0 s1  }
0x31d: {  	[bflag:$0x3] =	sbarrier.arrive $0xFFFF  }
0x31e: {  	_ =	shalt  }

</sc_bundles>
